<compile_context>
chip_gen: v7x
topology: tpu7x:2x2x1
jax: 0.10.2.dev20260603
libtpu: 0.0.44.dev20260713+nightly
codegen_flags: <defaults>
</compile_context>

<pallas_src>
import functools

import jax
import jax.numpy as jnp
from jax import lax
from jax.experimental import pallas as pl
from jax.experimental.pallas import tpu as pltpu
from jax.experimental.pallas import tpu_sc as plsc

_SC_PARAMS = pltpu.CompilerParams(use_tc_tiling_on_sc=False)

NC = 2
NS = 16
NW = NC * NS
LANE = 16
CHUNK = 125
NBUF = 5

_F32 = jnp.float32
_HIGH = lax.Precision.HIGHEST


def _fill2d(ref, rows, cols, value):
    vec = jnp.full((LANE,), value, _F32)

    def row_body(i, _):
        def col_body(j, __):
            ref[i, pl.ds(j * LANE, LANE)] = vec
            return 0
        return lax.fori_loop(0, cols // LANE, col_body, 0)

    lax.fori_loop(0, rows, row_body, 0)


def _padded_rows(n):
    return 128 * -(-n // (NS * 128))


@functools.lru_cache(maxsize=None)
def _make_sc_pre(vocab, c, nid_rows, e_rows, n_nodes):
    emb_rows_w = nid_rows // NW
    er_w = e_rows // NW
    zt = _padded_rows(n_nodes)
    npad = NS * zt
    mesh = plsc.VectorSubcoreMesh(core_axis_name="c", subcore_axis_name="s")

    @functools.partial(
        pl.kernel,
        out_type=[
            jax.ShapeDtypeStruct((nid_rows * 128, c), _F32),
            jax.ShapeDtypeStruct((NC, NS, zt, LANE), _F32),
            jax.ShapeDtypeStruct((NC, NS, zt, LANE), _F32),
        ],
        mesh=mesh,
        compiler_params=_SC_PARAMS,
        scratch_types=[
            pltpu.VMEM((emb_rows_w, 128), jnp.int32),
            pltpu.VMEM((128, c), _F32),
            pltpu.VMEM((128, c), _F32),
            pltpu.VMEM((er_w, CHUNK), jnp.int32),
            pltpu.VMEM((er_w, CHUNK), jnp.int32),
            pltpu.VMEM((CHUNK, LANE), _F32),
            pltpu.VMEM((zt, LANE), _F32),
            pltpu.VMEM_SHARED((npad, LANE), _F32),
            pltpu.VMEM_SHARED((npad, LANE), _F32),
            pltpu.SemaphoreType.DMA,
            pltpu.SemaphoreType.DMA,
            pltpu.SemaphoreType.DMA,
            pltpu.SemaphoreType.DMA,
        ],
    )
    def pre(emb_hbm, nid_hbm, src_hbm, dst_hbm,
            emb_out, cntd_out, cnts_out,
            nid_v, rows_a, rows_b, src_v, dst_v, ones_v, zero_v, accd, accs,
            sem_a, sem_b, sem_d, sem_s):
        cid = lax.axis_index("c")
        sid = lax.axis_index("s")
        w = cid * NS + sid

        _fill2d(ones_v, CHUNK, LANE, 1.0)
        _fill2d(zero_v, zt, LANE, 0.0)
        pltpu.sync_copy(src_hbm.at[w], src_v)
        pltpu.sync_copy(dst_hbm.at[w], dst_v)
        pltpu.sync_copy(zero_v, accd.at[pl.ds(sid * zt, zt), :])
        pltpu.sync_copy(zero_v, accs.at[pl.ds(sid * zt, zt), :])
        plsc.subcore_barrier()

        def cnt_body(i, _):
            pltpu.async_copy(ones_v, accd.at[dst_v.at[i]], sem_d, add=True)
            pltpu.async_copy(ones_v, accs.at[src_v.at[i]], sem_s, add=True)
            return 0

        lax.fori_loop(0, er_w, cnt_body, 0)

        pltpu.sync_copy(nid_hbm.at[w], nid_v)
        rings = [(rows_a, sem_a), (rows_b, sem_b)]
        for r in range(min(2, emb_rows_w)):
            buf, sem = rings[r % 2]
            pltpu.async_copy(emb_hbm.at[nid_v.at[r]], buf, sem)
        for r in range(emb_rows_w):
            buf, sem = rings[r % 2]
            pltpu.make_async_copy(emb_hbm.at[nid_v.at[0]], buf, sem).wait()
            pltpu.sync_copy(
                buf, emb_out.at[pl.ds((w * emb_rows_w + r) * 128, 128), :])
            if r + 2 < emb_rows_w:
                pltpu.async_copy(emb_hbm.at[nid_v.at[r + 2]], buf, sem)

        def cnt_drain(i, _):
            pltpu.make_async_copy(ones_v, accd.at[dst_v.at[0]], sem_d).wait()
            pltpu.make_async_copy(ones_v, accs.at[src_v.at[0]], sem_s).wait()
            return 0

        lax.fori_loop(0, er_w, cnt_drain, 0)
        plsc.subcore_barrier()
        pltpu.sync_copy(accd.at[pl.ds(sid * zt, zt), :], cntd_out.at[cid, sid])
        pltpu.sync_copy(accs.at[pl.ds(sid * zt, zt), :], cnts_out.at[cid, sid])

    return pre


@functools.lru_cache(maxsize=None)
def _make_sc_agg(n_nodes, c, e_rows, ndir):
    ch = c // NC
    er_w = e_rows // NS
    zt = _padded_rows(n_nodes)
    nz = zt // 128
    npad = NS * zt
    mesh = plsc.VectorSubcoreMesh(core_axis_name="c", subcore_axis_name="s")

    @functools.partial(
        pl.kernel,
        out_type=[jax.ShapeDtypeStruct((NC, NS * nz, 128, ch), _F32)
                  for _ in range(ndir)],
        mesh=mesh,
        compiler_params=_SC_PARAMS,
        scratch_types=[
            pltpu.VMEM((er_w, CHUNK), jnp.int32),
            pltpu.VMEM((er_w, CHUNK), jnp.int32),
        ] + [pltpu.VMEM((CHUNK, ch), _F32) for _ in range(NBUF)] + [
            pltpu.VMEM((128, ch), _F32),
            pltpu.VMEM_SHARED((npad, ch), _F32),
        ] + [pltpu.SemaphoreType.DMA for _ in range(NBUF)],
    )
    def agg(*refs):
        h_hbm = refs[0:ndir]
        src_hbm, dst_hbm = refs[ndir], refs[ndir + 1]
        outs = refs[ndir + 2: 2 * ndir + 2]
        rest = refs[2 * ndir + 2:]
        src_v, dst_v = rest[0], rest[1]
        rows = rest[2:2 + NBUF]
        zero_v, acc = rest[2 + NBUF], rest[3 + NBUF]
        sems = rest[4 + NBUF:]

        cid = lax.axis_index("c")
        sid = lax.axis_index("s")
        _fill2d(zero_v, 128, ch, 0.0)
        pltpu.sync_copy(src_hbm.at[sid], src_v)
        pltpu.sync_copy(dst_hbm.at[sid], dst_v)

        for d in range(ndir):
            gid_v = src_v if d == 0 else dst_v
            sid_v = dst_v if d == 0 else src_v
            for k in range(nz):
                pltpu.sync_copy(
                    zero_v, acc.at[pl.ds(sid * zt + k * 128, 128), :])
            plsc.subcore_barrier()

            h = h_hbm[d].at[cid]
            g, s = gid_v, sid_v

            def _wait(b, h=h, g=g):
                pltpu.make_async_copy(h.at[g.at[0]], rows[b], sems[b]).wait()

            for b in range(NBUF):
                pltpu.async_copy(h.at[g.at[b]], rows[b], sems[b])

            def ring_body(p, _, h=h, g=g, s=s):
                j = NBUF * p
                for b in range(NBUF):
                    _wait(b)
                    pltpu.sync_copy(rows[b], acc.at[s.at[j + b]], add=True)
                    pltpu.async_copy(h.at[g.at[j + b + NBUF]], rows[b],
                                     sems[b])
                return 0

            lax.fori_loop(0, er_w // NBUF - 1, ring_body, 0)
            for b in range(NBUF):
                _wait(b)
                pltpu.sync_copy(
                    rows[b], acc.at[s.at[er_w - NBUF + b]], add=True)
            plsc.subcore_barrier()
            for k in range(nz):
                sl = pl.ds(sid * zt + k * 128, 128)
                pltpu.sync_copy(acc.at[sl, :], outs[d].at[cid, sid * nz + k])
            if d + 1 < ndir:
                plsc.subcore_barrier()

    return agg


def _dot(a, b):
    return jnp.dot(a, b, preferred_element_type=_F32)


def _enc_body(nrows, blk, bsz, ch,
              xs_ref, xd_ref, ts_ref, st_ref, bsrc_ref, emb_ref,
              wes_ref, bes_ref, wed_ref, bed_ref,
              wt_ref, bt_ref, ide_ref,
              hs_out, hd_out, hss_out, hds_out):
    i = pl.program_id(0)
    hs = _dot(xs_ref[...], wes_ref[...]) + bes_ref[0][None, :]
    bs = bsrc_ref[...]
    cols = lax.broadcasted_iota(jnp.int32, (blk, bsz), 1)
    stg = jnp.sum(jnp.where(cols == bs, st_ref[...], 0.0), axis=1,
                  keepdims=True)
    rel = stg - ts_ref[...]
    hs = hs + rel * wt_ref[0][None, :] + bt_ref[0][None, :]
    row = i * blk + lax.broadcasted_iota(jnp.int32, (blk, 1), 0)
    hs = hs + jnp.where(row < bsz, 1.0, 0.0) * ide_ref[0][None, :]
    hs_out[...] = hs
    hd = (_dot(xd_ref[...], wed_ref[...]) + bed_ref[0][None, :]
          + emb_ref[...])
    hd_out[...] = hd
    hss_out[0] = hs[:, :ch]
    hss_out[1] = hs[:, ch:]
    hds_out[0] = hd[:, :ch]
    hds_out[1] = hd[:, ch:]


def _inv(cnt_ref):
    return (1.0 / jnp.maximum(cnt_ref[0, :, 0] + cnt_ref[1, :, 0],
                              1.0))[:, None]


def _upd_body(ch, hd_ref, hs_ref, psd_ref, pds_ref, cntd_ref, cnts_ref,
              wrd_ref, wnd_ref, wrs_ref, wns_ref, hd_out, hss_out):
    m_sd = jnp.concatenate([psd_ref[0], psd_ref[1]], axis=-1) * _inv(cntd_ref)
    m_ds = jnp.concatenate([pds_ref[0], pds_ref[1]], axis=-1) * _inv(cnts_ref)
    hd_out[...] = jnp.maximum(
        _dot(hd_ref[...], wrd_ref[...]) + _dot(m_sd, wnd_ref[...]), 0.0)
    hs1 = jnp.maximum(
        _dot(hs_ref[...], wrs_ref[...]) + _dot(m_ds, wns_ref[...]), 0.0)
    hss_out[0] = hs1[:, :ch]
    hss_out[1] = hs1[:, ch:]


def _fin_body(hd_ref, psd_ref, cntd_ref, wrd_ref, wnd_ref,
              gam_ref, bet_ref, wh_ref, bh_ref, out_ref):
    m_sd = jnp.concatenate([psd_ref[0], psd_ref[1]], axis=-1) * _inv(cntd_ref)
    h2 = jnp.maximum(
        _dot(hd_ref[...], wrd_ref[...]) + _dot(m_sd, wnd_ref[...]), 0.0)
    mu = jnp.mean(h2, axis=-1, keepdims=True)
    var = jnp.mean((h2 - mu) ** 2, axis=-1, keepdims=True)
    hn = (h2 - mu) / jnp.sqrt(var + 1e-5) * gam_ref[0][None, :] \
        + bet_ref[0][None, :]
    out_ref[...] = jnp.sum(hn * wh_ref[0][None, :], axis=1,
                           keepdims=True) + bh_ref[0, 0]


def _row_spec(blk, width):
    return pl.BlockSpec((blk, width), lambda i: (i, 0))


def _full_spec(shape):
    return pl.BlockSpec(shape, lambda i: tuple(0 for _ in shape))


def kernel(x_src, x_dst, time_src, seed_time, W_enc_src, b_enc_src,
           W_enc_dst, b_enc_dst, W_time, b_time, emb_shallow, id_emb,
           W_root_s0, W_nbr_s0, W_root_d0, W_nbr_d0, W_root_s1, W_nbr_s1,
           W_root_d1, W_nbr_d1, ln_gamma, ln_beta, W_head, b_head,
           batch_src, n_id_dst, edge_index):
    n_src, d_in = x_src.shape
    n_dst = x_dst.shape[0]
    c = W_enc_src.shape[1]
    e = edge_index.shape[1]
    bsz = seed_time.shape[0]
    vocab = emb_shallow.shape[0]
    assert e % (NW * CHUNK) == 0 and n_dst % (NS * 5) == 0 and n_src % (NS * 5) == 0

    e_rows = e // CHUNK
    src_idx = edge_index[0].reshape(NW, e_rows // NW, CHUNK)
    dst_idx = edge_index[1].reshape(NW, e_rows // NW, CHUNK)
    src_idx16 = edge_index[0].reshape(NS, e_rows // NS, CHUNK)
    dst_idx16 = edge_index[1].reshape(NS, e_rows // NS, CHUNK)
    ch = c // NC

    nid_pad = NW * 128 * -(-n_dst // (NW * 128))
    nid3d = jnp.concatenate(
        [n_id_dst, jnp.zeros((nid_pad - n_dst,), jnp.int32)]
    ).reshape(NW, -1, 128)

    assert n_src == n_dst
    sc_pre = _make_sc_pre(vocab, c, nid_pad // 128, e_rows, n_dst)
    emb_rows, cnt_d, cnt_s = sc_pre(emb_shallow, nid3d, src_idx, dst_idx)
    cnt_d = cnt_d.reshape(NC, -1, LANE)
    cnt_s = cnt_s.reshape(NC, -1, LANE)

    blk = 400
    grid = (n_src // blk,)
    row = functools.partial(_row_spec, blk)
    full = _full_spec
    cnt_spec = pl.BlockSpec((NC, blk, LANE), lambda i: (0, i, 0))
    part_spec = pl.BlockSpec((NC, blk, ch), lambda i: (0, i, 0))
    split_spec = pl.BlockSpec((NC, blk, ch), lambda i: (0, i, 0))

    h_src, h_dst, hs_sp, hd_sp = pl.pallas_call(
        functools.partial(_enc_body, n_src, blk, bsz, ch),
        grid=grid,
        in_specs=[row(d_in), row(d_in), row(1), full((1, bsz)), row(1),
                  row(c), full((d_in, c)), full((1, c)),
                  full((d_in, c)), full((1, c)), full((1, c)), full((1, c)),
                  full((1, c))],
        out_specs=[row(c), row(c), split_spec, split_spec],
        out_shape=[jax.ShapeDtypeStruct((n_src, c), _F32),
                   jax.ShapeDtypeStruct((n_dst, c), _F32),
                   jax.ShapeDtypeStruct((NC, n_src, ch), _F32),
                   jax.ShapeDtypeStruct((NC, n_dst, ch), _F32)],
    )(x_src, x_dst, time_src[:, None], seed_time[None, :],
      batch_src[:, None], emb_rows,
      W_enc_src, b_enc_src[None, :], W_enc_dst, b_enc_dst[None, :],
      W_time, b_time[None, :], id_emb)

    agg2 = _make_sc_agg(n_dst, c, e_rows, 2)
    p_sd0, p_ds0 = agg2(hs_sp, hd_sp, src_idx16, dst_idx16)
    p_sd0 = p_sd0.reshape(NC, -1, ch)
    p_ds0 = p_ds0.reshape(NC, -1, ch)

    h_dst1, hs1_sp = pl.pallas_call(
        functools.partial(_upd_body, ch),
        grid=grid,
        in_specs=[row(c), row(c), part_spec, part_spec, cnt_spec, cnt_spec,
                  full((c, c)), full((c, c)), full((c, c)), full((c, c))],
        out_specs=[row(c), split_spec],
        out_shape=[jax.ShapeDtypeStruct((n_dst, c), _F32),
                   jax.ShapeDtypeStruct((NC, n_src, ch), _F32)],
    )(h_dst, h_src, p_sd0, p_ds0, cnt_d, cnt_s,
      W_root_d0, W_nbr_d0, W_root_s0, W_nbr_s0)

    agg1 = _make_sc_agg(n_dst, c, e_rows, 1)
    (p_sd1,) = agg1(hs1_sp, src_idx16, dst_idx16)
    p_sd1 = p_sd1.reshape(NC, -1, ch)

    out = pl.pallas_call(
        _fin_body,
        grid=grid,
        in_specs=[row(c), part_spec, cnt_spec, full((c, c)), full((c, c)),
                  full((1, c)), full((1, c)), full((1, c)), full((1, 1))],
        out_specs=row(1),
        out_shape=jax.ShapeDtypeStruct((n_dst, 1), _F32),
    )(h_dst1, p_sd1, cnt_d, W_root_d1, W_nbr_d1,
      ln_gamma[None, :], ln_beta[None, :], W_head.T, b_head[:, None])

    return out.reshape(-1)

# --- scband reference (transcript-rebuilt; emitter-appended) ---
"""Pipeline reference for scband-model-20366734917915 (READ-ONLY COPY).

The authoritative reference and input builder live on the scoring server;
editing this copy changes nothing except your own understanding.
"""

import jax, jax.numpy as jnp
import numpy as np

N_SRC = 10000
N_DST = 10000
E = 320000
D_IN = 64
C = 128
B = 1024
VOCAB = 100000

def _lin(k, fi, fo):
    return jax.random.normal(k, (fi, fo), jnp.float32) / np.sqrt(fi)

def setup_inputs(seed: int = 0):
    key = jax.random.key(seed)
    ks = jax.random.split(key, 24)
    inp = {}
    inp['x_src'] = jax.random.normal(ks[0], (N_SRC, D_IN), jnp.float32)
    inp['x_dst'] = jax.random.normal(ks[1], (N_DST, D_IN), jnp.float32)
    inp['time_src'] = jax.random.uniform(ks[2], (N_SRC,), jnp.float32)
    inp['seed_time'] = jax.random.uniform(ks[3], (B,), jnp.float32)
    inp['W_enc_src'] = _lin(ks[4], D_IN, C)
    inp['b_enc_src'] = jnp.zeros((C,), jnp.float32)
    inp['W_enc_dst'] = _lin(ks[5], D_IN, C)
    inp['b_enc_dst'] = jnp.zeros((C,), jnp.float32)
    inp['W_time'] = _lin(ks[6], 1, C)
    inp['b_time'] = jnp.zeros((C,), jnp.float32)
    inp['emb_shallow'] = 0.1 * jax.random.normal(ks[7], (VOCAB, C), jnp.float32)
    inp['id_emb'] = 0.1 * jax.random.normal(ks[8], (1, C), jnp.float32)
    inp['W_root_s0'] = _lin(ks[9], C, C)
    inp['W_nbr_s0'] = _lin(ks[10], C, C)
    inp['W_root_d0'] = _lin(ks[11], C, C)
    inp['W_nbr_d0'] = _lin(ks[12], C, C)
    inp['W_root_s1'] = _lin(ks[13], C, C)
    inp['W_nbr_s1'] = _lin(ks[14], C, C)
    inp['W_root_d1'] = _lin(ks[15], C, C)
    inp['W_nbr_d1'] = _lin(ks[16], C, C)
    inp['ln_gamma'] = jnp.ones((C,), jnp.float32)
    inp['ln_beta'] = jnp.zeros((C,), jnp.float32)
    inp['W_head'] = _lin(ks[17], C, 1)
    inp['b_head'] = jnp.zeros((1,), jnp.float32)
    inp['batch_src'] = jax.random.randint(ks[18], (N_SRC,), 0, B)
    inp['n_id_dst'] = jax.random.randint(ks[19], (N_DST,), 0, VOCAB)
    inp['edge_index'] = jax.random.randint(ks[20], (2, E), 0, N_SRC)
    return inp

def _mean_agg(msg, idx, n):
    s = jax.ops.segment_sum(msg, idx, num_segments=n)
    cnt = jax.ops.segment_sum(jnp.ones((msg.shape[0],), jnp.float32), idx, num_segments=n)
    return s / jnp.maximum(cnt, 1.0)[:, None]

def reference(x_src, x_dst, time_src, seed_time, W_enc_src, b_enc_src, W_enc_dst, b_enc_dst, W_time, b_time, emb_shallow, id_emb, W_root_s0, W_nbr_s0, W_root_d0, W_nbr_d0, W_root_s1, W_nbr_s1, W_root_d1, W_nbr_d1, ln_gamma, ln_beta, W_head, b_head, batch_src, n_id_dst, edge_index):
    # HeteroEncoder: project raw tabular features to channels
    h_src = x_src @ W_enc_src + b_enc_src
    h_dst = x_dst @ W_enc_dst + b_enc_dst
    # HeteroTemporalEncoder: relative time w.r.t. seed node, projected to channels
    rel_time = (jnp.take(seed_time, batch_src, axis=0) - time_src)[:, None]
    h_src = h_src + rel_time @ W_time + b_time
    # id-awareness embedding added to seed (first batch_size) entity rows
    h_src = h_src.at[:B].add(id_emb[0])
    # shallow embedding lookup for shallow_list node type
    h_dst = h_dst + jnp.take(emb_shallow, n_id_dst, axis=0)
    # HeteroGraphSAGE: 2 layers, mean aggr, both edge directions
    src_idx = edge_index[0]
    dst_idx = edge_index[1]
    for (W_rs, W_ns, W_rd, W_nd) in ((W_root_s0, W_nbr_s0, W_root_d0, W_nbr_d0), (W_root_s1, W_nbr_s1, W_root_d1, W_nbr_d1)):
        m_sd = _mean_agg(jnp.take(h_src, src_idx, axis=0), dst_idx, N_DST)
        m_ds = _mean_agg(jnp.take(h_dst, dst_idx, axis=0), src_idx, N_SRC)
        new_dst = h_dst @ W_rd + m_sd @ W_nd
        new_src = h_src @ W_rs + m_ds @ W_ns
        h_dst = jax.nn.relu(new_dst)
        h_src = jax.nn.relu(new_src)
    # MLP head with layer_norm, num_layers=1, scores all dst nodes (forward_dst_readout)
    mu = jnp.mean(h_dst, axis=-1, keepdims=True)
    var = jnp.var(h_dst, axis=-1, keepdims=True)
    hn = (h_dst - mu) / jnp.sqrt(var + 1e-5) * ln_gamma + ln_beta
    out = (hn @ W_head + b_head).reshape(-1)
    return out

if __name__ == "__main__":
    import jax
    _d = setup_inputs()
    print(jax.jit(kernel)(*tuple(_d.values())))

</pallas_src>

<mosaic_0001>
#map = affine_map<(d0, d1) -> (0, 0, 0)>
#map1 = affine_map<(d0, d1) -> (0, 0, 0, 0)>
module attributes {stable_mosaic.version = 14 : i64} {
  func.func @agg(%arg0: i32, %arg1: i32, %arg2: memref<2x10000x64xf32, #tpu.memory_space<hbm>>, %arg3: memref<2x10000x64xf32, #tpu.memory_space<hbm>>, %arg4: memref<16x160x125xi32, #tpu.memory_space<hbm>>, %arg5: memref<16x160x125xi32, #tpu.memory_space<hbm>>, %arg6: memref<2x80x128x64xf32, #tpu.memory_space<hbm>>, %arg7: memref<2x80x128x64xf32, #tpu.memory_space<hbm>>, %arg8: memref<160x125xi32, #tpu.memory_space<vmem>>, %arg9: memref<160x125xi32, #tpu.memory_space<vmem>>, %arg10: memref<125x64xf32, #tpu.memory_space<vmem>>, %arg11: memref<125x64xf32, #tpu.memory_space<vmem>>, %arg12: memref<125x64xf32, #tpu.memory_space<vmem>>, %arg13: memref<125x64xf32, #tpu.memory_space<vmem>>, %arg14: memref<125x64xf32, #tpu.memory_space<vmem>>, %arg15: memref<128x64xf32, #tpu.memory_space<vmem>>, %arg16: memref<10240x64xf32, #tpu.memory_space<vmem_shared>>, %arg17: memref<!tpu.dma_semaphore, #tpu.memory_space<semaphore_mem>>, %arg18: memref<!tpu.dma_semaphore, #tpu.memory_space<semaphore_mem>>, %arg19: memref<!tpu.dma_semaphore, #tpu.memory_space<semaphore_mem>>, %arg20: memref<!tpu.dma_semaphore, #tpu.memory_space<semaphore_mem>>, %arg21: memref<!tpu.dma_semaphore, #tpu.memory_space<semaphore_mem>>) attributes {dimension_semantics = [#tpu.dimension_semantics<core_parallel>, #tpu.dimension_semantics<subcore_parallel>], iteration_bounds = array<i64: 2, 16>, scalar_prefetch = 0 : i64, scratch_operands = 14 : i64, tpu.core_type = #tpu.core_type<sc_vector_subcore>, window_params = [{transform_indices = #map}, {transform_indices = #map}, {transform_indices = #map}, {transform_indices = #map}, {transform_indices = #map1}, {transform_indices = #map1}]} {
    %broadcast_in_dim3A = arith.constant 0.000000e+00 : f32
    %broadcast_in_dim3A_0 = vector.broadcast %broadcast_in_dim3A : f32 to vector<16xf32>
    %scan3A = arith.constant 0 : i32
    %scan3A_1 = arith.constant 0 : i32
    %scan3A_2 = arith.constant 128 : i32
    %scan3A_3 = arith.addi %scan3A_1, %scan3A_2 : i32
    %scan3A_4 = arith.constant 1 : i32
    %scan3A_5 = scf.for %scan3A_370 = %scan3A_1 to %scan3A_3 step %scan3A_4 iter_args(%scan3A_371 = %scan3A) -> (i32)  : i32 {
      %scan3A_372 = arith.constant 0 : i32
      %scan3A_373 = arith.constant 0 : i32
      %scan3A_374 = arith.constant 4 : i32
      %scan3A_375 = arith.addi %scan3A_373, %scan3A_374 : i32
      %scan3A_376 = arith.constant 1 : i32
      %scan3A_377 = scf.for %scan3A_379 = %scan3A_373 to %scan3A_375 step %scan3A_376 iter_args(%scan3A_380 = %scan3A_372) -> (i32)  : i32 {
        %mul3A_381 = arith.constant 16 : i32
        %mul3A_382 = arith.muli %scan3A_379, %mul3A_381 : i32
        %swap3A = arith.index_cast %scan3A_370 : i32 to index
        %swap3A_383 = arith.index_cast %mul3A_382 : i32 to index
        %swap3A_384 = tpu.vector_load %arg15[%swap3A, %swap3A_383] {strides = array<i32>} : memref<128x64xf32, #tpu.memory_space<vmem>>, vector<1x16xf32>,
        %swap3A_385 = vector.shape_cast %swap3A_384 : vector<1x16xf32> to vector<16xf32>
        %swap3A_386 = vector.shape_cast %broadcast_in_dim3A_0 : vector<16xf32> to vector<1x16xf32>
        tpu.vector_store %arg15[%swap3A, %swap3A_383], %swap3A_386 {strides = array<i32>} : memref<128x64xf32, #tpu.memory_space<vmem>>, vector<1x16xf32>,
        %scan3A_387 = arith.constant 0 : i32
        scf.yield %scan3A_387 : i32
      }
      %scan3A_378 = arith.constant 4 : i32
      scf.yield %scan3A_377 : i32
    }
    %scan3A_6 = arith.constant 128 : i32
    "tpu.region"() ({
      %run_scoped3A_370 = tpu.sem_alloc : memref<!tpu.dma_semaphore, #tpu.memory_space<semaphore_mem>>
      %dma_start3A_371 = arith.constant 0 : i32
      %dma_start3A_372 = arith.constant 0 : i32
      %dma_start3A_373 = tpu.memref_slice %arg4[%arg1, %dma_start3A_371, %dma_start3A_372] : memref<16x160x125xi32, #tpu.memory_space<hbm>> -> memref<1x160x125xi32, #tpu.memory_space<hbm>>
      %dma_start3A_374 = tpu.memref_squeeze %dma_start3A_373 : memref<1x160x125xi32, #tpu.memory_space<hbm>> -> memref<160x125xi32, #tpu.memory_space<hbm>>
      %dma_start3A_375 = arith.constant 0 : i32
      %dma_start3A_376 = arith.constant 0 : i32
      %dma_start3A_377 = tpu.memref_slice %arg4[%arg1, %dma_start3A_375, %dma_start3A_376] : memref<16x160x125xi32, #tpu.memory_space<hbm>> -> memref<1x160x125xi32, #tpu.memory_space<hbm>>
      %dma_start3A_378 = tpu.memref_squeeze %dma_start3A_377 : memref<1x160x125xi32, #tpu.memory_space<hbm>> -> memref<160x125xi32, #tpu.memory_space<hbm>>
      tpu.enqueue_dma source(%dma_start3A_378 : memref<160x125xi32, #tpu.memory_space<hbm>>) target(%arg8 : memref<160x125xi32, #tpu.memory_space<vmem>>) target_semaphore(%run_scoped3A_370 : memref<!tpu.dma_semaphore, #tpu.memory_space<semaphore_mem>>)
      %dma_wait3A_379 = arith.constant 0 : i32
      %dma_wait3A_380 = arith.constant 0 : i32
      %dma_wait3A_381 = tpu.memref_slice %arg4[%arg1, %dma_wait3A_379, %dma_wait3A_380] : memref<16x160x125xi32, #tpu.memory_space<hbm>> -> memref<1x160x125xi32, #tpu.memory_space<hbm>>
      %dma_wait3A_382 = tpu.memref_squeeze %dma_wait3A_381 : memref<1x160x125xi32, #tpu.memory_space<hbm>> -> memref<160x125xi32, #tpu.memory_space<hbm>>
      %dma_wait3A_383 = arith.constant 0 : i32
      %dma_wait3A_384 = arith.constant 0 : i32
      %dma_wait3A_385 = tpu.memref_slice %arg4[%arg1, %dma_wait3A_383, %dma_wait3A_384] : memref<16x160x125xi32, #tpu.memory_space<hbm>> -> memref<1x160x125xi32, #tpu.memory_space<hbm>>
      %dma_wait3A_386 = tpu.memref_squeeze %dma_wait3A_385 : memref<1x160x125xi32, #tpu.memory_space<hbm>> -> memref<160x125xi32, #tpu.memory_space<hbm>>
      tpu.wait_dma2 semaphore(%run_scoped3A_370 : memref<!tpu.dma_semaphore, #tpu.memory_space<semaphore_mem>>) src(%dma_wait3A_386 : memref<160x125xi32, #tpu.memory_space<hbm>>) dst(%arg8 : memref<160x125xi32, #tpu.memory_space<vmem>>)
      tpu.yield
    }) : () -> ()
    "tpu.region"() ({
      %run_scoped3A_370 = tpu.sem_alloc : memref<!tpu.dma_semaphore, #tpu.memory_space<semaphore_mem>>
      %dma_start3A_371 = arith.constant 0 : i32
      %dma_start3A_372 = arith.constant 0 : i32
      %dma_start3A_373 = tpu.memref_slice %arg5[%arg1, %dma_start3A_371, %dma_start3A_372] : memref<16x160x125xi32, #tpu.memory_space<hbm>> -> memref<1x160x125xi32, #tpu.memory_space<hbm>>
      %dma_start3A_374 = tpu.memref_squeeze %dma_start3A_373 : memref<1x160x125xi32, #tpu.memory_space<hbm>> -> memref<160x125xi32, #tpu.memory_space<hbm>>
      %dma_start3A_375 = arith.constant 0 : i32
      %dma_start3A_376 = arith.constant 0 : i32
      %dma_start3A_377 = tpu.memref_slice %arg5[%arg1, %dma_start3A_375, %dma_start3A_376] : memref<16x160x125xi32, #tpu.memory_space<hbm>> -> memref<1x160x125xi32, #tpu.memory_space<hbm>>
      %dma_start3A_378 = tpu.memref_squeeze %dma_start3A_377 : memref<1x160x125xi32, #tpu.memory_space<hbm>> -> memref<160x125xi32, #tpu.memory_space<hbm>>
      tpu.enqueue_dma source(%dma_start3A_378 : memref<160x125xi32, #tpu.memory_space<hbm>>) target(%arg9 : memref<160x125xi32, #tpu.memory_space<vmem>>) target_semaphore(%run_scoped3A_370 : memref<!tpu.dma_semaphore, #tpu.memory_space<semaphore_mem>>)
      %dma_wait3A_379 = arith.constant 0 : i32
      %dma_wait3A_380 = arith.constant 0 : i32
      %dma_wait3A_381 = tpu.memref_slice %arg5[%arg1, %dma_wait3A_379, %dma_wait3A_380] : memref<16x160x125xi32, #tpu.memory_space<hbm>> -> memref<1x160x125xi32, #tpu.memory_space<hbm>>
      %dma_wait3A_382 = tpu.memref_squeeze %dma_wait3A_381 : memref<1x160x125xi32, #tpu.memory_space<hbm>> -> memref<160x125xi32, #tpu.memory_space<hbm>>
      %dma_wait3A_383 = arith.constant 0 : i32
      %dma_wait3A_384 = arith.constant 0 : i32
      %dma_wait3A_385 = tpu.memref_slice %arg5[%arg1, %dma_wait3A_383, %dma_wait3A_384] : memref<16x160x125xi32, #tpu.memory_space<hbm>> -> memref<1x160x125xi32, #tpu.memory_space<hbm>>
      %dma_wait3A_386 = tpu.memref_squeeze %dma_wait3A_385 : memref<1x160x125xi32, #tpu.memory_space<hbm>> -> memref<160x125xi32, #tpu.memory_space<hbm>>
      tpu.wait_dma2 semaphore(%run_scoped3A_370 : memref<!tpu.dma_semaphore, #tpu.memory_space<semaphore_mem>>) src(%dma_wait3A_386 : memref<160x125xi32, #tpu.memory_space<hbm>>) dst(%arg9 : memref<160x125xi32, #tpu.memory_space<vmem>>)
      tpu.yield
    }) : () -> ()
    %mul3A = arith.constant 640 : i32
    %mul3A_7 = arith.muli %arg1, %mul3A : i32
    %add3A = arith.constant 0 : i32
    %add3A_8 = arith.addi %mul3A_7, %add3A : i32
    "tpu.region"() ({
      %run_scoped3A_370 = tpu.sem_alloc : memref<!tpu.dma_semaphore, #tpu.memory_space<semaphore_mem>>
      %dma_start3A_371 = arith.constant 0 : i32
      %dma_start3A_372 = tpu.memref_slice %arg16[%add3A_8, %dma_start3A_371] : memref<10240x64xf32, #tpu.memory_space<vmem_shared>> -> memref<128x64xf32, #tpu.memory_space<vmem_shared>>
      %dma_start3A_373 = arith.constant 0 : i32
      %dma_start3A_374 = tpu.memref_slice %arg16[%add3A_8, %dma_start3A_373] : memref<10240x64xf32, #tpu.memory_space<vmem_shared>> -> memref<128x64xf32, #tpu.memory_space<vmem_shared>>
      tpu.enqueue_dma source(%arg15 : memref<128x64xf32, #tpu.memory_space<vmem>>) target(%dma_start3A_374 : memref<128x64xf32, #tpu.memory_space<vmem_shared>>) target_semaphore(%run_scoped3A_370 : memref<!tpu.dma_semaphore, #tpu.memory_space<semaphore_mem>>)
      %dma_wait3A_375 = arith.constant 0 : i32
      %dma_wait3A_376 = tpu.memref_slice %arg16[%add3A_8, %dma_wait3A_375] : memref<10240x64xf32, #tpu.memory_space<vmem_shared>> -> memref<128x64xf32, #tpu.memory_space<vmem_shared>>
      %dma_wait3A_377 = arith.constant 0 : i32
      %dma_wait3A_378 = tpu.memref_slice %arg16[%add3A_8, %dma_wait3A_377] : memref<10240x64xf32, #tpu.memory_space<vmem_shared>> -> memref<128x64xf32, #tpu.memory_space<vmem_shared>>
      tpu.wait_dma2 semaphore(%run_scoped3A_370 : memref<!tpu.dma_semaphore, #tpu.memory_space<semaphore_mem>>) src(%arg15 : memref<128x64xf32, #tpu.memory_space<vmem>>) dst(%dma_wait3A_378 : memref<128x64xf32, #tpu.memory_space<vmem_shared>>)
      tpu.yield
    }) : () -> ()
    %mul3A_9 = arith.constant 640 : i32
    %mul3A_10 = arith.muli %arg1, %mul3A_9 : i32
    %add3A_11 = arith.constant 128 : i32
    %add3A_12 = arith.addi %mul3A_10, %add3A_11 : i32
    "tpu.region"() ({
      %run_scoped3A_370 = tpu.sem_alloc : memref<!tpu.dma_semaphore, #tpu.memory_space<semaphore_mem>>
      %dma_start3A_371 = arith.constant 0 : i32
      %dma_start3A_372 = tpu.memref_slice %arg16[%add3A_12, %dma_start3A_371] : memref<10240x64xf32, #tpu.memory_space<vmem_shared>> -> memref<128x64xf32, #tpu.memory_space<vmem_shared>>
      %dma_start3A_373 = arith.constant 0 : i32
      %dma_start3A_374 = tpu.memref_slice %arg16[%add3A_12, %dma_start3A_373] : memref<10240x64xf32, #tpu.memory_space<vmem_shared>> -> memref<128x64xf32, #tpu.memory_space<vmem_shared>>
      tpu.enqueue_dma source(%arg15 : memref<128x64xf32, #tpu.memory_space<vmem>>) target(%dma_start3A_374 : memref<128x64xf32, #tpu.memory_space<vmem_shared>>) target_semaphore(%run_scoped3A_370 : memref<!tpu.dma_semaphore, #tpu.memory_space<semaphore_mem>>)
      %dma_wait3A_375 = arith.constant 0 : i32
      %dma_wait3A_376 = tpu.memref_slice %arg16[%add3A_12, %dma_wait3A_375] : memref<10240x64xf32, #tpu.memory_space<vmem_shared>> -> memref<128x64xf32, #tpu.memory_space<vmem_shared>>
      %dma_wait3A_377 = arith.constant 0 : i32
      %dma_wait3A_378 = tpu.memref_slice %arg16[%add3A_12, %dma_wait3A_377] : memref<10240x64xf32, #tpu.memory_space<vmem_shared>> -> memref<128x64xf32, #tpu.memory_space<vmem_shared>>
      tpu.wait_dma2 semaphore(%run_scoped3A_370 : memref<!tpu.dma_semaphore, #tpu.memory_space<semaphore_mem>>) src(%arg15 : memref<128x64xf32, #tpu.memory_space<vmem>>) dst(%dma_wait3A_378 : memref<128x64xf32, #tpu.memory_space<vmem_shared>>)
      tpu.yield
    }) : () -> ()
    %mul3A_13 = arith.constant 640 : i32
    %mul3A_14 = arith.muli %arg1, %mul3A_13 : i32
    %add3A_15 = arith.constant 256 : i32
    %add3A_16 = arith.addi %mul3A_14, %add3A_15 : i32
    "tpu.region"() ({
      %run_scoped3A_370 = tpu.sem_alloc : memref<!tpu.dma_semaphore, #tpu.memory_space<semaphore_mem>>
      %dma_start3A_371 = arith.constant 0 : i32
      %dma_start3A_372 = tpu.memref_slice %arg16[%add3A_16, %dma_start3A_371] : memref<10240x64xf32, #tpu.memory_space<vmem_shared>> -> memref<128x64xf32, #tpu.memory_space<vmem_shared>>
      %dma_start3A_373 = arith.constant 0 : i32
      %dma_start3A_374 = tpu.memref_slice %arg16[%add3A_16, %dma_start3A_373] : memref<10240x64xf32, #tpu.memory_space<vmem_shared>> -> memref<128x64xf32, #tpu.memory_space<vmem_shared>>
      tpu.enqueue_dma source(%arg15 : memref<128x64xf32, #tpu.memory_space<vmem>>) target(%dma_start3A_374 : memref<128x64xf32, #tpu.memory_space<vmem_shared>>) target_semaphore(%run_scoped3A_370 : memref<!tpu.dma_semaphore, #tpu.memory_space<semaphore_mem>>)
      %dma_wait3A_375 = arith.constant 0 : i32
      %dma_wait3A_376 = tpu.memref_slice %arg16[%add3A_16, %dma_wait3A_375] : memref<10240x64xf32, #tpu.memory_space<vmem_shared>> -> memref<128x64xf32, #tpu.memory_space<vmem_shared>>
      %dma_wait3A_377 = arith.constant 0 : i32
      %dma_wait3A_378 = tpu.memref_slice %arg16[%add3A_16, %dma_wait3A_377] : memref<10240x64xf32, #tpu.memory_space<vmem_shared>> -> memref<128x64xf32, #tpu.memory_space<vmem_shared>>
      tpu.wait_dma2 semaphore(%run_scoped3A_370 : memref<!tpu.dma_semaphore, #tpu.memory_space<semaphore_mem>>) src(%arg15 : memref<128x64xf32, #tpu.memory_space<vmem>>) dst(%dma_wait3A_378 : memref<128x64xf32, #tpu.memory_space<vmem_shared>>)
      tpu.yield
    }) : () -> ()
    %mul3A_17 = arith.constant 640 : i32
    %mul3A_18 = arith.muli %arg1, %mul3A_17 : i32
    %add3A_19 = arith.constant 384 : i32
    %add3A_20 = arith.addi %mul3A_18, %add3A_19 : i32
    "tpu.region"() ({
      %run_scoped3A_370 = tpu.sem_alloc : memref<!tpu.dma_semaphore, #tpu.memory_space<semaphore_mem>>
      %dma_start3A_371 = arith.constant 0 : i32
      %dma_start3A_372 = tpu.memref_slice %arg16[%add3A_20, %dma_start3A_371] : memref<10240x64xf32, #tpu.memory_space<vmem_shared>> -> memref<128x64xf32, #tpu.memory_space<vmem_shared>>
      %dma_start3A_373 = arith.constant 0 : i32
      %dma_start3A_374 = tpu.memref_slice %arg16[%add3A_20, %dma_start3A_373] : memref<10240x64xf32, #tpu.memory_space<vmem_shared>> -> memref<128x64xf32, #tpu.memory_space<vmem_shared>>
      tpu.enqueue_dma source(%arg15 : memref<128x64xf32, #tpu.memory_space<vmem>>) target(%dma_start3A_374 : memref<128x64xf32, #tpu.memory_space<vmem_shared>>) target_semaphore(%run_scoped3A_370 : memref<!tpu.dma_semaphore, #tpu.memory_space<semaphore_mem>>)
      %dma_wait3A_375 = arith.constant 0 : i32
      %dma_wait3A_376 = tpu.memref_slice %arg16[%add3A_20, %dma_wait3A_375] : memref<10240x64xf32, #tpu.memory_space<vmem_shared>> -> memref<128x64xf32, #tpu.memory_space<vmem_shared>>
      %dma_wait3A_377 = arith.constant 0 : i32
      %dma_wait3A_378 = tpu.memref_slice %arg16[%add3A_20, %dma_wait3A_377] : memref<10240x64xf32, #tpu.memory_space<vmem_shared>> -> memref<128x64xf32, #tpu.memory_space<vmem_shared>>
      tpu.wait_dma2 semaphore(%run_scoped3A_370 : memref<!tpu.dma_semaphore, #tpu.memory_space<semaphore_mem>>) src(%arg15 : memref<128x64xf32, #tpu.memory_space<vmem>>) dst(%dma_wait3A_378 : memref<128x64xf32, #tpu.memory_space<vmem_shared>>)
      tpu.yield
    }) : () -> ()
    %mul3A_21 = arith.constant 640 : i32
    %mul3A_22 = arith.muli %arg1, %mul3A_21 : i32
    %add3A_23 = arith.constant 512 : i32
    %add3A_24 = arith.addi %mul3A_22, %add3A_23 : i32
    "tpu.region"() ({
      %run_scoped3A_370 = tpu.sem_alloc : memref<!tpu.dma_semaphore, #tpu.memory_space<semaphore_mem>>
      %dma_start3A_371 = arith.constant 0 : i32
      %dma_start3A_372 = tpu.memref_slice %arg16[%add3A_24, %dma_start3A_371] : memref<10240x64xf32, #tpu.memory_space<vmem_shared>> -> memref<128x64xf32, #tpu.memory_space<vmem_shared>>
      %dma_start3A_373 = arith.constant 0 : i32
      %dma_start3A_374 = tpu.memref_slice %arg16[%add3A_24, %dma_start3A_373] : memref<10240x64xf32, #tpu.memory_space<vmem_shared>> -> memref<128x64xf32, #tpu.memory_space<vmem_shared>>
      tpu.enqueue_dma source(%arg15 : memref<128x64xf32, #tpu.memory_space<vmem>>) target(%dma_start3A_374 : memref<128x64xf32, #tpu.memory_space<vmem_shared>>) target_semaphore(%run_scoped3A_370 : memref<!tpu.dma_semaphore, #tpu.memory_space<semaphore_mem>>)
      %dma_wait3A_375 = arith.constant 0 : i32
      %dma_wait3A_376 = tpu.memref_slice %arg16[%add3A_24, %dma_wait3A_375] : memref<10240x64xf32, #tpu.memory_space<vmem_shared>> -> memref<128x64xf32, #tpu.memory_space<vmem_shared>>
      %dma_wait3A_377 = arith.constant 0 : i32
      %dma_wait3A_378 = tpu.memref_slice %arg16[%add3A_24, %dma_wait3A_377] : memref<10240x64xf32, #tpu.memory_space<vmem_shared>> -> memref<128x64xf32, #tpu.memory_space<vmem_shared>>
      tpu.wait_dma2 semaphore(%run_scoped3A_370 : memref<!tpu.dma_semaphore, #tpu.memory_space<semaphore_mem>>) src(%arg15 : memref<128x64xf32, #tpu.memory_space<vmem>>) dst(%dma_wait3A_378 : memref<128x64xf32, #tpu.memory_space<vmem_shared>>)
      tpu.yield
    }) : () -> ()
    %barrier3A = arith.constant 0 : index
    tpu.barrier barrier_id(%barrier3A)
    %dma_start3A = arith.constant 0 : i32
    %dma_start3A_25 = arith.constant 0 : i32
    %dma_start3A_26 = tpu.memref_slice %arg8[%dma_start3A, %dma_start3A_25] : memref<160x125xi32, #tpu.memory_space<vmem>> -> memref<1x125xi32, #tpu.memory_space<vmem>>
    %dma_start3A_27 = tpu.memref_squeeze %dma_start3A_26 : memref<1x125xi32, #tpu.memory_space<vmem>> -> memref<125xi32, #tpu.memory_space<vmem>>
    %dma_start3A_28 = arith.constant 0 : i32
    %dma_start3A_29 = arith.constant 0 : i32
    %dma_start3A_30 = tpu.memref_slice %arg2[%arg0, %dma_start3A_28, %dma_start3A_29] : memref<2x10000x64xf32, #tpu.memory_space<hbm>> -> memref<1x10000x64xf32, #tpu.memory_space<hbm>>
    %dma_start3A_31 = tpu.memref_squeeze %dma_start3A_30 : memref<1x10000x64xf32, #tpu.memory_space<hbm>> -> memref<10000x64xf32, #tpu.memory_space<hbm>>
    %dma_start3A_32 = arith.constant 0 : i32
    %dma_start3A_33 = arith.constant 0 : i32
    %dma_start3A_34 = tpu.memref_slice %dma_start3A_31[%dma_start3A_32, %dma_start3A_33] : memref<10000x64xf32, #tpu.memory_space<hbm>> -> memref<10000x64xf32, #tpu.memory_space<hbm>>
    tpu.enqueue_indirect_dma source(%dma_start3A_34 : memref<10000x64xf32, #tpu.memory_space<hbm>>) target(%arg10 : memref<125x64xf32, #tpu.memory_space<vmem>>) offsets(%dma_start3A_27 : memref<125xi32, #tpu.memory_space<vmem>>) semaphore(%arg17 : memref<!tpu.dma_semaphore, #tpu.memory_space<semaphore_mem>>)
    %dma_start3A_35 = arith.constant 1 : i32
    %dma_start3A_36 = arith.constant 0 : i32
    %dma_start3A_37 = tpu.memref_slice %arg8[%dma_start3A_35, %dma_start3A_36] : memref<160x125xi32, #tpu.memory_space<vmem>> -> memref<1x125xi32, #tpu.memory_space<vmem>>
    %dma_start3A_38 = tpu.memref_squeeze %dma_start3A_37 : memref<1x125xi32, #tpu.memory_space<vmem>> -> memref<125xi32, #tpu.memory_space<vmem>>
    %dma_start3A_39 = arith.constant 0 : i32
    %dma_start3A_40 = arith.constant 0 : i32
    %dma_start3A_41 = tpu.memref_slice %arg2[%arg0, %dma_start3A_39, %dma_start3A_40] : memref<2x10000x64xf32, #tpu.memory_space<hbm>> -> memref<1x10000x64xf32, #tpu.memory_space<hbm>>
    %dma_start3A_42 = tpu.memref_squeeze %dma_start3A_41 : memref<1x10000x64xf32, #tpu.memory_space<hbm>> -> memref<10000x64xf32, #tpu.memory_space<hbm>>
    %dma_start3A_43 = arith.constant 0 : i32
    %dma_start3A_44 = arith.constant 0 : i32
    %dma_start3A_45 = tpu.memref_slice %dma_start3A_42[%dma_start3A_43, %dma_start3A_44] : memref<10000x64xf32, #tpu.memory_space<hbm>> -> memref<10000x64xf32, #tpu.memory_space<hbm>>
    tpu.enqueue_indirect_dma source(%dma_start3A_45 : memref<10000x64xf32, #tpu.memory_space<hbm>>) target(%arg11 : memref<125x64xf32, #tpu.memory_space<vmem>>) offsets(%dma_start3A_38 : memref<125xi32, #tpu.memory_space<vmem>>) semaphore(%arg18 : memref<!tpu.dma_semaphore, #tpu.memory_space<semaphore_mem>>)
    %dma_start3A_46 = arith.constant 2 : i32
    %dma_start3A_47 = arith.constant 0 : i32
    %dma_start3A_48 = tpu.memref_slice %arg8[%dma_start3A_46, %dma_start3A_47] : memref<160x125xi32, #tpu.memory_space<vmem>> -> memref<1x125xi32, #tpu.memory_space<vmem>>
    %dma_start3A_49 = tpu.memref_squeeze %dma_start3A_48 : memref<1x125xi32, #tpu.memory_space<vmem>> -> memref<125xi32, #tpu.memory_space<vmem>>
    %dma_start3A_50 = arith.constant 0 : i32
    %dma_start3A_51 = arith.constant 0 : i32
    %dma_start3A_52 = tpu.memref_slice %arg2[%arg0, %dma_start3A_50, %dma_start3A_51] : memref<2x10000x64xf32, #tpu.memory_space<hbm>> -> memref<1x10000x64xf32, #tpu.memory_space<hbm>>
    %dma_start3A_53 = tpu.memref_squeeze %dma_start3A_52 : memref<1x10000x64xf32, #tpu.memory_space<hbm>> -> memref<10000x64xf32, #tpu.memory_space<hbm>>
    %dma_start3A_54 = arith.constant 0 : i32
    %dma_start3A_55 = arith.constant 0 : i32
    %dma_start3A_56 = tpu.memref_slice %dma_start3A_53[%dma_start3A_54, %dma_start3A_55] : memref<10000x64xf32, #tpu.memory_space<hbm>> -> memref<10000x64xf32, #tpu.memory_space<hbm>>
    tpu.enqueue_indirect_dma source(%dma_start3A_56 : memref<10000x64xf32, #tpu.memory_space<hbm>>) target(%arg12 : memref<125x64xf32, #tpu.memory_space<vmem>>) offsets(%dma_start3A_49 : memref<125xi32, #tpu.memory_space<vmem>>) semaphore(%arg19 : memref<!tpu.dma_semaphore, #tpu.memory_space<semaphore_mem>>)
    %dma_start3A_57 = arith.constant 3 : i32
    %dma_start3A_58 = arith.constant 0 : i32
    %dma_start3A_59 = tpu.memref_slice %arg8[%dma_start3A_57, %dma_start3A_58] : memref<160x125xi32, #tpu.memory_space<vmem>> -> memref<1x125xi32, #tpu.memory_space<vmem>>
    %dma_start3A_60 = tpu.memref_squeeze %dma_start3A_59 : memref<1x125xi32, #tpu.memory_space<vmem>> -> memref<125xi32, #tpu.memory_space<vmem>>
    %dma_start3A_61 = arith.constant 0 : i32
    %dma_start3A_62 = arith.constant 0 : i32
    %dma_start3A_63 = tpu.memref_slice %arg2[%arg0, %dma_start3A_61, %dma_start3A_62] : memref<2x10000x64xf32, #tpu.memory_space<hbm>> -> memref<1x10000x64xf32, #tpu.memory_space<hbm>>
    %dma_start3A_64 = tpu.memref_squeeze %dma_start3A_63 : memref<1x10000x64xf32, #tpu.memory_space<hbm>> -> memref<10000x64xf32, #tpu.memory_space<hbm>>
    %dma_start3A_65 = arith.constant 0 : i32
    %dma_start3A_66 = arith.constant 0 : i32
    %dma_start3A_67 = tpu.memref_slice %dma_start3A_64[%dma_start3A_65, %dma_start3A_66] : memref<10000x64xf32, #tpu.memory_space<hbm>> -> memref<10000x64xf32, #tpu.memory_space<hbm>>
    tpu.enqueue_indirect_dma source(%dma_start3A_67 : memref<10000x64xf32, #tpu.memory_space<hbm>>) target(%arg13 : memref<125x64xf32, #tpu.memory_space<vmem>>) offsets(%dma_start3A_60 : memref<125xi32, #tpu.memory_space<vmem>>) semaphore(%arg20 : memref<!tpu.dma_semaphore, #tpu.memory_space<semaphore_mem>>)
    %dma_start3A_68 = arith.constant 4 : i32
    %dma_start3A_69 = arith.constant 0 : i32
    %dma_start3A_70 = tpu.memref_slice %arg8[%dma_start3A_68, %dma_start3A_69] : memref<160x125xi32, #tpu.memory_space<vmem>> -> memref<1x125xi32, #tpu.memory_space<vmem>>
    %dma_start3A_71 = tpu.memref_squeeze %dma_start3A_70 : memref<1x125xi32, #tpu.memory_space<vmem>> -> memref<125xi32, #tpu.memory_space<vmem>>
    %dma_start3A_72 = arith.constant 0 : i32
    %dma_start3A_73 = arith.constant 0 : i32
    %dma_start3A_74 = tpu.memref_slice %arg2[%arg0, %dma_start3A_72, %dma_start3A_73] : memref<2x10000x64xf32, #tpu.memory_space<hbm>> -> memref<1x10000x64xf32, #tpu.memory_space<hbm>>
    %dma_start3A_75 = tpu.memref_squeeze %dma_start3A_74 : memref<1x10000x64xf32, #tpu.memory_space<hbm>> -> memref<10000x64xf32, #tpu.memory_space<hbm>>
    %dma_start3A_76 = arith.constant 0 : i32
    %dma_start3A_77 = arith.constant 0 : i32
    %dma_start3A_78 = tpu.memref_slice %dma_start3A_75[%dma_start3A_76, %dma_start3A_77] : memref<10000x64xf32, #tpu.memory_space<hbm>> -> memref<10000x64xf32, #tpu.memory_space<hbm>>
    tpu.enqueue_indirect_dma source(%dma_start3A_78 : memref<10000x64xf32, #tpu.memory_space<hbm>>) target(%arg14 : memref<125x64xf32, #tpu.memory_space<vmem>>) offsets(%dma_start3A_71 : memref<125xi32, #tpu.memory_space<vmem>>) semaphore(%arg21 : memref<!tpu.dma_semaphore, #tpu.memory_space<semaphore_mem>>)
    %scan3A_79 = arith.constant 0 : i32
    %scan3A_80 = arith.constant 0 : i32
    %scan3A_81 = arith.constant 31 : i32
    %scan3A_82 = arith.addi %scan3A_80, %scan3A_81 : i32
    %scan3A_83 = arith.constant 1 : i32
    %scan3A_84 = scf.for %scan3A_370 = %scan3A_80 to %scan3A_82 step %scan3A_83 iter_args(%scan3A_371 = %scan3A_79) -> (i32)  : i32 {
      %mul3A_372 = arith.constant 5 : i32
      %mul3A_373 = arith.muli %mul3A_372, %scan3A_370 : i32
      %dma_wait3A_374 = arith.constant 0 : i32
      %dma_wait3A_375 = arith.constant 0 : i32
      %dma_wait3A_376 = tpu.memref_slice %arg8[%dma_wait3A_374, %dma_wait3A_375] : memref<160x125xi32, #tpu.memory_space<vmem>> -> memref<1x125xi32, #tpu.memory_space<vmem>>
      %dma_wait3A_377 = tpu.memref_squeeze %dma_wait3A_376 : memref<1x125xi32, #tpu.memory_space<vmem>> -> memref<125xi32, #tpu.memory_space<vmem>>
      %dma_wait3A_378 = arith.constant 0 : i32
      %dma_wait3A_379 = arith.constant 0 : i32
      %dma_wait3A_380 = tpu.memref_slice %arg2[%arg0, %dma_wait3A_378, %dma_wait3A_379] : memref<2x10000x64xf32, #tpu.memory_space<hbm>> -> memref<1x10000x64xf32, #tpu.memory_space<hbm>>
      %dma_wait3A_381 = tpu.memref_squeeze %dma_wait3A_380 : memref<1x10000x64xf32, #tpu.memory_space<hbm>> -> memref<10000x64xf32, #tpu.memory_space<hbm>>
      %dma_wait3A_382 = arith.constant 0 : i32
      %dma_wait3A_383 = arith.constant 0 : i32
      %dma_wait3A_384 = tpu.memref_slice %dma_wait3A_381[%dma_wait3A_382, %dma_wait3A_383] : memref<10000x64xf32, #tpu.memory_space<hbm>> -> memref<10000x64xf32, #tpu.memory_space<hbm>>
      tpu.wait_indirect_dma semaphore(%arg17 : memref<!tpu.dma_semaphore, #tpu.memory_space<semaphore_mem>>) src(%dma_wait3A_384 : memref<10000x64xf32, #tpu.memory_space<hbm>>) dst(%arg10 : memref<125x64xf32, #tpu.memory_space<vmem>>)
      %add3A_385 = arith.constant 0 : i32
      %add3A_386 = arith.addi %mul3A_373, %add3A_385 : i32
      "tpu.region"() ({
        %run_scoped3A_510 = tpu.sem_alloc : memref<!tpu.dma_semaphore, #tpu.memory_space<semaphore_mem>>
        %dma_start3A_511 = arith.constant 0 : i32
        %dma_start3A_512 = tpu.memref_slice %arg9[%add3A_386, %dma_start3A_511] : memref<160x125xi32, #tpu.memory_space<vmem>> -> memref<1x125xi32, #tpu.memory_space<vmem>>
        %dma_start3A_513 = tpu.memref_squeeze %dma_start3A_512 : memref<1x125xi32, #tpu.memory_space<vmem>> -> memref<125xi32, #tpu.memory_space<vmem>>
        %dma_start3A_514 = arith.constant 0 : i32
        %dma_start3A_515 = arith.constant 0 : i32
        %dma_start3A_516 = tpu.memref_slice %arg16[%dma_start3A_514, %dma_start3A_515] : memref<10240x64xf32, #tpu.memory_space<vmem_shared>> -> memref<10240x64xf32, #tpu.memory_space<vmem_shared>>
        tpu.enqueue_indirect_dma source(%arg10 : memref<125x64xf32, #tpu.memory_space<vmem>>) target(%dma_start3A_516 : memref<10240x64xf32, #tpu.memory_space<vmem_shared>>) offsets(%dma_start3A_513 : memref<125xi32, #tpu.memory_space<vmem>>) semaphore(%run_scoped3A_510 : memref<!tpu.dma_semaphore, #tpu.memory_space<semaphore_mem>>) {add = true}
        %dma_wait3A_517 = arith.constant 0 : i32
        %dma_wait3A_518 = tpu.memref_slice %arg9[%add3A_386, %dma_wait3A_517] : memref<160x125xi32, #tpu.memory_space<vmem>> -> memref<1x125xi32, #tpu.memory_space<vmem>>
        %dma_wait3A_519 = tpu.memref_squeeze %dma_wait3A_518 : memref<1x125xi32, #tpu.memory_space<vmem>> -> memref<125xi32, #tpu.memory_space<vmem>>
        %dma_wait3A_520 = arith.constant 0 : i32
        %dma_wait3A_521 = arith.constant 0 : i32
        %dma_wait3A_522 = tpu.memref_slice %arg16[%dma_wait3A_520, %dma_wait3A_521] : memref<10240x64xf32, #tpu.memory_space<vmem_shared>> -> memref<10240x64xf32, #tpu.memory_space<vmem_shared>>
        tpu.wait_indirect_dma semaphore(%run_scoped3A_510 : memref<!tpu.dma_semaphore, #tpu.memory_space<semaphore_mem>>) src(%arg10 : memref<125x64xf32, #tpu.memory_space<vmem>>) dst(%dma_wait3A_522 : memref<10240x64xf32, #tpu.memory_space<vmem_shared>>)
        tpu.yield
      }) : () -> ()
      %add3A_387 = arith.constant 0 : i32
      %add3A_388 = arith.addi %mul3A_373, %add3A_387 : i32
      %add3A_389 = arith.constant 5 : i32
      %add3A_390 = arith.addi %add3A_388, %add3A_389 : i32
      %dma_start3A_391 = arith.constant 0 : i32
      %dma_start3A_392 = tpu.memref_slice %arg8[%add3A_390, %dma_start3A_391] : memref<160x125xi32, #tpu.memory_space<vmem>> -> memref<1x125xi32, #tpu.memory_space<vmem>>
      %dma_start3A_393 = tpu.memref_squeeze %dma_start3A_392 : memref<1x125xi32, #tpu.memory_space<vmem>> -> memref<125xi32, #tpu.memory_space<vmem>>
      %dma_start3A_394 = arith.constant 0 : i32
      %dma_start3A_395 = arith.constant 0 : i32
      %dma_start3A_396 = tpu.memref_slice %arg2[%arg0, %dma_start3A_394, %dma_start3A_395] : memref<2x10000x64xf32, #tpu.memory_space<hbm>> -> memref<1x10000x64xf32, #tpu.memory_space<hbm>>
      %dma_start3A_397 = tpu.memref_squeeze %dma_start3A_396 : memref<1x10000x64xf32, #tpu.memory_space<hbm>> -> memref<10000x64xf32, #tpu.memory_space<hbm>>
      %dma_start3A_398 = arith.constant 0 : i32
      %dma_start3A_399 = arith.constant 0 : i32
      %dma_start3A_400 = tpu.memref_slice %dma_start3A_397[%dma_start3A_398, %dma_start3A_399] : memref<10000x64xf32, #tpu.memory_space<hbm>> -> memref<10000x64xf32, #tpu.memory_space<hbm>>
      tpu.enqueue_indirect_dma source(%dma_start3A_400 : memref<10000x64xf32, #tpu.memory_space<hbm>>) target(%arg10 : memref<125x64xf32, #tpu.memory_space<vmem>>) offsets(%dma_start3A_393 : memref<125xi32, #tpu.memory_space<vmem>>) semaphore(%arg17 : memref<!tpu.dma_semaphore, #tpu.memory_space<semaphore_mem>>)
      %dma_wait3A_401 = arith.constant 0 : i32
      %dma_wait3A_402 = arith.constant 0 : i32
      %dma_wait3A_403 = tpu.memref_slice %arg8[%dma_wait3A_401, %dma_wait3A_402] : memref<160x125xi32, #tpu.memory_space<vmem>> -> memref<1x125xi32, #tpu.memory_space<vmem>>
      %dma_wait3A_404 = tpu.memref_squeeze %dma_wait3A_403 : memref<1x125xi32, #tpu.memory_space<vmem>> -> memref<125xi32, #tpu.memory_space<vmem>>
      %dma_wait3A_405 = arith.constant 0 : i32
      %dma_wait3A_406 = arith.constant 0 : i32
      %dma_wait3A_407 = tpu.memref_slice %arg2[%arg0, %dma_wait3A_405, %dma_wait3A_406] : memref<2x10000x64xf32, #tpu.memory_space<hbm>> -> memref<1x10000x64xf32, #tpu.memory_space<hbm>>
      %dma_wait3A_408 = tpu.memref_squeeze %dma_wait3A_407 : memref<1x10000x64xf32, #tpu.memory_space<hbm>> -> memref<10000x64xf32, #tpu.memory_space<hbm>>
      %dma_wait3A_409 = arith.constant 0 : i32
      %dma_wait3A_410 = arith.constant 0 : i32
      %dma_wait3A_411 = tpu.memref_slice %dma_wait3A_408[%dma_wait3A_409, %dma_wait3A_410] : memref<10000x64xf32, #tpu.memory_space<hbm>> -> memref<10000x64xf32, #tpu.memory_space<hbm>>
      tpu.wait_indirect_dma semaphore(%arg18 : memref<!tpu.dma_semaphore, #tpu.memory_space<semaphore_mem>>) src(%dma_wait3A_411 : memref<10000x64xf32, #tpu.memory_space<hbm>>) dst(%arg11 : memref<125x64xf32, #tpu.memory_space<vmem>>)
      %add3A_412 = arith.constant 1 : i32
      %add3A_413 = arith.addi %mul3A_373, %add3A_412 : i32
      "tpu.region"() ({
        %run_scoped3A_510 = tpu.sem_alloc : memref<!tpu.dma_semaphore, #tpu.memory_space<semaphore_mem>>
        %dma_start3A_511 = arith.constant 0 : i32
        %dma_start3A_512 = tpu.memref_slice %arg9[%add3A_413, %dma_start3A_511] : memref<160x125xi32, #tpu.memory_space<vmem>> -> memref<1x125xi32, #tpu.memory_space<vmem>>
        %dma_start3A_513 = tpu.memref_squeeze %dma_start3A_512 : memref<1x125xi32, #tpu.memory_space<vmem>> -> memref<125xi32, #tpu.memory_space<vmem>>
        %dma_start3A_514 = arith.constant 0 : i32
        %dma_start3A_515 = arith.constant 0 : i32
        %dma_start3A_516 = tpu.memref_slice %arg16[%dma_start3A_514, %dma_start3A_515] : memref<10240x64xf32, #tpu.memory_space<vmem_shared>> -> memref<10240x64xf32, #tpu.memory_space<vmem_shared>>
        tpu.enqueue_indirect_dma source(%arg11 : memref<125x64xf32, #tpu.memory_space<vmem>>) target(%dma_start3A_516 : memref<10240x64xf32, #tpu.memory_space<vmem_shared>>) offsets(%dma_start3A_513 : memref<125xi32, #tpu.memory_space<vmem>>) semaphore(%run_scoped3A_510 : memref<!tpu.dma_semaphore, #tpu.memory_space<semaphore_mem>>) {add = true}
        %dma_wait3A_517 = arith.constant 0 : i32
        %dma_wait3A_518 = tpu.memref_slice %arg9[%add3A_413, %dma_wait3A_517] : memref<160x125xi32, #tpu.memory_space<vmem>> -> memref<1x125xi32, #tpu.memory_space<vmem>>
        %dma_wait3A_519 = tpu.memref_squeeze %dma_wait3A_518 : memref<1x125xi32, #tpu.memory_space<vmem>> -> memref<125xi32, #tpu.memory_space<vmem>>
        %dma_wait3A_520 = arith.constant 0 : i32
        %dma_wait3A_521 = arith.constant 0 : i32
        %dma_wait3A_522 = tpu.memref_slice %arg16[%dma_wait3A_520, %dma_wait3A_521] : memref<10240x64xf32, #tpu.memory_space<vmem_shared>> -> memref<10240x64xf32, #tpu.memory_space<vmem_shared>>
        tpu.wait_indirect_dma semaphore(%run_scoped3A_510 : memref<!tpu.dma_semaphore, #tpu.memory_space<semaphore_mem>>) src(%arg11 : memref<125x64xf32, #tpu.memory_space<vmem>>) dst(%dma_wait3A_522 : memref<10240x64xf32, #tpu.memory_space<vmem_shared>>)
        tpu.yield
      }) : () -> ()
      %add3A_414 = arith.constant 1 : i32
      %add3A_415 = arith.addi %mul3A_373, %add3A_414 : i32
      %add3A_416 = arith.constant 5 : i32
      %add3A_417 = arith.addi %add3A_415, %add3A_416 : i32
      %dma_start3A_418 = arith.constant 0 : i32
      %dma_start3A_419 = tpu.memref_slice %arg8[%add3A_417, %dma_start3A_418] : memref<160x125xi32, #tpu.memory_space<vmem>> -> memref<1x125xi32, #tpu.memory_space<vmem>>
      %dma_start3A_420 = tpu.memref_squeeze %dma_start3A_419 : memref<1x125xi32, #tpu.memory_space<vmem>> -> memref<125xi32, #tpu.memory_space<vmem>>
      %dma_start3A_421 = arith.constant 0 : i32
      %dma_start3A_422 = arith.constant 0 : i32
      %dma_start3A_423 = tpu.memref_slice %arg2[%arg0, %dma_start3A_421, %dma_start3A_422] : memref<2x10000x64xf32, #tpu.memory_space<hbm>> -> memref<1x10000x64xf32, #tpu.memory_space<hbm>>
      %dma_start3A_424 = tpu.memref_squeeze %dma_start3A_423 : memref<1x10000x64xf32, #tpu.memory_space<hbm>> -> memref<10000x64xf32, #tpu.memory_space<hbm>>
      %dma_start3A_425 = arith.constant 0 : i32
      %dma_start3A_426 = arith.constant 0 : i32
      %dma_start3A_427 = tpu.memref_slice %dma_start3A_424[%dma_start3A_425, %dma_start3A_426] : memref<10000x64xf32, #tpu.memory_space<hbm>> -> memref<10000x64xf32, #tpu.memory_space<hbm>>
      tpu.enqueue_indirect_dma source(%dma_start3A_427 : memref<10000x64xf32, #tpu.memory_space<hbm>>) target(%arg11 : memref<125x64xf32, #tpu.memory_space<vmem>>) offsets(%dma_start3A_420 : memref<125xi32, #tpu.memory_space<vmem>>) semaphore(%arg18 : memref<!tpu.dma_semaphore, #tpu.memory_space<semaphore_mem>>)
      %dma_wait3A_428 = arith.constant 0 : i32
      %dma_wait3A_429 = arith.constant 0 : i32
      %dma_wait3A_430 = tpu.memref_slice %arg8[%dma_wait3A_428, %dma_wait3A_429] : memref<160x125xi32, #tpu.memory_space<vmem>> -> memref<1x125xi32, #tpu.memory_space<vmem>>
      %dma_wait3A_431 = tpu.memref_squeeze %dma_wait3A_430 : memref<1x125xi32, #tpu.memory_space<vmem>> -> memref<125xi32, #tpu.memory_space<vmem>>
      %dma_wait3A_432 = arith.constant 0 : i32
      %dma_wait3A_433 = arith.constant 0 : i32
      %dma_wait3A_434 = tpu.memref_slice %arg2[%arg0, %dma_wait3A_432, %dma_wait3A_433] : memref<2x10000x64xf32, #tpu.memory_space<hbm>> -> memref<1x10000x64xf32, #tpu.memory_space<hbm>>
      %dma_wait3A_435 = tpu.memref_squeeze %dma_wait3A_434 : memref<1x10000x64xf32, #tpu.memory_space<hbm>> -> memref<10000x64xf32, #tpu.memory_space<hbm>>
      %dma_wait3A_436 = arith.constant 0 : i32
      %dma_wait3A_437 = arith.constant 0 : i32
      %dma_wait3A_438 = tpu.memref_slice %dma_wait3A_435[%dma_wait3A_436, %dma_wait3A_437] : memref<10000x64xf32, #tpu.memory_space<hbm>> -> memref<10000x64xf32, #tpu.memory_space<hbm>>
      tpu.wait_indirect_dma semaphore(%arg19 : memref<!tpu.dma_semaphore, #tpu.memory_space<semaphore_mem>>) src(%dma_wait3A_438 : memref<10000x64xf32, #tpu.memory_space<hbm>>) dst(%arg12 : memref<125x64xf32, #tpu.memory_space<vmem>>)
      %add3A_439 = arith.constant 2 : i32
      %add3A_440 = arith.addi %mul3A_373, %add3A_439 : i32
      "tpu.region"() ({
        %run_scoped3A_510 = tpu.sem_alloc : memref<!tpu.dma_semaphore, #tpu.memory_space<semaphore_mem>>
        %dma_start3A_511 = arith.constant 0 : i32
        %dma_start3A_512 = tpu.memref_slice %arg9[%add3A_440, %dma_start3A_511] : memref<160x125xi32, #tpu.memory_space<vmem>> -> memref<1x125xi32, #tpu.memory_space<vmem>>
        %dma_start3A_513 = tpu.memref_squeeze %dma_start3A_512 : memref<1x125xi32, #tpu.memory_space<vmem>> -> memref<125xi32, #tpu.memory_space<vmem>>
        %dma_start3A_514 = arith.constant 0 : i32
        %dma_start3A_515 = arith.constant 0 : i32
        %dma_start3A_516 = tpu.memref_slice %arg16[%dma_start3A_514, %dma_start3A_515] : memref<10240x64xf32, #tpu.memory_space<vmem_shared>> -> memref<10240x64xf32, #tpu.memory_space<vmem_shared>>
        tpu.enqueue_indirect_dma source(%arg12 : memref<125x64xf32, #tpu.memory_space<vmem>>) target(%dma_start3A_516 : memref<10240x64xf32, #tpu.memory_space<vmem_shared>>) offsets(%dma_start3A_513 : memref<125xi32, #tpu.memory_space<vmem>>) semaphore(%run_scoped3A_510 : memref<!tpu.dma_semaphore, #tpu.memory_space<semaphore_mem>>) {add = true}
        %dma_wait3A_517 = arith.constant 0 : i32
        %dma_wait3A_518 = tpu.memref_slice %arg9[%add3A_440, %dma_wait3A_517] : memref<160x125xi32, #tpu.memory_space<vmem>> -> memref<1x125xi32, #tpu.memory_space<vmem>>
        %dma_wait3A_519 = tpu.memref_squeeze %dma_wait3A_518 : memref<1x125xi32, #tpu.memory_space<vmem>> -> memref<125xi32, #tpu.memory_space<vmem>>
        %dma_wait3A_520 = arith.constant 0 : i32
        %dma_wait3A_521 = arith.constant 0 : i32
        %dma_wait3A_522 = tpu.memref_slice %arg16[%dma_wait3A_520, %dma_wait3A_521] : memref<10240x64xf32, #tpu.memory_space<vmem_shared>> -> memref<10240x64xf32, #tpu.memory_space<vmem_shared>>
        tpu.wait_indirect_dma semaphore(%run_scoped3A_510 : memref<!tpu.dma_semaphore, #tpu.memory_space<semaphore_mem>>) src(%arg12 : memref<125x64xf32, #tpu.memory_space<vmem>>) dst(%dma_wait3A_522 : memref<10240x64xf32, #tpu.memory_space<vmem_shared>>)
        tpu.yield
      }) : () -> ()
      %add3A_441 = arith.constant 2 : i32
      %add3A_442 = arith.addi %mul3A_373, %add3A_441 : i32
      %add3A_443 = arith.constant 5 : i32
      %add3A_444 = arith.addi %add3A_442, %add3A_443 : i32
      %dma_start3A_445 = arith.constant 0 : i32
      %dma_start3A_446 = tpu.memref_slice %arg8[%add3A_444, %dma_start3A_445] : memref<160x125xi32, #tpu.memory_space<vmem>> -> memref<1x125xi32, #tpu.memory_space<vmem>>
      %dma_start3A_447 = tpu.memref_squeeze %dma_start3A_446 : memref<1x125xi32, #tpu.memory_space<vmem>> -> memref<125xi32, #tpu.memory_space<vmem>>
      %dma_start3A_448 = arith.constant 0 : i32
      %dma_start3A_449 = arith.constant 0 : i32
      %dma_start3A_450 = tpu.memref_slice %arg2[%arg0, %dma_start3A_448, %dma_start3A_449] : memref<2x10000x64xf32, #tpu.memory_space<hbm>> -> memref<1x10000x64xf32, #tpu.memory_space<hbm>>
      %dma_start3A_451 = tpu.memref_squeeze %dma_start3A_450 : memref<1x10000x64xf32, #tpu.memory_space<hbm>> -> memref<10000x64xf32, #tpu.memory_space<hbm>>
      %dma_start3A_452 = arith.constant 0 : i32
      %dma_start3A_453 = arith.constant 0 : i32
      %dma_start3A_454 = tpu.memref_slice %dma_start3A_451[%dma_start3A_452, %dma_start3A_453] : memref<10000x64xf32, #tpu.memory_space<hbm>> -> memref<10000x64xf32, #tpu.memory_space<hbm>>
      tpu.enqueue_indirect_dma source(%dma_start3A_454 : memref<10000x64xf32, #tpu.memory_space<hbm>>) target(%arg12 : memref<125x64xf32, #tpu.memory_space<vmem>>) offsets(%dma_start3A_447 : memref<125xi32, #tpu.memory_space<vmem>>) semaphore(%arg19 : memref<!tpu.dma_semaphore, #tpu.memory_space<semaphore_mem>>)
      %dma_wait3A_455 = arith.constant 0 : i32
      %dma_wait3A_456 = arith.constant 0 : i32
      %dma_wait3A_457 = tpu.memref_slice %arg8[%dma_wait3A_455, %dma_wait3A_456] : memref<160x125xi32, #tpu.memory_space<vmem>> -> memref<1x125xi32, #tpu.memory_space<vmem>>
      %dma_wait3A_458 = tpu.memref_squeeze %dma_wait3A_457 : memref<1x125xi32, #tpu.memory_space<vmem>> -> memref<125xi32, #tpu.memory_space<vmem>>
      %dma_wait3A_459 = arith.constant 0 : i32
      %dma_wait3A_460 = arith.constant 0 : i32
      %dma_wait3A_461 = tpu.memref_slice %arg2[%arg0, %dma_wait3A_459, %dma_wait3A_460] : memref<2x10000x64xf32, #tpu.memory_space<hbm>> -> memref<1x10000x64xf32, #tpu.memory_space<hbm>>
      %dma_wait3A_462 = tpu.memref_squeeze %dma_wait3A_461 : memref<1x10000x64xf32, #tpu.memory_space<hbm>> -> memref<10000x64xf32, #tpu.memory_space<hbm>>
      %dma_wait3A_463 = arith.constant 0 : i32
      %dma_wait3A_464 = arith.constant 0 : i32
      %dma_wait3A_465 = tpu.memref_slice %dma_wait3A_462[%dma_wait3A_463, %dma_wait3A_464] : memref<10000x64xf32, #tpu.memory_space<hbm>> -> memref<10000x64xf32, #tpu.memory_space<hbm>>
      tpu.wait_indirect_dma semaphore(%arg20 : memref<!tpu.dma_semaphore, #tpu.memory_space<semaphore_mem>>) src(%dma_wait3A_465 : memref<10000x64xf32, #tpu.memory_space<hbm>>) dst(%arg13 : memref<125x64xf32, #tpu.memory_space<vmem>>)
      %add3A_466 = arith.constant 3 : i32
      %add3A_467 = arith.addi %mul3A_373, %add3A_466 : i32
      "tpu.region"() ({
        %run_scoped3A_510 = tpu.sem_alloc : memref<!tpu.dma_semaphore, #tpu.memory_space<semaphore_mem>>
        %dma_start3A_511 = arith.constant 0 : i32
        %dma_start3A_512 = tpu.memref_slice %arg9[%add3A_467, %dma_start3A_511] : memref<160x125xi32, #tpu.memory_space<vmem>> -> memref<1x125xi32, #tpu.memory_space<vmem>>
        %dma_start3A_513 = tpu.memref_squeeze %dma_start3A_512 : memref<1x125xi32, #tpu.memory_space<vmem>> -> memref<125xi32, #tpu.memory_space<vmem>>
        %dma_start3A_514 = arith.constant 0 : i32
        %dma_start3A_515 = arith.constant 0 : i32
        %dma_start3A_516 = tpu.memref_slice %arg16[%dma_start3A_514, %dma_start3A_515] : memref<10240x64xf32, #tpu.memory_space<vmem_shared>> -> memref<10240x64xf32, #tpu.memory_space<vmem_shared>>
        tpu.enqueue_indirect_dma source(%arg13 : memref<125x64xf32, #tpu.memory_space<vmem>>) target(%dma_start3A_516 : memref<10240x64xf32, #tpu.memory_space<vmem_shared>>) offsets(%dma_start3A_513 : memref<125xi32, #tpu.memory_space<vmem>>) semaphore(%run_scoped3A_510 : memref<!tpu.dma_semaphore, #tpu.memory_space<semaphore_mem>>) {add = true}
        %dma_wait3A_517 = arith.constant 0 : i32
        %dma_wait3A_518 = tpu.memref_slice %arg9[%add3A_467, %dma_wait3A_517] : memref<160x125xi32, #tpu.memory_space<vmem>> -> memref<1x125xi32, #tpu.memory_space<vmem>>
        %dma_wait3A_519 = tpu.memref_squeeze %dma_wait3A_518 : memref<1x125xi32, #tpu.memory_space<vmem>> -> memref<125xi32, #tpu.memory_space<vmem>>
        %dma_wait3A_520 = arith.constant 0 : i32
        %dma_wait3A_521 = arith.constant 0 : i32
        %dma_wait3A_522 = tpu.memref_slice %arg16[%dma_wait3A_520, %dma_wait3A_521] : memref<10240x64xf32, #tpu.memory_space<vmem_shared>> -> memref<10240x64xf32, #tpu.memory_space<vmem_shared>>
        tpu.wait_indirect_dma semaphore(%run_scoped3A_510 : memref<!tpu.dma_semaphore, #tpu.memory_space<semaphore_mem>>) src(%arg13 : memref<125x64xf32, #tpu.memory_space<vmem>>) dst(%dma_wait3A_522 : memref<10240x64xf32, #tpu.memory_space<vmem_shared>>)
        tpu.yield
      }) : () -> ()
      %add3A_468 = arith.constant 3 : i32
      %add3A_469 = arith.addi %mul3A_373, %add3A_468 : i32
      %add3A_470 = arith.constant 5 : i32
      %add3A_471 = arith.addi %add3A_469, %add3A_470 : i32
      %dma_start3A_472 = arith.constant 0 : i32
      %dma_start3A_473 = tpu.memref_slice %arg8[%add3A_471, %dma_start3A_472] : memref<160x125xi32, #tpu.memory_space<vmem>> -> memref<1x125xi32, #tpu.memory_space<vmem>>
      %dma_start3A_474 = tpu.memref_squeeze %dma_start3A_473 : memref<1x125xi32, #tpu.memory_space<vmem>> -> memref<125xi32, #tpu.memory_space<vmem>>
      %dma_start3A_475 = arith.constant 0 : i32
      %dma_start3A_476 = arith.constant 0 : i32
      %dma_start3A_477 = tpu.memref_slice %arg2[%arg0, %dma_start3A_475, %dma_start3A_476] : memref<2x10000x64xf32, #tpu.memory_space<hbm>> -> memref<1x10000x64xf32, #tpu.memory_space<hbm>>
      %dma_start3A_478 = tpu.memref_squeeze %dma_start3A_477 : memref<1x10000x64xf32, #tpu.memory_space<hbm>> -> memref<10000x64xf32, #tpu.memory_space<hbm>>
      %dma_start3A_479 = arith.constant 0 : i32
      %dma_start3A_480 = arith.constant 0 : i32
      %dma_start3A_481 = tpu.memref_slice %dma_start3A_478[%dma_start3A_479, %dma_start3A_480] : memref<10000x64xf32, #tpu.memory_space<hbm>> -> memref<10000x64xf32, #tpu.memory_space<hbm>>
      tpu.enqueue_indirect_dma source(%dma_start3A_481 : memref<10000x64xf32, #tpu.memory_space<hbm>>) target(%arg13 : memref<125x64xf32, #tpu.memory_space<vmem>>) offsets(%dma_start3A_474 : memref<125xi32, #tpu.memory_space<vmem>>) semaphore(%arg20 : memref<!tpu.dma_semaphore, #tpu.memory_space<semaphore_mem>>)
      %dma_wait3A_482 = arith.constant 0 : i32
      %dma_wait3A_483 = arith.constant 0 : i32
      %dma_wait3A_484 = tpu.memref_slice %arg8[%dma_wait3A_482, %dma_wait3A_483] : memref<160x125xi32, #tpu.memory_space<vmem>> -> memref<1x125xi32, #tpu.memory_space<vmem>>
      %dma_wait3A_485 = tpu.memref_squeeze %dma_wait3A_484 : memref<1x125xi32, #tpu.memory_space<vmem>> -> memref<125xi32, #tpu.memory_space<vmem>>
      %dma_wait3A_486 = arith.constant 0 : i32
      %dma_wait3A_487 = arith.constant 0 : i32
      %dma_wait3A_488 = tpu.memref_slice %arg2[%arg0, %dma_wait3A_486, %dma_wait3A_487] : memref<2x10000x64xf32, #tpu.memory_space<hbm>> -> memref<1x10000x64xf32, #tpu.memory_space<hbm>>
      %dma_wait3A_489 = tpu.memref_squeeze %dma_wait3A_488 : memref<1x10000x64xf32, #tpu.memory_space<hbm>> -> memref<10000x64xf32, #tpu.memory_space<hbm>>
      %dma_wait3A_490 = arith.constant 0 : i32
      %dma_wait3A_491 = arith.constant 0 : i32
      %dma_wait3A_492 = tpu.memref_slice %dma_wait3A_489[%dma_wait3A_490, %dma_wait3A_491] : memref<10000x64xf32, #tpu.memory_space<hbm>> -> memref<10000x64xf32, #tpu.memory_space<hbm>>
      tpu.wait_indirect_dma semaphore(%arg21 : memref<!tpu.dma_semaphore, #tpu.memory_space<semaphore_mem>>) src(%dma_wait3A_492 : memref<10000x64xf32, #tpu.memory_space<hbm>>) dst(%arg14 : memref<125x64xf32, #tpu.memory_space<vmem>>)
      %add3A_493 = arith.constant 4 : i32
      %add3A_494 = arith.addi %mul3A_373, %add3A_493 : i32
      "tpu.region"() ({
        %run_scoped3A_510 = tpu.sem_alloc : memref<!tpu.dma_semaphore, #tpu.memory_space<semaphore_mem>>
        %dma_start3A_511 = arith.constant 0 : i32
        %dma_start3A_512 = tpu.memref_slice %arg9[%add3A_494, %dma_start3A_511] : memref<160x125xi32, #tpu.memory_space<vmem>> -> memref<1x125xi32, #tpu.memory_space<vmem>>
        %dma_start3A_513 = tpu.memref_squeeze %dma_start3A_512 : memref<1x125xi32, #tpu.memory_space<vmem>> -> memref<125xi32, #tpu.memory_space<vmem>>
        %dma_start3A_514 = arith.constant 0 : i32
        %dma_start3A_515 = arith.constant 0 : i32
        %dma_start3A_516 = tpu.memref_slice %arg16[%dma_start3A_514, %dma_start3A_515] : memref<10240x64xf32, #tpu.memory_space<vmem_shared>> -> memref<10240x64xf32, #tpu.memory_space<vmem_shared>>
        tpu.enqueue_indirect_dma source(%arg14 : memref<125x64xf32, #tpu.memory_space<vmem>>) target(%dma_start3A_516 : memref<10240x64xf32, #tpu.memory_space<vmem_shared>>) offsets(%dma_start3A_513 : memref<125xi32, #tpu.memory_space<vmem>>) semaphore(%run_scoped3A_510 : memref<!tpu.dma_semaphore, #tpu.memory_space<semaphore_mem>>) {add = true}
        %dma_wait3A_517 = arith.constant 0 : i32
        %dma_wait3A_518 = tpu.memref_slice %arg9[%add3A_494, %dma_wait3A_517] : memref<160x125xi32, #tpu.memory_space<vmem>> -> memref<1x125xi32, #tpu.memory_space<vmem>>
        %dma_wait3A_519 = tpu.memref_squeeze %dma_wait3A_518 : memref<1x125xi32, #tpu.memory_space<vmem>> -> memref<125xi32, #tpu.memory_space<vmem>>
        %dma_wait3A_520 = arith.constant 0 : i32
        %dma_wait3A_521 = arith.constant 0 : i32
        %dma_wait3A_522 = tpu.memref_slice %arg16[%dma_wait3A_520, %dma_wait3A_521] : memref<10240x64xf32, #tpu.memory_space<vmem_shared>> -> memref<10240x64xf32, #tpu.memory_space<vmem_shared>>
        tpu.wait_indirect_dma semaphore(%run_scoped3A_510 : memref<!tpu.dma_semaphore, #tpu.memory_space<semaphore_mem>>) src(%arg14 : memref<125x64xf32, #tpu.memory_space<vmem>>) dst(%dma_wait3A_522 : memref<10240x64xf32, #tpu.memory_space<vmem_shared>>)
        tpu.yield
      }) : () -> ()
      %add3A_495 = arith.constant 4 : i32
      %add3A_496 = arith.addi %mul3A_373, %add3A_495 : i32
      %add3A_497 = arith.constant 5 : i32
      %add3A_498 = arith.addi %add3A_496, %add3A_497 : i32
      %dma_start3A_499 = arith.constant 0 : i32
      %dma_start3A_500 = tpu.memref_slice %arg8[%add3A_498, %dma_start3A_499] : memref<160x125xi32, #tpu.memory_space<vmem>> -> memref<1x125xi32, #tpu.memory_space<vmem>>
      %dma_start3A_501 = tpu.memref_squeeze %dma_start3A_500 : memref<1x125xi32, #tpu.memory_space<vmem>> -> memref<125xi32, #tpu.memory_space<vmem>>
      %dma_start3A_502 = arith.constant 0 : i32
      %dma_start3A_503 = arith.constant 0 : i32
      %dma_start3A_504 = tpu.memref_slice %arg2[%arg0, %dma_start3A_502, %dma_start3A_503] : memref<2x10000x64xf32, #tpu.memory_space<hbm>> -> memref<1x10000x64xf32, #tpu.memory_space<hbm>>
      %dma_start3A_505 = tpu.memref_squeeze %dma_start3A_504 : memref<1x10000x64xf32, #tpu.memory_space<hbm>> -> memref<10000x64xf32, #tpu.memory_space<hbm>>
      %dma_start3A_506 = arith.constant 0 : i32
      %dma_start3A_507 = arith.constant 0 : i32
      %dma_start3A_508 = tpu.memref_slice %dma_start3A_505[%dma_start3A_506, %dma_start3A_507] : memref<10000x64xf32, #tpu.memory_space<hbm>> -> memref<10000x64xf32, #tpu.memory_space<hbm>>
      tpu.enqueue_indirect_dma source(%dma_start3A_508 : memref<10000x64xf32, #tpu.memory_space<hbm>>) target(%arg14 : memref<125x64xf32, #tpu.memory_space<vmem>>) offsets(%dma_start3A_501 : memref<125xi32, #tpu.memory_space<vmem>>) semaphore(%arg21 : memref<!tpu.dma_semaphore, #tpu.memory_space<semaphore_mem>>)
      %scan3A_509 = arith.constant 0 : i32
      scf.yield %scan3A_509 : i32
    }
    %scan3A_85 = arith.constant 31 : i32
    %dma_wait3A = arith.constant 0 : i32
    %dma_wait3A_86 = arith.constant 0 : i32
    %dma_wait3A_87 = tpu.memref_slice %arg8[%dma_wait3A, %dma_wait3A_86] : memref<160x125xi32, #tpu.memory_space<vmem>> -> memref<1x125xi32, #tpu.memory_space<vmem>>
    %dma_wait3A_88 = tpu.memref_squeeze %dma_wait3A_87 : memref<1x125xi32, #tpu.memory_space<vmem>> -> memref<125xi32, #tpu.memory_space<vmem>>
    %dma_wait3A_89 = arith.constant 0 : i32
    %dma_wait3A_90 = arith.constant 0 : i32
    %dma_wait3A_91 = tpu.memref_slice %arg2[%arg0, %dma_wait3A_89, %dma_wait3A_90] : memref<2x10000x64xf32, #tpu.memory_space<hbm>> -> memref<1x10000x64xf32, #tpu.memory_space<hbm>>
    %dma_wait3A_92 = tpu.memref_squeeze %dma_wait3A_91 : memref<1x10000x64xf32, #tpu.memory_space<hbm>> -> memref<10000x64xf32, #tpu.memory_space<hbm>>
    %dma_wait3A_93 = arith.constant 0 : i32
    %dma_wait3A_94 = arith.constant 0 : i32
    %dma_wait3A_95 = tpu.memref_slice %dma_wait3A_92[%dma_wait3A_93, %dma_wait3A_94] : memref<10000x64xf32, #tpu.memory_space<hbm>> -> memref<10000x64xf32, #tpu.memory_space<hbm>>
    tpu.wait_indirect_dma semaphore(%arg17 : memref<!tpu.dma_semaphore, #tpu.memory_space<semaphore_mem>>) src(%dma_wait3A_95 : memref<10000x64xf32, #tpu.memory_space<hbm>>) dst(%arg10 : memref<125x64xf32, #tpu.memory_space<vmem>>)
    %run_scoped3A = arith.constant 155 : i32
    "tpu.region"() ({
      %run_scoped3A_370 = tpu.sem_alloc : memref<!tpu.dma_semaphore, #tpu.memory_space<semaphore_mem>>
      %dma_start3A_371 = arith.constant 0 : i32
      %dma_start3A_372 = tpu.memref_slice %arg9[%run_scoped3A, %dma_start3A_371] : memref<160x125xi32, #tpu.memory_space<vmem>> -> memref<1x125xi32, #tpu.memory_space<vmem>>
      %dma_start3A_373 = tpu.memref_squeeze %dma_start3A_372 : memref<1x125xi32, #tpu.memory_space<vmem>> -> memref<125xi32, #tpu.memory_space<vmem>>
      %dma_start3A_374 = arith.constant 0 : i32
      %dma_start3A_375 = arith.constant 0 : i32
      %dma_start3A_376 = tpu.memref_slice %arg16[%dma_start3A_374, %dma_start3A_375] : memref<10240x64xf32, #tpu.memory_space<vmem_shared>> -> memref<10240x64xf32, #tpu.memory_space<vmem_shared>>
      tpu.enqueue_indirect_dma source(%arg10 : memref<125x64xf32, #tpu.memory_space<vmem>>) target(%dma_start3A_376 : memref<10240x64xf32, #tpu.memory_space<vmem_shared>>) offsets(%dma_start3A_373 : memref<125xi32, #tpu.memory_space<vmem>>) semaphore(%run_scoped3A_370 : memref<!tpu.dma_semaphore, #tpu.memory_space<semaphore_mem>>) {add = true}
      %dma_wait3A_377 = arith.constant 0 : i32
      %dma_wait3A_378 = tpu.memref_slice %arg9[%run_scoped3A, %dma_wait3A_377] : memref<160x125xi32, #tpu.memory_space<vmem>> -> memref<1x125xi32, #tpu.memory_space<vmem>>
      %dma_wait3A_379 = tpu.memref_squeeze %dma_wait3A_378 : memref<1x125xi32, #tpu.memory_space<vmem>> -> memref<125xi32, #tpu.memory_space<vmem>>
      %dma_wait3A_380 = arith.constant 0 : i32
      %dma_wait3A_381 = arith.constant 0 : i32
      %dma_wait3A_382 = tpu.memref_slice %arg16[%dma_wait3A_380, %dma_wait3A_381] : memref<10240x64xf32, #tpu.memory_space<vmem_shared>> -> memref<10240x64xf32, #tpu.memory_space<vmem_shared>>
      tpu.wait_indirect_dma semaphore(%run_scoped3A_370 : memref<!tpu.dma_semaphore, #tpu.memory_space<semaphore_mem>>) src(%arg10 : memref<125x64xf32, #tpu.memory_space<vmem>>) dst(%dma_wait3A_382 : memref<10240x64xf32, #tpu.memory_space<vmem_shared>>)
      tpu.yield
    }) : () -> ()
    %dma_wait3A_96 = arith.constant 0 : i32
    %dma_wait3A_97 = arith.constant 0 : i32
    %dma_wait3A_98 = tpu.memref_slice %arg8[%dma_wait3A_96, %dma_wait3A_97] : memref<160x125xi32, #tpu.memory_space<vmem>> -> memref<1x125xi32, #tpu.memory_space<vmem>>
    %dma_wait3A_99 = tpu.memref_squeeze %dma_wait3A_98 : memref<1x125xi32, #tpu.memory_space<vmem>> -> memref<125xi32, #tpu.memory_space<vmem>>
    %dma_wait3A_100 = arith.constant 0 : i32
    %dma_wait3A_101 = arith.constant 0 : i32
    %dma_wait3A_102 = tpu.memref_slice %arg2[%arg0, %dma_wait3A_100, %dma_wait3A_101] : memref<2x10000x64xf32, #tpu.memory_space<hbm>> -> memref<1x10000x64xf32, #tpu.memory_space<hbm>>
    %dma_wait3A_103 = tpu.memref_squeeze %dma_wait3A_102 : memref<1x10000x64xf32, #tpu.memory_space<hbm>> -> memref<10000x64xf32, #tpu.memory_space<hbm>>
    %dma_wait3A_104 = arith.constant 0 : i32
    %dma_wait3A_105 = arith.constant 0 : i32
    %dma_wait3A_106 = tpu.memref_slice %dma_wait3A_103[%dma_wait3A_104, %dma_wait3A_105] : memref<10000x64xf32, #tpu.memory_space<hbm>> -> memref<10000x64xf32, #tpu.memory_space<hbm>>
    tpu.wait_indirect_dma semaphore(%arg18 : memref<!tpu.dma_semaphore, #tpu.memory_space<semaphore_mem>>) src(%dma_wait3A_106 : memref<10000x64xf32, #tpu.memory_space<hbm>>) dst(%arg11 : memref<125x64xf32, #tpu.memory_space<vmem>>)
    %run_scoped3A_107 = arith.constant 156 : i32
    "tpu.region"() ({
      %run_scoped3A_370 = tpu.sem_alloc : memref<!tpu.dma_semaphore, #tpu.memory_space<semaphore_mem>>
      %dma_start3A_371 = arith.constant 0 : i32
      %dma_start3A_372 = tpu.memref_slice %arg9[%run_scoped3A_107, %dma_start3A_371] : memref<160x125xi32, #tpu.memory_space<vmem>> -> memref<1x125xi32, #tpu.memory_space<vmem>>
      %dma_start3A_373 = tpu.memref_squeeze %dma_start3A_372 : memref<1x125xi32, #tpu.memory_space<vmem>> -> memref<125xi32, #tpu.memory_space<vmem>>
      %dma_start3A_374 = arith.constant 0 : i32
      %dma_start3A_375 = arith.constant 0 : i32
      %dma_start3A_376 = tpu.memref_slice %arg16[%dma_start3A_374, %dma_start3A_375] : memref<10240x64xf32, #tpu.memory_space<vmem_shared>> -> memref<10240x64xf32, #tpu.memory_space<vmem_shared>>
      tpu.enqueue_indirect_dma source(%arg11 : memref<125x64xf32, #tpu.memory_space<vmem>>) target(%dma_start3A_376 : memref<10240x64xf32, #tpu.memory_space<vmem_shared>>) offsets(%dma_start3A_373 : memref<125xi32, #tpu.memory_space<vmem>>) semaphore(%run_scoped3A_370 : memref<!tpu.dma_semaphore, #tpu.memory_space<semaphore_mem>>) {add = true}
      %dma_wait3A_377 = arith.constant 0 : i32
      %dma_wait3A_378 = tpu.memref_slice %arg9[%run_scoped3A_107, %dma_wait3A_377] : memref<160x125xi32, #tpu.memory_space<vmem>> -> memref<1x125xi32, #tpu.memory_space<vmem>>
      %dma_wait3A_379 = tpu.memref_squeeze %dma_wait3A_378 : memref<1x125xi32, #tpu.memory_space<vmem>> -> memref<125xi32, #tpu.memory_space<vmem>>
      %dma_wait3A_380 = arith.constant 0 : i32
      %dma_wait3A_381 = arith.constant 0 : i32
      %dma_wait3A_382 = tpu.memref_slice %arg16[%dma_wait3A_380, %dma_wait3A_381] : memref<10240x64xf32, #tpu.memory_space<vmem_shared>> -> memref<10240x64xf32, #tpu.memory_space<vmem_shared>>
      tpu.wait_indirect_dma semaphore(%run_scoped3A_370 : memref<!tpu.dma_semaphore, #tpu.memory_space<semaphore_mem>>) src(%arg11 : memref<125x64xf32, #tpu.memory_space<vmem>>) dst(%dma_wait3A_382 : memref<10240x64xf32, #tpu.memory_space<vmem_shared>>)
      tpu.yield
    }) : () -> ()
    %dma_wait3A_108 = arith.constant 0 : i32
    %dma_wait3A_109 = arith.constant 0 : i32
    %dma_wait3A_110 = tpu.memref_slice %arg8[%dma_wait3A_108, %dma_wait3A_109] : memref<160x125xi32, #tpu.memory_space<vmem>> -> memref<1x125xi32, #tpu.memory_space<vmem>>
    %dma_wait3A_111 = tpu.memref_squeeze %dma_wait3A_110 : memref<1x125xi32, #tpu.memory_space<vmem>> -> memref<125xi32, #tpu.memory_space<vmem>>
    %dma_wait3A_112 = arith.constant 0 : i32
    %dma_wait3A_113 = arith.constant 0 : i32
    %dma_wait3A_114 = tpu.memref_slice %arg2[%arg0, %dma_wait3A_112, %dma_wait3A_113] : memref<2x10000x64xf32, #tpu.memory_space<hbm>> -> memref<1x10000x64xf32, #tpu.memory_space<hbm>>
    %dma_wait3A_115 = tpu.memref_squeeze %dma_wait3A_114 : memref<1x10000x64xf32, #tpu.memory_space<hbm>> -> memref<10000x64xf32, #tpu.memory_space<hbm>>
    %dma_wait3A_116 = arith.constant 0 : i32
    %dma_wait3A_117 = arith.constant 0 : i32
    %dma_wait3A_118 = tpu.memref_slice %dma_wait3A_115[%dma_wait3A_116, %dma_wait3A_117] : memref<10000x64xf32, #tpu.memory_space<hbm>> -> memref<10000x64xf32, #tpu.memory_space<hbm>>
    tpu.wait_indirect_dma semaphore(%arg19 : memref<!tpu.dma_semaphore, #tpu.memory_space<semaphore_mem>>) src(%dma_wait3A_118 : memref<10000x64xf32, #tpu.memory_space<hbm>>) dst(%arg12 : memref<125x64xf32, #tpu.memory_space<vmem>>)
    %run_scoped3A_119 = arith.constant 157 : i32
    "tpu.region"() ({
      %run_scoped3A_370 = tpu.sem_alloc : memref<!tpu.dma_semaphore, #tpu.memory_space<semaphore_mem>>
      %dma_start3A_371 = arith.constant 0 : i32
      %dma_start3A_372 = tpu.memref_slice %arg9[%run_scoped3A_119, %dma_start3A_371] : memref<160x125xi32, #tpu.memory_space<vmem>> -> memref<1x125xi32, #tpu.memory_space<vmem>>
      %dma_start3A_373 = tpu.memref_squeeze %dma_start3A_372 : memref<1x125xi32, #tpu.memory_space<vmem>> -> memref<125xi32, #tpu.memory_space<vmem>>
      %dma_start3A_374 = arith.constant 0 : i32
      %dma_start3A_375 = arith.constant 0 : i32
      %dma_start3A_376 = tpu.memref_slice %arg16[%dma_start3A_374, %dma_start3A_375] : memref<10240x64xf32, #tpu.memory_space<vmem_shared>> -> memref<10240x64xf32, #tpu.memory_space<vmem_shared>>
      tpu.enqueue_indirect_dma source(%arg12 : memref<125x64xf32, #tpu.memory_space<vmem>>) target(%dma_start3A_376 : memref<10240x64xf32, #tpu.memory_space<vmem_shared>>) offsets(%dma_start3A_373 : memref<125xi32, #tpu.memory_space<vmem>>) semaphore(%run_scoped3A_370 : memref<!tpu.dma_semaphore, #tpu.memory_space<semaphore_mem>>) {add = true}
      %dma_wait3A_377 = arith.constant 0 : i32
      %dma_wait3A_378 = tpu.memref_slice %arg9[%run_scoped3A_119, %dma_wait3A_377] : memref<160x125xi32, #tpu.memory_space<vmem>> -> memref<1x125xi32, #tpu.memory_space<vmem>>
      %dma_wait3A_379 = tpu.memref_squeeze %dma_wait3A_378 : memref<1x125xi32, #tpu.memory_space<vmem>> -> memref<125xi32, #tpu.memory_space<vmem>>
      %dma_wait3A_380 = arith.constant 0 : i32
      %dma_wait3A_381 = arith.constant 0 : i32
      %dma_wait3A_382 = tpu.memref_slice %arg16[%dma_wait3A_380, %dma_wait3A_381] : memref<10240x64xf32, #tpu.memory_space<vmem_shared>> -> memref<10240x64xf32, #tpu.memory_space<vmem_shared>>
      tpu.wait_indirect_dma semaphore(%run_scoped3A_370 : memref<!tpu.dma_semaphore, #tpu.memory_space<semaphore_mem>>) src(%arg12 : memref<125x64xf32, #tpu.memory_space<vmem>>) dst(%dma_wait3A_382 : memref<10240x64xf32, #tpu.memory_space<vmem_shared>>)
      tpu.yield
    }) : () -> ()
    %dma_wait3A_120 = arith.constant 0 : i32
    %dma_wait3A_121 = arith.constant 0 : i32
    %dma_wait3A_122 = tpu.memref_slice %arg8[%dma_wait3A_120, %dma_wait3A_121] : memref<160x125xi32, #tpu.memory_space<vmem>> -> memref<1x125xi32, #tpu.memory_space<vmem>>
    %dma_wait3A_123 = tpu.memref_squeeze %dma_wait3A_122 : memref<1x125xi32, #tpu.memory_space<vmem>> -> memref<125xi32, #tpu.memory_space<vmem>>
    %dma_wait3A_124 = arith.constant 0 : i32
    %dma_wait3A_125 = arith.constant 0 : i32
    %dma_wait3A_126 = tpu.memref_slice %arg2[%arg0, %dma_wait3A_124, %dma_wait3A_125] : memref<2x10000x64xf32, #tpu.memory_space<hbm>> -> memref<1x10000x64xf32, #tpu.memory_space<hbm>>
    %dma_wait3A_127 = tpu.memref_squeeze %dma_wait3A_126 : memref<1x10000x64xf32, #tpu.memory_space<hbm>> -> memref<10000x64xf32, #tpu.memory_space<hbm>>
    %dma_wait3A_128 = arith.constant 0 : i32
    %dma_wait3A_129 = arith.constant 0 : i32
    %dma_wait3A_130 = tpu.memref_slice %dma_wait3A_127[%dma_wait3A_128, %dma_wait3A_129] : memref<10000x64xf32, #tpu.memory_space<hbm>> -> memref<10000x64xf32, #tpu.memory_space<hbm>>
    tpu.wait_indirect_dma semaphore(%arg20 : memref<!tpu.dma_semaphore, #tpu.memory_space<semaphore_mem>>) src(%dma_wait3A_130 : memref<10000x64xf32, #tpu.memory_space<hbm>>) dst(%arg13 : memref<125x64xf32, #tpu.memory_space<vmem>>)
    %run_scoped3A_131 = arith.constant 158 : i32
    "tpu.region"() ({
      %run_scoped3A_370 = tpu.sem_alloc : memref<!tpu.dma_semaphore, #tpu.memory_space<semaphore_mem>>
      %dma_start3A_371 = arith.constant 0 : i32
      %dma_start3A_372 = tpu.memref_slice %arg9[%run_scoped3A_131, %dma_start3A_371] : memref<160x125xi32, #tpu.memory_space<vmem>> -> memref<1x125xi32, #tpu.memory_space<vmem>>
      %dma_start3A_373 = tpu.memref_squeeze %dma_start3A_372 : memref<1x125xi32, #tpu.memory_space<vmem>> -> memref<125xi32, #tpu.memory_space<vmem>>
      %dma_start3A_374 = arith.constant 0 : i32
      %dma_start3A_375 = arith.constant 0 : i32
      %dma_start3A_376 = tpu.memref_slice %arg16[%dma_start3A_374, %dma_start3A_375] : memref<10240x64xf32, #tpu.memory_space<vmem_shared>> -> memref<10240x64xf32, #tpu.memory_space<vmem_shared>>
      tpu.enqueue_indirect_dma source(%arg13 : memref<125x64xf32, #tpu.memory_space<vmem>>) target(%dma_start3A_376 : memref<10240x64xf32, #tpu.memory_space<vmem_shared>>) offsets(%dma_start3A_373 : memref<125xi32, #tpu.memory_space<vmem>>) semaphore(%run_scoped3A_370 : memref<!tpu.dma_semaphore, #tpu.memory_space<semaphore_mem>>) {add = true}
      %dma_wait3A_377 = arith.constant 0 : i32
      %dma_wait3A_378 = tpu.memref_slice %arg9[%run_scoped3A_131, %dma_wait3A_377] : memref<160x125xi32, #tpu.memory_space<vmem>> -> memref<1x125xi32, #tpu.memory_space<vmem>>
      %dma_wait3A_379 = tpu.memref_squeeze %dma_wait3A_378 : memref<1x125xi32, #tpu.memory_space<vmem>> -> memref<125xi32, #tpu.memory_space<vmem>>
      %dma_wait3A_380 = arith.constant 0 : i32
      %dma_wait3A_381 = arith.constant 0 : i32
      %dma_wait3A_382 = tpu.memref_slice %arg16[%dma_wait3A_380, %dma_wait3A_381] : memref<10240x64xf32, #tpu.memory_space<vmem_shared>> -> memref<10240x64xf32, #tpu.memory_space<vmem_shared>>
      tpu.wait_indirect_dma semaphore(%run_scoped3A_370 : memref<!tpu.dma_semaphore, #tpu.memory_space<semaphore_mem>>) src(%arg13 : memref<125x64xf32, #tpu.memory_space<vmem>>) dst(%dma_wait3A_382 : memref<10240x64xf32, #tpu.memory_space<vmem_shared>>)
      tpu.yield
    }) : () -> ()
    %dma_wait3A_132 = arith.constant 0 : i32
    %dma_wait3A_133 = arith.constant 0 : i32
    %dma_wait3A_134 = tpu.memref_slice %arg8[%dma_wait3A_132, %dma_wait3A_133] : memref<160x125xi32, #tpu.memory_space<vmem>> -> memref<1x125xi32, #tpu.memory_space<vmem>>
    %dma_wait3A_135 = tpu.memref_squeeze %dma_wait3A_134 : memref<1x125xi32, #tpu.memory_space<vmem>> -> memref<125xi32, #tpu.memory_space<vmem>>
    %dma_wait3A_136 = arith.constant 0 : i32
    %dma_wait3A_137 = arith.constant 0 : i32
    %dma_wait3A_138 = tpu.memref_slice %arg2[%arg0, %dma_wait3A_136, %dma_wait3A_137] : memref<2x10000x64xf32, #tpu.memory_space<hbm>> -> memref<1x10000x64xf32, #tpu.memory_space<hbm>>
    %dma_wait3A_139 = tpu.memref_squeeze %dma_wait3A_138 : memref<1x10000x64xf32, #tpu.memory_space<hbm>> -> memref<10000x64xf32, #tpu.memory_space<hbm>>
    %dma_wait3A_140 = arith.constant 0 : i32
    %dma_wait3A_141 = arith.constant 0 : i32
    %dma_wait3A_142 = tpu.memref_slice %dma_wait3A_139[%dma_wait3A_140, %dma_wait3A_141] : memref<10000x64xf32, #tpu.memory_space<hbm>> -> memref<10000x64xf32, #tpu.memory_space<hbm>>
    tpu.wait_indirect_dma semaphore(%arg21 : memref<!tpu.dma_semaphore, #tpu.memory_space<semaphore_mem>>) src(%dma_wait3A_142 : memref<10000x64xf32, #tpu.memory_space<hbm>>) dst(%arg14 : memref<125x64xf32, #tpu.memory_space<vmem>>)
    %run_scoped3A_143 = arith.constant 159 : i32
    "tpu.region"() ({
      %run_scoped3A_370 = tpu.sem_alloc : memref<!tpu.dma_semaphore, #tpu.memory_space<semaphore_mem>>
      %dma_start3A_371 = arith.constant 0 : i32
      %dma_start3A_372 = tpu.memref_slice %arg9[%run_scoped3A_143, %dma_start3A_371] : memref<160x125xi32, #tpu.memory_space<vmem>> -> memref<1x125xi32, #tpu.memory_space<vmem>>
      %dma_start3A_373 = tpu.memref_squeeze %dma_start3A_372 : memref<1x125xi32, #tpu.memory_space<vmem>> -> memref<125xi32, #tpu.memory_space<vmem>>
      %dma_start3A_374 = arith.constant 0 : i32
      %dma_start3A_375 = arith.constant 0 : i32
      %dma_start3A_376 = tpu.memref_slice %arg16[%dma_start3A_374, %dma_start3A_375] : memref<10240x64xf32, #tpu.memory_space<vmem_shared>> -> memref<10240x64xf32, #tpu.memory_space<vmem_shared>>
      tpu.enqueue_indirect_dma source(%arg14 : memref<125x64xf32, #tpu.memory_space<vmem>>) target(%dma_start3A_376 : memref<10240x64xf32, #tpu.memory_space<vmem_shared>>) offsets(%dma_start3A_373 : memref<125xi32, #tpu.memory_space<vmem>>) semaphore(%run_scoped3A_370 : memref<!tpu.dma_semaphore, #tpu.memory_space<semaphore_mem>>) {add = true}
      %dma_wait3A_377 = arith.constant 0 : i32
      %dma_wait3A_378 = tpu.memref_slice %arg9[%run_scoped3A_143, %dma_wait3A_377] : memref<160x125xi32, #tpu.memory_space<vmem>> -> memref<1x125xi32, #tpu.memory_space<vmem>>
      %dma_wait3A_379 = tpu.memref_squeeze %dma_wait3A_378 : memref<1x125xi32, #tpu.memory_space<vmem>> -> memref<125xi32, #tpu.memory_space<vmem>>
      %dma_wait3A_380 = arith.constant 0 : i32
      %dma_wait3A_381 = arith.constant 0 : i32
      %dma_wait3A_382 = tpu.memref_slice %arg16[%dma_wait3A_380, %dma_wait3A_381] : memref<10240x64xf32, #tpu.memory_space<vmem_shared>> -> memref<10240x64xf32, #tpu.memory_space<vmem_shared>>
      tpu.wait_indirect_dma semaphore(%run_scoped3A_370 : memref<!tpu.dma_semaphore, #tpu.memory_space<semaphore_mem>>) src(%arg14 : memref<125x64xf32, #tpu.memory_space<vmem>>) dst(%dma_wait3A_382 : memref<10240x64xf32, #tpu.memory_space<vmem_shared>>)
      tpu.yield
    }) : () -> ()
    %barrier3A_144 = arith.constant 0 : index
    tpu.barrier barrier_id(%barrier3A_144)
    %mul3A_145 = arith.constant 640 : i32
    %mul3A_146 = arith.muli %arg1, %mul3A_145 : i32
    %add3A_147 = arith.constant 0 : i32
    %add3A_148 = arith.addi %mul3A_146, %add3A_147 : i32
    %mul3A_149 = arith.constant 5 : i32
    %mul3A_150 = arith.muli %arg1, %mul3A_149 : i32
    %add3A_151 = arith.constant 0 : i32
    %add3A_152 = arith.addi %mul3A_150, %add3A_151 : i32
    "tpu.region"() ({
      %run_scoped3A_370 = tpu.sem_alloc : memref<!tpu.dma_semaphore, #tpu.memory_space<semaphore_mem>>
      %dma_start3A_371 = arith.constant 0 : i32
      %dma_start3A_372 = arith.constant 0 : i32
      %dma_start3A_373 = tpu.memref_slice %arg6[%arg0, %add3A_152, %dma_start3A_371, %dma_start3A_372] : memref<2x80x128x64xf32, #tpu.memory_space<hbm>> -> memref<1x1x128x64xf32, #tpu.memory_space<hbm>>
      %dma_start3A_374 = tpu.memref_squeeze %dma_start3A_373 : memref<1x1x128x64xf32, #tpu.memory_space<hbm>> -> memref<128x64xf32, #tpu.memory_space<hbm>>
      %dma_start3A_375 = arith.constant 0 : i32
      %dma_start3A_376 = tpu.memref_slice %arg16[%add3A_148, %dma_start3A_375] : memref<10240x64xf32, #tpu.memory_space<vmem_shared>> -> memref<128x64xf32, #tpu.memory_space<vmem_shared>>
      tpu.enqueue_dma source(%dma_start3A_376 : memref<128x64xf32, #tpu.memory_space<vmem_shared>>) target(%dma_start3A_374 : memref<128x64xf32, #tpu.memory_space<hbm>>) target_semaphore(%run_scoped3A_370 : memref<!tpu.dma_semaphore, #tpu.memory_space<semaphore_mem>>)
      %dma_wait3A_377 = arith.constant 0 : i32
      %dma_wait3A_378 = arith.constant 0 : i32
      %dma_wait3A_379 = tpu.memref_slice %arg6[%arg0, %add3A_152, %dma_wait3A_377, %dma_wait3A_378] : memref<2x80x128x64xf32, #tpu.memory_space<hbm>> -> memref<1x1x128x64xf32, #tpu.memory_space<hbm>>
      %dma_wait3A_380 = tpu.memref_squeeze %dma_wait3A_379 : memref<1x1x128x64xf32, #tpu.memory_space<hbm>> -> memref<128x64xf32, #tpu.memory_space<hbm>>
      %dma_wait3A_381 = arith.constant 0 : i32
      %dma_wait3A_382 = tpu.memref_slice %arg16[%add3A_148, %dma_wait3A_381] : memref<10240x64xf32, #tpu.memory_space<vmem_shared>> -> memref<128x64xf32, #tpu.memory_space<vmem_shared>>
      tpu.wait_dma2 semaphore(%run_scoped3A_370 : memref<!tpu.dma_semaphore, #tpu.memory_space<semaphore_mem>>) src(%dma_wait3A_382 : memref<128x64xf32, #tpu.memory_space<vmem_shared>>) dst(%dma_wait3A_380 : memref<128x64xf32, #tpu.memory_space<hbm>>)
      tpu.yield
    }) : () -> ()
    %mul3A_153 = arith.constant 640 : i32
    %mul3A_154 = arith.muli %arg1, %mul3A_153 : i32
    %add3A_155 = arith.constant 128 : i32
    %add3A_156 = arith.addi %mul3A_154, %add3A_155 : i32
    %mul3A_157 = arith.constant 5 : i32
    %mul3A_158 = arith.muli %arg1, %mul3A_157 : i32
    %add3A_159 = arith.constant 1 : i32
    %add3A_160 = arith.addi %mul3A_158, %add3A_159 : i32
    "tpu.region"() ({
      %run_scoped3A_370 = tpu.sem_alloc : memref<!tpu.dma_semaphore, #tpu.memory_space<semaphore_mem>>
      %dma_start3A_371 = arith.constant 0 : i32
      %dma_start3A_372 = arith.constant 0 : i32
      %dma_start3A_373 = tpu.memref_slice %arg6[%arg0, %add3A_160, %dma_start3A_371, %dma_start3A_372] : memref<2x80x128x64xf32, #tpu.memory_space<hbm>> -> memref<1x1x128x64xf32, #tpu.memory_space<hbm>>
      %dma_start3A_374 = tpu.memref_squeeze %dma_start3A_373 : memref<1x1x128x64xf32, #tpu.memory_space<hbm>> -> memref<128x64xf32, #tpu.memory_space<hbm>>
      %dma_start3A_375 = arith.constant 0 : i32
      %dma_start3A_376 = tpu.memref_slice %arg16[%add3A_156, %dma_start3A_375] : memref<10240x64xf32, #tpu.memory_space<vmem_shared>> -> memref<128x64xf32, #tpu.memory_space<vmem_shared>>
      tpu.enqueue_dma source(%dma_start3A_376 : memref<128x64xf32, #tpu.memory_space<vmem_shared>>) target(%dma_start3A_374 : memref<128x64xf32, #tpu.memory_space<hbm>>) target_semaphore(%run_scoped3A_370 : memref<!tpu.dma_semaphore, #tpu.memory_space<semaphore_mem>>)
      %dma_wait3A_377 = arith.constant 0 : i32
      %dma_wait3A_378 = arith.constant 0 : i32
      %dma_wait3A_379 = tpu.memref_slice %arg6[%arg0, %add3A_160, %dma_wait3A_377, %dma_wait3A_378] : memref<2x80x128x64xf32, #tpu.memory_space<hbm>> -> memref<1x1x128x64xf32, #tpu.memory_space<hbm>>
      %dma_wait3A_380 = tpu.memref_squeeze %dma_wait3A_379 : memref<1x1x128x64xf32, #tpu.memory_space<hbm>> -> memref<128x64xf32, #tpu.memory_space<hbm>>
      %dma_wait3A_381 = arith.constant 0 : i32
      %dma_wait3A_382 = tpu.memref_slice %arg16[%add3A_156, %dma_wait3A_381] : memref<10240x64xf32, #tpu.memory_space<vmem_shared>> -> memref<128x64xf32, #tpu.memory_space<vmem_shared>>
      tpu.wait_dma2 semaphore(%run_scoped3A_370 : memref<!tpu.dma_semaphore, #tpu.memory_space<semaphore_mem>>) src(%dma_wait3A_382 : memref<128x64xf32, #tpu.memory_space<vmem_shared>>) dst(%dma_wait3A_380 : memref<128x64xf32, #tpu.memory_space<hbm>>)
      tpu.yield
    }) : () -> ()
    %mul3A_161 = arith.constant 640 : i32
    %mul3A_162 = arith.muli %arg1, %mul3A_161 : i32
    %add3A_163 = arith.constant 256 : i32
    %add3A_164 = arith.addi %mul3A_162, %add3A_163 : i32
    %mul3A_165 = arith.constant 5 : i32
    %mul3A_166 = arith.muli %arg1, %mul3A_165 : i32
    %add3A_167 = arith.constant 2 : i32
    %add3A_168 = arith.addi %mul3A_166, %add3A_167 : i32
    "tpu.region"() ({
      %run_scoped3A_370 = tpu.sem_alloc : memref<!tpu.dma_semaphore, #tpu.memory_space<semaphore_mem>>
      %dma_start3A_371 = arith.constant 0 : i32
      %dma_start3A_372 = arith.constant 0 : i32
      %dma_start3A_373 = tpu.memref_slice %arg6[%arg0, %add3A_168, %dma_start3A_371, %dma_start3A_372] : memref<2x80x128x64xf32, #tpu.memory_space<hbm>> -> memref<1x1x128x64xf32, #tpu.memory_space<hbm>>
      %dma_start3A_374 = tpu.memref_squeeze %dma_start3A_373 : memref<1x1x128x64xf32, #tpu.memory_space<hbm>> -> memref<128x64xf32, #tpu.memory_space<hbm>>
      %dma_start3A_375 = arith.constant 0 : i32
      %dma_start3A_376 = tpu.memref_slice %arg16[%add3A_164, %dma_start3A_375] : memref<10240x64xf32, #tpu.memory_space<vmem_shared>> -> memref<128x64xf32, #tpu.memory_space<vmem_shared>>
      tpu.enqueue_dma source(%dma_start3A_376 : memref<128x64xf32, #tpu.memory_space<vmem_shared>>) target(%dma_start3A_374 : memref<128x64xf32, #tpu.memory_space<hbm>>) target_semaphore(%run_scoped3A_370 : memref<!tpu.dma_semaphore, #tpu.memory_space<semaphore_mem>>)
      %dma_wait3A_377 = arith.constant 0 : i32
      %dma_wait3A_378 = arith.constant 0 : i32
      %dma_wait3A_379 = tpu.memref_slice %arg6[%arg0, %add3A_168, %dma_wait3A_377, %dma_wait3A_378] : memref<2x80x128x64xf32, #tpu.memory_space<hbm>> -> memref<1x1x128x64xf32, #tpu.memory_space<hbm>>
      %dma_wait3A_380 = tpu.memref_squeeze %dma_wait3A_379 : memref<1x1x128x64xf32, #tpu.memory_space<hbm>> -> memref<128x64xf32, #tpu.memory_space<hbm>>
      %dma_wait3A_381 = arith.constant 0 : i32
      %dma_wait3A_382 = tpu.memref_slice %arg16[%add3A_164, %dma_wait3A_381] : memref<10240x64xf32, #tpu.memory_space<vmem_shared>> -> memref<128x64xf32, #tpu.memory_space<vmem_shared>>
      tpu.wait_dma2 semaphore(%run_scoped3A_370 : memref<!tpu.dma_semaphore, #tpu.memory_space<semaphore_mem>>) src(%dma_wait3A_382 : memref<128x64xf32, #tpu.memory_space<vmem_shared>>) dst(%dma_wait3A_380 : memref<128x64xf32, #tpu.memory_space<hbm>>)
      tpu.yield
    }) : () -> ()
    %mul3A_169 = arith.constant 640 : i32
    %mul3A_170 = arith.muli %arg1, %mul3A_169 : i32
    %add3A_171 = arith.constant 384 : i32
    %add3A_172 = arith.addi %mul3A_170, %add3A_171 : i32
    %mul3A_173 = arith.constant 5 : i32
    %mul3A_174 = arith.muli %arg1, %mul3A_173 : i32
    %add3A_175 = arith.constant 3 : i32
    %add3A_176 = arith.addi %mul3A_174, %add3A_175 : i32
    "tpu.region"() ({
      %run_scoped3A_370 = tpu.sem_alloc : memref<!tpu.dma_semaphore, #tpu.memory_space<semaphore_mem>>
      %dma_start3A_371 = arith.constant 0 : i32
      %dma_start3A_372 = arith.constant 0 : i32
      %dma_start3A_373 = tpu.memref_slice %arg6[%arg0, %add3A_176, %dma_start3A_371, %dma_start3A_372] : memref<2x80x128x64xf32, #tpu.memory_space<hbm>> -> memref<1x1x128x64xf32, #tpu.memory_space<hbm>>
      %dma_start3A_374 = tpu.memref_squeeze %dma_start3A_373 : memref<1x1x128x64xf32, #tpu.memory_space<hbm>> -> memref<128x64xf32, #tpu.memory_space<hbm>>
      %dma_start3A_375 = arith.constant 0 : i32
      %dma_start3A_376 = tpu.memref_slice %arg16[%add3A_172, %dma_start3A_375] : memref<10240x64xf32, #tpu.memory_space<vmem_shared>> -> memref<128x64xf32, #tpu.memory_space<vmem_shared>>
      tpu.enqueue_dma source(%dma_start3A_376 : memref<128x64xf32, #tpu.memory_space<vmem_shared>>) target(%dma_start3A_374 : memref<128x64xf32, #tpu.memory_space<hbm>>) target_semaphore(%run_scoped3A_370 : memref<!tpu.dma_semaphore, #tpu.memory_space<semaphore_mem>>)
      %dma_wait3A_377 = arith.constant 0 : i32
      %dma_wait3A_378 = arith.constant 0 : i32
      %dma_wait3A_379 = tpu.memref_slice %arg6[%arg0, %add3A_176, %dma_wait3A_377, %dma_wait3A_378] : memref<2x80x128x64xf32, #tpu.memory_space<hbm>> -> memref<1x1x128x64xf32, #tpu.memory_space<hbm>>
      %dma_wait3A_380 = tpu.memref_squeeze %dma_wait3A_379 : memref<1x1x128x64xf32, #tpu.memory_space<hbm>> -> memref<128x64xf32, #tpu.memory_space<hbm>>
      %dma_wait3A_381 = arith.constant 0 : i32
      %dma_wait3A_382 = tpu.memref_slice %arg16[%add3A_172, %dma_wait3A_381] : memref<10240x64xf32, #tpu.memory_space<vmem_shared>> -> memref<128x64xf32, #tpu.memory_space<vmem_shared>>
      tpu.wait_dma2 semaphore(%run_scoped3A_370 : memref<!tpu.dma_semaphore, #tpu.memory_space<semaphore_mem>>) src(%dma_wait3A_382 : memref<128x64xf32, #tpu.memory_space<vmem_shared>>) dst(%dma_wait3A_380 : memref<128x64xf32, #tpu.memory_space<hbm>>)
      tpu.yield
    }) : () -> ()
    %mul3A_177 = arith.constant 640 : i32
    %mul3A_178 = arith.muli %arg1, %mul3A_177 : i32
    %add3A_179 = arith.constant 512 : i32
    %add3A_180 = arith.addi %mul3A_178, %add3A_179 : i32
    %mul3A_181 = arith.constant 5 : i32
    %mul3A_182 = arith.muli %arg1, %mul3A_181 : i32
    %add3A_183 = arith.constant 4 : i32
    %add3A_184 = arith.addi %mul3A_182, %add3A_183 : i32
    "tpu.region"() ({
      %run_scoped3A_370 = tpu.sem_alloc : memref<!tpu.dma_semaphore, #tpu.memory_space<semaphore_mem>>
      %dma_start3A_371 = arith.constant 0 : i32
      %dma_start3A_372 = arith.constant 0 : i32
      %dma_start3A_373 = tpu.memref_slice %arg6[%arg0, %add3A_184, %dma_start3A_371, %dma_start3A_372] : memref<2x80x128x64xf32, #tpu.memory_space<hbm>> -> memref<1x1x128x64xf32, #tpu.memory_space<hbm>>
      %dma_start3A_374 = tpu.memref_squeeze %dma_start3A_373 : memref<1x1x128x64xf32, #tpu.memory_space<hbm>> -> memref<128x64xf32, #tpu.memory_space<hbm>>
      %dma_start3A_375 = arith.constant 0 : i32
      %dma_start3A_376 = tpu.memref_slice %arg16[%add3A_180, %dma_start3A_375] : memref<10240x64xf32, #tpu.memory_space<vmem_shared>> -> memref<128x64xf32, #tpu.memory_space<vmem_shared>>
      tpu.enqueue_dma source(%dma_start3A_376 : memref<128x64xf32, #tpu.memory_space<vmem_shared>>) target(%dma_start3A_374 : memref<128x64xf32, #tpu.memory_space<hbm>>) target_semaphore(%run_scoped3A_370 : memref<!tpu.dma_semaphore, #tpu.memory_space<semaphore_mem>>)
      %dma_wait3A_377 = arith.constant 0 : i32
      %dma_wait3A_378 = arith.constant 0 : i32
      %dma_wait3A_379 = tpu.memref_slice %arg6[%arg0, %add3A_184, %dma_wait3A_377, %dma_wait3A_378] : memref<2x80x128x64xf32, #tpu.memory_space<hbm>> -> memref<1x1x128x64xf32, #tpu.memory_space<hbm>>
      %dma_wait3A_380 = tpu.memref_squeeze %dma_wait3A_379 : memref<1x1x128x64xf32, #tpu.memory_space<hbm>> -> memref<128x64xf32, #tpu.memory_space<hbm>>
      %dma_wait3A_381 = arith.constant 0 : i32
      %dma_wait3A_382 = tpu.memref_slice %arg16[%add3A_180, %dma_wait3A_381] : memref<10240x64xf32, #tpu.memory_space<vmem_shared>> -> memref<128x64xf32, #tpu.memory_space<vmem_shared>>
      tpu.wait_dma2 semaphore(%run_scoped3A_370 : memref<!tpu.dma_semaphore, #tpu.memory_space<semaphore_mem>>) src(%dma_wait3A_382 : memref<128x64xf32, #tpu.memory_space<vmem_shared>>) dst(%dma_wait3A_380 : memref<128x64xf32, #tpu.memory_space<hbm>>)
      tpu.yield
    }) : () -> ()
    %barrier3A_185 = arith.constant 0 : index
    tpu.barrier barrier_id(%barrier3A_185)
    %mul3A_186 = arith.constant 640 : i32
    %mul3A_187 = arith.muli %arg1, %mul3A_186 : i32
    %add3A_188 = arith.constant 0 : i32
    %add3A_189 = arith.addi %mul3A_187, %add3A_188 : i32
    "tpu.region"() ({
      %run_scoped3A_370 = tpu.sem_alloc : memref<!tpu.dma_semaphore, #tpu.memory_space<semaphore_mem>>
      %dma_start3A_371 = arith.constant 0 : i32
      %dma_start3A_372 = tpu.memref_slice %arg16[%add3A_189, %dma_start3A_371] : memref<10240x64xf32, #tpu.memory_space<vmem_shared>> -> memref<128x64xf32, #tpu.memory_space<vmem_shared>>
      %dma_start3A_373 = arith.constant 0 : i32
      %dma_start3A_374 = tpu.memref_slice %arg16[%add3A_189, %dma_start3A_373] : memref<10240x64xf32, #tpu.memory_space<vmem_shared>> -> memref<128x64xf32, #tpu.memory_space<vmem_shared>>
      tpu.enqueue_dma source(%arg15 : memref<128x64xf32, #tpu.memory_space<vmem>>) target(%dma_start3A_374 : memref<128x64xf32, #tpu.memory_space<vmem_shared>>) target_semaphore(%run_scoped3A_370 : memref<!tpu.dma_semaphore, #tpu.memory_space<semaphore_mem>>)
      %dma_wait3A_375 = arith.constant 0 : i32
      %dma_wait3A_376 = tpu.memref_slice %arg16[%add3A_189, %dma_wait3A_375] : memref<10240x64xf32, #tpu.memory_space<vmem_shared>> -> memref<128x64xf32, #tpu.memory_space<vmem_shared>>
      %dma_wait3A_377 = arith.constant 0 : i32
      %dma_wait3A_378 = tpu.memref_slice %arg16[%add3A_189, %dma_wait3A_377] : memref<10240x64xf32, #tpu.memory_space<vmem_shared>> -> memref<128x64xf32, #tpu.memory_space<vmem_shared>>
      tpu.wait_dma2 semaphore(%run_scoped3A_370 : memref<!tpu.dma_semaphore, #tpu.memory_space<semaphore_mem>>) src(%arg15 : memref<128x64xf32, #tpu.memory_space<vmem>>) dst(%dma_wait3A_378 : memref<128x64xf32, #tpu.memory_space<vmem_shared>>)
      tpu.yield
    }) : () -> ()
    %mul3A_190 = arith.constant 640 : i32
    %mul3A_191 = arith.muli %arg1, %mul3A_190 : i32
    %add3A_192 = arith.constant 128 : i32
    %add3A_193 = arith.addi %mul3A_191, %add3A_192 : i32
    "tpu.region"() ({
      %run_scoped3A_370 = tpu.sem_alloc : memref<!tpu.dma_semaphore, #tpu.memory_space<semaphore_mem>>
      %dma_start3A_371 = arith.constant 0 : i32
      %dma_start3A_372 = tpu.memref_slice %arg16[%add3A_193, %dma_start3A_371] : memref<10240x64xf32, #tpu.memory_space<vmem_shared>> -> memref<128x64xf32, #tpu.memory_space<vmem_shared>>
      %dma_start3A_373 = arith.constant 0 : i32
      %dma_start3A_374 = tpu.memref_slice %arg16[%add3A_193, %dma_start3A_373] : memref<10240x64xf32, #tpu.memory_space<vmem_shared>> -> memref<128x64xf32, #tpu.memory_space<vmem_shared>>
      tpu.enqueue_dma source(%arg15 : memref<128x64xf32, #tpu.memory_space<vmem>>) target(%dma_start3A_374 : memref<128x64xf32, #tpu.memory_space<vmem_shared>>) target_semaphore(%run_scoped3A_370 : memref<!tpu.dma_semaphore, #tpu.memory_space<semaphore_mem>>)
      %dma_wait3A_375 = arith.constant 0 : i32
      %dma_wait3A_376 = tpu.memref_slice %arg16[%add3A_193, %dma_wait3A_375] : memref<10240x64xf32, #tpu.memory_space<vmem_shared>> -> memref<128x64xf32, #tpu.memory_space<vmem_shared>>
      %dma_wait3A_377 = arith.constant 0 : i32
      %dma_wait3A_378 = tpu.memref_slice %arg16[%add3A_193, %dma_wait3A_377] : memref<10240x64xf32, #tpu.memory_space<vmem_shared>> -> memref<128x64xf32, #tpu.memory_space<vmem_shared>>
      tpu.wait_dma2 semaphore(%run_scoped3A_370 : memref<!tpu.dma_semaphore, #tpu.memory_space<semaphore_mem>>) src(%arg15 : memref<128x64xf32, #tpu.memory_space<vmem>>) dst(%dma_wait3A_378 : memref<128x64xf32, #tpu.memory_space<vmem_shared>>)
      tpu.yield
    }) : () -> ()
    %mul3A_194 = arith.constant 640 : i32
    %mul3A_195 = arith.muli %arg1, %mul3A_194 : i32
    %add3A_196 = arith.constant 256 : i32
    %add3A_197 = arith.addi %mul3A_195, %add3A_196 : i32
    "tpu.region"() ({
      %run_scoped3A_370 = tpu.sem_alloc : memref<!tpu.dma_semaphore, #tpu.memory_space<semaphore_mem>>
      %dma_start3A_371 = arith.constant 0 : i32
      %dma_start3A_372 = tpu.memref_slice %arg16[%add3A_197, %dma_start3A_371] : memref<10240x64xf32, #tpu.memory_space<vmem_shared>> -> memref<128x64xf32, #tpu.memory_space<vmem_shared>>
      %dma_start3A_373 = arith.constant 0 : i32
      %dma_start3A_374 = tpu.memref_slice %arg16[%add3A_197, %dma_start3A_373] : memref<10240x64xf32, #tpu.memory_space<vmem_shared>> -> memref<128x64xf32, #tpu.memory_space<vmem_shared>>
      tpu.enqueue_dma source(%arg15 : memref<128x64xf32, #tpu.memory_space<vmem>>) target(%dma_start3A_374 : memref<128x64xf32, #tpu.memory_space<vmem_shared>>) target_semaphore(%run_scoped3A_370 : memref<!tpu.dma_semaphore, #tpu.memory_space<semaphore_mem>>)
      %dma_wait3A_375 = arith.constant 0 : i32
      %dma_wait3A_376 = tpu.memref_slice %arg16[%add3A_197, %dma_wait3A_375] : memref<10240x64xf32, #tpu.memory_space<vmem_shared>> -> memref<128x64xf32, #tpu.memory_space<vmem_shared>>
      %dma_wait3A_377 = arith.constant 0 : i32
      %dma_wait3A_378 = tpu.memref_slice %arg16[%add3A_197, %dma_wait3A_377] : memref<10240x64xf32, #tpu.memory_space<vmem_shared>> -> memref<128x64xf32, #tpu.memory_space<vmem_shared>>
      tpu.wait_dma2 semaphore(%run_scoped3A_370 : memref<!tpu.dma_semaphore, #tpu.memory_space<semaphore_mem>>) src(%arg15 : memref<128x64xf32, #tpu.memory_space<vmem>>) dst(%dma_wait3A_378 : memref<128x64xf32, #tpu.memory_space<vmem_shared>>)
      tpu.yield
    }) : () -> ()
    %mul3A_198 = arith.constant 640 : i32
    %mul3A_199 = arith.muli %arg1, %mul3A_198 : i32
    %add3A_200 = arith.constant 384 : i32
    %add3A_201 = arith.addi %mul3A_199, %add3A_200 : i32
    "tpu.region"() ({
      %run_scoped3A_370 = tpu.sem_alloc : memref<!tpu.dma_semaphore, #tpu.memory_space<semaphore_mem>>
      %dma_start3A_371 = arith.constant 0 : i32
      %dma_start3A_372 = tpu.memref_slice %arg16[%add3A_201, %dma_start3A_371] : memref<10240x64xf32, #tpu.memory_space<vmem_shared>> -> memref<128x64xf32, #tpu.memory_space<vmem_shared>>
      %dma_start3A_373 = arith.constant 0 : i32
      %dma_start3A_374 = tpu.memref_slice %arg16[%add3A_201, %dma_start3A_373] : memref<10240x64xf32, #tpu.memory_space<vmem_shared>> -> memref<128x64xf32, #tpu.memory_space<vmem_shared>>
      tpu.enqueue_dma source(%arg15 : memref<128x64xf32, #tpu.memory_space<vmem>>) target(%dma_start3A_374 : memref<128x64xf32, #tpu.memory_space<vmem_shared>>) target_semaphore(%run_scoped3A_370 : memref<!tpu.dma_semaphore, #tpu.memory_space<semaphore_mem>>)
      %dma_wait3A_375 = arith.constant 0 : i32
      %dma_wait3A_376 = tpu.memref_slice %arg16[%add3A_201, %dma_wait3A_375] : memref<10240x64xf32, #tpu.memory_space<vmem_shared>> -> memref<128x64xf32, #tpu.memory_space<vmem_shared>>
      %dma_wait3A_377 = arith.constant 0 : i32
      %dma_wait3A_378 = tpu.memref_slice %arg16[%add3A_201, %dma_wait3A_377] : memref<10240x64xf32, #tpu.memory_space<vmem_shared>> -> memref<128x64xf32, #tpu.memory_space<vmem_shared>>
      tpu.wait_dma2 semaphore(%run_scoped3A_370 : memref<!tpu.dma_semaphore, #tpu.memory_space<semaphore_mem>>) src(%arg15 : memref<128x64xf32, #tpu.memory_space<vmem>>) dst(%dma_wait3A_378 : memref<128x64xf32, #tpu.memory_space<vmem_shared>>)
      tpu.yield
    }) : () -> ()
    %mul3A_202 = arith.constant 640 : i32
    %mul3A_203 = arith.muli %arg1, %mul3A_202 : i32
    %add3A_204 = arith.constant 512 : i32
    %add3A_205 = arith.addi %mul3A_203, %add3A_204 : i32
    "tpu.region"() ({
      %run_scoped3A_370 = tpu.sem_alloc : memref<!tpu.dma_semaphore, #tpu.memory_space<semaphore_mem>>
      %dma_start3A_371 = arith.constant 0 : i32
      %dma_start3A_372 = tpu.memref_slice %arg16[%add3A_205, %dma_start3A_371] : memref<10240x64xf32, #tpu.memory_space<vmem_shared>> -> memref<128x64xf32, #tpu.memory_space<vmem_shared>>
      %dma_start3A_373 = arith.constant 0 : i32
      %dma_start3A_374 = tpu.memref_slice %arg16[%add3A_205, %dma_start3A_373] : memref<10240x64xf32, #tpu.memory_space<vmem_shared>> -> memref<128x64xf32, #tpu.memory_space<vmem_shared>>
      tpu.enqueue_dma source(%arg15 : memref<128x64xf32, #tpu.memory_space<vmem>>) target(%dma_start3A_374 : memref<128x64xf32, #tpu.memory_space<vmem_shared>>) target_semaphore(%run_scoped3A_370 : memref<!tpu.dma_semaphore, #tpu.memory_space<semaphore_mem>>)
      %dma_wait3A_375 = arith.constant 0 : i32
      %dma_wait3A_376 = tpu.memref_slice %arg16[%add3A_205, %dma_wait3A_375] : memref<10240x64xf32, #tpu.memory_space<vmem_shared>> -> memref<128x64xf32, #tpu.memory_space<vmem_shared>>
      %dma_wait3A_377 = arith.constant 0 : i32
      %dma_wait3A_378 = tpu.memref_slice %arg16[%add3A_205, %dma_wait3A_377] : memref<10240x64xf32, #tpu.memory_space<vmem_shared>> -> memref<128x64xf32, #tpu.memory_space<vmem_shared>>
      tpu.wait_dma2 semaphore(%run_scoped3A_370 : memref<!tpu.dma_semaphore, #tpu.memory_space<semaphore_mem>>) src(%arg15 : memref<128x64xf32, #tpu.memory_space<vmem>>) dst(%dma_wait3A_378 : memref<128x64xf32, #tpu.memory_space<vmem_shared>>)
      tpu.yield
    }) : () -> ()
    %barrier3A_206 = arith.constant 0 : index
    tpu.barrier barrier_id(%barrier3A_206)
    %dma_start3A_207 = arith.constant 0 : i32
    %dma_start3A_208 = arith.constant 0 : i32
    %dma_start3A_209 = tpu.memref_slice %arg9[%dma_start3A_207, %dma_start3A_208] : memref<160x125xi32, #tpu.memory_space<vmem>> -> memref<1x125xi32, #tpu.memory_space<vmem>>
    %dma_start3A_210 = tpu.memref_squeeze %dma_start3A_209 : memref<1x125xi32, #tpu.memory_space<vmem>> -> memref<125xi32, #tpu.memory_space<vmem>>
    %dma_start3A_211 = arith.constant 0 : i32
    %dma_start3A_212 = arith.constant 0 : i32
    %dma_start3A_213 = tpu.memref_slice %arg3[%arg0, %dma_start3A_211, %dma_start3A_212] : memref<2x10000x64xf32, #tpu.memory_space<hbm>> -> memref<1x10000x64xf32, #tpu.memory_space<hbm>>
    %dma_start3A_214 = tpu.memref_squeeze %dma_start3A_213 : memref<1x10000x64xf32, #tpu.memory_space<hbm>> -> memref<10000x64xf32, #tpu.memory_space<hbm>>
    %dma_start3A_215 = arith.constant 0 : i32
    %dma_start3A_216 = arith.constant 0 : i32
    %dma_start3A_217 = tpu.memref_slice %dma_start3A_214[%dma_start3A_215, %dma_start3A_216] : memref<10000x64xf32, #tpu.memory_space<hbm>> -> memref<10000x64xf32, #tpu.memory_space<hbm>>
    tpu.enqueue_indirect_dma source(%dma_start3A_217 : memref<10000x64xf32, #tpu.memory_space<hbm>>) target(%arg10 : memref<125x64xf32, #tpu.memory_space<vmem>>) offsets(%dma_start3A_210 : memref<125xi32, #tpu.memory_space<vmem>>) semaphore(%arg17 : memref<!tpu.dma_semaphore, #tpu.memory_space<semaphore_mem>>)
    %dma_start3A_218 = arith.constant 1 : i32
    %dma_start3A_219 = arith.constant 0 : i32
    %dma_start3A_220 = tpu.memref_slice %arg9[%dma_start3A_218, %dma_start3A_219] : memref<160x125xi32, #tpu.memory_space<vmem>> -> memref<1x125xi32, #tpu.memory_space<vmem>>
    %dma_start3A_221 = tpu.memref_squeeze %dma_start3A_220 : memref<1x125xi32, #tpu.memory_space<vmem>> -> memref<125xi32, #tpu.memory_space<vmem>>
    %dma_start3A_222 = arith.constant 0 : i32
    %dma_start3A_223 = arith.constant 0 : i32
    %dma_start3A_224 = tpu.memref_slice %arg3[%arg0, %dma_start3A_222, %dma_start3A_223] : memref<2x10000x64xf32, #tpu.memory_space<hbm>> -> memref<1x10000x64xf32, #tpu.memory_space<hbm>>
    %dma_start3A_225 = tpu.memref_squeeze %dma_start3A_224 : memref<1x10000x64xf32, #tpu.memory_space<hbm>> -> memref<10000x64xf32, #tpu.memory_space<hbm>>
    %dma_start3A_226 = arith.constant 0 : i32
    %dma_start3A_227 = arith.constant 0 : i32
    %dma_start3A_228 = tpu.memref_slice %dma_start3A_225[%dma_start3A_226, %dma_start3A_227] : memref<10000x64xf32, #tpu.memory_space<hbm>> -> memref<10000x64xf32, #tpu.memory_space<hbm>>
    tpu.enqueue_indirect_dma source(%dma_start3A_228 : memref<10000x64xf32, #tpu.memory_space<hbm>>) target(%arg11 : memref<125x64xf32, #tpu.memory_space<vmem>>) offsets(%dma_start3A_221 : memref<125xi32, #tpu.memory_space<vmem>>) semaphore(%arg18 : memref<!tpu.dma_semaphore, #tpu.memory_space<semaphore_mem>>)
    %dma_start3A_229 = arith.constant 2 : i32
    %dma_start3A_230 = arith.constant 0 : i32
    %dma_start3A_231 = tpu.memref_slice %arg9[%dma_start3A_229, %dma_start3A_230] : memref<160x125xi32, #tpu.memory_space<vmem>> -> memref<1x125xi32, #tpu.memory_space<vmem>>
    %dma_start3A_232 = tpu.memref_squeeze %dma_start3A_231 : memref<1x125xi32, #tpu.memory_space<vmem>> -> memref<125xi32, #tpu.memory_space<vmem>>
    %dma_start3A_233 = arith.constant 0 : i32
    %dma_start3A_234 = arith.constant 0 : i32
    %dma_start3A_235 = tpu.memref_slice %arg3[%arg0, %dma_start3A_233, %dma_start3A_234] : memref<2x10000x64xf32, #tpu.memory_space<hbm>> -> memref<1x10000x64xf32, #tpu.memory_space<hbm>>
    %dma_start3A_236 = tpu.memref_squeeze %dma_start3A_235 : memref<1x10000x64xf32, #tpu.memory_space<hbm>> -> memref<10000x64xf32, #tpu.memory_space<hbm>>
    %dma_start3A_237 = arith.constant 0 : i32
    %dma_start3A_238 = arith.constant 0 : i32
    %dma_start3A_239 = tpu.memref_slice %dma_start3A_236[%dma_start3A_237, %dma_start3A_238] : memref<10000x64xf32, #tpu.memory_space<hbm>> -> memref<10000x64xf32, #tpu.memory_space<hbm>>
    tpu.enqueue_indirect_dma source(%dma_start3A_239 : memref<10000x64xf32, #tpu.memory_space<hbm>>) target(%arg12 : memref<125x64xf32, #tpu.memory_space<vmem>>) offsets(%dma_start3A_232 : memref<125xi32, #tpu.memory_space<vmem>>) semaphore(%arg19 : memref<!tpu.dma_semaphore, #tpu.memory_space<semaphore_mem>>)
    %dma_start3A_240 = arith.constant 3 : i32
    %dma_start3A_241 = arith.constant 0 : i32
    %dma_start3A_242 = tpu.memref_slice %arg9[%dma_start3A_240, %dma_start3A_241] : memref<160x125xi32, #tpu.memory_space<vmem>> -> memref<1x125xi32, #tpu.memory_space<vmem>>
    %dma_start3A_243 = tpu.memref_squeeze %dma_start3A_242 : memref<1x125xi32, #tpu.memory_space<vmem>> -> memref<125xi32, #tpu.memory_space<vmem>>
    %dma_start3A_244 = arith.constant 0 : i32
    %dma_start3A_245 = arith.constant 0 : i32
    %dma_start3A_246 = tpu.memref_slice %arg3[%arg0, %dma_start3A_244, %dma_start3A_245] : memref<2x10000x64xf32, #tpu.memory_space<hbm>> -> memref<1x10000x64xf32, #tpu.memory_space<hbm>>
    %dma_start3A_247 = tpu.memref_squeeze %dma_start3A_246 : memref<1x10000x64xf32, #tpu.memory_space<hbm>> -> memref<10000x64xf32, #tpu.memory_space<hbm>>
    %dma_start3A_248 = arith.constant 0 : i32
    %dma_start3A_249 = arith.constant 0 : i32
    %dma_start3A_250 = tpu.memref_slice %dma_start3A_247[%dma_start3A_248, %dma_start3A_249] : memref<10000x64xf32, #tpu.memory_space<hbm>> -> memref<10000x64xf32, #tpu.memory_space<hbm>>
    tpu.enqueue_indirect_dma source(%dma_start3A_250 : memref<10000x64xf32, #tpu.memory_space<hbm>>) target(%arg13 : memref<125x64xf32, #tpu.memory_space<vmem>>) offsets(%dma_start3A_243 : memref<125xi32, #tpu.memory_space<vmem>>) semaphore(%arg20 : memref<!tpu.dma_semaphore, #tpu.memory_space<semaphore_mem>>)
    %dma_start3A_251 = arith.constant 4 : i32
    %dma_start3A_252 = arith.constant 0 : i32
    %dma_start3A_253 = tpu.memref_slice %arg9[%dma_start3A_251, %dma_start3A_252] : memref<160x125xi32, #tpu.memory_space<vmem>> -> memref<1x125xi32, #tpu.memory_space<vmem>>
    %dma_start3A_254 = tpu.memref_squeeze %dma_start3A_253 : memref<1x125xi32, #tpu.memory_space<vmem>> -> memref<125xi32, #tpu.memory_space<vmem>>
    %dma_start3A_255 = arith.constant 0 : i32
    %dma_start3A_256 = arith.constant 0 : i32
    %dma_start3A_257 = tpu.memref_slice %arg3[%arg0, %dma_start3A_255, %dma_start3A_256] : memref<2x10000x64xf32, #tpu.memory_space<hbm>> -> memref<1x10000x64xf32, #tpu.memory_space<hbm>>
    %dma_start3A_258 = tpu.memref_squeeze %dma_start3A_257 : memref<1x10000x64xf32, #tpu.memory_space<hbm>> -> memref<10000x64xf32, #tpu.memory_space<hbm>>
    %dma_start3A_259 = arith.constant 0 : i32
    %dma_start3A_260 = arith.constant 0 : i32
    %dma_start3A_261 = tpu.memref_slice %dma_start3A_258[%dma_start3A_259, %dma_start3A_260] : memref<10000x64xf32, #tpu.memory_space<hbm>> -> memref<10000x64xf32, #tpu.memory_space<hbm>>
    tpu.enqueue_indirect_dma source(%dma_start3A_261 : memref<10000x64xf32, #tpu.memory_space<hbm>>) target(%arg14 : memref<125x64xf32, #tpu.memory_space<vmem>>) offsets(%dma_start3A_254 : memref<125xi32, #tpu.memory_space<vmem>>) semaphore(%arg21 : memref<!tpu.dma_semaphore, #tpu.memory_space<semaphore_mem>>)
    %scan3A_262 = arith.constant 0 : i32
    %scan3A_263 = arith.constant 0 : i32
    %scan3A_264 = arith.constant 31 : i32
    %scan3A_265 = arith.addi %scan3A_263, %scan3A_264 : i32
    %scan3A_266 = arith.constant 1 : i32
    %scan3A_267 = scf.for %scan3A_370 = %scan3A_263 to %scan3A_265 step %scan3A_266 iter_args(%scan3A_371 = %scan3A_262) -> (i32)  : i32 {
      %mul3A_372 = arith.constant 5 : i32
      %mul3A_373 = arith.muli %mul3A_372, %scan3A_370 : i32
      %dma_wait3A_374 = arith.constant 0 : i32
      %dma_wait3A_375 = arith.constant 0 : i32
      %dma_wait3A_376 = tpu.memref_slice %arg9[%dma_wait3A_374, %dma_wait3A_375] : memref<160x125xi32, #tpu.memory_space<vmem>> -> memref<1x125xi32, #tpu.memory_space<vmem>>
      %dma_wait3A_377 = tpu.memref_squeeze %dma_wait3A_376 : memref<1x125xi32, #tpu.memory_space<vmem>> -> memref<125xi32, #tpu.memory_space<vmem>>
      %dma_wait3A_378 = arith.constant 0 : i32
      %dma_wait3A_379 = arith.constant 0 : i32
      %dma_wait3A_380 = tpu.memref_slice %arg3[%arg0, %dma_wait3A_378, %dma_wait3A_379] : memref<2x10000x64xf32, #tpu.memory_space<hbm>> -> memref<1x10000x64xf32, #tpu.memory_space<hbm>>
      %dma_wait3A_381 = tpu.memref_squeeze %dma_wait3A_380 : memref<1x10000x64xf32, #tpu.memory_space<hbm>> -> memref<10000x64xf32, #tpu.memory_space<hbm>>
      %dma_wait3A_382 = arith.constant 0 : i32
      %dma_wait3A_383 = arith.constant 0 : i32
      %dma_wait3A_384 = tpu.memref_slice %dma_wait3A_381[%dma_wait3A_382, %dma_wait3A_383] : memref<10000x64xf32, #tpu.memory_space<hbm>> -> memref<10000x64xf32, #tpu.memory_space<hbm>>
      tpu.wait_indirect_dma semaphore(%arg17 : memref<!tpu.dma_semaphore, #tpu.memory_space<semaphore_mem>>) src(%dma_wait3A_384 : memref<10000x64xf32, #tpu.memory_space<hbm>>) dst(%arg10 : memref<125x64xf32, #tpu.memory_space<vmem>>)
      %add3A_385 = arith.constant 0 : i32
      %add3A_386 = arith.addi %mul3A_373, %add3A_385 : i32
      "tpu.region"() ({
        %run_scoped3A_510 = tpu.sem_alloc : memref<!tpu.dma_semaphore, #tpu.memory_space<semaphore_mem>>
        %dma_start3A_511 = arith.constant 0 : i32
        %dma_start3A_512 = tpu.memref_slice %arg8[%add3A_386, %dma_start3A_511] : memref<160x125xi32, #tpu.memory_space<vmem>> -> memref<1x125xi32, #tpu.memory_space<vmem>>
        %dma_start3A_513 = tpu.memref_squeeze %dma_start3A_512 : memref<1x125xi32, #tpu.memory_space<vmem>> -> memref<125xi32, #tpu.memory_space<vmem>>
        %dma_start3A_514 = arith.constant 0 : i32
        %dma_start3A_515 = arith.constant 0 : i32
        %dma_start3A_516 = tpu.memref_slice %arg16[%dma_start3A_514, %dma_start3A_515] : memref<10240x64xf32, #tpu.memory_space<vmem_shared>> -> memref<10240x64xf32, #tpu.memory_space<vmem_shared>>
        tpu.enqueue_indirect_dma source(%arg10 : memref<125x64xf32, #tpu.memory_space<vmem>>) target(%dma_start3A_516 : memref<10240x64xf32, #tpu.memory_space<vmem_shared>>) offsets(%dma_start3A_513 : memref<125xi32, #tpu.memory_space<vmem>>) semaphore(%run_scoped3A_510 : memref<!tpu.dma_semaphore, #tpu.memory_space<semaphore_mem>>) {add = true}
        %dma_wait3A_517 = arith.constant 0 : i32
        %dma_wait3A_518 = tpu.memref_slice %arg8[%add3A_386, %dma_wait3A_517] : memref<160x125xi32, #tpu.memory_space<vmem>> -> memref<1x125xi32, #tpu.memory_space<vmem>>
        %dma_wait3A_519 = tpu.memref_squeeze %dma_wait3A_518 : memref<1x125xi32, #tpu.memory_space<vmem>> -> memref<125xi32, #tpu.memory_space<vmem>>
        %dma_wait3A_520 = arith.constant 0 : i32
        %dma_wait3A_521 = arith.constant 0 : i32
        %dma_wait3A_522 = tpu.memref_slice %arg16[%dma_wait3A_520, %dma_wait3A_521] : memref<10240x64xf32, #tpu.memory_space<vmem_shared>> -> memref<10240x64xf32, #tpu.memory_space<vmem_shared>>
        tpu.wait_indirect_dma semaphore(%run_scoped3A_510 : memref<!tpu.dma_semaphore, #tpu.memory_space<semaphore_mem>>) src(%arg10 : memref<125x64xf32, #tpu.memory_space<vmem>>) dst(%dma_wait3A_522 : memref<10240x64xf32, #tpu.memory_space<vmem_shared>>)
        tpu.yield
      }) : () -> ()
      %add3A_387 = arith.constant 0 : i32
      %add3A_388 = arith.addi %mul3A_373, %add3A_387 : i32
      %add3A_389 = arith.constant 5 : i32
      %add3A_390 = arith.addi %add3A_388, %add3A_389 : i32
      %dma_start3A_391 = arith.constant 0 : i32
      %dma_start3A_392 = tpu.memref_slice %arg9[%add3A_390, %dma_start3A_391] : memref<160x125xi32, #tpu.memory_space<vmem>> -> memref<1x125xi32, #tpu.memory_space<vmem>>
      %dma_start3A_393 = tpu.memref_squeeze %dma_start3A_392 : memref<1x125xi32, #tpu.memory_space<vmem>> -> memref<125xi32, #tpu.memory_space<vmem>>
      %dma_start3A_394 = arith.constant 0 : i32
      %dma_start3A_395 = arith.constant 0 : i32
      %dma_start3A_396 = tpu.memref_slice %arg3[%arg0, %dma_start3A_394, %dma_start3A_395] : memref<2x10000x64xf32, #tpu.memory_space<hbm>> -> memref<1x10000x64xf32, #tpu.memory_space<hbm>>
      %dma_start3A_397 = tpu.memref_squeeze %dma_start3A_396 : memref<1x10000x64xf32, #tpu.memory_space<hbm>> -> memref<10000x64xf32, #tpu.memory_space<hbm>>
      %dma_start3A_398 = arith.constant 0 : i32
      %dma_start3A_399 = arith.constant 0 : i32
      %dma_start3A_400 = tpu.memref_slice %dma_start3A_397[%dma_start3A_398, %dma_start3A_399] : memref<10000x64xf32, #tpu.memory_space<hbm>> -> memref<10000x64xf32, #tpu.memory_space<hbm>>
      tpu.enqueue_indirect_dma source(%dma_start3A_400 : memref<10000x64xf32, #tpu.memory_space<hbm>>) target(%arg10 : memref<125x64xf32, #tpu.memory_space<vmem>>) offsets(%dma_start3A_393 : memref<125xi32, #tpu.memory_space<vmem>>) semaphore(%arg17 : memref<!tpu.dma_semaphore, #tpu.memory_space<semaphore_mem>>)
      %dma_wait3A_401 = arith.constant 0 : i32
      %dma_wait3A_402 = arith.constant 0 : i32
      %dma_wait3A_403 = tpu.memref_slice %arg9[%dma_wait3A_401, %dma_wait3A_402] : memref<160x125xi32, #tpu.memory_space<vmem>> -> memref<1x125xi32, #tpu.memory_space<vmem>>
      %dma_wait3A_404 = tpu.memref_squeeze %dma_wait3A_403 : memref<1x125xi32, #tpu.memory_space<vmem>> -> memref<125xi32, #tpu.memory_space<vmem>>
      %dma_wait3A_405 = arith.constant 0 : i32
      %dma_wait3A_406 = arith.constant 0 : i32
      %dma_wait3A_407 = tpu.memref_slice %arg3[%arg0, %dma_wait3A_405, %dma_wait3A_406] : memref<2x10000x64xf32, #tpu.memory_space<hbm>> -> memref<1x10000x64xf32, #tpu.memory_space<hbm>>
      %dma_wait3A_408 = tpu.memref_squeeze %dma_wait3A_407 : memref<1x10000x64xf32, #tpu.memory_space<hbm>> -> memref<10000x64xf32, #tpu.memory_space<hbm>>
      %dma_wait3A_409 = arith.constant 0 : i32
      %dma_wait3A_410 = arith.constant 0 : i32
      %dma_wait3A_411 = tpu.memref_slice %dma_wait3A_408[%dma_wait3A_409, %dma_wait3A_410] : memref<10000x64xf32, #tpu.memory_space<hbm>> -> memref<10000x64xf32, #tpu.memory_space<hbm>>
      tpu.wait_indirect_dma semaphore(%arg18 : memref<!tpu.dma_semaphore, #tpu.memory_space<semaphore_mem>>) src(%dma_wait3A_411 : memref<10000x64xf32, #tpu.memory_space<hbm>>) dst(%arg11 : memref<125x64xf32, #tpu.memory_space<vmem>>)
      %add3A_412 = arith.constant 1 : i32
      %add3A_413 = arith.addi %mul3A_373, %add3A_412 : i32
      "tpu.region"() ({
        %run_scoped3A_510 = tpu.sem_alloc : memref<!tpu.dma_semaphore, #tpu.memory_space<semaphore_mem>>
        %dma_start3A_511 = arith.constant 0 : i32
        %dma_start3A_512 = tpu.memref_slice %arg8[%add3A_413, %dma_start3A_511] : memref<160x125xi32, #tpu.memory_space<vmem>> -> memref<1x125xi32, #tpu.memory_space<vmem>>
        %dma_start3A_513 = tpu.memref_squeeze %dma_start3A_512 : memref<1x125xi32, #tpu.memory_space<vmem>> -> memref<125xi32, #tpu.memory_space<vmem>>
        %dma_start3A_514 = arith.constant 0 : i32
        %dma_start3A_515 = arith.constant 0 : i32
        %dma_start3A_516 = tpu.memref_slice %arg16[%dma_start3A_514, %dma_start3A_515] : memref<10240x64xf32, #tpu.memory_space<vmem_shared>> -> memref<10240x64xf32, #tpu.memory_space<vmem_shared>>
        tpu.enqueue_indirect_dma source(%arg11 : memref<125x64xf32, #tpu.memory_space<vmem>>) target(%dma_start3A_516 : memref<10240x64xf32, #tpu.memory_space<vmem_shared>>) offsets(%dma_start3A_513 : memref<125xi32, #tpu.memory_space<vmem>>) semaphore(%run_scoped3A_510 : memref<!tpu.dma_semaphore, #tpu.memory_space<semaphore_mem>>) {add = true}
        %dma_wait3A_517 = arith.constant 0 : i32
        %dma_wait3A_518 = tpu.memref_slice %arg8[%add3A_413, %dma_wait3A_517] : memref<160x125xi32, #tpu.memory_space<vmem>> -> memref<1x125xi32, #tpu.memory_space<vmem>>
        %dma_wait3A_519 = tpu.memref_squeeze %dma_wait3A_518 : memref<1x125xi32, #tpu.memory_space<vmem>> -> memref<125xi32, #tpu.memory_space<vmem>>
        %dma_wait3A_520 = arith.constant 0 : i32
        %dma_wait3A_521 = arith.constant 0 : i32
        %dma_wait3A_522 = tpu.memref_slice %arg16[%dma_wait3A_520, %dma_wait3A_521] : memref<10240x64xf32, #tpu.memory_space<vmem_shared>> -> memref<10240x64xf32, #tpu.memory_space<vmem_shared>>
        tpu.wait_indirect_dma semaphore(%run_scoped3A_510 : memref<!tpu.dma_semaphore, #tpu.memory_space<semaphore_mem>>) src(%arg11 : memref<125x64xf32, #tpu.memory_space<vmem>>) dst(%dma_wait3A_522 : memref<10240x64xf32, #tpu.memory_space<vmem_shared>>)
        tpu.yield
      }) : () -> ()
      %add3A_414 = arith.constant 1 : i32
      %add3A_415 = arith.addi %mul3A_373, %add3A_414 : i32
      %add3A_416 = arith.constant 5 : i32
      %add3A_417 = arith.addi %add3A_415, %add3A_416 : i32
      %dma_start3A_418 = arith.constant 0 : i32
      %dma_start3A_419 = tpu.memref_slice %arg9[%add3A_417, %dma_start3A_418] : memref<160x125xi32, #tpu.memory_space<vmem>> -> memref<1x125xi32, #tpu.memory_space<vmem>>
      %dma_start3A_420 = tpu.memref_squeeze %dma_start3A_419 : memref<1x125xi32, #tpu.memory_space<vmem>> -> memref<125xi32, #tpu.memory_space<vmem>>
      %dma_start3A_421 = arith.constant 0 : i32
      %dma_start3A_422 = arith.constant 0 : i32
      %dma_start3A_423 = tpu.memref_slice %arg3[%arg0, %dma_start3A_421, %dma_start3A_422] : memref<2x10000x64xf32, #tpu.memory_space<hbm>> -> memref<1x10000x64xf32, #tpu.memory_space<hbm>>
      %dma_start3A_424 = tpu.memref_squeeze %dma_start3A_423 : memref<1x10000x64xf32, #tpu.memory_space<hbm>> -> memref<10000x64xf32, #tpu.memory_space<hbm>>
      %dma_start3A_425 = arith.constant 0 : i32
      %dma_start3A_426 = arith.constant 0 : i32
      %dma_start3A_427 = tpu.memref_slice %dma_start3A_424[%dma_start3A_425, %dma_start3A_426] : memref<10000x64xf32, #tpu.memory_space<hbm>> -> memref<10000x64xf32, #tpu.memory_space<hbm>>
      tpu.enqueue_indirect_dma source(%dma_start3A_427 : memref<10000x64xf32, #tpu.memory_space<hbm>>) target(%arg11 : memref<125x64xf32, #tpu.memory_space<vmem>>) offsets(%dma_start3A_420 : memref<125xi32, #tpu.memory_space<vmem>>) semaphore(%arg18 : memref<!tpu.dma_semaphore, #tpu.memory_space<semaphore_mem>>)
      %dma_wait3A_428 = arith.constant 0 : i32
      %dma_wait3A_429 = arith.constant 0 : i32
      %dma_wait3A_430 = tpu.memref_slice %arg9[%dma_wait3A_428, %dma_wait3A_429] : memref<160x125xi32, #tpu.memory_space<vmem>> -> memref<1x125xi32, #tpu.memory_space<vmem>>
      %dma_wait3A_431 = tpu.memref_squeeze %dma_wait3A_430 : memref<1x125xi32, #tpu.memory_space<vmem>> -> memref<125xi32, #tpu.memory_space<vmem>>
      %dma_wait3A_432 = arith.constant 0 : i32
      %dma_wait3A_433 = arith.constant 0 : i32
      %dma_wait3A_434 = tpu.memref_slice %arg3[%arg0, %dma_wait3A_432, %dma_wait3A_433] : memref<2x10000x64xf32, #tpu.memory_space<hbm>> -> memref<1x10000x64xf32, #tpu.memory_space<hbm>>
      %dma_wait3A_435 = tpu.memref_squeeze %dma_wait3A_434 : memref<1x10000x64xf32, #tpu.memory_space<hbm>> -> memref<10000x64xf32, #tpu.memory_space<hbm>>
      %dma_wait3A_436 = arith.constant 0 : i32
      %dma_wait3A_437 = arith.constant 0 : i32
      %dma_wait3A_438 = tpu.memref_slice %dma_wait3A_435[%dma_wait3A_436, %dma_wait3A_437] : memref<10000x64xf32, #tpu.memory_space<hbm>> -> memref<10000x64xf32, #tpu.memory_space<hbm>>
      tpu.wait_indirect_dma semaphore(%arg19 : memref<!tpu.dma_semaphore, #tpu.memory_space<semaphore_mem>>) src(%dma_wait3A_438 : memref<10000x64xf32, #tpu.memory_space<hbm>>) dst(%arg12 : memref<125x64xf32, #tpu.memory_space<vmem>>)
      %add3A_439 = arith.constant 2 : i32
      %add3A_440 = arith.addi %mul3A_373, %add3A_439 : i32
      "tpu.region"() ({
        %run_scoped3A_510 = tpu.sem_alloc : memref<!tpu.dma_semaphore, #tpu.memory_space<semaphore_mem>>
        %dma_start3A_511 = arith.constant 0 : i32
        %dma_start3A_512 = tpu.memref_slice %arg8[%add3A_440, %dma_start3A_511] : memref<160x125xi32, #tpu.memory_space<vmem>> -> memref<1x125xi32, #tpu.memory_space<vmem>>
        %dma_start3A_513 = tpu.memref_squeeze %dma_start3A_512 : memref<1x125xi32, #tpu.memory_space<vmem>> -> memref<125xi32, #tpu.memory_space<vmem>>
        %dma_start3A_514 = arith.constant 0 : i32
        %dma_start3A_515 = arith.constant 0 : i32
        %dma_start3A_516 = tpu.memref_slice %arg16[%dma_start3A_514, %dma_start3A_515] : memref<10240x64xf32, #tpu.memory_space<vmem_shared>> -> memref<10240x64xf32, #tpu.memory_space<vmem_shared>>
        tpu.enqueue_indirect_dma source(%arg12 : memref<125x64xf32, #tpu.memory_space<vmem>>) target(%dma_start3A_516 : memref<10240x64xf32, #tpu.memory_space<vmem_shared>>) offsets(%dma_start3A_513 : memref<125xi32, #tpu.memory_space<vmem>>) semaphore(%run_scoped3A_510 : memref<!tpu.dma_semaphore, #tpu.memory_space<semaphore_mem>>) {add = true}
        %dma_wait3A_517 = arith.constant 0 : i32
        %dma_wait3A_518 = tpu.memref_slice %arg8[%add3A_440, %dma_wait3A_517] : memref<160x125xi32, #tpu.memory_space<vmem>> -> memref<1x125xi32, #tpu.memory_space<vmem>>
        %dma_wait3A_519 = tpu.memref_squeeze %dma_wait3A_518 : memref<1x125xi32, #tpu.memory_space<vmem>> -> memref<125xi32, #tpu.memory_space<vmem>>
        %dma_wait3A_520 = arith.constant 0 : i32
        %dma_wait3A_521 = arith.constant 0 : i32
        %dma_wait3A_522 = tpu.memref_slice %arg16[%dma_wait3A_520, %dma_wait3A_521] : memref<10240x64xf32, #tpu.memory_space<vmem_shared>> -> memref<10240x64xf32, #tpu.memory_space<vmem_shared>>
        tpu.wait_indirect_dma semaphore(%run_scoped3A_510 : memref<!tpu.dma_semaphore, #tpu.memory_space<semaphore_mem>>) src(%arg12 : memref<125x64xf32, #tpu.memory_space<vmem>>) dst(%dma_wait3A_522 : memref<10240x64xf32, #tpu.memory_space<vmem_shared>>)
        tpu.yield
      }) : () -> ()
      %add3A_441 = arith.constant 2 : i32
      %add3A_442 = arith.addi %mul3A_373, %add3A_441 : i32
      %add3A_443 = arith.constant 5 : i32
      %add3A_444 = arith.addi %add3A_442, %add3A_443 : i32
      %dma_start3A_445 = arith.constant 0 : i32
      %dma_start3A_446 = tpu.memref_slice %arg9[%add3A_444, %dma_start3A_445] : memref<160x125xi32, #tpu.memory_space<vmem>> -> memref<1x125xi32, #tpu.memory_space<vmem>>
      %dma_start3A_447 = tpu.memref_squeeze %dma_start3A_446 : memref<1x125xi32, #tpu.memory_space<vmem>> -> memref<125xi32, #tpu.memory_space<vmem>>
      %dma_start3A_448 = arith.constant 0 : i32
      %dma_start3A_449 = arith.constant 0 : i32
      %dma_start3A_450 = tpu.memref_slice %arg3[%arg0, %dma_start3A_448, %dma_start3A_449] : memref<2x10000x64xf32, #tpu.memory_space<hbm>> -> memref<1x10000x64xf32, #tpu.memory_space<hbm>>
      %dma_start3A_451 = tpu.memref_squeeze %dma_start3A_450 : memref<1x10000x64xf32, #tpu.memory_space<hbm>> -> memref<10000x64xf32, #tpu.memory_space<hbm>>
      %dma_start3A_452 = arith.constant 0 : i32
      %dma_start3A_453 = arith.constant 0 : i32
      %dma_start3A_454 = tpu.memref_slice %dma_start3A_451[%dma_start3A_452, %dma_start3A_453] : memref<10000x64xf32, #tpu.memory_space<hbm>> -> memref<10000x64xf32, #tpu.memory_space<hbm>>
      tpu.enqueue_indirect_dma source(%dma_start3A_454 : memref<10000x64xf32, #tpu.memory_space<hbm>>) target(%arg12 : memref<125x64xf32, #tpu.memory_space<vmem>>) offsets(%dma_start3A_447 : memref<125xi32, #tpu.memory_space<vmem>>) semaphore(%arg19 : memref<!tpu.dma_semaphore, #tpu.memory_space<semaphore_mem>>)
      %dma_wait3A_455 = arith.constant 0 : i32
      %dma_wait3A_456 = arith.constant 0 : i32
      %dma_wait3A_457 = tpu.memref_slice %arg9[%dma_wait3A_455, %dma_wait3A_456] : memref<160x125xi32, #tpu.memory_space<vmem>> -> memref<1x125xi32, #tpu.memory_space<vmem>>
      %dma_wait3A_458 = tpu.memref_squeeze %dma_wait3A_457 : memref<1x125xi32, #tpu.memory_space<vmem>> -> memref<125xi32, #tpu.memory_space<vmem>>
      %dma_wait3A_459 = arith.constant 0 : i32
      %dma_wait3A_460 = arith.constant 0 : i32
      %dma_wait3A_461 = tpu.memref_slice %arg3[%arg0, %dma_wait3A_459, %dma_wait3A_460] : memref<2x10000x64xf32, #tpu.memory_space<hbm>> -> memref<1x10000x64xf32, #tpu.memory_space<hbm>>
      %dma_wait3A_462 = tpu.memref_squeeze %dma_wait3A_461 : memref<1x10000x64xf32, #tpu.memory_space<hbm>> -> memref<10000x64xf32, #tpu.memory_space<hbm>>
      %dma_wait3A_463 = arith.constant 0 : i32
      %dma_wait3A_464 = arith.constant 0 : i32
      %dma_wait3A_465 = tpu.memref_slice %dma_wait3A_462[%dma_wait3A_463, %dma_wait3A_464] : memref<10000x64xf32, #tpu.memory_space<hbm>> -> memref<10000x64xf32, #tpu.memory_space<hbm>>
      tpu.wait_indirect_dma semaphore(%arg20 : memref<!tpu.dma_semaphore, #tpu.memory_space<semaphore_mem>>) src(%dma_wait3A_465 : memref<10000x64xf32, #tpu.memory_space<hbm>>) dst(%arg13 : memref<125x64xf32, #tpu.memory_space<vmem>>)
      %add3A_466 = arith.constant 3 : i32
      %add3A_467 = arith.addi %mul3A_373, %add3A_466 : i32
      "tpu.region"() ({
        %run_scoped3A_510 = tpu.sem_alloc : memref<!tpu.dma_semaphore, #tpu.memory_space<semaphore_mem>>
        %dma_start3A_511 = arith.constant 0 : i32
        %dma_start3A_512 = tpu.memref_slice %arg8[%add3A_467, %dma_start3A_511] : memref<160x125xi32, #tpu.memory_space<vmem>> -> memref<1x125xi32, #tpu.memory_space<vmem>>
        %dma_start3A_513 = tpu.memref_squeeze %dma_start3A_512 : memref<1x125xi32, #tpu.memory_space<vmem>> -> memref<125xi32, #tpu.memory_space<vmem>>
        %dma_start3A_514 = arith.constant 0 : i32
        %dma_start3A_515 = arith.constant 0 : i32
        %dma_start3A_516 = tpu.memref_slice %arg16[%dma_start3A_514, %dma_start3A_515] : memref<10240x64xf32, #tpu.memory_space<vmem_shared>> -> memref<10240x64xf32, #tpu.memory_space<vmem_shared>>
        tpu.enqueue_indirect_dma source(%arg13 : memref<125x64xf32, #tpu.memory_space<vmem>>) target(%dma_start3A_516 : memref<10240x64xf32, #tpu.memory_space<vmem_shared>>) offsets(%dma_start3A_513 : memref<125xi32, #tpu.memory_space<vmem>>) semaphore(%run_scoped3A_510 : memref<!tpu.dma_semaphore, #tpu.memory_space<semaphore_mem>>) {add = true}
        %dma_wait3A_517 = arith.constant 0 : i32
        %dma_wait3A_518 = tpu.memref_slice %arg8[%add3A_467, %dma_wait3A_517] : memref<160x125xi32, #tpu.memory_space<vmem>> -> memref<1x125xi32, #tpu.memory_space<vmem>>
        %dma_wait3A_519 = tpu.memref_squeeze %dma_wait3A_518 : memref<1x125xi32, #tpu.memory_space<vmem>> -> memref<125xi32, #tpu.memory_space<vmem>>
        %dma_wait3A_520 = arith.constant 0 : i32
        %dma_wait3A_521 = arith.constant 0 : i32
        %dma_wait3A_522 = tpu.memref_slice %arg16[%dma_wait3A_520, %dma_wait3A_521] : memref<10240x64xf32, #tpu.memory_space<vmem_shared>> -> memref<10240x64xf32, #tpu.memory_space<vmem_shared>>
        tpu.wait_indirect_dma semaphore(%run_scoped3A_510 : memref<!tpu.dma_semaphore, #tpu.memory_space<semaphore_mem>>) src(%arg13 : memref<125x64xf32, #tpu.memory_space<vmem>>) dst(%dma_wait3A_522 : memref<10240x64xf32, #tpu.memory_space<vmem_shared>>)
        tpu.yield
      }) : () -> ()
      %add3A_468 = arith.constant 3 : i32
      %add3A_469 = arith.addi %mul3A_373, %add3A_468 : i32
      %add3A_470 = arith.constant 5 : i32
      %add3A_471 = arith.addi %add3A_469, %add3A_470 : i32
      %dma_start3A_472 = arith.constant 0 : i32
      %dma_start3A_473 = tpu.memref_slice %arg9[%add3A_471, %dma_start3A_472] : memref<160x125xi32, #tpu.memory_space<vmem>> -> memref<1x125xi32, #tpu.memory_space<vmem>>
      %dma_start3A_474 = tpu.memref_squeeze %dma_start3A_473 : memref<1x125xi32, #tpu.memory_space<vmem>> -> memref<125xi32, #tpu.memory_space<vmem>>
      %dma_start3A_475 = arith.constant 0 : i32
      %dma_start3A_476 = arith.constant 0 : i32
      %dma_start3A_477 = tpu.memref_slice %arg3[%arg0, %dma_start3A_475, %dma_start3A_476] : memref<2x10000x64xf32, #tpu.memory_space<hbm>> -> memref<1x10000x64xf32, #tpu.memory_space<hbm>>
      %dma_start3A_478 = tpu.memref_squeeze %dma_start3A_477 : memref<1x10000x64xf32, #tpu.memory_space<hbm>> -> memref<10000x64xf32, #tpu.memory_space<hbm>>
      %dma_start3A_479 = arith.constant 0 : i32
      %dma_start3A_480 = arith.constant 0 : i32
      %dma_start3A_481 = tpu.memref_slice %dma_start3A_478[%dma_start3A_479, %dma_start3A_480] : memref<10000x64xf32, #tpu.memory_space<hbm>> -> memref<10000x64xf32, #tpu.memory_space<hbm>>
      tpu.enqueue_indirect_dma source(%dma_start3A_481 : memref<10000x64xf32, #tpu.memory_space<hbm>>) target(%arg13 : memref<125x64xf32, #tpu.memory_space<vmem>>) offsets(%dma_start3A_474 : memref<125xi32, #tpu.memory_space<vmem>>) semaphore(%arg20 : memref<!tpu.dma_semaphore, #tpu.memory_space<semaphore_mem>>)
      %dma_wait3A_482 = arith.constant 0 : i32
      %dma_wait3A_483 = arith.constant 0 : i32
      %dma_wait3A_484 = tpu.memref_slice %arg9[%dma_wait3A_482, %dma_wait3A_483] : memref<160x125xi32, #tpu.memory_space<vmem>> -> memref<1x125xi32, #tpu.memory_space<vmem>>
      %dma_wait3A_485 = tpu.memref_squeeze %dma_wait3A_484 : memref<1x125xi32, #tpu.memory_space<vmem>> -> memref<125xi32, #tpu.memory_space<vmem>>
      %dma_wait3A_486 = arith.constant 0 : i32
      %dma_wait3A_487 = arith.constant 0 : i32
      %dma_wait3A_488 = tpu.memref_slice %arg3[%arg0, %dma_wait3A_486, %dma_wait3A_487] : memref<2x10000x64xf32, #tpu.memory_space<hbm>> -> memref<1x10000x64xf32, #tpu.memory_space<hbm>>
      %dma_wait3A_489 = tpu.memref_squeeze %dma_wait3A_488 : memref<1x10000x64xf32, #tpu.memory_space<hbm>> -> memref<10000x64xf32, #tpu.memory_space<hbm>>
      %dma_wait3A_490 = arith.constant 0 : i32
      %dma_wait3A_491 = arith.constant 0 : i32
      %dma_wait3A_492 = tpu.memref_slice %dma_wait3A_489[%dma_wait3A_490, %dma_wait3A_491] : memref<10000x64xf32, #tpu.memory_space<hbm>> -> memref<10000x64xf32, #tpu.memory_space<hbm>>
      tpu.wait_indirect_dma semaphore(%arg21 : memref<!tpu.dma_semaphore, #tpu.memory_space<semaphore_mem>>) src(%dma_wait3A_492 : memref<10000x64xf32, #tpu.memory_space<hbm>>) dst(%arg14 : memref<125x64xf32, #tpu.memory_space<vmem>>)
      %add3A_493 = arith.constant 4 : i32
      %add3A_494 = arith.addi %mul3A_373, %add3A_493 : i32
      "tpu.region"() ({
        %run_scoped3A_510 = tpu.sem_alloc : memref<!tpu.dma_semaphore, #tpu.memory_space<semaphore_mem>>
        %dma_start3A_511 = arith.constant 0 : i32
        %dma_start3A_512 = tpu.memref_slice %arg8[%add3A_494, %dma_start3A_511] : memref<160x125xi32, #tpu.memory_space<vmem>> -> memref<1x125xi32, #tpu.memory_space<vmem>>
        %dma_start3A_513 = tpu.memref_squeeze %dma_start3A_512 : memref<1x125xi32, #tpu.memory_space<vmem>> -> memref<125xi32, #tpu.memory_space<vmem>>
        %dma_start3A_514 = arith.constant 0 : i32
        %dma_start3A_515 = arith.constant 0 : i32
        %dma_start3A_516 = tpu.memref_slice %arg16[%dma_start3A_514, %dma_start3A_515] : memref<10240x64xf32, #tpu.memory_space<vmem_shared>> -> memref<10240x64xf32, #tpu.memory_space<vmem_shared>>
        tpu.enqueue_indirect_dma source(%arg14 : memref<125x64xf32, #tpu.memory_space<vmem>>) target(%dma_start3A_516 : memref<10240x64xf32, #tpu.memory_space<vmem_shared>>) offsets(%dma_start3A_513 : memref<125xi32, #tpu.memory_space<vmem>>) semaphore(%run_scoped3A_510 : memref<!tpu.dma_semaphore, #tpu.memory_space<semaphore_mem>>) {add = true}
        %dma_wait3A_517 = arith.constant 0 : i32
        %dma_wait3A_518 = tpu.memref_slice %arg8[%add3A_494, %dma_wait3A_517] : memref<160x125xi32, #tpu.memory_space<vmem>> -> memref<1x125xi32, #tpu.memory_space<vmem>>
        %dma_wait3A_519 = tpu.memref_squeeze %dma_wait3A_518 : memref<1x125xi32, #tpu.memory_space<vmem>> -> memref<125xi32, #tpu.memory_space<vmem>>
        %dma_wait3A_520 = arith.constant 0 : i32
        %dma_wait3A_521 = arith.constant 0 : i32
        %dma_wait3A_522 = tpu.memref_slice %arg16[%dma_wait3A_520, %dma_wait3A_521] : memref<10240x64xf32, #tpu.memory_space<vmem_shared>> -> memref<10240x64xf32, #tpu.memory_space<vmem_shared>>
        tpu.wait_indirect_dma semaphore(%run_scoped3A_510 : memref<!tpu.dma_semaphore, #tpu.memory_space<semaphore_mem>>) src(%arg14 : memref<125x64xf32, #tpu.memory_space<vmem>>) dst(%dma_wait3A_522 : memref<10240x64xf32, #tpu.memory_space<vmem_shared>>)
        tpu.yield
      }) : () -> ()
      %add3A_495 = arith.constant 4 : i32
      %add3A_496 = arith.addi %mul3A_373, %add3A_495 : i32
      %add3A_497 = arith.constant 5 : i32
      %add3A_498 = arith.addi %add3A_496, %add3A_497 : i32
      %dma_start3A_499 = arith.constant 0 : i32
      %dma_start3A_500 = tpu.memref_slice %arg9[%add3A_498, %dma_start3A_499] : memref<160x125xi32, #tpu.memory_space<vmem>> -> memref<1x125xi32, #tpu.memory_space<vmem>>
      %dma_start3A_501 = tpu.memref_squeeze %dma_start3A_500 : memref<1x125xi32, #tpu.memory_space<vmem>> -> memref<125xi32, #tpu.memory_space<vmem>>
      %dma_start3A_502 = arith.constant 0 : i32
      %dma_start3A_503 = arith.constant 0 : i32
      %dma_start3A_504 = tpu.memref_slice %arg3[%arg0, %dma_start3A_502, %dma_start3A_503] : memref<2x10000x64xf32, #tpu.memory_space<hbm>> -> memref<1x10000x64xf32, #tpu.memory_space<hbm>>
      %dma_start3A_505 = tpu.memref_squeeze %dma_start3A_504 : memref<1x10000x64xf32, #tpu.memory_space<hbm>> -> memref<10000x64xf32, #tpu.memory_space<hbm>>
      %dma_start3A_506 = arith.constant 0 : i32
      %dma_start3A_507 = arith.constant 0 : i32
      %dma_start3A_508 = tpu.memref_slice %dma_start3A_505[%dma_start3A_506, %dma_start3A_507] : memref<10000x64xf32, #tpu.memory_space<hbm>> -> memref<10000x64xf32, #tpu.memory_space<hbm>>
      tpu.enqueue_indirect_dma source(%dma_start3A_508 : memref<10000x64xf32, #tpu.memory_space<hbm>>) target(%arg14 : memref<125x64xf32, #tpu.memory_space<vmem>>) offsets(%dma_start3A_501 : memref<125xi32, #tpu.memory_space<vmem>>) semaphore(%arg21 : memref<!tpu.dma_semaphore, #tpu.memory_space<semaphore_mem>>)
      %scan3A_509 = arith.constant 0 : i32
      scf.yield %scan3A_509 : i32
    }
    %scan3A_268 = arith.constant 31 : i32
    %dma_wait3A_269 = arith.constant 0 : i32
    %dma_wait3A_270 = arith.constant 0 : i32
    %dma_wait3A_271 = tpu.memref_slice %arg9[%dma_wait3A_269, %dma_wait3A_270] : memref<160x125xi32, #tpu.memory_space<vmem>> -> memref<1x125xi32, #tpu.memory_space<vmem>>
    %dma_wait3A_272 = tpu.memref_squeeze %dma_wait3A_271 : memref<1x125xi32, #tpu.memory_space<vmem>> -> memref<125xi32, #tpu.memory_space<vmem>>
    %dma_wait3A_273 = arith.constant 0 : i32
    %dma_wait3A_274 = arith.constant 0 : i32
    %dma_wait3A_275 = tpu.memref_slice %arg3[%arg0, %dma_wait3A_273, %dma_wait3A_274] : memref<2x10000x64xf32, #tpu.memory_space<hbm>> -> memref<1x10000x64xf32, #tpu.memory_space<hbm>>
    %dma_wait3A_276 = tpu.memref_squeeze %dma_wait3A_275 : memref<1x10000x64xf32, #tpu.memory_space<hbm>> -> memref<10000x64xf32, #tpu.memory_space<hbm>>
    %dma_wait3A_277 = arith.constant 0 : i32
    %dma_wait3A_278 = arith.constant 0 : i32
    %dma_wait3A_279 = tpu.memref_slice %dma_wait3A_276[%dma_wait3A_277, %dma_wait3A_278] : memref<10000x64xf32, #tpu.memory_space<hbm>> -> memref<10000x64xf32, #tpu.memory_space<hbm>>
    tpu.wait_indirect_dma semaphore(%arg17 : memref<!tpu.dma_semaphore, #tpu.memory_space<semaphore_mem>>) src(%dma_wait3A_279 : memref<10000x64xf32, #tpu.memory_space<hbm>>) dst(%arg10 : memref<125x64xf32, #tpu.memory_space<vmem>>)
    %run_scoped3A_280 = arith.constant 155 : i32
    "tpu.region"() ({
      %run_scoped3A_370 = tpu.sem_alloc : memref<!tpu.dma_semaphore, #tpu.memory_space<semaphore_mem>>
      %dma_start3A_371 = arith.constant 0 : i32
      %dma_start3A_372 = tpu.memref_slice %arg8[%run_scoped3A_280, %dma_start3A_371] : memref<160x125xi32, #tpu.memory_space<vmem>> -> memref<1x125xi32, #tpu.memory_space<vmem>>
      %dma_start3A_373 = tpu.memref_squeeze %dma_start3A_372 : memref<1x125xi32, #tpu.memory_space<vmem>> -> memref<125xi32, #tpu.memory_space<vmem>>
      %dma_start3A_374 = arith.constant 0 : i32
      %dma_start3A_375 = arith.constant 0 : i32
      %dma_start3A_376 = tpu.memref_slice %arg16[%dma_start3A_374, %dma_start3A_375] : memref<10240x64xf32, #tpu.memory_space<vmem_shared>> -> memref<10240x64xf32, #tpu.memory_space<vmem_shared>>
      tpu.enqueue_indirect_dma source(%arg10 : memref<125x64xf32, #tpu.memory_space<vmem>>) target(%dma_start3A_376 : memref<10240x64xf32, #tpu.memory_space<vmem_shared>>) offsets(%dma_start3A_373 : memref<125xi32, #tpu.memory_space<vmem>>) semaphore(%run_scoped3A_370 : memref<!tpu.dma_semaphore, #tpu.memory_space<semaphore_mem>>) {add = true}
      %dma_wait3A_377 = arith.constant 0 : i32
      %dma_wait3A_378 = tpu.memref_slice %arg8[%run_scoped3A_280, %dma_wait3A_377] : memref<160x125xi32, #tpu.memory_space<vmem>> -> memref<1x125xi32, #tpu.memory_space<vmem>>
      %dma_wait3A_379 = tpu.memref_squeeze %dma_wait3A_378 : memref<1x125xi32, #tpu.memory_space<vmem>> -> memref<125xi32, #tpu.memory_space<vmem>>
      %dma_wait3A_380 = arith.constant 0 : i32
      %dma_wait3A_381 = arith.constant 0 : i32
      %dma_wait3A_382 = tpu.memref_slice %arg16[%dma_wait3A_380, %dma_wait3A_381] : memref<10240x64xf32, #tpu.memory_space<vmem_shared>> -> memref<10240x64xf32, #tpu.memory_space<vmem_shared>>
      tpu.wait_indirect_dma semaphore(%run_scoped3A_370 : memref<!tpu.dma_semaphore, #tpu.memory_space<semaphore_mem>>) src(%arg10 : memref<125x64xf32, #tpu.memory_space<vmem>>) dst(%dma_wait3A_382 : memref<10240x64xf32, #tpu.memory_space<vmem_shared>>)
      tpu.yield
    }) : () -> ()
    %dma_wait3A_281 = arith.constant 0 : i32
    %dma_wait3A_282 = arith.constant 0 : i32
    %dma_wait3A_283 = tpu.memref_slice %arg9[%dma_wait3A_281, %dma_wait3A_282] : memref<160x125xi32, #tpu.memory_space<vmem>> -> memref<1x125xi32, #tpu.memory_space<vmem>>
    %dma_wait3A_284 = tpu.memref_squeeze %dma_wait3A_283 : memref<1x125xi32, #tpu.memory_space<vmem>> -> memref<125xi32, #tpu.memory_space<vmem>>
    %dma_wait3A_285 = arith.constant 0 : i32
    %dma_wait3A_286 = arith.constant 0 : i32
    %dma_wait3A_287 = tpu.memref_slice %arg3[%arg0, %dma_wait3A_285, %dma_wait3A_286] : memref<2x10000x64xf32, #tpu.memory_space<hbm>> -> memref<1x10000x64xf32, #tpu.memory_space<hbm>>
    %dma_wait3A_288 = tpu.memref_squeeze %dma_wait3A_287 : memref<1x10000x64xf32, #tpu.memory_space<hbm>> -> memref<10000x64xf32, #tpu.memory_space<hbm>>
    %dma_wait3A_289 = arith.constant 0 : i32
    %dma_wait3A_290 = arith.constant 0 : i32
    %dma_wait3A_291 = tpu.memref_slice %dma_wait3A_288[%dma_wait3A_289, %dma_wait3A_290] : memref<10000x64xf32, #tpu.memory_space<hbm>> -> memref<10000x64xf32, #tpu.memory_space<hbm>>
    tpu.wait_indirect_dma semaphore(%arg18 : memref<!tpu.dma_semaphore, #tpu.memory_space<semaphore_mem>>) src(%dma_wait3A_291 : memref<10000x64xf32, #tpu.memory_space<hbm>>) dst(%arg11 : memref<125x64xf32, #tpu.memory_space<vmem>>)
    %run_scoped3A_292 = arith.constant 156 : i32
    "tpu.region"() ({
      %run_scoped3A_370 = tpu.sem_alloc : memref<!tpu.dma_semaphore, #tpu.memory_space<semaphore_mem>>
      %dma_start3A_371 = arith.constant 0 : i32
      %dma_start3A_372 = tpu.memref_slice %arg8[%run_scoped3A_292, %dma_start3A_371] : memref<160x125xi32, #tpu.memory_space<vmem>> -> memref<1x125xi32, #tpu.memory_space<vmem>>
      %dma_start3A_373 = tpu.memref_squeeze %dma_start3A_372 : memref<1x125xi32, #tpu.memory_space<vmem>> -> memref<125xi32, #tpu.memory_space<vmem>>
      %dma_start3A_374 = arith.constant 0 : i32
      %dma_start3A_375 = arith.constant 0 : i32
      %dma_start3A_376 = tpu.memref_slice %arg16[%dma_start3A_374, %dma_start3A_375] : memref<10240x64xf32, #tpu.memory_space<vmem_shared>> -> memref<10240x64xf32, #tpu.memory_space<vmem_shared>>
      tpu.enqueue_indirect_dma source(%arg11 : memref<125x64xf32, #tpu.memory_space<vmem>>) target(%dma_start3A_376 : memref<10240x64xf32, #tpu.memory_space<vmem_shared>>) offsets(%dma_start3A_373 : memref<125xi32, #tpu.memory_space<vmem>>) semaphore(%run_scoped3A_370 : memref<!tpu.dma_semaphore, #tpu.memory_space<semaphore_mem>>) {add = true}
      %dma_wait3A_377 = arith.constant 0 : i32
      %dma_wait3A_378 = tpu.memref_slice %arg8[%run_scoped3A_292, %dma_wait3A_377] : memref<160x125xi32, #tpu.memory_space<vmem>> -> memref<1x125xi32, #tpu.memory_space<vmem>>
      %dma_wait3A_379 = tpu.memref_squeeze %dma_wait3A_378 : memref<1x125xi32, #tpu.memory_space<vmem>> -> memref<125xi32, #tpu.memory_space<vmem>>
      %dma_wait3A_380 = arith.constant 0 : i32
      %dma_wait3A_381 = arith.constant 0 : i32
      %dma_wait3A_382 = tpu.memref_slice %arg16[%dma_wait3A_380, %dma_wait3A_381] : memref<10240x64xf32, #tpu.memory_space<vmem_shared>> -> memref<10240x64xf32, #tpu.memory_space<vmem_shared>>
      tpu.wait_indirect_dma semaphore(%run_scoped3A_370 : memref<!tpu.dma_semaphore, #tpu.memory_space<semaphore_mem>>) src(%arg11 : memref<125x64xf32, #tpu.memory_space<vmem>>) dst(%dma_wait3A_382 : memref<10240x64xf32, #tpu.memory_space<vmem_shared>>)
      tpu.yield
    }) : () -> ()
    %dma_wait3A_293 = arith.constant 0 : i32
    %dma_wait3A_294 = arith.constant 0 : i32
    %dma_wait3A_295 = tpu.memref_slice %arg9[%dma_wait3A_293, %dma_wait3A_294] : memref<160x125xi32, #tpu.memory_space<vmem>> -> memref<1x125xi32, #tpu.memory_space<vmem>>
    %dma_wait3A_296 = tpu.memref_squeeze %dma_wait3A_295 : memref<1x125xi32, #tpu.memory_space<vmem>> -> memref<125xi32, #tpu.memory_space<vmem>>
    %dma_wait3A_297 = arith.constant 0 : i32
    %dma_wait3A_298 = arith.constant 0 : i32
    %dma_wait3A_299 = tpu.memref_slice %arg3[%arg0, %dma_wait3A_297, %dma_wait3A_298] : memref<2x10000x64xf32, #tpu.memory_space<hbm>> -> memref<1x10000x64xf32, #tpu.memory_space<hbm>>
    %dma_wait3A_300 = tpu.memref_squeeze %dma_wait3A_299 : memref<1x10000x64xf32, #tpu.memory_space<hbm>> -> memref<10000x64xf32, #tpu.memory_space<hbm>>
    %dma_wait3A_301 = arith.constant 0 : i32
    %dma_wait3A_302 = arith.constant 0 : i32
    %dma_wait3A_303 = tpu.memref_slice %dma_wait3A_300[%dma_wait3A_301, %dma_wait3A_302] : memref<10000x64xf32, #tpu.memory_space<hbm>> -> memref<10000x64xf32, #tpu.memory_space<hbm>>
    tpu.wait_indirect_dma semaphore(%arg19 : memref<!tpu.dma_semaphore, #tpu.memory_space<semaphore_mem>>) src(%dma_wait3A_303 : memref<10000x64xf32, #tpu.memory_space<hbm>>) dst(%arg12 : memref<125x64xf32, #tpu.memory_space<vmem>>)
    %run_scoped3A_304 = arith.constant 157 : i32
    "tpu.region"() ({
      %run_scoped3A_370 = tpu.sem_alloc : memref<!tpu.dma_semaphore, #tpu.memory_space<semaphore_mem>>
      %dma_start3A_371 = arith.constant 0 : i32
      %dma_start3A_372 = tpu.memref_slice %arg8[%run_scoped3A_304, %dma_start3A_371] : memref<160x125xi32, #tpu.memory_space<vmem>> -> memref<1x125xi32, #tpu.memory_space<vmem>>
      %dma_start3A_373 = tpu.memref_squeeze %dma_start3A_372 : memref<1x125xi32, #tpu.memory_space<vmem>> -> memref<125xi32, #tpu.memory_space<vmem>>
      %dma_start3A_374 = arith.constant 0 : i32
      %dma_start3A_375 = arith.constant 0 : i32
      %dma_start3A_376 = tpu.memref_slice %arg16[%dma_start3A_374, %dma_start3A_375] : memref<10240x64xf32, #tpu.memory_space<vmem_shared>> -> memref<10240x64xf32, #tpu.memory_space<vmem_shared>>
      tpu.enqueue_indirect_dma source(%arg12 : memref<125x64xf32, #tpu.memory_space<vmem>>) target(%dma_start3A_376 : memref<10240x64xf32, #tpu.memory_space<vmem_shared>>) offsets(%dma_start3A_373 : memref<125xi32, #tpu.memory_space<vmem>>) semaphore(%run_scoped3A_370 : memref<!tpu.dma_semaphore, #tpu.memory_space<semaphore_mem>>) {add = true}
      %dma_wait3A_377 = arith.constant 0 : i32
      %dma_wait3A_378 = tpu.memref_slice %arg8[%run_scoped3A_304, %dma_wait3A_377] : memref<160x125xi32, #tpu.memory_space<vmem>> -> memref<1x125xi32, #tpu.memory_space<vmem>>
      %dma_wait3A_379 = tpu.memref_squeeze %dma_wait3A_378 : memref<1x125xi32, #tpu.memory_space<vmem>> -> memref<125xi32, #tpu.memory_space<vmem>>
      %dma_wait3A_380 = arith.constant 0 : i32
      %dma_wait3A_381 = arith.constant 0 : i32
      %dma_wait3A_382 = tpu.memref_slice %arg16[%dma_wait3A_380, %dma_wait3A_381] : memref<10240x64xf32, #tpu.memory_space<vmem_shared>> -> memref<10240x64xf32, #tpu.memory_space<vmem_shared>>
      tpu.wait_indirect_dma semaphore(%run_scoped3A_370 : memref<!tpu.dma_semaphore, #tpu.memory_space<semaphore_mem>>) src(%arg12 : memref<125x64xf32, #tpu.memory_space<vmem>>) dst(%dma_wait3A_382 : memref<10240x64xf32, #tpu.memory_space<vmem_shared>>)
      tpu.yield
    }) : () -> ()
    %dma_wait3A_305 = arith.constant 0 : i32
    %dma_wait3A_306 = arith.constant 0 : i32
    %dma_wait3A_307 = tpu.memref_slice %arg9[%dma_wait3A_305, %dma_wait3A_306] : memref<160x125xi32, #tpu.memory_space<vmem>> -> memref<1x125xi32, #tpu.memory_space<vmem>>
    %dma_wait3A_308 = tpu.memref_squeeze %dma_wait3A_307 : memref<1x125xi32, #tpu.memory_space<vmem>> -> memref<125xi32, #tpu.memory_space<vmem>>
    %dma_wait3A_309 = arith.constant 0 : i32
    %dma_wait3A_310 = arith.constant 0 : i32
    %dma_wait3A_311 = tpu.memref_slice %arg3[%arg0, %dma_wait3A_309, %dma_wait3A_310] : memref<2x10000x64xf32, #tpu.memory_space<hbm>> -> memref<1x10000x64xf32, #tpu.memory_space<hbm>>
    %dma_wait3A_312 = tpu.memref_squeeze %dma_wait3A_311 : memref<1x10000x64xf32, #tpu.memory_space<hbm>> -> memref<10000x64xf32, #tpu.memory_space<hbm>>
    %dma_wait3A_313 = arith.constant 0 : i32
    %dma_wait3A_314 = arith.constant 0 : i32
    %dma_wait3A_315 = tpu.memref_slice %dma_wait3A_312[%dma_wait3A_313, %dma_wait3A_314] : memref<10000x64xf32, #tpu.memory_space<hbm>> -> memref<10000x64xf32, #tpu.memory_space<hbm>>
    tpu.wait_indirect_dma semaphore(%arg20 : memref<!tpu.dma_semaphore, #tpu.memory_space<semaphore_mem>>) src(%dma_wait3A_315 : memref<10000x64xf32, #tpu.memory_space<hbm>>) dst(%arg13 : memref<125x64xf32, #tpu.memory_space<vmem>>)
    %run_scoped3A_316 = arith.constant 158 : i32
    "tpu.region"() ({
      %run_scoped3A_370 = tpu.sem_alloc : memref<!tpu.dma_semaphore, #tpu.memory_space<semaphore_mem>>
      %dma_start3A_371 = arith.constant 0 : i32
      %dma_start3A_372 = tpu.memref_slice %arg8[%run_scoped3A_316, %dma_start3A_371] : memref<160x125xi32, #tpu.memory_space<vmem>> -> memref<1x125xi32, #tpu.memory_space<vmem>>
      %dma_start3A_373 = tpu.memref_squeeze %dma_start3A_372 : memref<1x125xi32, #tpu.memory_space<vmem>> -> memref<125xi32, #tpu.memory_space<vmem>>
      %dma_start3A_374 = arith.constant 0 : i32
      %dma_start3A_375 = arith.constant 0 : i32
      %dma_start3A_376 = tpu.memref_slice %arg16[%dma_start3A_374, %dma_start3A_375] : memref<10240x64xf32, #tpu.memory_space<vmem_shared>> -> memref<10240x64xf32, #tpu.memory_space<vmem_shared>>
      tpu.enqueue_indirect_dma source(%arg13 : memref<125x64xf32, #tpu.memory_space<vmem>>) target(%dma_start3A_376 : memref<10240x64xf32, #tpu.memory_space<vmem_shared>>) offsets(%dma_start3A_373 : memref<125xi32, #tpu.memory_space<vmem>>) semaphore(%run_scoped3A_370 : memref<!tpu.dma_semaphore, #tpu.memory_space<semaphore_mem>>) {add = true}
      %dma_wait3A_377 = arith.constant 0 : i32
      %dma_wait3A_378 = tpu.memref_slice %arg8[%run_scoped3A_316, %dma_wait3A_377] : memref<160x125xi32, #tpu.memory_space<vmem>> -> memref<1x125xi32, #tpu.memory_space<vmem>>
      %dma_wait3A_379 = tpu.memref_squeeze %dma_wait3A_378 : memref<1x125xi32, #tpu.memory_space<vmem>> -> memref<125xi32, #tpu.memory_space<vmem>>
      %dma_wait3A_380 = arith.constant 0 : i32
      %dma_wait3A_381 = arith.constant 0 : i32
      %dma_wait3A_382 = tpu.memref_slice %arg16[%dma_wait3A_380, %dma_wait3A_381] : memref<10240x64xf32, #tpu.memory_space<vmem_shared>> -> memref<10240x64xf32, #tpu.memory_space<vmem_shared>>
      tpu.wait_indirect_dma semaphore(%run_scoped3A_370 : memref<!tpu.dma_semaphore, #tpu.memory_space<semaphore_mem>>) src(%arg13 : memref<125x64xf32, #tpu.memory_space<vmem>>) dst(%dma_wait3A_382 : memref<10240x64xf32, #tpu.memory_space<vmem_shared>>)
      tpu.yield
    }) : () -> ()
    %dma_wait3A_317 = arith.constant 0 : i32
    %dma_wait3A_318 = arith.constant 0 : i32
    %dma_wait3A_319 = tpu.memref_slice %arg9[%dma_wait3A_317, %dma_wait3A_318] : memref<160x125xi32, #tpu.memory_space<vmem>> -> memref<1x125xi32, #tpu.memory_space<vmem>>
    %dma_wait3A_320 = tpu.memref_squeeze %dma_wait3A_319 : memref<1x125xi32, #tpu.memory_space<vmem>> -> memref<125xi32, #tpu.memory_space<vmem>>
    %dma_wait3A_321 = arith.constant 0 : i32
    %dma_wait3A_322 = arith.constant 0 : i32
    %dma_wait3A_323 = tpu.memref_slice %arg3[%arg0, %dma_wait3A_321, %dma_wait3A_322] : memref<2x10000x64xf32, #tpu.memory_space<hbm>> -> memref<1x10000x64xf32, #tpu.memory_space<hbm>>
    %dma_wait3A_324 = tpu.memref_squeeze %dma_wait3A_323 : memref<1x10000x64xf32, #tpu.memory_space<hbm>> -> memref<10000x64xf32, #tpu.memory_space<hbm>>
    %dma_wait3A_325 = arith.constant 0 : i32
    %dma_wait3A_326 = arith.constant 0 : i32
    %dma_wait3A_327 = tpu.memref_slice %dma_wait3A_324[%dma_wait3A_325, %dma_wait3A_326] : memref<10000x64xf32, #tpu.memory_space<hbm>> -> memref<10000x64xf32, #tpu.memory_space<hbm>>
    tpu.wait_indirect_dma semaphore(%arg21 : memref<!tpu.dma_semaphore, #tpu.memory_space<semaphore_mem>>) src(%dma_wait3A_327 : memref<10000x64xf32, #tpu.memory_space<hbm>>) dst(%arg14 : memref<125x64xf32, #tpu.memory_space<vmem>>)
    %run_scoped3A_328 = arith.constant 159 : i32
    "tpu.region"() ({
      %run_scoped3A_370 = tpu.sem_alloc : memref<!tpu.dma_semaphore, #tpu.memory_space<semaphore_mem>>
      %dma_start3A_371 = arith.constant 0 : i32
      %dma_start3A_372 = tpu.memref_slice %arg8[%run_scoped3A_328, %dma_start3A_371] : memref<160x125xi32, #tpu.memory_space<vmem>> -> memref<1x125xi32, #tpu.memory_space<vmem>>
      %dma_start3A_373 = tpu.memref_squeeze %dma_start3A_372 : memref<1x125xi32, #tpu.memory_space<vmem>> -> memref<125xi32, #tpu.memory_space<vmem>>
      %dma_start3A_374 = arith.constant 0 : i32
      %dma_start3A_375 = arith.constant 0 : i32
      %dma_start3A_376 = tpu.memref_slice %arg16[%dma_start3A_374, %dma_start3A_375] : memref<10240x64xf32, #tpu.memory_space<vmem_shared>> -> memref<10240x64xf32, #tpu.memory_space<vmem_shared>>
      tpu.enqueue_indirect_dma source(%arg14 : memref<125x64xf32, #tpu.memory_space<vmem>>) target(%dma_start3A_376 : memref<10240x64xf32, #tpu.memory_space<vmem_shared>>) offsets(%dma_start3A_373 : memref<125xi32, #tpu.memory_space<vmem>>) semaphore(%run_scoped3A_370 : memref<!tpu.dma_semaphore, #tpu.memory_space<semaphore_mem>>) {add = true}
      %dma_wait3A_377 = arith.constant 0 : i32
      %dma_wait3A_378 = tpu.memref_slice %arg8[%run_scoped3A_328, %dma_wait3A_377] : memref<160x125xi32, #tpu.memory_space<vmem>> -> memref<1x125xi32, #tpu.memory_space<vmem>>
      %dma_wait3A_379 = tpu.memref_squeeze %dma_wait3A_378 : memref<1x125xi32, #tpu.memory_space<vmem>> -> memref<125xi32, #tpu.memory_space<vmem>>
      %dma_wait3A_380 = arith.constant 0 : i32
      %dma_wait3A_381 = arith.constant 0 : i32
      %dma_wait3A_382 = tpu.memref_slice %arg16[%dma_wait3A_380, %dma_wait3A_381] : memref<10240x64xf32, #tpu.memory_space<vmem_shared>> -> memref<10240x64xf32, #tpu.memory_space<vmem_shared>>
      tpu.wait_indirect_dma semaphore(%run_scoped3A_370 : memref<!tpu.dma_semaphore, #tpu.memory_space<semaphore_mem>>) src(%arg14 : memref<125x64xf32, #tpu.memory_space<vmem>>) dst(%dma_wait3A_382 : memref<10240x64xf32, #tpu.memory_space<vmem_shared>>)
      tpu.yield
    }) : () -> ()
    %barrier3A_329 = arith.constant 0 : index
    tpu.barrier barrier_id(%barrier3A_329)
    %mul3A_330 = arith.constant 640 : i32
    %mul3A_331 = arith.muli %arg1, %mul3A_330 : i32
    %add3A_332 = arith.constant 0 : i32
    %add3A_333 = arith.addi %mul3A_331, %add3A_332 : i32
    %mul3A_334 = arith.constant 5 : i32
    %mul3A_335 = arith.muli %arg1, %mul3A_334 : i32
    %add3A_336 = arith.constant 0 : i32
    %add3A_337 = arith.addi %mul3A_335, %add3A_336 : i32
    "tpu.region"() ({
      %run_scoped3A_370 = tpu.sem_alloc : memref<!tpu.dma_semaphore, #tpu.memory_space<semaphore_mem>>
      %dma_start3A_371 = arith.constant 0 : i32
      %dma_start3A_372 = arith.constant 0 : i32
      %dma_start3A_373 = tpu.memref_slice %arg7[%arg0, %add3A_337, %dma_start3A_371, %dma_start3A_372] : memref<2x80x128x64xf32, #tpu.memory_space<hbm>> -> memref<1x1x128x64xf32, #tpu.memory_space<hbm>>
      %dma_start3A_374 = tpu.memref_squeeze %dma_start3A_373 : memref<1x1x128x64xf32, #tpu.memory_space<hbm>> -> memref<128x64xf32, #tpu.memory_space<hbm>>
      %dma_start3A_375 = arith.constant 0 : i32
      %dma_start3A_376 = tpu.memref_slice %arg16[%add3A_333, %dma_start3A_375] : memref<10240x64xf32, #tpu.memory_space<vmem_shared>> -> memref<128x64xf32, #tpu.memory_space<vmem_shared>>
      tpu.enqueue_dma source(%dma_start3A_376 : memref<128x64xf32, #tpu.memory_space<vmem_shared>>) target(%dma_start3A_374 : memref<128x64xf32, #tpu.memory_space<hbm>>) target_semaphore(%run_scoped3A_370 : memref<!tpu.dma_semaphore, #tpu.memory_space<semaphore_mem>>)
      %dma_wait3A_377 = arith.constant 0 : i32
      %dma_wait3A_378 = arith.constant 0 : i32
      %dma_wait3A_379 = tpu.memref_slice %arg7[%arg0, %add3A_337, %dma_wait3A_377, %dma_wait3A_378] : memref<2x80x128x64xf32, #tpu.memory_space<hbm>> -> memref<1x1x128x64xf32, #tpu.memory_space<hbm>>
      %dma_wait3A_380 = tpu.memref_squeeze %dma_wait3A_379 : memref<1x1x128x64xf32, #tpu.memory_space<hbm>> -> memref<128x64xf32, #tpu.memory_space<hbm>>
      %dma_wait3A_381 = arith.constant 0 : i32
      %dma_wait3A_382 = tpu.memref_slice %arg16[%add3A_333, %dma_wait3A_381] : memref<10240x64xf32, #tpu.memory_space<vmem_shared>> -> memref<128x64xf32, #tpu.memory_space<vmem_shared>>
      tpu.wait_dma2 semaphore(%run_scoped3A_370 : memref<!tpu.dma_semaphore, #tpu.memory_space<semaphore_mem>>) src(%dma_wait3A_382 : memref<128x64xf32, #tpu.memory_space<vmem_shared>>) dst(%dma_wait3A_380 : memref<128x64xf32, #tpu.memory_space<hbm>>)
      tpu.yield
    }) : () -> ()
    %mul3A_338 = arith.constant 640 : i32
    %mul3A_339 = arith.muli %arg1, %mul3A_338 : i32
    %add3A_340 = arith.constant 128 : i32
    %add3A_341 = arith.addi %mul3A_339, %add3A_340 : i32
    %mul3A_342 = arith.constant 5 : i32
    %mul3A_343 = arith.muli %arg1, %mul3A_342 : i32
    %add3A_344 = arith.constant 1 : i32
    %add3A_345 = arith.addi %mul3A_343, %add3A_344 : i32
    "tpu.region"() ({
      %run_scoped3A_370 = tpu.sem_alloc : memref<!tpu.dma_semaphore, #tpu.memory_space<semaphore_mem>>
      %dma_start3A_371 = arith.constant 0 : i32
      %dma_start3A_372 = arith.constant 0 : i32
      %dma_start3A_373 = tpu.memref_slice %arg7[%arg0, %add3A_345, %dma_start3A_371, %dma_start3A_372] : memref<2x80x128x64xf32, #tpu.memory_space<hbm>> -> memref<1x1x128x64xf32, #tpu.memory_space<hbm>>
      %dma_start3A_374 = tpu.memref_squeeze %dma_start3A_373 : memref<1x1x128x64xf32, #tpu.memory_space<hbm>> -> memref<128x64xf32, #tpu.memory_space<hbm>>
      %dma_start3A_375 = arith.constant 0 : i32
      %dma_start3A_376 = tpu.memref_slice %arg16[%add3A_341, %dma_start3A_375] : memref<10240x64xf32, #tpu.memory_space<vmem_shared>> -> memref<128x64xf32, #tpu.memory_space<vmem_shared>>
      tpu.enqueue_dma source(%dma_start3A_376 : memref<128x64xf32, #tpu.memory_space<vmem_shared>>) target(%dma_start3A_374 : memref<128x64xf32, #tpu.memory_space<hbm>>) target_semaphore(%run_scoped3A_370 : memref<!tpu.dma_semaphore, #tpu.memory_space<semaphore_mem>>)
      %dma_wait3A_377 = arith.constant 0 : i32
      %dma_wait3A_378 = arith.constant 0 : i32
      %dma_wait3A_379 = tpu.memref_slice %arg7[%arg0, %add3A_345, %dma_wait3A_377, %dma_wait3A_378] : memref<2x80x128x64xf32, #tpu.memory_space<hbm>> -> memref<1x1x128x64xf32, #tpu.memory_space<hbm>>
      %dma_wait3A_380 = tpu.memref_squeeze %dma_wait3A_379 : memref<1x1x128x64xf32, #tpu.memory_space<hbm>> -> memref<128x64xf32, #tpu.memory_space<hbm>>
      %dma_wait3A_381 = arith.constant 0 : i32
      %dma_wait3A_382 = tpu.memref_slice %arg16[%add3A_341, %dma_wait3A_381] : memref<10240x64xf32, #tpu.memory_space<vmem_shared>> -> memref<128x64xf32, #tpu.memory_space<vmem_shared>>
      tpu.wait_dma2 semaphore(%run_scoped3A_370 : memref<!tpu.dma_semaphore, #tpu.memory_space<semaphore_mem>>) src(%dma_wait3A_382 : memref<128x64xf32, #tpu.memory_space<vmem_shared>>) dst(%dma_wait3A_380 : memref<128x64xf32, #tpu.memory_space<hbm>>)
      tpu.yield
    }) : () -> ()
    %mul3A_346 = arith.constant 640 : i32
    %mul3A_347 = arith.muli %arg1, %mul3A_346 : i32
    %add3A_348 = arith.constant 256 : i32
    %add3A_349 = arith.addi %mul3A_347, %add3A_348 : i32
    %mul3A_350 = arith.constant 5 : i32
    %mul3A_351 = arith.muli %arg1, %mul3A_350 : i32
    %add3A_352 = arith.constant 2 : i32
    %add3A_353 = arith.addi %mul3A_351, %add3A_352 : i32
    "tpu.region"() ({
      %run_scoped3A_370 = tpu.sem_alloc : memref<!tpu.dma_semaphore, #tpu.memory_space<semaphore_mem>>
      %dma_start3A_371 = arith.constant 0 : i32
      %dma_start3A_372 = arith.constant 0 : i32
      %dma_start3A_373 = tpu.memref_slice %arg7[%arg0, %add3A_353, %dma_start3A_371, %dma_start3A_372] : memref<2x80x128x64xf32, #tpu.memory_space<hbm>> -> memref<1x1x128x64xf32, #tpu.memory_space<hbm>>
      %dma_start3A_374 = tpu.memref_squeeze %dma_start3A_373 : memref<1x1x128x64xf32, #tpu.memory_space<hbm>> -> memref<128x64xf32, #tpu.memory_space<hbm>>
      %dma_start3A_375 = arith.constant 0 : i32
      %dma_start3A_376 = tpu.memref_slice %arg16[%add3A_349, %dma_start3A_375] : memref<10240x64xf32, #tpu.memory_space<vmem_shared>> -> memref<128x64xf32, #tpu.memory_space<vmem_shared>>
      tpu.enqueue_dma source(%dma_start3A_376 : memref<128x64xf32, #tpu.memory_space<vmem_shared>>) target(%dma_start3A_374 : memref<128x64xf32, #tpu.memory_space<hbm>>) target_semaphore(%run_scoped3A_370 : memref<!tpu.dma_semaphore, #tpu.memory_space<semaphore_mem>>)
      %dma_wait3A_377 = arith.constant 0 : i32
      %dma_wait3A_378 = arith.constant 0 : i32
      %dma_wait3A_379 = tpu.memref_slice %arg7[%arg0, %add3A_353, %dma_wait3A_377, %dma_wait3A_378] : memref<2x80x128x64xf32, #tpu.memory_space<hbm>> -> memref<1x1x128x64xf32, #tpu.memory_space<hbm>>
      %dma_wait3A_380 = tpu.memref_squeeze %dma_wait3A_379 : memref<1x1x128x64xf32, #tpu.memory_space<hbm>> -> memref<128x64xf32, #tpu.memory_space<hbm>>
      %dma_wait3A_381 = arith.constant 0 : i32
      %dma_wait3A_382 = tpu.memref_slice %arg16[%add3A_349, %dma_wait3A_381] : memref<10240x64xf32, #tpu.memory_space<vmem_shared>> -> memref<128x64xf32, #tpu.memory_space<vmem_shared>>
      tpu.wait_dma2 semaphore(%run_scoped3A_370 : memref<!tpu.dma_semaphore, #tpu.memory_space<semaphore_mem>>) src(%dma_wait3A_382 : memref<128x64xf32, #tpu.memory_space<vmem_shared>>) dst(%dma_wait3A_380 : memref<128x64xf32, #tpu.memory_space<hbm>>)
      tpu.yield
    }) : () -> ()
    %mul3A_354 = arith.constant 640 : i32
    %mul3A_355 = arith.muli %arg1, %mul3A_354 : i32
    %add3A_356 = arith.constant 384 : i32
    %add3A_357 = arith.addi %mul3A_355, %add3A_356 : i32
    %mul3A_358 = arith.constant 5 : i32
    %mul3A_359 = arith.muli %arg1, %mul3A_358 : i32
    %add3A_360 = arith.constant 3 : i32
    %add3A_361 = arith.addi %mul3A_359, %add3A_360 : i32
    "tpu.region"() ({
      %run_scoped3A_370 = tpu.sem_alloc : memref<!tpu.dma_semaphore, #tpu.memory_space<semaphore_mem>>
      %dma_start3A_371 = arith.constant 0 : i32
      %dma_start3A_372 = arith.constant 0 : i32
      %dma_start3A_373 = tpu.memref_slice %arg7[%arg0, %add3A_361, %dma_start3A_371, %dma_start3A_372] : memref<2x80x128x64xf32, #tpu.memory_space<hbm>> -> memref<1x1x128x64xf32, #tpu.memory_space<hbm>>
      %dma_start3A_374 = tpu.memref_squeeze %dma_start3A_373 : memref<1x1x128x64xf32, #tpu.memory_space<hbm>> -> memref<128x64xf32, #tpu.memory_space<hbm>>
      %dma_start3A_375 = arith.constant 0 : i32
      %dma_start3A_376 = tpu.memref_slice %arg16[%add3A_357, %dma_start3A_375] : memref<10240x64xf32, #tpu.memory_space<vmem_shared>> -> memref<128x64xf32, #tpu.memory_space<vmem_shared>>
      tpu.enqueue_dma source(%dma_start3A_376 : memref<128x64xf32, #tpu.memory_space<vmem_shared>>) target(%dma_start3A_374 : memref<128x64xf32, #tpu.memory_space<hbm>>) target_semaphore(%run_scoped3A_370 : memref<!tpu.dma_semaphore, #tpu.memory_space<semaphore_mem>>)
      %dma_wait3A_377 = arith.constant 0 : i32
      %dma_wait3A_378 = arith.constant 0 : i32
      %dma_wait3A_379 = tpu.memref_slice %arg7[%arg0, %add3A_361, %dma_wait3A_377, %dma_wait3A_378] : memref<2x80x128x64xf32, #tpu.memory_space<hbm>> -> memref<1x1x128x64xf32, #tpu.memory_space<hbm>>
      %dma_wait3A_380 = tpu.memref_squeeze %dma_wait3A_379 : memref<1x1x128x64xf32, #tpu.memory_space<hbm>> -> memref<128x64xf32, #tpu.memory_space<hbm>>
      %dma_wait3A_381 = arith.constant 0 : i32
      %dma_wait3A_382 = tpu.memref_slice %arg16[%add3A_357, %dma_wait3A_381] : memref<10240x64xf32, #tpu.memory_space<vmem_shared>> -> memref<128x64xf32, #tpu.memory_space<vmem_shared>>
      tpu.wait_dma2 semaphore(%run_scoped3A_370 : memref<!tpu.dma_semaphore, #tpu.memory_space<semaphore_mem>>) src(%dma_wait3A_382 : memref<128x64xf32, #tpu.memory_space<vmem_shared>>) dst(%dma_wait3A_380 : memref<128x64xf32, #tpu.memory_space<hbm>>)
      tpu.yield
    }) : () -> ()
    %mul3A_362 = arith.constant 640 : i32
    %mul3A_363 = arith.muli %arg1, %mul3A_362 : i32
    %add3A_364 = arith.constant 512 : i32
    %add3A_365 = arith.addi %mul3A_363, %add3A_364 : i32
    %mul3A_366 = arith.constant 5 : i32
    %mul3A_367 = arith.muli %arg1, %mul3A_366 : i32
    %add3A_368 = arith.constant 4 : i32
    %add3A_369 = arith.addi %mul3A_367, %add3A_368 : i32
    "tpu.region"() ({
      %run_scoped3A_370 = tpu.sem_alloc : memref<!tpu.dma_semaphore, #tpu.memory_space<semaphore_mem>>
      %dma_start3A_371 = arith.constant 0 : i32
      %dma_start3A_372 = arith.constant 0 : i32
      %dma_start3A_373 = tpu.memref_slice %arg7[%arg0, %add3A_369, %dma_start3A_371, %dma_start3A_372] : memref<2x80x128x64xf32, #tpu.memory_space<hbm>> -> memref<1x1x128x64xf32, #tpu.memory_space<hbm>>
      %dma_start3A_374 = tpu.memref_squeeze %dma_start3A_373 : memref<1x1x128x64xf32, #tpu.memory_space<hbm>> -> memref<128x64xf32, #tpu.memory_space<hbm>>
      %dma_start3A_375 = arith.constant 0 : i32
      %dma_start3A_376 = tpu.memref_slice %arg16[%add3A_365, %dma_start3A_375] : memref<10240x64xf32, #tpu.memory_space<vmem_shared>> -> memref<128x64xf32, #tpu.memory_space<vmem_shared>>
      tpu.enqueue_dma source(%dma_start3A_376 : memref<128x64xf32, #tpu.memory_space<vmem_shared>>) target(%dma_start3A_374 : memref<128x64xf32, #tpu.memory_space<hbm>>) target_semaphore(%run_scoped3A_370 : memref<!tpu.dma_semaphore, #tpu.memory_space<semaphore_mem>>)
      %dma_wait3A_377 = arith.constant 0 : i32
      %dma_wait3A_378 = arith.constant 0 : i32
      %dma_wait3A_379 = tpu.memref_slice %arg7[%arg0, %add3A_369, %dma_wait3A_377, %dma_wait3A_378] : memref<2x80x128x64xf32, #tpu.memory_space<hbm>> -> memref<1x1x128x64xf32, #tpu.memory_space<hbm>>
      %dma_wait3A_380 = tpu.memref_squeeze %dma_wait3A_379 : memref<1x1x128x64xf32, #tpu.memory_space<hbm>> -> memref<128x64xf32, #tpu.memory_space<hbm>>
      %dma_wait3A_381 = arith.constant 0 : i32
      %dma_wait3A_382 = tpu.memref_slice %arg16[%add3A_365, %dma_wait3A_381] : memref<10240x64xf32, #tpu.memory_space<vmem_shared>> -> memref<128x64xf32, #tpu.memory_space<vmem_shared>>
      tpu.wait_dma2 semaphore(%run_scoped3A_370 : memref<!tpu.dma_semaphore, #tpu.memory_space<semaphore_mem>>) src(%dma_wait3A_382 : memref<128x64xf32, #tpu.memory_space<vmem_shared>>) dst(%dma_wait3A_380 : memref<128x64xf32, #tpu.memory_space<hbm>>)
      tpu.yield
    }) : () -> ()
    return
  }
}

#map = affine_map<(d0, d1) -> (0, 0, 0)>
#map1 = affine_map<(d0, d1) -> (0, 0, 0, 0)>
module attributes {stable_mosaic.version = 14 : i64} {
  func.func @agg(%arg0: i32, %arg1: i32, %arg2: memref<2x10000x64xf32, #tpu.memory_space<hbm>>, %arg3: memref<16x160x125xi32, #tpu.memory_space<hbm>>, %arg4: memref<16x160x125xi32, #tpu.memory_space<hbm>>, %arg5: memref<2x80x128x64xf32, #tpu.memory_space<hbm>>, %arg6: memref<160x125xi32, #tpu.memory_space<vmem>>, %arg7: memref<160x125xi32, #tpu.memory_space<vmem>>, %arg8: memref<125x64xf32, #tpu.memory_space<vmem>>, %arg9: memref<125x64xf32, #tpu.memory_space<vmem>>, %arg10: memref<125x64xf32, #tpu.memory_space<vmem>>, %arg11: memref<125x64xf32, #tpu.memory_space<vmem>>, %arg12: memref<125x64xf32, #tpu.memory_space<vmem>>, %arg13: memref<128x64xf32, #tpu.memory_space<vmem>>, %arg14: memref<10240x64xf32, #tpu.memory_space<vmem_shared>>, %arg15: memref<!tpu.dma_semaphore, #tpu.memory_space<semaphore_mem>>, %arg16: memref<!tpu.dma_semaphore, #tpu.memory_space<semaphore_mem>>, %arg17: memref<!tpu.dma_semaphore, #tpu.memory_space<semaphore_mem>>, %arg18: memref<!tpu.dma_semaphore, #tpu.memory_space<semaphore_mem>>, %arg19: memref<!tpu.dma_semaphore, #tpu.memory_space<semaphore_mem>>) attributes {dimension_semantics = [#tpu.dimension_semantics<core_parallel>, #tpu.dimension_semantics<subcore_parallel>], iteration_bounds = array<i64: 2, 16>, scalar_prefetch = 0 : i64, scratch_operands = 14 : i64, tpu.core_type = #tpu.core_type<sc_vector_subcore>, window_params = [{transform_indices = #map}, {transform_indices = #map}, {transform_indices = #map}, {transform_indices = #map1}]} {
    %broadcast_in_dim3A = arith.constant 0.000000e+00 : f32
    %broadcast_in_dim3A_0 = vector.broadcast %broadcast_in_dim3A : f32 to vector<16xf32>
    %scan3A = arith.constant 0 : i32
    %scan3A_1 = arith.constant 0 : i32
    %scan3A_2 = arith.constant 128 : i32
    %scan3A_3 = arith.addi %scan3A_1, %scan3A_2 : i32
    %scan3A_4 = arith.constant 1 : i32
    %scan3A_5 = scf.for %scan3A_185 = %scan3A_1 to %scan3A_3 step %scan3A_4 iter_args(%scan3A_186 = %scan3A) -> (i32)  : i32 {
      %scan3A_187 = arith.constant 0 : i32
      %scan3A_188 = arith.constant 0 : i32
      %scan3A_189 = arith.constant 4 : i32
      %scan3A_190 = arith.addi %scan3A_188, %scan3A_189 : i32
      %scan3A_191 = arith.constant 1 : i32
      %scan3A_192 = scf.for %scan3A_194 = %scan3A_188 to %scan3A_190 step %scan3A_191 iter_args(%scan3A_195 = %scan3A_187) -> (i32)  : i32 {
        %mul3A_196 = arith.constant 16 : i32
        %mul3A_197 = arith.muli %scan3A_194, %mul3A_196 : i32
        %swap3A = arith.index_cast %scan3A_185 : i32 to index
        %swap3A_198 = arith.index_cast %mul3A_197 : i32 to index
        %swap3A_199 = tpu.vector_load %arg13[%swap3A, %swap3A_198] {strides = array<i32>} : memref<128x64xf32, #tpu.memory_space<vmem>>, vector<1x16xf32>,
        %swap3A_200 = vector.shape_cast %swap3A_199 : vector<1x16xf32> to vector<16xf32>
        %swap3A_201 = vector.shape_cast %broadcast_in_dim3A_0 : vector<16xf32> to vector<1x16xf32>
        tpu.vector_store %arg13[%swap3A, %swap3A_198], %swap3A_201 {strides = array<i32>} : memref<128x64xf32, #tpu.memory_space<vmem>>, vector<1x16xf32>,
        %scan3A_202 = arith.constant 0 : i32
        scf.yield %scan3A_202 : i32
      }
      %scan3A_193 = arith.constant 4 : i32
      scf.yield %scan3A_192 : i32
    }
    %scan3A_6 = arith.constant 128 : i32
    "tpu.region"() ({
      %run_scoped3A_185 = tpu.sem_alloc : memref<!tpu.dma_semaphore, #tpu.memory_space<semaphore_mem>>
      %dma_start3A_186 = arith.constant 0 : i32
      %dma_start3A_187 = arith.constant 0 : i32
      %dma_start3A_188 = tpu.memref_slice %arg3[%arg1, %dma_start3A_186, %dma_start3A_187] : memref<16x160x125xi32, #tpu.memory_space<hbm>> -> memref<1x160x125xi32, #tpu.memory_space<hbm>>
      %dma_start3A_189 = tpu.memref_squeeze %dma_start3A_188 : memref<1x160x125xi32, #tpu.memory_space<hbm>> -> memref<160x125xi32, #tpu.memory_space<hbm>>
      %dma_start3A_190 = arith.constant 0 : i32
      %dma_start3A_191 = arith.constant 0 : i32
      %dma_start3A_192 = tpu.memref_slice %arg3[%arg1, %dma_start3A_190, %dma_start3A_191] : memref<16x160x125xi32, #tpu.memory_space<hbm>> -> memref<1x160x125xi32, #tpu.memory_space<hbm>>
      %dma_start3A_193 = tpu.memref_squeeze %dma_start3A_192 : memref<1x160x125xi32, #tpu.memory_space<hbm>> -> memref<160x125xi32, #tpu.memory_space<hbm>>
      tpu.enqueue_dma source(%dma_start3A_193 : memref<160x125xi32, #tpu.memory_space<hbm>>) target(%arg6 : memref<160x125xi32, #tpu.memory_space<vmem>>) target_semaphore(%run_scoped3A_185 : memref<!tpu.dma_semaphore, #tpu.memory_space<semaphore_mem>>)
      %dma_wait3A_194 = arith.constant 0 : i32
      %dma_wait3A_195 = arith.constant 0 : i32
      %dma_wait3A_196 = tpu.memref_slice %arg3[%arg1, %dma_wait3A_194, %dma_wait3A_195] : memref<16x160x125xi32, #tpu.memory_space<hbm>> -> memref<1x160x125xi32, #tpu.memory_space<hbm>>
      %dma_wait3A_197 = tpu.memref_squeeze %dma_wait3A_196 : memref<1x160x125xi32, #tpu.memory_space<hbm>> -> memref<160x125xi32, #tpu.memory_space<hbm>>
      %dma_wait3A_198 = arith.constant 0 : i32
      %dma_wait3A_199 = arith.constant 0 : i32
      %dma_wait3A_200 = tpu.memref_slice %arg3[%arg1, %dma_wait3A_198, %dma_wait3A_199] : memref<16x160x125xi32, #tpu.memory_space<hbm>> -> memref<1x160x125xi32, #tpu.memory_space<hbm>>
      %dma_wait3A_201 = tpu.memref_squeeze %dma_wait3A_200 : memref<1x160x125xi32, #tpu.memory_space<hbm>> -> memref<160x125xi32, #tpu.memory_space<hbm>>
      tpu.wait_dma2 semaphore(%run_scoped3A_185 : memref<!tpu.dma_semaphore, #tpu.memory_space<semaphore_mem>>) src(%dma_wait3A_201 : memref<160x125xi32, #tpu.memory_space<hbm>>) dst(%arg6 : memref<160x125xi32, #tpu.memory_space<vmem>>)
      tpu.yield
    }) : () -> ()
    "tpu.region"() ({
      %run_scoped3A_185 = tpu.sem_alloc : memref<!tpu.dma_semaphore, #tpu.memory_space<semaphore_mem>>
      %dma_start3A_186 = arith.constant 0 : i32
      %dma_start3A_187 = arith.constant 0 : i32
      %dma_start3A_188 = tpu.memref_slice %arg4[%arg1, %dma_start3A_186, %dma_start3A_187] : memref<16x160x125xi32, #tpu.memory_space<hbm>> -> memref<1x160x125xi32, #tpu.memory_space<hbm>>
      %dma_start3A_189 = tpu.memref_squeeze %dma_start3A_188 : memref<1x160x125xi32, #tpu.memory_space<hbm>> -> memref<160x125xi32, #tpu.memory_space<hbm>>
      %dma_start3A_190 = arith.constant 0 : i32
      %dma_start3A_191 = arith.constant 0 : i32
      %dma_start3A_192 = tpu.memref_slice %arg4[%arg1, %dma_start3A_190, %dma_start3A_191] : memref<16x160x125xi32, #tpu.memory_space<hbm>> -> memref<1x160x125xi32, #tpu.memory_space<hbm>>
      %dma_start3A_193 = tpu.memref_squeeze %dma_start3A_192 : memref<1x160x125xi32, #tpu.memory_space<hbm>> -> memref<160x125xi32, #tpu.memory_space<hbm>>
      tpu.enqueue_dma source(%dma_start3A_193 : memref<160x125xi32, #tpu.memory_space<hbm>>) target(%arg7 : memref<160x125xi32, #tpu.memory_space<vmem>>) target_semaphore(%run_scoped3A_185 : memref<!tpu.dma_semaphore, #tpu.memory_space<semaphore_mem>>)
      %dma_wait3A_194 = arith.constant 0 : i32
      %dma_wait3A_195 = arith.constant 0 : i32
      %dma_wait3A_196 = tpu.memref_slice %arg4[%arg1, %dma_wait3A_194, %dma_wait3A_195] : memref<16x160x125xi32, #tpu.memory_space<hbm>> -> memref<1x160x125xi32, #tpu.memory_space<hbm>>
      %dma_wait3A_197 = tpu.memref_squeeze %dma_wait3A_196 : memref<1x160x125xi32, #tpu.memory_space<hbm>> -> memref<160x125xi32, #tpu.memory_space<hbm>>
      %dma_wait3A_198 = arith.constant 0 : i32
      %dma_wait3A_199 = arith.constant 0 : i32
      %dma_wait3A_200 = tpu.memref_slice %arg4[%arg1, %dma_wait3A_198, %dma_wait3A_199] : memref<16x160x125xi32, #tpu.memory_space<hbm>> -> memref<1x160x125xi32, #tpu.memory_space<hbm>>
      %dma_wait3A_201 = tpu.memref_squeeze %dma_wait3A_200 : memref<1x160x125xi32, #tpu.memory_space<hbm>> -> memref<160x125xi32, #tpu.memory_space<hbm>>
      tpu.wait_dma2 semaphore(%run_scoped3A_185 : memref<!tpu.dma_semaphore, #tpu.memory_space<semaphore_mem>>) src(%dma_wait3A_201 : memref<160x125xi32, #tpu.memory_space<hbm>>) dst(%arg7 : memref<160x125xi32, #tpu.memory_space<vmem>>)
      tpu.yield
    }) : () -> ()
    %mul3A = arith.constant 640 : i32
    %mul3A_7 = arith.muli %arg1, %mul3A : i32
    %add3A = arith.constant 0 : i32
    %add3A_8 = arith.addi %mul3A_7, %add3A : i32
    "tpu.region"() ({
      %run_scoped3A_185 = tpu.sem_alloc : memref<!tpu.dma_semaphore, #tpu.memory_space<semaphore_mem>>
      %dma_start3A_186 = arith.constant 0 : i32
      %dma_start3A_187 = tpu.memref_slice %arg14[%add3A_8, %dma_start3A_186] : memref<10240x64xf32, #tpu.memory_space<vmem_shared>> -> memref<128x64xf32, #tpu.memory_space<vmem_shared>>
      %dma_start3A_188 = arith.constant 0 : i32
      %dma_start3A_189 = tpu.memref_slice %arg14[%add3A_8, %dma_start3A_188] : memref<10240x64xf32, #tpu.memory_space<vmem_shared>> -> memref<128x64xf32, #tpu.memory_space<vmem_shared>>
      tpu.enqueue_dma source(%arg13 : memref<128x64xf32, #tpu.memory_space<vmem>>) target(%dma_start3A_189 : memref<128x64xf32, #tpu.memory_space<vmem_shared>>) target_semaphore(%run_scoped3A_185 : memref<!tpu.dma_semaphore, #tpu.memory_space<semaphore_mem>>)
      %dma_wait3A_190 = arith.constant 0 : i32
      %dma_wait3A_191 = tpu.memref_slice %arg14[%add3A_8, %dma_wait3A_190] : memref<10240x64xf32, #tpu.memory_space<vmem_shared>> -> memref<128x64xf32, #tpu.memory_space<vmem_shared>>
      %dma_wait3A_192 = arith.constant 0 : i32
      %dma_wait3A_193 = tpu.memref_slice %arg14[%add3A_8, %dma_wait3A_192] : memref<10240x64xf32, #tpu.memory_space<vmem_shared>> -> memref<128x64xf32, #tpu.memory_space<vmem_shared>>
      tpu.wait_dma2 semaphore(%run_scoped3A_185 : memref<!tpu.dma_semaphore, #tpu.memory_space<semaphore_mem>>) src(%arg13 : memref<128x64xf32, #tpu.memory_space<vmem>>) dst(%dma_wait3A_193 : memref<128x64xf32, #tpu.memory_space<vmem_shared>>)
      tpu.yield
    }) : () -> ()
    %mul3A_9 = arith.constant 640 : i32
    %mul3A_10 = arith.muli %arg1, %mul3A_9 : i32
    %add3A_11 = arith.constant 128 : i32
    %add3A_12 = arith.addi %mul3A_10, %add3A_11 : i32
    "tpu.region"() ({
      %run_scoped3A_185 = tpu.sem_alloc : memref<!tpu.dma_semaphore, #tpu.memory_space<semaphore_mem>>
      %dma_start3A_186 = arith.constant 0 : i32
      %dma_start3A_187 = tpu.memref_slice %arg14[%add3A_12, %dma_start3A_186] : memref<10240x64xf32, #tpu.memory_space<vmem_shared>> -> memref<128x64xf32, #tpu.memory_space<vmem_shared>>
      %dma_start3A_188 = arith.constant 0 : i32
      %dma_start3A_189 = tpu.memref_slice %arg14[%add3A_12, %dma_start3A_188] : memref<10240x64xf32, #tpu.memory_space<vmem_shared>> -> memref<128x64xf32, #tpu.memory_space<vmem_shared>>
      tpu.enqueue_dma source(%arg13 : memref<128x64xf32, #tpu.memory_space<vmem>>) target(%dma_start3A_189 : memref<128x64xf32, #tpu.memory_space<vmem_shared>>) target_semaphore(%run_scoped3A_185 : memref<!tpu.dma_semaphore, #tpu.memory_space<semaphore_mem>>)
      %dma_wait3A_190 = arith.constant 0 : i32
      %dma_wait3A_191 = tpu.memref_slice %arg14[%add3A_12, %dma_wait3A_190] : memref<10240x64xf32, #tpu.memory_space<vmem_shared>> -> memref<128x64xf32, #tpu.memory_space<vmem_shared>>
      %dma_wait3A_192 = arith.constant 0 : i32
      %dma_wait3A_193 = tpu.memref_slice %arg14[%add3A_12, %dma_wait3A_192] : memref<10240x64xf32, #tpu.memory_space<vmem_shared>> -> memref<128x64xf32, #tpu.memory_space<vmem_shared>>
      tpu.wait_dma2 semaphore(%run_scoped3A_185 : memref<!tpu.dma_semaphore, #tpu.memory_space<semaphore_mem>>) src(%arg13 : memref<128x64xf32, #tpu.memory_space<vmem>>) dst(%dma_wait3A_193 : memref<128x64xf32, #tpu.memory_space<vmem_shared>>)
      tpu.yield
    }) : () -> ()
    %mul3A_13 = arith.constant 640 : i32
    %mul3A_14 = arith.muli %arg1, %mul3A_13 : i32
    %add3A_15 = arith.constant 256 : i32
    %add3A_16 = arith.addi %mul3A_14, %add3A_15 : i32
    "tpu.region"() ({
      %run_scoped3A_185 = tpu.sem_alloc : memref<!tpu.dma_semaphore, #tpu.memory_space<semaphore_mem>>
      %dma_start3A_186 = arith.constant 0 : i32
      %dma_start3A_187 = tpu.memref_slice %arg14[%add3A_16, %dma_start3A_186] : memref<10240x64xf32, #tpu.memory_space<vmem_shared>> -> memref<128x64xf32, #tpu.memory_space<vmem_shared>>
      %dma_start3A_188 = arith.constant 0 : i32
      %dma_start3A_189 = tpu.memref_slice %arg14[%add3A_16, %dma_start3A_188] : memref<10240x64xf32, #tpu.memory_space<vmem_shared>> -> memref<128x64xf32, #tpu.memory_space<vmem_shared>>
      tpu.enqueue_dma source(%arg13 : memref<128x64xf32, #tpu.memory_space<vmem>>) target(%dma_start3A_189 : memref<128x64xf32, #tpu.memory_space<vmem_shared>>) target_semaphore(%run_scoped3A_185 : memref<!tpu.dma_semaphore, #tpu.memory_space<semaphore_mem>>)
      %dma_wait3A_190 = arith.constant 0 : i32
      %dma_wait3A_191 = tpu.memref_slice %arg14[%add3A_16, %dma_wait3A_190] : memref<10240x64xf32, #tpu.memory_space<vmem_shared>> -> memref<128x64xf32, #tpu.memory_space<vmem_shared>>
      %dma_wait3A_192 = arith.constant 0 : i32
      %dma_wait3A_193 = tpu.memref_slice %arg14[%add3A_16, %dma_wait3A_192] : memref<10240x64xf32, #tpu.memory_space<vmem_shared>> -> memref<128x64xf32, #tpu.memory_space<vmem_shared>>
      tpu.wait_dma2 semaphore(%run_scoped3A_185 : memref<!tpu.dma_semaphore, #tpu.memory_space<semaphore_mem>>) src(%arg13 : memref<128x64xf32, #tpu.memory_space<vmem>>) dst(%dma_wait3A_193 : memref<128x64xf32, #tpu.memory_space<vmem_shared>>)
      tpu.yield
    }) : () -> ()
    %mul3A_17 = arith.constant 640 : i32
    %mul3A_18 = arith.muli %arg1, %mul3A_17 : i32
    %add3A_19 = arith.constant 384 : i32
    %add3A_20 = arith.addi %mul3A_18, %add3A_19 : i32
    "tpu.region"() ({
      %run_scoped3A_185 = tpu.sem_alloc : memref<!tpu.dma_semaphore, #tpu.memory_space<semaphore_mem>>
      %dma_start3A_186 = arith.constant 0 : i32
      %dma_start3A_187 = tpu.memref_slice %arg14[%add3A_20, %dma_start3A_186] : memref<10240x64xf32, #tpu.memory_space<vmem_shared>> -> memref<128x64xf32, #tpu.memory_space<vmem_shared>>
      %dma_start3A_188 = arith.constant 0 : i32
      %dma_start3A_189 = tpu.memref_slice %arg14[%add3A_20, %dma_start3A_188] : memref<10240x64xf32, #tpu.memory_space<vmem_shared>> -> memref<128x64xf32, #tpu.memory_space<vmem_shared>>
      tpu.enqueue_dma source(%arg13 : memref<128x64xf32, #tpu.memory_space<vmem>>) target(%dma_start3A_189 : memref<128x64xf32, #tpu.memory_space<vmem_shared>>) target_semaphore(%run_scoped3A_185 : memref<!tpu.dma_semaphore, #tpu.memory_space<semaphore_mem>>)
      %dma_wait3A_190 = arith.constant 0 : i32
      %dma_wait3A_191 = tpu.memref_slice %arg14[%add3A_20, %dma_wait3A_190] : memref<10240x64xf32, #tpu.memory_space<vmem_shared>> -> memref<128x64xf32, #tpu.memory_space<vmem_shared>>
      %dma_wait3A_192 = arith.constant 0 : i32
      %dma_wait3A_193 = tpu.memref_slice %arg14[%add3A_20, %dma_wait3A_192] : memref<10240x64xf32, #tpu.memory_space<vmem_shared>> -> memref<128x64xf32, #tpu.memory_space<vmem_shared>>
      tpu.wait_dma2 semaphore(%run_scoped3A_185 : memref<!tpu.dma_semaphore, #tpu.memory_space<semaphore_mem>>) src(%arg13 : memref<128x64xf32, #tpu.memory_space<vmem>>) dst(%dma_wait3A_193 : memref<128x64xf32, #tpu.memory_space<vmem_shared>>)
      tpu.yield
    }) : () -> ()
    %mul3A_21 = arith.constant 640 : i32
    %mul3A_22 = arith.muli %arg1, %mul3A_21 : i32
    %add3A_23 = arith.constant 512 : i32
    %add3A_24 = arith.addi %mul3A_22, %add3A_23 : i32
    "tpu.region"() ({
      %run_scoped3A_185 = tpu.sem_alloc : memref<!tpu.dma_semaphore, #tpu.memory_space<semaphore_mem>>
      %dma_start3A_186 = arith.constant 0 : i32
      %dma_start3A_187 = tpu.memref_slice %arg14[%add3A_24, %dma_start3A_186] : memref<10240x64xf32, #tpu.memory_space<vmem_shared>> -> memref<128x64xf32, #tpu.memory_space<vmem_shared>>
      %dma_start3A_188 = arith.constant 0 : i32
      %dma_start3A_189 = tpu.memref_slice %arg14[%add3A_24, %dma_start3A_188] : memref<10240x64xf32, #tpu.memory_space<vmem_shared>> -> memref<128x64xf32, #tpu.memory_space<vmem_shared>>
      tpu.enqueue_dma source(%arg13 : memref<128x64xf32, #tpu.memory_space<vmem>>) target(%dma_start3A_189 : memref<128x64xf32, #tpu.memory_space<vmem_shared>>) target_semaphore(%run_scoped3A_185 : memref<!tpu.dma_semaphore, #tpu.memory_space<semaphore_mem>>)
      %dma_wait3A_190 = arith.constant 0 : i32
      %dma_wait3A_191 = tpu.memref_slice %arg14[%add3A_24, %dma_wait3A_190] : memref<10240x64xf32, #tpu.memory_space<vmem_shared>> -> memref<128x64xf32, #tpu.memory_space<vmem_shared>>
      %dma_wait3A_192 = arith.constant 0 : i32
      %dma_wait3A_193 = tpu.memref_slice %arg14[%add3A_24, %dma_wait3A_192] : memref<10240x64xf32, #tpu.memory_space<vmem_shared>> -> memref<128x64xf32, #tpu.memory_space<vmem_shared>>
      tpu.wait_dma2 semaphore(%run_scoped3A_185 : memref<!tpu.dma_semaphore, #tpu.memory_space<semaphore_mem>>) src(%arg13 : memref<128x64xf32, #tpu.memory_space<vmem>>) dst(%dma_wait3A_193 : memref<128x64xf32, #tpu.memory_space<vmem_shared>>)
      tpu.yield
    }) : () -> ()
    %barrier3A = arith.constant 0 : index
    tpu.barrier barrier_id(%barrier3A)
    %dma_start3A = arith.constant 0 : i32
    %dma_start3A_25 = arith.constant 0 : i32
    %dma_start3A_26 = tpu.memref_slice %arg6[%dma_start3A, %dma_start3A_25] : memref<160x125xi32, #tpu.memory_space<vmem>> -> memref<1x125xi32, #tpu.memory_space<vmem>>
    %dma_start3A_27 = tpu.memref_squeeze %dma_start3A_26 : memref<1x125xi32, #tpu.memory_space<vmem>> -> memref<125xi32, #tpu.memory_space<vmem>>
    %dma_start3A_28 = arith.constant 0 : i32
    %dma_start3A_29 = arith.constant 0 : i32
    %dma_start3A_30 = tpu.memref_slice %arg2[%arg0, %dma_start3A_28, %dma_start3A_29] : memref<2x10000x64xf32, #tpu.memory_space<hbm>> -> memref<1x10000x64xf32, #tpu.memory_space<hbm>>
    %dma_start3A_31 = tpu.memref_squeeze %dma_start3A_30 : memref<1x10000x64xf32, #tpu.memory_space<hbm>> -> memref<10000x64xf32, #tpu.memory_space<hbm>>
    %dma_start3A_32 = arith.constant 0 : i32
    %dma_start3A_33 = arith.constant 0 : i32
    %dma_start3A_34 = tpu.memref_slice %dma_start3A_31[%dma_start3A_32, %dma_start3A_33] : memref<10000x64xf32, #tpu.memory_space<hbm>> -> memref<10000x64xf32, #tpu.memory_space<hbm>>
    tpu.enqueue_indirect_dma source(%dma_start3A_34 : memref<10000x64xf32, #tpu.memory_space<hbm>>) target(%arg8 : memref<125x64xf32, #tpu.memory_space<vmem>>) offsets(%dma_start3A_27 : memref<125xi32, #tpu.memory_space<vmem>>) semaphore(%arg15 : memref<!tpu.dma_semaphore, #tpu.memory_space<semaphore_mem>>)
    %dma_start3A_35 = arith.constant 1 : i32
    %dma_start3A_36 = arith.constant 0 : i32
    %dma_start3A_37 = tpu.memref_slice %arg6[%dma_start3A_35, %dma_start3A_36] : memref<160x125xi32, #tpu.memory_space<vmem>> -> memref<1x125xi32, #tpu.memory_space<vmem>>
    %dma_start3A_38 = tpu.memref_squeeze %dma_start3A_37 : memref<1x125xi32, #tpu.memory_space<vmem>> -> memref<125xi32, #tpu.memory_space<vmem>>
    %dma_start3A_39 = arith.constant 0 : i32
    %dma_start3A_40 = arith.constant 0 : i32
    %dma_start3A_41 = tpu.memref_slice %arg2[%arg0, %dma_start3A_39, %dma_start3A_40] : memref<2x10000x64xf32, #tpu.memory_space<hbm>> -> memref<1x10000x64xf32, #tpu.memory_space<hbm>>
    %dma_start3A_42 = tpu.memref_squeeze %dma_start3A_41 : memref<1x10000x64xf32, #tpu.memory_space<hbm>> -> memref<10000x64xf32, #tpu.memory_space<hbm>>
    %dma_start3A_43 = arith.constant 0 : i32
    %dma_start3A_44 = arith.constant 0 : i32
    %dma_start3A_45 = tpu.memref_slice %dma_start3A_42[%dma_start3A_43, %dma_start3A_44] : memref<10000x64xf32, #tpu.memory_space<hbm>> -> memref<10000x64xf32, #tpu.memory_space<hbm>>
    tpu.enqueue_indirect_dma source(%dma_start3A_45 : memref<10000x64xf32, #tpu.memory_space<hbm>>) target(%arg9 : memref<125x64xf32, #tpu.memory_space<vmem>>) offsets(%dma_start3A_38 : memref<125xi32, #tpu.memory_space<vmem>>) semaphore(%arg16 : memref<!tpu.dma_semaphore, #tpu.memory_space<semaphore_mem>>)
    %dma_start3A_46 = arith.constant 2 : i32
    %dma_start3A_47 = arith.constant 0 : i32
    %dma_start3A_48 = tpu.memref_slice %arg6[%dma_start3A_46, %dma_start3A_47] : memref<160x125xi32, #tpu.memory_space<vmem>> -> memref<1x125xi32, #tpu.memory_space<vmem>>
    %dma_start3A_49 = tpu.memref_squeeze %dma_start3A_48 : memref<1x125xi32, #tpu.memory_space<vmem>> -> memref<125xi32, #tpu.memory_space<vmem>>
    %dma_start3A_50 = arith.constant 0 : i32
    %dma_start3A_51 = arith.constant 0 : i32
    %dma_start3A_52 = tpu.memref_slice %arg2[%arg0, %dma_start3A_50, %dma_start3A_51] : memref<2x10000x64xf32, #tpu.memory_space<hbm>> -> memref<1x10000x64xf32, #tpu.memory_space<hbm>>
    %dma_start3A_53 = tpu.memref_squeeze %dma_start3A_52 : memref<1x10000x64xf32, #tpu.memory_space<hbm>> -> memref<10000x64xf32, #tpu.memory_space<hbm>>
    %dma_start3A_54 = arith.constant 0 : i32
    %dma_start3A_55 = arith.constant 0 : i32
    %dma_start3A_56 = tpu.memref_slice %dma_start3A_53[%dma_start3A_54, %dma_start3A_55] : memref<10000x64xf32, #tpu.memory_space<hbm>> -> memref<10000x64xf32, #tpu.memory_space<hbm>>
    tpu.enqueue_indirect_dma source(%dma_start3A_56 : memref<10000x64xf32, #tpu.memory_space<hbm>>) target(%arg10 : memref<125x64xf32, #tpu.memory_space<vmem>>) offsets(%dma_start3A_49 : memref<125xi32, #tpu.memory_space<vmem>>) semaphore(%arg17 : memref<!tpu.dma_semaphore, #tpu.memory_space<semaphore_mem>>)
    %dma_start3A_57 = arith.constant 3 : i32
    %dma_start3A_58 = arith.constant 0 : i32
    %dma_start3A_59 = tpu.memref_slice %arg6[%dma_start3A_57, %dma_start3A_58] : memref<160x125xi32, #tpu.memory_space<vmem>> -> memref<1x125xi32, #tpu.memory_space<vmem>>
    %dma_start3A_60 = tpu.memref_squeeze %dma_start3A_59 : memref<1x125xi32, #tpu.memory_space<vmem>> -> memref<125xi32, #tpu.memory_space<vmem>>
    %dma_start3A_61 = arith.constant 0 : i32
    %dma_start3A_62 = arith.constant 0 : i32
    %dma_start3A_63 = tpu.memref_slice %arg2[%arg0, %dma_start3A_61, %dma_start3A_62] : memref<2x10000x64xf32, #tpu.memory_space<hbm>> -> memref<1x10000x64xf32, #tpu.memory_space<hbm>>
    %dma_start3A_64 = tpu.memref_squeeze %dma_start3A_63 : memref<1x10000x64xf32, #tpu.memory_space<hbm>> -> memref<10000x64xf32, #tpu.memory_space<hbm>>
    %dma_start3A_65 = arith.constant 0 : i32
    %dma_start3A_66 = arith.constant 0 : i32
    %dma_start3A_67 = tpu.memref_slice %dma_start3A_64[%dma_start3A_65, %dma_start3A_66] : memref<10000x64xf32, #tpu.memory_space<hbm>> -> memref<10000x64xf32, #tpu.memory_space<hbm>>
    tpu.enqueue_indirect_dma source(%dma_start3A_67 : memref<10000x64xf32, #tpu.memory_space<hbm>>) target(%arg11 : memref<125x64xf32, #tpu.memory_space<vmem>>) offsets(%dma_start3A_60 : memref<125xi32, #tpu.memory_space<vmem>>) semaphore(%arg18 : memref<!tpu.dma_semaphore, #tpu.memory_space<semaphore_mem>>)
    %dma_start3A_68 = arith.constant 4 : i32
    %dma_start3A_69 = arith.constant 0 : i32
    %dma_start3A_70 = tpu.memref_slice %arg6[%dma_start3A_68, %dma_start3A_69] : memref<160x125xi32, #tpu.memory_space<vmem>> -> memref<1x125xi32, #tpu.memory_space<vmem>>
    %dma_start3A_71 = tpu.memref_squeeze %dma_start3A_70 : memref<1x125xi32, #tpu.memory_space<vmem>> -> memref<125xi32, #tpu.memory_space<vmem>>
    %dma_start3A_72 = arith.constant 0 : i32
    %dma_start3A_73 = arith.constant 0 : i32
    %dma_start3A_74 = tpu.memref_slice %arg2[%arg0, %dma_start3A_72, %dma_start3A_73] : memref<2x10000x64xf32, #tpu.memory_space<hbm>> -> memref<1x10000x64xf32, #tpu.memory_space<hbm>>
    %dma_start3A_75 = tpu.memref_squeeze %dma_start3A_74 : memref<1x10000x64xf32, #tpu.memory_space<hbm>> -> memref<10000x64xf32, #tpu.memory_space<hbm>>
    %dma_start3A_76 = arith.constant 0 : i32
    %dma_start3A_77 = arith.constant 0 : i32
    %dma_start3A_78 = tpu.memref_slice %dma_start3A_75[%dma_start3A_76, %dma_start3A_77] : memref<10000x64xf32, #tpu.memory_space<hbm>> -> memref<10000x64xf32, #tpu.memory_space<hbm>>
    tpu.enqueue_indirect_dma source(%dma_start3A_78 : memref<10000x64xf32, #tpu.memory_space<hbm>>) target(%arg12 : memref<125x64xf32, #tpu.memory_space<vmem>>) offsets(%dma_start3A_71 : memref<125xi32, #tpu.memory_space<vmem>>) semaphore(%arg19 : memref<!tpu.dma_semaphore, #tpu.memory_space<semaphore_mem>>)
    %scan3A_79 = arith.constant 0 : i32
    %scan3A_80 = arith.constant 0 : i32
    %scan3A_81 = arith.constant 31 : i32
    %scan3A_82 = arith.addi %scan3A_80, %scan3A_81 : i32
    %scan3A_83 = arith.constant 1 : i32
    %scan3A_84 = scf.for %scan3A_185 = %scan3A_80 to %scan3A_82 step %scan3A_83 iter_args(%scan3A_186 = %scan3A_79) -> (i32)  : i32 {
      %mul3A_187 = arith.constant 5 : i32
      %mul3A_188 = arith.muli %mul3A_187, %scan3A_185 : i32
      %dma_wait3A_189 = arith.constant 0 : i32
      %dma_wait3A_190 = arith.constant 0 : i32
      %dma_wait3A_191 = tpu.memref_slice %arg6[%dma_wait3A_189, %dma_wait3A_190] : memref<160x125xi32, #tpu.memory_space<vmem>> -> memref<1x125xi32, #tpu.memory_space<vmem>>
      %dma_wait3A_192 = tpu.memref_squeeze %dma_wait3A_191 : memref<1x125xi32, #tpu.memory_space<vmem>> -> memref<125xi32, #tpu.memory_space<vmem>>
      %dma_wait3A_193 = arith.constant 0 : i32
      %dma_wait3A_194 = arith.constant 0 : i32
      %dma_wait3A_195 = tpu.memref_slice %arg2[%arg0, %dma_wait3A_193, %dma_wait3A_194] : memref<2x10000x64xf32, #tpu.memory_space<hbm>> -> memref<1x10000x64xf32, #tpu.memory_space<hbm>>
      %dma_wait3A_196 = tpu.memref_squeeze %dma_wait3A_195 : memref<1x10000x64xf32, #tpu.memory_space<hbm>> -> memref<10000x64xf32, #tpu.memory_space<hbm>>
      %dma_wait3A_197 = arith.constant 0 : i32
      %dma_wait3A_198 = arith.constant 0 : i32
      %dma_wait3A_199 = tpu.memref_slice %dma_wait3A_196[%dma_wait3A_197, %dma_wait3A_198] : memref<10000x64xf32, #tpu.memory_space<hbm>> -> memref<10000x64xf32, #tpu.memory_space<hbm>>
      tpu.wait_indirect_dma semaphore(%arg15 : memref<!tpu.dma_semaphore, #tpu.memory_space<semaphore_mem>>) src(%dma_wait3A_199 : memref<10000x64xf32, #tpu.memory_space<hbm>>) dst(%arg8 : memref<125x64xf32, #tpu.memory_space<vmem>>)
      %add3A_200 = arith.constant 0 : i32
      %add3A_201 = arith.addi %mul3A_188, %add3A_200 : i32
      "tpu.region"() ({
        %run_scoped3A_325 = tpu.sem_alloc : memref<!tpu.dma_semaphore, #tpu.memory_space<semaphore_mem>>
        %dma_start3A_326 = arith.constant 0 : i32
        %dma_start3A_327 = tpu.memref_slice %arg7[%add3A_201, %dma_start3A_326] : memref<160x125xi32, #tpu.memory_space<vmem>> -> memref<1x125xi32, #tpu.memory_space<vmem>>
        %dma_start3A_328 = tpu.memref_squeeze %dma_start3A_327 : memref<1x125xi32, #tpu.memory_space<vmem>> -> memref<125xi32, #tpu.memory_space<vmem>>
        %dma_start3A_329 = arith.constant 0 : i32
        %dma_start3A_330 = arith.constant 0 : i32
        %dma_start3A_331 = tpu.memref_slice %arg14[%dma_start3A_329, %dma_start3A_330] : memref<10240x64xf32, #tpu.memory_space<vmem_shared>> -> memref<10240x64xf32, #tpu.memory_space<vmem_shared>>
        tpu.enqueue_indirect_dma source(%arg8 : memref<125x64xf32, #tpu.memory_space<vmem>>) target(%dma_start3A_331 : memref<10240x64xf32, #tpu.memory_space<vmem_shared>>) offsets(%dma_start3A_328 : memref<125xi32, #tpu.memory_space<vmem>>) semaphore(%run_scoped3A_325 : memref<!tpu.dma_semaphore, #tpu.memory_space<semaphore_mem>>) {add = true}
        %dma_wait3A_332 = arith.constant 0 : i32
        %dma_wait3A_333 = tpu.memref_slice %arg7[%add3A_201, %dma_wait3A_332] : memref<160x125xi32, #tpu.memory_space<vmem>> -> memref<1x125xi32, #tpu.memory_space<vmem>>
        %dma_wait3A_334 = tpu.memref_squeeze %dma_wait3A_333 : memref<1x125xi32, #tpu.memory_space<vmem>> -> memref<125xi32, #tpu.memory_space<vmem>>
        %dma_wait3A_335 = arith.constant 0 : i32
        %dma_wait3A_336 = arith.constant 0 : i32
        %dma_wait3A_337 = tpu.memref_slice %arg14[%dma_wait3A_335, %dma_wait3A_336] : memref<10240x64xf32, #tpu.memory_space<vmem_shared>> -> memref<10240x64xf32, #tpu.memory_space<vmem_shared>>
        tpu.wait_indirect_dma semaphore(%run_scoped3A_325 : memref<!tpu.dma_semaphore, #tpu.memory_space<semaphore_mem>>) src(%arg8 : memref<125x64xf32, #tpu.memory_space<vmem>>) dst(%dma_wait3A_337 : memref<10240x64xf32, #tpu.memory_space<vmem_shared>>)
        tpu.yield
      }) : () -> ()
      %add3A_202 = arith.constant 0 : i32
      %add3A_203 = arith.addi %mul3A_188, %add3A_202 : i32
      %add3A_204 = arith.constant 5 : i32
      %add3A_205 = arith.addi %add3A_203, %add3A_204 : i32
      %dma_start3A_206 = arith.constant 0 : i32
      %dma_start3A_207 = tpu.memref_slice %arg6[%add3A_205, %dma_start3A_206] : memref<160x125xi32, #tpu.memory_space<vmem>> -> memref<1x125xi32, #tpu.memory_space<vmem>>
      %dma_start3A_208 = tpu.memref_squeeze %dma_start3A_207 : memref<1x125xi32, #tpu.memory_space<vmem>> -> memref<125xi32, #tpu.memory_space<vmem>>
      %dma_start3A_209 = arith.constant 0 : i32
      %dma_start3A_210 = arith.constant 0 : i32
      %dma_start3A_211 = tpu.memref_slice %arg2[%arg0, %dma_start3A_209, %dma_start3A_210] : memref<2x10000x64xf32, #tpu.memory_space<hbm>> -> memref<1x10000x64xf32, #tpu.memory_space<hbm>>
      %dma_start3A_212 = tpu.memref_squeeze %dma_start3A_211 : memref<1x10000x64xf32, #tpu.memory_space<hbm>> -> memref<10000x64xf32, #tpu.memory_space<hbm>>
      %dma_start3A_213 = arith.constant 0 : i32
      %dma_start3A_214 = arith.constant 0 : i32
      %dma_start3A_215 = tpu.memref_slice %dma_start3A_212[%dma_start3A_213, %dma_start3A_214] : memref<10000x64xf32, #tpu.memory_space<hbm>> -> memref<10000x64xf32, #tpu.memory_space<hbm>>
      tpu.enqueue_indirect_dma source(%dma_start3A_215 : memref<10000x64xf32, #tpu.memory_space<hbm>>) target(%arg8 : memref<125x64xf32, #tpu.memory_space<vmem>>) offsets(%dma_start3A_208 : memref<125xi32, #tpu.memory_space<vmem>>) semaphore(%arg15 : memref<!tpu.dma_semaphore, #tpu.memory_space<semaphore_mem>>)
      %dma_wait3A_216 = arith.constant 0 : i32
      %dma_wait3A_217 = arith.constant 0 : i32
      %dma_wait3A_218 = tpu.memref_slice %arg6[%dma_wait3A_216, %dma_wait3A_217] : memref<160x125xi32, #tpu.memory_space<vmem>> -> memref<1x125xi32, #tpu.memory_space<vmem>>
      %dma_wait3A_219 = tpu.memref_squeeze %dma_wait3A_218 : memref<1x125xi32, #tpu.memory_space<vmem>> -> memref<125xi32, #tpu.memory_space<vmem>>
      %dma_wait3A_220 = arith.constant 0 : i32
      %dma_wait3A_221 = arith.constant 0 : i32
      %dma_wait3A_222 = tpu.memref_slice %arg2[%arg0, %dma_wait3A_220, %dma_wait3A_221] : memref<2x10000x64xf32, #tpu.memory_space<hbm>> -> memref<1x10000x64xf32, #tpu.memory_space<hbm>>
      %dma_wait3A_223 = tpu.memref_squeeze %dma_wait3A_222 : memref<1x10000x64xf32, #tpu.memory_space<hbm>> -> memref<10000x64xf32, #tpu.memory_space<hbm>>
      %dma_wait3A_224 = arith.constant 0 : i32
      %dma_wait3A_225 = arith.constant 0 : i32
      %dma_wait3A_226 = tpu.memref_slice %dma_wait3A_223[%dma_wait3A_224, %dma_wait3A_225] : memref<10000x64xf32, #tpu.memory_space<hbm>> -> memref<10000x64xf32, #tpu.memory_space<hbm>>
      tpu.wait_indirect_dma semaphore(%arg16 : memref<!tpu.dma_semaphore, #tpu.memory_space<semaphore_mem>>) src(%dma_wait3A_226 : memref<10000x64xf32, #tpu.memory_space<hbm>>) dst(%arg9 : memref<125x64xf32, #tpu.memory_space<vmem>>)
      %add3A_227 = arith.constant 1 : i32
      %add3A_228 = arith.addi %mul3A_188, %add3A_227 : i32
      "tpu.region"() ({
        %run_scoped3A_325 = tpu.sem_alloc : memref<!tpu.dma_semaphore, #tpu.memory_space<semaphore_mem>>
        %dma_start3A_326 = arith.constant 0 : i32
        %dma_start3A_327 = tpu.memref_slice %arg7[%add3A_228, %dma_start3A_326] : memref<160x125xi32, #tpu.memory_space<vmem>> -> memref<1x125xi32, #tpu.memory_space<vmem>>
        %dma_start3A_328 = tpu.memref_squeeze %dma_start3A_327 : memref<1x125xi32, #tpu.memory_space<vmem>> -> memref<125xi32, #tpu.memory_space<vmem>>
        %dma_start3A_329 = arith.constant 0 : i32
        %dma_start3A_330 = arith.constant 0 : i32
        %dma_start3A_331 = tpu.memref_slice %arg14[%dma_start3A_329, %dma_start3A_330] : memref<10240x64xf32, #tpu.memory_space<vmem_shared>> -> memref<10240x64xf32, #tpu.memory_space<vmem_shared>>
        tpu.enqueue_indirect_dma source(%arg9 : memref<125x64xf32, #tpu.memory_space<vmem>>) target(%dma_start3A_331 : memref<10240x64xf32, #tpu.memory_space<vmem_shared>>) offsets(%dma_start3A_328 : memref<125xi32, #tpu.memory_space<vmem>>) semaphore(%run_scoped3A_325 : memref<!tpu.dma_semaphore, #tpu.memory_space<semaphore_mem>>) {add = true}
        %dma_wait3A_332 = arith.constant 0 : i32
        %dma_wait3A_333 = tpu.memref_slice %arg7[%add3A_228, %dma_wait3A_332] : memref<160x125xi32, #tpu.memory_space<vmem>> -> memref<1x125xi32, #tpu.memory_space<vmem>>
        %dma_wait3A_334 = tpu.memref_squeeze %dma_wait3A_333 : memref<1x125xi32, #tpu.memory_space<vmem>> -> memref<125xi32, #tpu.memory_space<vmem>>
        %dma_wait3A_335 = arith.constant 0 : i32
        %dma_wait3A_336 = arith.constant 0 : i32
        %dma_wait3A_337 = tpu.memref_slice %arg14[%dma_wait3A_335, %dma_wait3A_336] : memref<10240x64xf32, #tpu.memory_space<vmem_shared>> -> memref<10240x64xf32, #tpu.memory_space<vmem_shared>>
        tpu.wait_indirect_dma semaphore(%run_scoped3A_325 : memref<!tpu.dma_semaphore, #tpu.memory_space<semaphore_mem>>) src(%arg9 : memref<125x64xf32, #tpu.memory_space<vmem>>) dst(%dma_wait3A_337 : memref<10240x64xf32, #tpu.memory_space<vmem_shared>>)
        tpu.yield
      }) : () -> ()
      %add3A_229 = arith.constant 1 : i32
      %add3A_230 = arith.addi %mul3A_188, %add3A_229 : i32
      %add3A_231 = arith.constant 5 : i32
      %add3A_232 = arith.addi %add3A_230, %add3A_231 : i32
      %dma_start3A_233 = arith.constant 0 : i32
      %dma_start3A_234 = tpu.memref_slice %arg6[%add3A_232, %dma_start3A_233] : memref<160x125xi32, #tpu.memory_space<vmem>> -> memref<1x125xi32, #tpu.memory_space<vmem>>
      %dma_start3A_235 = tpu.memref_squeeze %dma_start3A_234 : memref<1x125xi32, #tpu.memory_space<vmem>> -> memref<125xi32, #tpu.memory_space<vmem>>
      %dma_start3A_236 = arith.constant 0 : i32
      %dma_start3A_237 = arith.constant 0 : i32
      %dma_start3A_238 = tpu.memref_slice %arg2[%arg0, %dma_start3A_236, %dma_start3A_237] : memref<2x10000x64xf32, #tpu.memory_space<hbm>> -> memref<1x10000x64xf32, #tpu.memory_space<hbm>>
      %dma_start3A_239 = tpu.memref_squeeze %dma_start3A_238 : memref<1x10000x64xf32, #tpu.memory_space<hbm>> -> memref<10000x64xf32, #tpu.memory_space<hbm>>
      %dma_start3A_240 = arith.constant 0 : i32
      %dma_start3A_241 = arith.constant 0 : i32
      %dma_start3A_242 = tpu.memref_slice %dma_start3A_239[%dma_start3A_240, %dma_start3A_241] : memref<10000x64xf32, #tpu.memory_space<hbm>> -> memref<10000x64xf32, #tpu.memory_space<hbm>>
      tpu.enqueue_indirect_dma source(%dma_start3A_242 : memref<10000x64xf32, #tpu.memory_space<hbm>>) target(%arg9 : memref<125x64xf32, #tpu.memory_space<vmem>>) offsets(%dma_start3A_235 : memref<125xi32, #tpu.memory_space<vmem>>) semaphore(%arg16 : memref<!tpu.dma_semaphore, #tpu.memory_space<semaphore_mem>>)
      %dma_wait3A_243 = arith.constant 0 : i32
      %dma_wait3A_244 = arith.constant 0 : i32
      %dma_wait3A_245 = tpu.memref_slice %arg6[%dma_wait3A_243, %dma_wait3A_244] : memref<160x125xi32, #tpu.memory_space<vmem>> -> memref<1x125xi32, #tpu.memory_space<vmem>>
      %dma_wait3A_246 = tpu.memref_squeeze %dma_wait3A_245 : memref<1x125xi32, #tpu.memory_space<vmem>> -> memref<125xi32, #tpu.memory_space<vmem>>
      %dma_wait3A_247 = arith.constant 0 : i32
      %dma_wait3A_248 = arith.constant 0 : i32
      %dma_wait3A_249 = tpu.memref_slice %arg2[%arg0, %dma_wait3A_247, %dma_wait3A_248] : memref<2x10000x64xf32, #tpu.memory_space<hbm>> -> memref<1x10000x64xf32, #tpu.memory_space<hbm>>
      %dma_wait3A_250 = tpu.memref_squeeze %dma_wait3A_249 : memref<1x10000x64xf32, #tpu.memory_space<hbm>> -> memref<10000x64xf32, #tpu.memory_space<hbm>>
      %dma_wait3A_251 = arith.constant 0 : i32
      %dma_wait3A_252 = arith.constant 0 : i32
      %dma_wait3A_253 = tpu.memref_slice %dma_wait3A_250[%dma_wait3A_251, %dma_wait3A_252] : memref<10000x64xf32, #tpu.memory_space<hbm>> -> memref<10000x64xf32, #tpu.memory_space<hbm>>
      tpu.wait_indirect_dma semaphore(%arg17 : memref<!tpu.dma_semaphore, #tpu.memory_space<semaphore_mem>>) src(%dma_wait3A_253 : memref<10000x64xf32, #tpu.memory_space<hbm>>) dst(%arg10 : memref<125x64xf32, #tpu.memory_space<vmem>>)
      %add3A_254 = arith.constant 2 : i32
      %add3A_255 = arith.addi %mul3A_188, %add3A_254 : i32
      "tpu.region"() ({
        %run_scoped3A_325 = tpu.sem_alloc : memref<!tpu.dma_semaphore, #tpu.memory_space<semaphore_mem>>
        %dma_start3A_326 = arith.constant 0 : i32
        %dma_start3A_327 = tpu.memref_slice %arg7[%add3A_255, %dma_start3A_326] : memref<160x125xi32, #tpu.memory_space<vmem>> -> memref<1x125xi32, #tpu.memory_space<vmem>>
        %dma_start3A_328 = tpu.memref_squeeze %dma_start3A_327 : memref<1x125xi32, #tpu.memory_space<vmem>> -> memref<125xi32, #tpu.memory_space<vmem>>
        %dma_start3A_329 = arith.constant 0 : i32
        %dma_start3A_330 = arith.constant 0 : i32
        %dma_start3A_331 = tpu.memref_slice %arg14[%dma_start3A_329, %dma_start3A_330] : memref<10240x64xf32, #tpu.memory_space<vmem_shared>> -> memref<10240x64xf32, #tpu.memory_space<vmem_shared>>
        tpu.enqueue_indirect_dma source(%arg10 : memref<125x64xf32, #tpu.memory_space<vmem>>) target(%dma_start3A_331 : memref<10240x64xf32, #tpu.memory_space<vmem_shared>>) offsets(%dma_start3A_328 : memref<125xi32, #tpu.memory_space<vmem>>) semaphore(%run_scoped3A_325 : memref<!tpu.dma_semaphore, #tpu.memory_space<semaphore_mem>>) {add = true}
        %dma_wait3A_332 = arith.constant 0 : i32
        %dma_wait3A_333 = tpu.memref_slice %arg7[%add3A_255, %dma_wait3A_332] : memref<160x125xi32, #tpu.memory_space<vmem>> -> memref<1x125xi32, #tpu.memory_space<vmem>>
        %dma_wait3A_334 = tpu.memref_squeeze %dma_wait3A_333 : memref<1x125xi32, #tpu.memory_space<vmem>> -> memref<125xi32, #tpu.memory_space<vmem>>
        %dma_wait3A_335 = arith.constant 0 : i32
        %dma_wait3A_336 = arith.constant 0 : i32
        %dma_wait3A_337 = tpu.memref_slice %arg14[%dma_wait3A_335, %dma_wait3A_336] : memref<10240x64xf32, #tpu.memory_space<vmem_shared>> -> memref<10240x64xf32, #tpu.memory_space<vmem_shared>>
        tpu.wait_indirect_dma semaphore(%run_scoped3A_325 : memref<!tpu.dma_semaphore, #tpu.memory_space<semaphore_mem>>) src(%arg10 : memref<125x64xf32, #tpu.memory_space<vmem>>) dst(%dma_wait3A_337 : memref<10240x64xf32, #tpu.memory_space<vmem_shared>>)
        tpu.yield
      }) : () -> ()
      %add3A_256 = arith.constant 2 : i32
      %add3A_257 = arith.addi %mul3A_188, %add3A_256 : i32
      %add3A_258 = arith.constant 5 : i32
      %add3A_259 = arith.addi %add3A_257, %add3A_258 : i32
      %dma_start3A_260 = arith.constant 0 : i32
      %dma_start3A_261 = tpu.memref_slice %arg6[%add3A_259, %dma_start3A_260] : memref<160x125xi32, #tpu.memory_space<vmem>> -> memref<1x125xi32, #tpu.memory_space<vmem>>
      %dma_start3A_262 = tpu.memref_squeeze %dma_start3A_261 : memref<1x125xi32, #tpu.memory_space<vmem>> -> memref<125xi32, #tpu.memory_space<vmem>>
      %dma_start3A_263 = arith.constant 0 : i32
      %dma_start3A_264 = arith.constant 0 : i32
      %dma_start3A_265 = tpu.memref_slice %arg2[%arg0, %dma_start3A_263, %dma_start3A_264] : memref<2x10000x64xf32, #tpu.memory_space<hbm>> -> memref<1x10000x64xf32, #tpu.memory_space<hbm>>
      %dma_start3A_266 = tpu.memref_squeeze %dma_start3A_265 : memref<1x10000x64xf32, #tpu.memory_space<hbm>> -> memref<10000x64xf32, #tpu.memory_space<hbm>>
      %dma_start3A_267 = arith.constant 0 : i32
      %dma_start3A_268 = arith.constant 0 : i32
      %dma_start3A_269 = tpu.memref_slice %dma_start3A_266[%dma_start3A_267, %dma_start3A_268] : memref<10000x64xf32, #tpu.memory_space<hbm>> -> memref<10000x64xf32, #tpu.memory_space<hbm>>
      tpu.enqueue_indirect_dma source(%dma_start3A_269 : memref<10000x64xf32, #tpu.memory_space<hbm>>) target(%arg10 : memref<125x64xf32, #tpu.memory_space<vmem>>) offsets(%dma_start3A_262 : memref<125xi32, #tpu.memory_space<vmem>>) semaphore(%arg17 : memref<!tpu.dma_semaphore, #tpu.memory_space<semaphore_mem>>)
      %dma_wait3A_270 = arith.constant 0 : i32
      %dma_wait3A_271 = arith.constant 0 : i32
      %dma_wait3A_272 = tpu.memref_slice %arg6[%dma_wait3A_270, %dma_wait3A_271] : memref<160x125xi32, #tpu.memory_space<vmem>> -> memref<1x125xi32, #tpu.memory_space<vmem>>
      %dma_wait3A_273 = tpu.memref_squeeze %dma_wait3A_272 : memref<1x125xi32, #tpu.memory_space<vmem>> -> memref<125xi32, #tpu.memory_space<vmem>>
      %dma_wait3A_274 = arith.constant 0 : i32
      %dma_wait3A_275 = arith.constant 0 : i32
      %dma_wait3A_276 = tpu.memref_slice %arg2[%arg0, %dma_wait3A_274, %dma_wait3A_275] : memref<2x10000x64xf32, #tpu.memory_space<hbm>> -> memref<1x10000x64xf32, #tpu.memory_space<hbm>>
      %dma_wait3A_277 = tpu.memref_squeeze %dma_wait3A_276 : memref<1x10000x64xf32, #tpu.memory_space<hbm>> -> memref<10000x64xf32, #tpu.memory_space<hbm>>
      %dma_wait3A_278 = arith.constant 0 : i32
      %dma_wait3A_279 = arith.constant 0 : i32
      %dma_wait3A_280 = tpu.memref_slice %dma_wait3A_277[%dma_wait3A_278, %dma_wait3A_279] : memref<10000x64xf32, #tpu.memory_space<hbm>> -> memref<10000x64xf32, #tpu.memory_space<hbm>>
      tpu.wait_indirect_dma semaphore(%arg18 : memref<!tpu.dma_semaphore, #tpu.memory_space<semaphore_mem>>) src(%dma_wait3A_280 : memref<10000x64xf32, #tpu.memory_space<hbm>>) dst(%arg11 : memref<125x64xf32, #tpu.memory_space<vmem>>)
      %add3A_281 = arith.constant 3 : i32
      %add3A_282 = arith.addi %mul3A_188, %add3A_281 : i32
      "tpu.region"() ({
        %run_scoped3A_325 = tpu.sem_alloc : memref<!tpu.dma_semaphore, #tpu.memory_space<semaphore_mem>>
        %dma_start3A_326 = arith.constant 0 : i32
        %dma_start3A_327 = tpu.memref_slice %arg7[%add3A_282, %dma_start3A_326] : memref<160x125xi32, #tpu.memory_space<vmem>> -> memref<1x125xi32, #tpu.memory_space<vmem>>
        %dma_start3A_328 = tpu.memref_squeeze %dma_start3A_327 : memref<1x125xi32, #tpu.memory_space<vmem>> -> memref<125xi32, #tpu.memory_space<vmem>>
        %dma_start3A_329 = arith.constant 0 : i32
        %dma_start3A_330 = arith.constant 0 : i32
        %dma_start3A_331 = tpu.memref_slice %arg14[%dma_start3A_329, %dma_start3A_330] : memref<10240x64xf32, #tpu.memory_space<vmem_shared>> -> memref<10240x64xf32, #tpu.memory_space<vmem_shared>>
        tpu.enqueue_indirect_dma source(%arg11 : memref<125x64xf32, #tpu.memory_space<vmem>>) target(%dma_start3A_331 : memref<10240x64xf32, #tpu.memory_space<vmem_shared>>) offsets(%dma_start3A_328 : memref<125xi32, #tpu.memory_space<vmem>>) semaphore(%run_scoped3A_325 : memref<!tpu.dma_semaphore, #tpu.memory_space<semaphore_mem>>) {add = true}
        %dma_wait3A_332 = arith.constant 0 : i32
        %dma_wait3A_333 = tpu.memref_slice %arg7[%add3A_282, %dma_wait3A_332] : memref<160x125xi32, #tpu.memory_space<vmem>> -> memref<1x125xi32, #tpu.memory_space<vmem>>
        %dma_wait3A_334 = tpu.memref_squeeze %dma_wait3A_333 : memref<1x125xi32, #tpu.memory_space<vmem>> -> memref<125xi32, #tpu.memory_space<vmem>>
        %dma_wait3A_335 = arith.constant 0 : i32
        %dma_wait3A_336 = arith.constant 0 : i32
        %dma_wait3A_337 = tpu.memref_slice %arg14[%dma_wait3A_335, %dma_wait3A_336] : memref<10240x64xf32, #tpu.memory_space<vmem_shared>> -> memref<10240x64xf32, #tpu.memory_space<vmem_shared>>
        tpu.wait_indirect_dma semaphore(%run_scoped3A_325 : memref<!tpu.dma_semaphore, #tpu.memory_space<semaphore_mem>>) src(%arg11 : memref<125x64xf32, #tpu.memory_space<vmem>>) dst(%dma_wait3A_337 : memref<10240x64xf32, #tpu.memory_space<vmem_shared>>)
        tpu.yield
      }) : () -> ()
      %add3A_283 = arith.constant 3 : i32
      %add3A_284 = arith.addi %mul3A_188, %add3A_283 : i32
      %add3A_285 = arith.constant 5 : i32
      %add3A_286 = arith.addi %add3A_284, %add3A_285 : i32
      %dma_start3A_287 = arith.constant 0 : i32
      %dma_start3A_288 = tpu.memref_slice %arg6[%add3A_286, %dma_start3A_287] : memref<160x125xi32, #tpu.memory_space<vmem>> -> memref<1x125xi32, #tpu.memory_space<vmem>>
      %dma_start3A_289 = tpu.memref_squeeze %dma_start3A_288 : memref<1x125xi32, #tpu.memory_space<vmem>> -> memref<125xi32, #tpu.memory_space<vmem>>
      %dma_start3A_290 = arith.constant 0 : i32
      %dma_start3A_291 = arith.constant 0 : i32
      %dma_start3A_292 = tpu.memref_slice %arg2[%arg0, %dma_start3A_290, %dma_start3A_291] : memref<2x10000x64xf32, #tpu.memory_space<hbm>> -> memref<1x10000x64xf32, #tpu.memory_space<hbm>>
      %dma_start3A_293 = tpu.memref_squeeze %dma_start3A_292 : memref<1x10000x64xf32, #tpu.memory_space<hbm>> -> memref<10000x64xf32, #tpu.memory_space<hbm>>
      %dma_start3A_294 = arith.constant 0 : i32
      %dma_start3A_295 = arith.constant 0 : i32
      %dma_start3A_296 = tpu.memref_slice %dma_start3A_293[%dma_start3A_294, %dma_start3A_295] : memref<10000x64xf32, #tpu.memory_space<hbm>> -> memref<10000x64xf32, #tpu.memory_space<hbm>>
      tpu.enqueue_indirect_dma source(%dma_start3A_296 : memref<10000x64xf32, #tpu.memory_space<hbm>>) target(%arg11 : memref<125x64xf32, #tpu.memory_space<vmem>>) offsets(%dma_start3A_289 : memref<125xi32, #tpu.memory_space<vmem>>) semaphore(%arg18 : memref<!tpu.dma_semaphore, #tpu.memory_space<semaphore_mem>>)
      %dma_wait3A_297 = arith.constant 0 : i32
      %dma_wait3A_298 = arith.constant 0 : i32
      %dma_wait3A_299 = tpu.memref_slice %arg6[%dma_wait3A_297, %dma_wait3A_298] : memref<160x125xi32, #tpu.memory_space<vmem>> -> memref<1x125xi32, #tpu.memory_space<vmem>>
      %dma_wait3A_300 = tpu.memref_squeeze %dma_wait3A_299 : memref<1x125xi32, #tpu.memory_space<vmem>> -> memref<125xi32, #tpu.memory_space<vmem>>
      %dma_wait3A_301 = arith.constant 0 : i32
      %dma_wait3A_302 = arith.constant 0 : i32
      %dma_wait3A_303 = tpu.memref_slice %arg2[%arg0, %dma_wait3A_301, %dma_wait3A_302] : memref<2x10000x64xf32, #tpu.memory_space<hbm>> -> memref<1x10000x64xf32, #tpu.memory_space<hbm>>
      %dma_wait3A_304 = tpu.memref_squeeze %dma_wait3A_303 : memref<1x10000x64xf32, #tpu.memory_space<hbm>> -> memref<10000x64xf32, #tpu.memory_space<hbm>>
      %dma_wait3A_305 = arith.constant 0 : i32
      %dma_wait3A_306 = arith.constant 0 : i32
      %dma_wait3A_307 = tpu.memref_slice %dma_wait3A_304[%dma_wait3A_305, %dma_wait3A_306] : memref<10000x64xf32, #tpu.memory_space<hbm>> -> memref<10000x64xf32, #tpu.memory_space<hbm>>
      tpu.wait_indirect_dma semaphore(%arg19 : memref<!tpu.dma_semaphore, #tpu.memory_space<semaphore_mem>>) src(%dma_wait3A_307 : memref<10000x64xf32, #tpu.memory_space<hbm>>) dst(%arg12 : memref<125x64xf32, #tpu.memory_space<vmem>>)
      %add3A_308 = arith.constant 4 : i32
      %add3A_309 = arith.addi %mul3A_188, %add3A_308 : i32
      "tpu.region"() ({
        %run_scoped3A_325 = tpu.sem_alloc : memref<!tpu.dma_semaphore, #tpu.memory_space<semaphore_mem>>
        %dma_start3A_326 = arith.constant 0 : i32
        %dma_start3A_327 = tpu.memref_slice %arg7[%add3A_309, %dma_start3A_326] : memref<160x125xi32, #tpu.memory_space<vmem>> -> memref<1x125xi32, #tpu.memory_space<vmem>>
        %dma_start3A_328 = tpu.memref_squeeze %dma_start3A_327 : memref<1x125xi32, #tpu.memory_space<vmem>> -> memref<125xi32, #tpu.memory_space<vmem>>
        %dma_start3A_329 = arith.constant 0 : i32
        %dma_start3A_330 = arith.constant 0 : i32
        %dma_start3A_331 = tpu.memref_slice %arg14[%dma_start3A_329, %dma_start3A_330] : memref<10240x64xf32, #tpu.memory_space<vmem_shared>> -> memref<10240x64xf32, #tpu.memory_space<vmem_shared>>
        tpu.enqueue_indirect_dma source(%arg12 : memref<125x64xf32, #tpu.memory_space<vmem>>) target(%dma_start3A_331 : memref<10240x64xf32, #tpu.memory_space<vmem_shared>>) offsets(%dma_start3A_328 : memref<125xi32, #tpu.memory_space<vmem>>) semaphore(%run_scoped3A_325 : memref<!tpu.dma_semaphore, #tpu.memory_space<semaphore_mem>>) {add = true}
        %dma_wait3A_332 = arith.constant 0 : i32
        %dma_wait3A_333 = tpu.memref_slice %arg7[%add3A_309, %dma_wait3A_332] : memref<160x125xi32, #tpu.memory_space<vmem>> -> memref<1x125xi32, #tpu.memory_space<vmem>>
        %dma_wait3A_334 = tpu.memref_squeeze %dma_wait3A_333 : memref<1x125xi32, #tpu.memory_space<vmem>> -> memref<125xi32, #tpu.memory_space<vmem>>
        %dma_wait3A_335 = arith.constant 0 : i32
        %dma_wait3A_336 = arith.constant 0 : i32
        %dma_wait3A_337 = tpu.memref_slice %arg14[%dma_wait3A_335, %dma_wait3A_336] : memref<10240x64xf32, #tpu.memory_space<vmem_shared>> -> memref<10240x64xf32, #tpu.memory_space<vmem_shared>>
        tpu.wait_indirect_dma semaphore(%run_scoped3A_325 : memref<!tpu.dma_semaphore, #tpu.memory_space<semaphore_mem>>) src(%arg12 : memref<125x64xf32, #tpu.memory_space<vmem>>) dst(%dma_wait3A_337 : memref<10240x64xf32, #tpu.memory_space<vmem_shared>>)
        tpu.yield
      }) : () -> ()
      %add3A_310 = arith.constant 4 : i32
      %add3A_311 = arith.addi %mul3A_188, %add3A_310 : i32
      %add3A_312 = arith.constant 5 : i32
      %add3A_313 = arith.addi %add3A_311, %add3A_312 : i32
      %dma_start3A_314 = arith.constant 0 : i32
      %dma_start3A_315 = tpu.memref_slice %arg6[%add3A_313, %dma_start3A_314] : memref<160x125xi32, #tpu.memory_space<vmem>> -> memref<1x125xi32, #tpu.memory_space<vmem>>
      %dma_start3A_316 = tpu.memref_squeeze %dma_start3A_315 : memref<1x125xi32, #tpu.memory_space<vmem>> -> memref<125xi32, #tpu.memory_space<vmem>>
      %dma_start3A_317 = arith.constant 0 : i32
      %dma_start3A_318 = arith.constant 0 : i32
      %dma_start3A_319 = tpu.memref_slice %arg2[%arg0, %dma_start3A_317, %dma_start3A_318] : memref<2x10000x64xf32, #tpu.memory_space<hbm>> -> memref<1x10000x64xf32, #tpu.memory_space<hbm>>
      %dma_start3A_320 = tpu.memref_squeeze %dma_start3A_319 : memref<1x10000x64xf32, #tpu.memory_space<hbm>> -> memref<10000x64xf32, #tpu.memory_space<hbm>>
      %dma_start3A_321 = arith.constant 0 : i32
      %dma_start3A_322 = arith.constant 0 : i32
      %dma_start3A_323 = tpu.memref_slice %dma_start3A_320[%dma_start3A_321, %dma_start3A_322] : memref<10000x64xf32, #tpu.memory_space<hbm>> -> memref<10000x64xf32, #tpu.memory_space<hbm>>
      tpu.enqueue_indirect_dma source(%dma_start3A_323 : memref<10000x64xf32, #tpu.memory_space<hbm>>) target(%arg12 : memref<125x64xf32, #tpu.memory_space<vmem>>) offsets(%dma_start3A_316 : memref<125xi32, #tpu.memory_space<vmem>>) semaphore(%arg19 : memref<!tpu.dma_semaphore, #tpu.memory_space<semaphore_mem>>)
      %scan3A_324 = arith.constant 0 : i32
      scf.yield %scan3A_324 : i32
    }
    %scan3A_85 = arith.constant 31 : i32
    %dma_wait3A = arith.constant 0 : i32
    %dma_wait3A_86 = arith.constant 0 : i32
    %dma_wait3A_87 = tpu.memref_slice %arg6[%dma_wait3A, %dma_wait3A_86] : memref<160x125xi32, #tpu.memory_space<vmem>> -> memref<1x125xi32, #tpu.memory_space<vmem>>
    %dma_wait3A_88 = tpu.memref_squeeze %dma_wait3A_87 : memref<1x125xi32, #tpu.memory_space<vmem>> -> memref<125xi32, #tpu.memory_space<vmem>>
    %dma_wait3A_89 = arith.constant 0 : i32
    %dma_wait3A_90 = arith.constant 0 : i32
    %dma_wait3A_91 = tpu.memref_slice %arg2[%arg0, %dma_wait3A_89, %dma_wait3A_90] : memref<2x10000x64xf32, #tpu.memory_space<hbm>> -> memref<1x10000x64xf32, #tpu.memory_space<hbm>>
    %dma_wait3A_92 = tpu.memref_squeeze %dma_wait3A_91 : memref<1x10000x64xf32, #tpu.memory_space<hbm>> -> memref<10000x64xf32, #tpu.memory_space<hbm>>
    %dma_wait3A_93 = arith.constant 0 : i32
    %dma_wait3A_94 = arith.constant 0 : i32
    %dma_wait3A_95 = tpu.memref_slice %dma_wait3A_92[%dma_wait3A_93, %dma_wait3A_94] : memref<10000x64xf32, #tpu.memory_space<hbm>> -> memref<10000x64xf32, #tpu.memory_space<hbm>>
    tpu.wait_indirect_dma semaphore(%arg15 : memref<!tpu.dma_semaphore, #tpu.memory_space<semaphore_mem>>) src(%dma_wait3A_95 : memref<10000x64xf32, #tpu.memory_space<hbm>>) dst(%arg8 : memref<125x64xf32, #tpu.memory_space<vmem>>)
    %run_scoped3A = arith.constant 155 : i32
    "tpu.region"() ({
      %run_scoped3A_185 = tpu.sem_alloc : memref<!tpu.dma_semaphore, #tpu.memory_space<semaphore_mem>>
      %dma_start3A_186 = arith.constant 0 : i32
      %dma_start3A_187 = tpu.memref_slice %arg7[%run_scoped3A, %dma_start3A_186] : memref<160x125xi32, #tpu.memory_space<vmem>> -> memref<1x125xi32, #tpu.memory_space<vmem>>
      %dma_start3A_188 = tpu.memref_squeeze %dma_start3A_187 : memref<1x125xi32, #tpu.memory_space<vmem>> -> memref<125xi32, #tpu.memory_space<vmem>>
      %dma_start3A_189 = arith.constant 0 : i32
      %dma_start3A_190 = arith.constant 0 : i32
      %dma_start3A_191 = tpu.memref_slice %arg14[%dma_start3A_189, %dma_start3A_190] : memref<10240x64xf32, #tpu.memory_space<vmem_shared>> -> memref<10240x64xf32, #tpu.memory_space<vmem_shared>>
      tpu.enqueue_indirect_dma source(%arg8 : memref<125x64xf32, #tpu.memory_space<vmem>>) target(%dma_start3A_191 : memref<10240x64xf32, #tpu.memory_space<vmem_shared>>) offsets(%dma_start3A_188 : memref<125xi32, #tpu.memory_space<vmem>>) semaphore(%run_scoped3A_185 : memref<!tpu.dma_semaphore, #tpu.memory_space<semaphore_mem>>) {add = true}
      %dma_wait3A_192 = arith.constant 0 : i32
      %dma_wait3A_193 = tpu.memref_slice %arg7[%run_scoped3A, %dma_wait3A_192] : memref<160x125xi32, #tpu.memory_space<vmem>> -> memref<1x125xi32, #tpu.memory_space<vmem>>
      %dma_wait3A_194 = tpu.memref_squeeze %dma_wait3A_193 : memref<1x125xi32, #tpu.memory_space<vmem>> -> memref<125xi32, #tpu.memory_space<vmem>>
      %dma_wait3A_195 = arith.constant 0 : i32
      %dma_wait3A_196 = arith.constant 0 : i32
      %dma_wait3A_197 = tpu.memref_slice %arg14[%dma_wait3A_195, %dma_wait3A_196] : memref<10240x64xf32, #tpu.memory_space<vmem_shared>> -> memref<10240x64xf32, #tpu.memory_space<vmem_shared>>
      tpu.wait_indirect_dma semaphore(%run_scoped3A_185 : memref<!tpu.dma_semaphore, #tpu.memory_space<semaphore_mem>>) src(%arg8 : memref<125x64xf32, #tpu.memory_space<vmem>>) dst(%dma_wait3A_197 : memref<10240x64xf32, #tpu.memory_space<vmem_shared>>)
      tpu.yield
    }) : () -> ()
    %dma_wait3A_96 = arith.constant 0 : i32
    %dma_wait3A_97 = arith.constant 0 : i32
    %dma_wait3A_98 = tpu.memref_slice %arg6[%dma_wait3A_96, %dma_wait3A_97] : memref<160x125xi32, #tpu.memory_space<vmem>> -> memref<1x125xi32, #tpu.memory_space<vmem>>
    %dma_wait3A_99 = tpu.memref_squeeze %dma_wait3A_98 : memref<1x125xi32, #tpu.memory_space<vmem>> -> memref<125xi32, #tpu.memory_space<vmem>>
    %dma_wait3A_100 = arith.constant 0 : i32
    %dma_wait3A_101 = arith.constant 0 : i32
    %dma_wait3A_102 = tpu.memref_slice %arg2[%arg0, %dma_wait3A_100, %dma_wait3A_101] : memref<2x10000x64xf32, #tpu.memory_space<hbm>> -> memref<1x10000x64xf32, #tpu.memory_space<hbm>>
    %dma_wait3A_103 = tpu.memref_squeeze %dma_wait3A_102 : memref<1x10000x64xf32, #tpu.memory_space<hbm>> -> memref<10000x64xf32, #tpu.memory_space<hbm>>
    %dma_wait3A_104 = arith.constant 0 : i32
    %dma_wait3A_105 = arith.constant 0 : i32
    %dma_wait3A_106 = tpu.memref_slice %dma_wait3A_103[%dma_wait3A_104, %dma_wait3A_105] : memref<10000x64xf32, #tpu.memory_space<hbm>> -> memref<10000x64xf32, #tpu.memory_space<hbm>>
    tpu.wait_indirect_dma semaphore(%arg16 : memref<!tpu.dma_semaphore, #tpu.memory_space<semaphore_mem>>) src(%dma_wait3A_106 : memref<10000x64xf32, #tpu.memory_space<hbm>>) dst(%arg9 : memref<125x64xf32, #tpu.memory_space<vmem>>)
    %run_scoped3A_107 = arith.constant 156 : i32
    "tpu.region"() ({
      %run_scoped3A_185 = tpu.sem_alloc : memref<!tpu.dma_semaphore, #tpu.memory_space<semaphore_mem>>
      %dma_start3A_186 = arith.constant 0 : i32
      %dma_start3A_187 = tpu.memref_slice %arg7[%run_scoped3A_107, %dma_start3A_186] : memref<160x125xi32, #tpu.memory_space<vmem>> -> memref<1x125xi32, #tpu.memory_space<vmem>>
      %dma_start3A_188 = tpu.memref_squeeze %dma_start3A_187 : memref<1x125xi32, #tpu.memory_space<vmem>> -> memref<125xi32, #tpu.memory_space<vmem>>
      %dma_start3A_189 = arith.constant 0 : i32
      %dma_start3A_190 = arith.constant 0 : i32
      %dma_start3A_191 = tpu.memref_slice %arg14[%dma_start3A_189, %dma_start3A_190] : memref<10240x64xf32, #tpu.memory_space<vmem_shared>> -> memref<10240x64xf32, #tpu.memory_space<vmem_shared>>
      tpu.enqueue_indirect_dma source(%arg9 : memref<125x64xf32, #tpu.memory_space<vmem>>) target(%dma_start3A_191 : memref<10240x64xf32, #tpu.memory_space<vmem_shared>>) offsets(%dma_start3A_188 : memref<125xi32, #tpu.memory_space<vmem>>) semaphore(%run_scoped3A_185 : memref<!tpu.dma_semaphore, #tpu.memory_space<semaphore_mem>>) {add = true}
      %dma_wait3A_192 = arith.constant 0 : i32
      %dma_wait3A_193 = tpu.memref_slice %arg7[%run_scoped3A_107, %dma_wait3A_192] : memref<160x125xi32, #tpu.memory_space<vmem>> -> memref<1x125xi32, #tpu.memory_space<vmem>>
      %dma_wait3A_194 = tpu.memref_squeeze %dma_wait3A_193 : memref<1x125xi32, #tpu.memory_space<vmem>> -> memref<125xi32, #tpu.memory_space<vmem>>
      %dma_wait3A_195 = arith.constant 0 : i32
      %dma_wait3A_196 = arith.constant 0 : i32
      %dma_wait3A_197 = tpu.memref_slice %arg14[%dma_wait3A_195, %dma_wait3A_196] : memref<10240x64xf32, #tpu.memory_space<vmem_shared>> -> memref<10240x64xf32, #tpu.memory_space<vmem_shared>>
      tpu.wait_indirect_dma semaphore(%run_scoped3A_185 : memref<!tpu.dma_semaphore, #tpu.memory_space<semaphore_mem>>) src(%arg9 : memref<125x64xf32, #tpu.memory_space<vmem>>) dst(%dma_wait3A_197 : memref<10240x64xf32, #tpu.memory_space<vmem_shared>>)
      tpu.yield
    }) : () -> ()
    %dma_wait3A_108 = arith.constant 0 : i32
    %dma_wait3A_109 = arith.constant 0 : i32
    %dma_wait3A_110 = tpu.memref_slice %arg6[%dma_wait3A_108, %dma_wait3A_109] : memref<160x125xi32, #tpu.memory_space<vmem>> -> memref<1x125xi32, #tpu.memory_space<vmem>>
    %dma_wait3A_111 = tpu.memref_squeeze %dma_wait3A_110 : memref<1x125xi32, #tpu.memory_space<vmem>> -> memref<125xi32, #tpu.memory_space<vmem>>
    %dma_wait3A_112 = arith.constant 0 : i32
    %dma_wait3A_113 = arith.constant 0 : i32
    %dma_wait3A_114 = tpu.memref_slice %arg2[%arg0, %dma_wait3A_112, %dma_wait3A_113] : memref<2x10000x64xf32, #tpu.memory_space<hbm>> -> memref<1x10000x64xf32, #tpu.memory_space<hbm>>
    %dma_wait3A_115 = tpu.memref_squeeze %dma_wait3A_114 : memref<1x10000x64xf32, #tpu.memory_space<hbm>> -> memref<10000x64xf32, #tpu.memory_space<hbm>>
    %dma_wait3A_116 = arith.constant 0 : i32
    %dma_wait3A_117 = arith.constant 0 : i32
    %dma_wait3A_118 = tpu.memref_slice %dma_wait3A_115[%dma_wait3A_116, %dma_wait3A_117] : memref<10000x64xf32, #tpu.memory_space<hbm>> -> memref<10000x64xf32, #tpu.memory_space<hbm>>
    tpu.wait_indirect_dma semaphore(%arg17 : memref<!tpu.dma_semaphore, #tpu.memory_space<semaphore_mem>>) src(%dma_wait3A_118 : memref<10000x64xf32, #tpu.memory_space<hbm>>) dst(%arg10 : memref<125x64xf32, #tpu.memory_space<vmem>>)
    %run_scoped3A_119 = arith.constant 157 : i32
    "tpu.region"() ({
      %run_scoped3A_185 = tpu.sem_alloc : memref<!tpu.dma_semaphore, #tpu.memory_space<semaphore_mem>>
      %dma_start3A_186 = arith.constant 0 : i32
      %dma_start3A_187 = tpu.memref_slice %arg7[%run_scoped3A_119, %dma_start3A_186] : memref<160x125xi32, #tpu.memory_space<vmem>> -> memref<1x125xi32, #tpu.memory_space<vmem>>
      %dma_start3A_188 = tpu.memref_squeeze %dma_start3A_187 : memref<1x125xi32, #tpu.memory_space<vmem>> -> memref<125xi32, #tpu.memory_space<vmem>>
      %dma_start3A_189 = arith.constant 0 : i32
      %dma_start3A_190 = arith.constant 0 : i32
      %dma_start3A_191 = tpu.memref_slice %arg14[%dma_start3A_189, %dma_start3A_190] : memref<10240x64xf32, #tpu.memory_space<vmem_shared>> -> memref<10240x64xf32, #tpu.memory_space<vmem_shared>>
      tpu.enqueue_indirect_dma source(%arg10 : memref<125x64xf32, #tpu.memory_space<vmem>>) target(%dma_start3A_191 : memref<10240x64xf32, #tpu.memory_space<vmem_shared>>) offsets(%dma_start3A_188 : memref<125xi32, #tpu.memory_space<vmem>>) semaphore(%run_scoped3A_185 : memref<!tpu.dma_semaphore, #tpu.memory_space<semaphore_mem>>) {add = true}
      %dma_wait3A_192 = arith.constant 0 : i32
      %dma_wait3A_193 = tpu.memref_slice %arg7[%run_scoped3A_119, %dma_wait3A_192] : memref<160x125xi32, #tpu.memory_space<vmem>> -> memref<1x125xi32, #tpu.memory_space<vmem>>
      %dma_wait3A_194 = tpu.memref_squeeze %dma_wait3A_193 : memref<1x125xi32, #tpu.memory_space<vmem>> -> memref<125xi32, #tpu.memory_space<vmem>>
      %dma_wait3A_195 = arith.constant 0 : i32
      %dma_wait3A_196 = arith.constant 0 : i32
      %dma_wait3A_197 = tpu.memref_slice %arg14[%dma_wait3A_195, %dma_wait3A_196] : memref<10240x64xf32, #tpu.memory_space<vmem_shared>> -> memref<10240x64xf32, #tpu.memory_space<vmem_shared>>
      tpu.wait_indirect_dma semaphore(%run_scoped3A_185 : memref<!tpu.dma_semaphore, #tpu.memory_space<semaphore_mem>>) src(%arg10 : memref<125x64xf32, #tpu.memory_space<vmem>>) dst(%dma_wait3A_197 : memref<10240x64xf32, #tpu.memory_space<vmem_shared>>)
      tpu.yield
    }) : () -> ()
    %dma_wait3A_120 = arith.constant 0 : i32
    %dma_wait3A_121 = arith.constant 0 : i32
    %dma_wait3A_122 = tpu.memref_slice %arg6[%dma_wait3A_120, %dma_wait3A_121] : memref<160x125xi32, #tpu.memory_space<vmem>> -> memref<1x125xi32, #tpu.memory_space<vmem>>
    %dma_wait3A_123 = tpu.memref_squeeze %dma_wait3A_122 : memref<1x125xi32, #tpu.memory_space<vmem>> -> memref<125xi32, #tpu.memory_space<vmem>>
    %dma_wait3A_124 = arith.constant 0 : i32
    %dma_wait3A_125 = arith.constant 0 : i32
    %dma_wait3A_126 = tpu.memref_slice %arg2[%arg0, %dma_wait3A_124, %dma_wait3A_125] : memref<2x10000x64xf32, #tpu.memory_space<hbm>> -> memref<1x10000x64xf32, #tpu.memory_space<hbm>>
    %dma_wait3A_127 = tpu.memref_squeeze %dma_wait3A_126 : memref<1x10000x64xf32, #tpu.memory_space<hbm>> -> memref<10000x64xf32, #tpu.memory_space<hbm>>
    %dma_wait3A_128 = arith.constant 0 : i32
    %dma_wait3A_129 = arith.constant 0 : i32
    %dma_wait3A_130 = tpu.memref_slice %dma_wait3A_127[%dma_wait3A_128, %dma_wait3A_129] : memref<10000x64xf32, #tpu.memory_space<hbm>> -> memref<10000x64xf32, #tpu.memory_space<hbm>>
    tpu.wait_indirect_dma semaphore(%arg18 : memref<!tpu.dma_semaphore, #tpu.memory_space<semaphore_mem>>) src(%dma_wait3A_130 : memref<10000x64xf32, #tpu.memory_space<hbm>>) dst(%arg11 : memref<125x64xf32, #tpu.memory_space<vmem>>)
    %run_scoped3A_131 = arith.constant 158 : i32
    "tpu.region"() ({
      %run_scoped3A_185 = tpu.sem_alloc : memref<!tpu.dma_semaphore, #tpu.memory_space<semaphore_mem>>
      %dma_start3A_186 = arith.constant 0 : i32
      %dma_start3A_187 = tpu.memref_slice %arg7[%run_scoped3A_131, %dma_start3A_186] : memref<160x125xi32, #tpu.memory_space<vmem>> -> memref<1x125xi32, #tpu.memory_space<vmem>>
      %dma_start3A_188 = tpu.memref_squeeze %dma_start3A_187 : memref<1x125xi32, #tpu.memory_space<vmem>> -> memref<125xi32, #tpu.memory_space<vmem>>
      %dma_start3A_189 = arith.constant 0 : i32
      %dma_start3A_190 = arith.constant 0 : i32
      %dma_start3A_191 = tpu.memref_slice %arg14[%dma_start3A_189, %dma_start3A_190] : memref<10240x64xf32, #tpu.memory_space<vmem_shared>> -> memref<10240x64xf32, #tpu.memory_space<vmem_shared>>
      tpu.enqueue_indirect_dma source(%arg11 : memref<125x64xf32, #tpu.memory_space<vmem>>) target(%dma_start3A_191 : memref<10240x64xf32, #tpu.memory_space<vmem_shared>>) offsets(%dma_start3A_188 : memref<125xi32, #tpu.memory_space<vmem>>) semaphore(%run_scoped3A_185 : memref<!tpu.dma_semaphore, #tpu.memory_space<semaphore_mem>>) {add = true}
      %dma_wait3A_192 = arith.constant 0 : i32
      %dma_wait3A_193 = tpu.memref_slice %arg7[%run_scoped3A_131, %dma_wait3A_192] : memref<160x125xi32, #tpu.memory_space<vmem>> -> memref<1x125xi32, #tpu.memory_space<vmem>>
      %dma_wait3A_194 = tpu.memref_squeeze %dma_wait3A_193 : memref<1x125xi32, #tpu.memory_space<vmem>> -> memref<125xi32, #tpu.memory_space<vmem>>
      %dma_wait3A_195 = arith.constant 0 : i32
      %dma_wait3A_196 = arith.constant 0 : i32
      %dma_wait3A_197 = tpu.memref_slice %arg14[%dma_wait3A_195, %dma_wait3A_196] : memref<10240x64xf32, #tpu.memory_space<vmem_shared>> -> memref<10240x64xf32, #tpu.memory_space<vmem_shared>>
      tpu.wait_indirect_dma semaphore(%run_scoped3A_185 : memref<!tpu.dma_semaphore, #tpu.memory_space<semaphore_mem>>) src(%arg11 : memref<125x64xf32, #tpu.memory_space<vmem>>) dst(%dma_wait3A_197 : memref<10240x64xf32, #tpu.memory_space<vmem_shared>>)
      tpu.yield
    }) : () -> ()
    %dma_wait3A_132 = arith.constant 0 : i32
    %dma_wait3A_133 = arith.constant 0 : i32
    %dma_wait3A_134 = tpu.memref_slice %arg6[%dma_wait3A_132, %dma_wait3A_133] : memref<160x125xi32, #tpu.memory_space<vmem>> -> memref<1x125xi32, #tpu.memory_space<vmem>>
    %dma_wait3A_135 = tpu.memref_squeeze %dma_wait3A_134 : memref<1x125xi32, #tpu.memory_space<vmem>> -> memref<125xi32, #tpu.memory_space<vmem>>
    %dma_wait3A_136 = arith.constant 0 : i32
    %dma_wait3A_137 = arith.constant 0 : i32
    %dma_wait3A_138 = tpu.memref_slice %arg2[%arg0, %dma_wait3A_136, %dma_wait3A_137] : memref<2x10000x64xf32, #tpu.memory_space<hbm>> -> memref<1x10000x64xf32, #tpu.memory_space<hbm>>
    %dma_wait3A_139 = tpu.memref_squeeze %dma_wait3A_138 : memref<1x10000x64xf32, #tpu.memory_space<hbm>> -> memref<10000x64xf32, #tpu.memory_space<hbm>>
    %dma_wait3A_140 = arith.constant 0 : i32
    %dma_wait3A_141 = arith.constant 0 : i32
    %dma_wait3A_142 = tpu.memref_slice %dma_wait3A_139[%dma_wait3A_140, %dma_wait3A_141] : memref<10000x64xf32, #tpu.memory_space<hbm>> -> memref<10000x64xf32, #tpu.memory_space<hbm>>
    tpu.wait_indirect_dma semaphore(%arg19 : memref<!tpu.dma_semaphore, #tpu.memory_space<semaphore_mem>>) src(%dma_wait3A_142 : memref<10000x64xf32, #tpu.memory_space<hbm>>) dst(%arg12 : memref<125x64xf32, #tpu.memory_space<vmem>>)
    %run_scoped3A_143 = arith.constant 159 : i32
    "tpu.region"() ({
      %run_scoped3A_185 = tpu.sem_alloc : memref<!tpu.dma_semaphore, #tpu.memory_space<semaphore_mem>>
      %dma_start3A_186 = arith.constant 0 : i32
      %dma_start3A_187 = tpu.memref_slice %arg7[%run_scoped3A_143, %dma_start3A_186] : memref<160x125xi32, #tpu.memory_space<vmem>> -> memref<1x125xi32, #tpu.memory_space<vmem>>
      %dma_start3A_188 = tpu.memref_squeeze %dma_start3A_187 : memref<1x125xi32, #tpu.memory_space<vmem>> -> memref<125xi32, #tpu.memory_space<vmem>>
      %dma_start3A_189 = arith.constant 0 : i32
      %dma_start3A_190 = arith.constant 0 : i32
      %dma_start3A_191 = tpu.memref_slice %arg14[%dma_start3A_189, %dma_start3A_190] : memref<10240x64xf32, #tpu.memory_space<vmem_shared>> -> memref<10240x64xf32, #tpu.memory_space<vmem_shared>>
      tpu.enqueue_indirect_dma source(%arg12 : memref<125x64xf32, #tpu.memory_space<vmem>>) target(%dma_start3A_191 : memref<10240x64xf32, #tpu.memory_space<vmem_shared>>) offsets(%dma_start3A_188 : memref<125xi32, #tpu.memory_space<vmem>>) semaphore(%run_scoped3A_185 : memref<!tpu.dma_semaphore, #tpu.memory_space<semaphore_mem>>) {add = true}
      %dma_wait3A_192 = arith.constant 0 : i32
      %dma_wait3A_193 = tpu.memref_slice %arg7[%run_scoped3A_143, %dma_wait3A_192] : memref<160x125xi32, #tpu.memory_space<vmem>> -> memref<1x125xi32, #tpu.memory_space<vmem>>
      %dma_wait3A_194 = tpu.memref_squeeze %dma_wait3A_193 : memref<1x125xi32, #tpu.memory_space<vmem>> -> memref<125xi32, #tpu.memory_space<vmem>>
      %dma_wait3A_195 = arith.constant 0 : i32
      %dma_wait3A_196 = arith.constant 0 : i32
      %dma_wait3A_197 = tpu.memref_slice %arg14[%dma_wait3A_195, %dma_wait3A_196] : memref<10240x64xf32, #tpu.memory_space<vmem_shared>> -> memref<10240x64xf32, #tpu.memory_space<vmem_shared>>
      tpu.wait_indirect_dma semaphore(%run_scoped3A_185 : memref<!tpu.dma_semaphore, #tpu.memory_space<semaphore_mem>>) src(%arg12 : memref<125x64xf32, #tpu.memory_space<vmem>>) dst(%dma_wait3A_197 : memref<10240x64xf32, #tpu.memory_space<vmem_shared>>)
      tpu.yield
    }) : () -> ()
    %barrier3A_144 = arith.constant 0 : index
    tpu.barrier barrier_id(%barrier3A_144)
    %mul3A_145 = arith.constant 640 : i32
    %mul3A_146 = arith.muli %arg1, %mul3A_145 : i32
    %add3A_147 = arith.constant 0 : i32
    %add3A_148 = arith.addi %mul3A_146, %add3A_147 : i32
    %mul3A_149 = arith.constant 5 : i32
    %mul3A_150 = arith.muli %arg1, %mul3A_149 : i32
    %add3A_151 = arith.constant 0 : i32
    %add3A_152 = arith.addi %mul3A_150, %add3A_151 : i32
    "tpu.region"() ({
      %run_scoped3A_185 = tpu.sem_alloc : memref<!tpu.dma_semaphore, #tpu.memory_space<semaphore_mem>>
      %dma_start3A_186 = arith.constant 0 : i32
      %dma_start3A_187 = arith.constant 0 : i32
      %dma_start3A_188 = tpu.memref_slice %arg5[%arg0, %add3A_152, %dma_start3A_186, %dma_start3A_187] : memref<2x80x128x64xf32, #tpu.memory_space<hbm>> -> memref<1x1x128x64xf32, #tpu.memory_space<hbm>>
      %dma_start3A_189 = tpu.memref_squeeze %dma_start3A_188 : memref<1x1x128x64xf32, #tpu.memory_space<hbm>> -> memref<128x64xf32, #tpu.memory_space<hbm>>
      %dma_start3A_190 = arith.constant 0 : i32
      %dma_start3A_191 = tpu.memref_slice %arg14[%add3A_148, %dma_start3A_190] : memref<10240x64xf32, #tpu.memory_space<vmem_shared>> -> memref<128x64xf32, #tpu.memory_space<vmem_shared>>
      tpu.enqueue_dma source(%dma_start3A_191 : memref<128x64xf32, #tpu.memory_space<vmem_shared>>) target(%dma_start3A_189 : memref<128x64xf32, #tpu.memory_space<hbm>>) target_semaphore(%run_scoped3A_185 : memref<!tpu.dma_semaphore, #tpu.memory_space<semaphore_mem>>)
      %dma_wait3A_192 = arith.constant 0 : i32
      %dma_wait3A_193 = arith.constant 0 : i32
      %dma_wait3A_194 = tpu.memref_slice %arg5[%arg0, %add3A_152, %dma_wait3A_192, %dma_wait3A_193] : memref<2x80x128x64xf32, #tpu.memory_space<hbm>> -> memref<1x1x128x64xf32, #tpu.memory_space<hbm>>
      %dma_wait3A_195 = tpu.memref_squeeze %dma_wait3A_194 : memref<1x1x128x64xf32, #tpu.memory_space<hbm>> -> memref<128x64xf32, #tpu.memory_space<hbm>>
      %dma_wait3A_196 = arith.constant 0 : i32
      %dma_wait3A_197 = tpu.memref_slice %arg14[%add3A_148, %dma_wait3A_196] : memref<10240x64xf32, #tpu.memory_space<vmem_shared>> -> memref<128x64xf32, #tpu.memory_space<vmem_shared>>
      tpu.wait_dma2 semaphore(%run_scoped3A_185 : memref<!tpu.dma_semaphore, #tpu.memory_space<semaphore_mem>>) src(%dma_wait3A_197 : memref<128x64xf32, #tpu.memory_space<vmem_shared>>) dst(%dma_wait3A_195 : memref<128x64xf32, #tpu.memory_space<hbm>>)
      tpu.yield
    }) : () -> ()
    %mul3A_153 = arith.constant 640 : i32
    %mul3A_154 = arith.muli %arg1, %mul3A_153 : i32
    %add3A_155 = arith.constant 128 : i32
    %add3A_156 = arith.addi %mul3A_154, %add3A_155 : i32
    %mul3A_157 = arith.constant 5 : i32
    %mul3A_158 = arith.muli %arg1, %mul3A_157 : i32
    %add3A_159 = arith.constant 1 : i32
    %add3A_160 = arith.addi %mul3A_158, %add3A_159 : i32
    "tpu.region"() ({
      %run_scoped3A_185 = tpu.sem_alloc : memref<!tpu.dma_semaphore, #tpu.memory_space<semaphore_mem>>
      %dma_start3A_186 = arith.constant 0 : i32
      %dma_start3A_187 = arith.constant 0 : i32
      %dma_start3A_188 = tpu.memref_slice %arg5[%arg0, %add3A_160, %dma_start3A_186, %dma_start3A_187] : memref<2x80x128x64xf32, #tpu.memory_space<hbm>> -> memref<1x1x128x64xf32, #tpu.memory_space<hbm>>
      %dma_start3A_189 = tpu.memref_squeeze %dma_start3A_188 : memref<1x1x128x64xf32, #tpu.memory_space<hbm>> -> memref<128x64xf32, #tpu.memory_space<hbm>>
      %dma_start3A_190 = arith.constant 0 : i32
      %dma_start3A_191 = tpu.memref_slice %arg14[%add3A_156, %dma_start3A_190] : memref<10240x64xf32, #tpu.memory_space<vmem_shared>> -> memref<128x64xf32, #tpu.memory_space<vmem_shared>>
      tpu.enqueue_dma source(%dma_start3A_191 : memref<128x64xf32, #tpu.memory_space<vmem_shared>>) target(%dma_start3A_189 : memref<128x64xf32, #tpu.memory_space<hbm>>) target_semaphore(%run_scoped3A_185 : memref<!tpu.dma_semaphore, #tpu.memory_space<semaphore_mem>>)
      %dma_wait3A_192 = arith.constant 0 : i32
      %dma_wait3A_193 = arith.constant 0 : i32
      %dma_wait3A_194 = tpu.memref_slice %arg5[%arg0, %add3A_160, %dma_wait3A_192, %dma_wait3A_193] : memref<2x80x128x64xf32, #tpu.memory_space<hbm>> -> memref<1x1x128x64xf32, #tpu.memory_space<hbm>>
      %dma_wait3A_195 = tpu.memref_squeeze %dma_wait3A_194 : memref<1x1x128x64xf32, #tpu.memory_space<hbm>> -> memref<128x64xf32, #tpu.memory_space<hbm>>
      %dma_wait3A_196 = arith.constant 0 : i32
      %dma_wait3A_197 = tpu.memref_slice %arg14[%add3A_156, %dma_wait3A_196] : memref<10240x64xf32, #tpu.memory_space<vmem_shared>> -> memref<128x64xf32, #tpu.memory_space<vmem_shared>>
      tpu.wait_dma2 semaphore(%run_scoped3A_185 : memref<!tpu.dma_semaphore, #tpu.memory_space<semaphore_mem>>) src(%dma_wait3A_197 : memref<128x64xf32, #tpu.memory_space<vmem_shared>>) dst(%dma_wait3A_195 : memref<128x64xf32, #tpu.memory_space<hbm>>)
      tpu.yield
    }) : () -> ()
    %mul3A_161 = arith.constant 640 : i32
    %mul3A_162 = arith.muli %arg1, %mul3A_161 : i32
    %add3A_163 = arith.constant 256 : i32
    %add3A_164 = arith.addi %mul3A_162, %add3A_163 : i32
    %mul3A_165 = arith.constant 5 : i32
    %mul3A_166 = arith.muli %arg1, %mul3A_165 : i32
    %add3A_167 = arith.constant 2 : i32
    %add3A_168 = arith.addi %mul3A_166, %add3A_167 : i32
    "tpu.region"() ({
      %run_scoped3A_185 = tpu.sem_alloc : memref<!tpu.dma_semaphore, #tpu.memory_space<semaphore_mem>>
      %dma_start3A_186 = arith.constant 0 : i32
      %dma_start3A_187 = arith.constant 0 : i32
      %dma_start3A_188 = tpu.memref_slice %arg5[%arg0, %add3A_168, %dma_start3A_186, %dma_start3A_187] : memref<2x80x128x64xf32, #tpu.memory_space<hbm>> -> memref<1x1x128x64xf32, #tpu.memory_space<hbm>>
      %dma_start3A_189 = tpu.memref_squeeze %dma_start3A_188 : memref<1x1x128x64xf32, #tpu.memory_space<hbm>> -> memref<128x64xf32, #tpu.memory_space<hbm>>
      %dma_start3A_190 = arith.constant 0 : i32
      %dma_start3A_191 = tpu.memref_slice %arg14[%add3A_164, %dma_start3A_190] : memref<10240x64xf32, #tpu.memory_space<vmem_shared>> -> memref<128x64xf32, #tpu.memory_space<vmem_shared>>
      tpu.enqueue_dma source(%dma_start3A_191 : memref<128x64xf32, #tpu.memory_space<vmem_shared>>) target(%dma_start3A_189 : memref<128x64xf32, #tpu.memory_space<hbm>>) target_semaphore(%run_scoped3A_185 : memref<!tpu.dma_semaphore, #tpu.memory_space<semaphore_mem>>)
      %dma_wait3A_192 = arith.constant 0 : i32
      %dma_wait3A_193 = arith.constant 0 : i32
      %dma_wait3A_194 = tpu.memref_slice %arg5[%arg0, %add3A_168, %dma_wait3A_192, %dma_wait3A_193] : memref<2x80x128x64xf32, #tpu.memory_space<hbm>> -> memref<1x1x128x64xf32, #tpu.memory_space<hbm>>
      %dma_wait3A_195 = tpu.memref_squeeze %dma_wait3A_194 : memref<1x1x128x64xf32, #tpu.memory_space<hbm>> -> memref<128x64xf32, #tpu.memory_space<hbm>>
      %dma_wait3A_196 = arith.constant 0 : i32
      %dma_wait3A_197 = tpu.memref_slice %arg14[%add3A_164, %dma_wait3A_196] : memref<10240x64xf32, #tpu.memory_space<vmem_shared>> -> memref<128x64xf32, #tpu.memory_space<vmem_shared>>
      tpu.wait_dma2 semaphore(%run_scoped3A_185 : memref<!tpu.dma_semaphore, #tpu.memory_space<semaphore_mem>>) src(%dma_wait3A_197 : memref<128x64xf32, #tpu.memory_space<vmem_shared>>) dst(%dma_wait3A_195 : memref<128x64xf32, #tpu.memory_space<hbm>>)
      tpu.yield
    }) : () -> ()
    %mul3A_169 = arith.constant 640 : i32
    %mul3A_170 = arith.muli %arg1, %mul3A_169 : i32
    %add3A_171 = arith.constant 384 : i32
    %add3A_172 = arith.addi %mul3A_170, %add3A_171 : i32
    %mul3A_173 = arith.constant 5 : i32
    %mul3A_174 = arith.muli %arg1, %mul3A_173 : i32
    %add3A_175 = arith.constant 3 : i32
    %add3A_176 = arith.addi %mul3A_174, %add3A_175 : i32
    "tpu.region"() ({
      %run_scoped3A_185 = tpu.sem_alloc : memref<!tpu.dma_semaphore, #tpu.memory_space<semaphore_mem>>
      %dma_start3A_186 = arith.constant 0 : i32
      %dma_start3A_187 = arith.constant 0 : i32
      %dma_start3A_188 = tpu.memref_slice %arg5[%arg0, %add3A_176, %dma_start3A_186, %dma_start3A_187] : memref<2x80x128x64xf32, #tpu.memory_space<hbm>> -> memref<1x1x128x64xf32, #tpu.memory_space<hbm>>
      %dma_start3A_189 = tpu.memref_squeeze %dma_start3A_188 : memref<1x1x128x64xf32, #tpu.memory_space<hbm>> -> memref<128x64xf32, #tpu.memory_space<hbm>>
      %dma_start3A_190 = arith.constant 0 : i32
      %dma_start3A_191 = tpu.memref_slice %arg14[%add3A_172, %dma_start3A_190] : memref<10240x64xf32, #tpu.memory_space<vmem_shared>> -> memref<128x64xf32, #tpu.memory_space<vmem_shared>>
      tpu.enqueue_dma source(%dma_start3A_191 : memref<128x64xf32, #tpu.memory_space<vmem_shared>>) target(%dma_start3A_189 : memref<128x64xf32, #tpu.memory_space<hbm>>) target_semaphore(%run_scoped3A_185 : memref<!tpu.dma_semaphore, #tpu.memory_space<semaphore_mem>>)
      %dma_wait3A_192 = arith.constant 0 : i32
      %dma_wait3A_193 = arith.constant 0 : i32
      %dma_wait3A_194 = tpu.memref_slice %arg5[%arg0, %add3A_176, %dma_wait3A_192, %dma_wait3A_193] : memref<2x80x128x64xf32, #tpu.memory_space<hbm>> -> memref<1x1x128x64xf32, #tpu.memory_space<hbm>>
      %dma_wait3A_195 = tpu.memref_squeeze %dma_wait3A_194 : memref<1x1x128x64xf32, #tpu.memory_space<hbm>> -> memref<128x64xf32, #tpu.memory_space<hbm>>
      %dma_wait3A_196 = arith.constant 0 : i32
      %dma_wait3A_197 = tpu.memref_slice %arg14[%add3A_172, %dma_wait3A_196] : memref<10240x64xf32, #tpu.memory_space<vmem_shared>> -> memref<128x64xf32, #tpu.memory_space<vmem_shared>>
      tpu.wait_dma2 semaphore(%run_scoped3A_185 : memref<!tpu.dma_semaphore, #tpu.memory_space<semaphore_mem>>) src(%dma_wait3A_197 : memref<128x64xf32, #tpu.memory_space<vmem_shared>>) dst(%dma_wait3A_195 : memref<128x64xf32, #tpu.memory_space<hbm>>)
      tpu.yield
    }) : () -> ()
    %mul3A_177 = arith.constant 640 : i32
    %mul3A_178 = arith.muli %arg1, %mul3A_177 : i32
    %add3A_179 = arith.constant 512 : i32
    %add3A_180 = arith.addi %mul3A_178, %add3A_179 : i32
    %mul3A_181 = arith.constant 5 : i32
    %mul3A_182 = arith.muli %arg1, %mul3A_181 : i32
    %add3A_183 = arith.constant 4 : i32
    %add3A_184 = arith.addi %mul3A_182, %add3A_183 : i32
    "tpu.region"() ({
      %run_scoped3A_185 = tpu.sem_alloc : memref<!tpu.dma_semaphore, #tpu.memory_space<semaphore_mem>>
      %dma_start3A_186 = arith.constant 0 : i32
      %dma_start3A_187 = arith.constant 0 : i32
      %dma_start3A_188 = tpu.memref_slice %arg5[%arg0, %add3A_184, %dma_start3A_186, %dma_start3A_187] : memref<2x80x128x64xf32, #tpu.memory_space<hbm>> -> memref<1x1x128x64xf32, #tpu.memory_space<hbm>>
      %dma_start3A_189 = tpu.memref_squeeze %dma_start3A_188 : memref<1x1x128x64xf32, #tpu.memory_space<hbm>> -> memref<128x64xf32, #tpu.memory_space<hbm>>
      %dma_start3A_190 = arith.constant 0 : i32
      %dma_start3A_191 = tpu.memref_slice %arg14[%add3A_180, %dma_start3A_190] : memref<10240x64xf32, #tpu.memory_space<vmem_shared>> -> memref<128x64xf32, #tpu.memory_space<vmem_shared>>
      tpu.enqueue_dma source(%dma_start3A_191 : memref<128x64xf32, #tpu.memory_space<vmem_shared>>) target(%dma_start3A_189 : memref<128x64xf32, #tpu.memory_space<hbm>>) target_semaphore(%run_scoped3A_185 : memref<!tpu.dma_semaphore, #tpu.memory_space<semaphore_mem>>)
      %dma_wait3A_192 = arith.constant 0 : i32
      %dma_wait3A_193 = arith.constant 0 : i32
      %dma_wait3A_194 = tpu.memref_slice %arg5[%arg0, %add3A_184, %dma_wait3A_192, %dma_wait3A_193] : memref<2x80x128x64xf32, #tpu.memory_space<hbm>> -> memref<1x1x128x64xf32, #tpu.memory_space<hbm>>
      %dma_wait3A_195 = tpu.memref_squeeze %dma_wait3A_194 : memref<1x1x128x64xf32, #tpu.memory_space<hbm>> -> memref<128x64xf32, #tpu.memory_space<hbm>>
      %dma_wait3A_196 = arith.constant 0 : i32
      %dma_wait3A_197 = tpu.memref_slice %arg14[%add3A_180, %dma_wait3A_196] : memref<10240x64xf32, #tpu.memory_space<vmem_shared>> -> memref<128x64xf32, #tpu.memory_space<vmem_shared>>
      tpu.wait_dma2 semaphore(%run_scoped3A_185 : memref<!tpu.dma_semaphore, #tpu.memory_space<semaphore_mem>>) src(%dma_wait3A_197 : memref<128x64xf32, #tpu.memory_space<vmem_shared>>) dst(%dma_wait3A_195 : memref<128x64xf32, #tpu.memory_space<hbm>>)
      tpu.yield
    }) : () -> ()
    return
  }
}

#map = affine_map<(d0, d1) -> (0, 0)>
#map1 = affine_map<(d0, d1) -> (0, 0, 0)>
#map2 = affine_map<(d0, d1) -> (0, 0, 0, 0)>
module attributes {stable_mosaic.version = 14 : i64} {
  func.func @pre(%arg0: i32, %arg1: i32, %arg2: memref<100000x128xf32, #tpu.memory_space<hbm>>, %arg3: memref<32x3x128xi32, #tpu.memory_space<hbm>>, %arg4: memref<32x80x125xi32, #tpu.memory_space<hbm>>, %arg5: memref<32x80x125xi32, #tpu.memory_space<hbm>>, %arg6: memref<12288x128xf32, #tpu.memory_space<hbm>>, %arg7: memref<2x16x640x16xf32, #tpu.memory_space<hbm>>, %arg8: memref<2x16x640x16xf32, #tpu.memory_space<hbm>>, %arg9: memref<3x128xi32, #tpu.memory_space<vmem>>, %arg10: memref<128x128xf32, #tpu.memory_space<vmem>>, %arg11: memref<128x128xf32, #tpu.memory_space<vmem>>, %arg12: memref<80x125xi32, #tpu.memory_space<vmem>>, %arg13: memref<80x125xi32, #tpu.memory_space<vmem>>, %arg14: memref<125x16xf32, #tpu.memory_space<vmem>>, %arg15: memref<640x16xf32, #tpu.memory_space<vmem>>, %arg16: memref<10240x16xf32, #tpu.memory_space<vmem_shared>>, %arg17: memref<10240x16xf32, #tpu.memory_space<vmem_shared>>, %arg18: memref<!tpu.dma_semaphore, #tpu.memory_space<semaphore_mem>>, %arg19: memref<!tpu.dma_semaphore, #tpu.memory_space<semaphore_mem>>, %arg20: memref<!tpu.dma_semaphore, #tpu.memory_space<semaphore_mem>>, %arg21: memref<!tpu.dma_semaphore, #tpu.memory_space<semaphore_mem>>) attributes {dimension_semantics = [#tpu.dimension_semantics<core_parallel>, #tpu.dimension_semantics<subcore_parallel>], iteration_bounds = array<i64: 2, 16>, scalar_prefetch = 0 : i64, scratch_operands = 13 : i64, tpu.core_type = #tpu.core_type<sc_vector_subcore>, window_params = [{transform_indices = #map}, {transform_indices = #map1}, {transform_indices = #map1}, {transform_indices = #map1}, {transform_indices = #map}, {transform_indices = #map2}, {transform_indices = #map2}]} {
    %mul3A = arith.constant 16 : i32
    %mul3A_0 = arith.muli %arg0, %mul3A : i32
    %add3A = arith.addi %mul3A_0, %arg1 : i32
    %broadcast_in_dim3A = arith.constant 1.000000e+00 : f32
    %broadcast_in_dim3A_1 = vector.broadcast %broadcast_in_dim3A : f32 to vector<16xf32>
    %scan3A = arith.constant 0 : i32
    %scan3A_2 = arith.constant 0 : i32
    %scan3A_3 = arith.constant 125 : i32
    %scan3A_4 = arith.addi %scan3A_2, %scan3A_3 : i32
    %scan3A_5 = arith.constant 1 : i32
    %scan3A_6 = scf.for %scan3A_98 = %scan3A_2 to %scan3A_4 step %scan3A_5 iter_args(%scan3A_99 = %scan3A) -> (i32)  : i32 {
      %scan3A_100 = arith.constant 0 : i32
      %scan3A_101 = arith.constant 0 : i32
      %mul3A_102 = arith.constant 16 : i32
      %mul3A_103 = arith.muli %scan3A_101, %mul3A_102 : i32
      %swap3A = arith.index_cast %scan3A_98 : i32 to index
      %swap3A_104 = arith.index_cast %mul3A_103 : i32 to index
      %swap3A_105 = tpu.vector_load %arg14[%swap3A, %swap3A_104] {strides = array<i32>} : memref<125x16xf32, #tpu.memory_space<vmem>>, vector<1x16xf32>,
      %swap3A_106 = vector.shape_cast %swap3A_105 : vector<1x16xf32> to vector<16xf32>
      %swap3A_107 = vector.shape_cast %broadcast_in_dim3A_1 : vector<16xf32> to vector<1x16xf32>
      tpu.vector_store %arg14[%swap3A, %swap3A_104], %swap3A_107 {strides = array<i32>} : memref<125x16xf32, #tpu.memory_space<vmem>>, vector<1x16xf32>,
      %scan3A_108 = arith.constant 0 : i32
      %scan3A_109 = arith.constant 1 : i32
      scf.yield %scan3A_108 : i32
    }
    %scan3A_7 = arith.constant 125 : i32
    %broadcast_in_dim3A_8 = arith.constant 0.000000e+00 : f32
    %broadcast_in_dim3A_9 = vector.broadcast %broadcast_in_dim3A_8 : f32 to vector<16xf32>
    %scan3A_10 = arith.constant 0 : i32
    %scan3A_11 = arith.constant 0 : i32
    %scan3A_12 = arith.constant 640 : i32
    %scan3A_13 = arith.addi %scan3A_11, %scan3A_12 : i32
    %scan3A_14 = arith.constant 1 : i32
    %scan3A_15 = scf.for %scan3A_98 = %scan3A_11 to %scan3A_13 step %scan3A_14 iter_args(%scan3A_99 = %scan3A_10) -> (i32)  : i32 {
      %scan3A_100 = arith.constant 0 : i32
      %scan3A_101 = arith.constant 0 : i32
      %mul3A_102 = arith.constant 16 : i32
      %mul3A_103 = arith.muli %scan3A_101, %mul3A_102 : i32
      %swap3A = arith.index_cast %scan3A_98 : i32 to index
      %swap3A_104 = arith.index_cast %mul3A_103 : i32 to index
      %swap3A_105 = tpu.vector_load %arg15[%swap3A, %swap3A_104] {strides = array<i32>} : memref<640x16xf32, #tpu.memory_space<vmem>>, vector<1x16xf32>,
      %swap3A_106 = vector.shape_cast %swap3A_105 : vector<1x16xf32> to vector<16xf32>
      %swap3A_107 = vector.shape_cast %broadcast_in_dim3A_9 : vector<16xf32> to vector<1x16xf32>
      tpu.vector_store %arg15[%swap3A, %swap3A_104], %swap3A_107 {strides = array<i32>} : memref<640x16xf32, #tpu.memory_space<vmem>>, vector<1x16xf32>,
      %scan3A_108 = arith.constant 0 : i32
      %scan3A_109 = arith.constant 1 : i32
      scf.yield %scan3A_108 : i32
    }
    %scan3A_16 = arith.constant 640 : i32
    "tpu.region"() ({
      %run_scoped3A = tpu.sem_alloc : memref<!tpu.dma_semaphore, #tpu.memory_space<semaphore_mem>>
      %dma_start3A_98 = arith.constant 0 : i32
      %dma_start3A_99 = arith.constant 0 : i32
      %dma_start3A_100 = tpu.memref_slice %arg4[%add3A, %dma_start3A_98, %dma_start3A_99] : memref<32x80x125xi32, #tpu.memory_space<hbm>> -> memref<1x80x125xi32, #tpu.memory_space<hbm>>
      %dma_start3A_101 = tpu.memref_squeeze %dma_start3A_100 : memref<1x80x125xi32, #tpu.memory_space<hbm>> -> memref<80x125xi32, #tpu.memory_space<hbm>>
      %dma_start3A_102 = arith.constant 0 : i32
      %dma_start3A_103 = arith.constant 0 : i32
      %dma_start3A_104 = tpu.memref_slice %arg4[%add3A, %dma_start3A_102, %dma_start3A_103] : memref<32x80x125xi32, #tpu.memory_space<hbm>> -> memref<1x80x125xi32, #tpu.memory_space<hbm>>
      %dma_start3A_105 = tpu.memref_squeeze %dma_start3A_104 : memref<1x80x125xi32, #tpu.memory_space<hbm>> -> memref<80x125xi32, #tpu.memory_space<hbm>>
      tpu.enqueue_dma source(%dma_start3A_105 : memref<80x125xi32, #tpu.memory_space<hbm>>) target(%arg12 : memref<80x125xi32, #tpu.memory_space<vmem>>) target_semaphore(%run_scoped3A : memref<!tpu.dma_semaphore, #tpu.memory_space<semaphore_mem>>)
      %dma_wait3A_106 = arith.constant 0 : i32
      %dma_wait3A_107 = arith.constant 0 : i32
      %dma_wait3A_108 = tpu.memref_slice %arg4[%add3A, %dma_wait3A_106, %dma_wait3A_107] : memref<32x80x125xi32, #tpu.memory_space<hbm>> -> memref<1x80x125xi32, #tpu.memory_space<hbm>>
      %dma_wait3A_109 = tpu.memref_squeeze %dma_wait3A_108 : memref<1x80x125xi32, #tpu.memory_space<hbm>> -> memref<80x125xi32, #tpu.memory_space<hbm>>
      %dma_wait3A_110 = arith.constant 0 : i32
      %dma_wait3A_111 = arith.constant 0 : i32
      %dma_wait3A_112 = tpu.memref_slice %arg4[%add3A, %dma_wait3A_110, %dma_wait3A_111] : memref<32x80x125xi32, #tpu.memory_space<hbm>> -> memref<1x80x125xi32, #tpu.memory_space<hbm>>
      %dma_wait3A_113 = tpu.memref_squeeze %dma_wait3A_112 : memref<1x80x125xi32, #tpu.memory_space<hbm>> -> memref<80x125xi32, #tpu.memory_space<hbm>>
      tpu.wait_dma2 semaphore(%run_scoped3A : memref<!tpu.dma_semaphore, #tpu.memory_space<semaphore_mem>>) src(%dma_wait3A_113 : memref<80x125xi32, #tpu.memory_space<hbm>>) dst(%arg12 : memref<80x125xi32, #tpu.memory_space<vmem>>)
      tpu.yield
    }) : () -> ()
    "tpu.region"() ({
      %run_scoped3A = tpu.sem_alloc : memref<!tpu.dma_semaphore, #tpu.memory_space<semaphore_mem>>
      %dma_start3A_98 = arith.constant 0 : i32
      %dma_start3A_99 = arith.constant 0 : i32
      %dma_start3A_100 = tpu.memref_slice %arg5[%add3A, %dma_start3A_98, %dma_start3A_99] : memref<32x80x125xi32, #tpu.memory_space<hbm>> -> memref<1x80x125xi32, #tpu.memory_space<hbm>>
      %dma_start3A_101 = tpu.memref_squeeze %dma_start3A_100 : memref<1x80x125xi32, #tpu.memory_space<hbm>> -> memref<80x125xi32, #tpu.memory_space<hbm>>
      %dma_start3A_102 = arith.constant 0 : i32
      %dma_start3A_103 = arith.constant 0 : i32
      %dma_start3A_104 = tpu.memref_slice %arg5[%add3A, %dma_start3A_102, %dma_start3A_103] : memref<32x80x125xi32, #tpu.memory_space<hbm>> -> memref<1x80x125xi32, #tpu.memory_space<hbm>>
      %dma_start3A_105 = tpu.memref_squeeze %dma_start3A_104 : memref<1x80x125xi32, #tpu.memory_space<hbm>> -> memref<80x125xi32, #tpu.memory_space<hbm>>
      tpu.enqueue_dma source(%dma_start3A_105 : memref<80x125xi32, #tpu.memory_space<hbm>>) target(%arg13 : memref<80x125xi32, #tpu.memory_space<vmem>>) target_semaphore(%run_scoped3A : memref<!tpu.dma_semaphore, #tpu.memory_space<semaphore_mem>>)
      %dma_wait3A_106 = arith.constant 0 : i32
      %dma_wait3A_107 = arith.constant 0 : i32
      %dma_wait3A_108 = tpu.memref_slice %arg5[%add3A, %dma_wait3A_106, %dma_wait3A_107] : memref<32x80x125xi32, #tpu.memory_space<hbm>> -> memref<1x80x125xi32, #tpu.memory_space<hbm>>
      %dma_wait3A_109 = tpu.memref_squeeze %dma_wait3A_108 : memref<1x80x125xi32, #tpu.memory_space<hbm>> -> memref<80x125xi32, #tpu.memory_space<hbm>>
      %dma_wait3A_110 = arith.constant 0 : i32
      %dma_wait3A_111 = arith.constant 0 : i32
      %dma_wait3A_112 = tpu.memref_slice %arg5[%add3A, %dma_wait3A_110, %dma_wait3A_111] : memref<32x80x125xi32, #tpu.memory_space<hbm>> -> memref<1x80x125xi32, #tpu.memory_space<hbm>>
      %dma_wait3A_113 = tpu.memref_squeeze %dma_wait3A_112 : memref<1x80x125xi32, #tpu.memory_space<hbm>> -> memref<80x125xi32, #tpu.memory_space<hbm>>
      tpu.wait_dma2 semaphore(%run_scoped3A : memref<!tpu.dma_semaphore, #tpu.memory_space<semaphore_mem>>) src(%dma_wait3A_113 : memref<80x125xi32, #tpu.memory_space<hbm>>) dst(%arg13 : memref<80x125xi32, #tpu.memory_space<vmem>>)
      tpu.yield
    }) : () -> ()
    %mul3A_17 = arith.constant 640 : i32
    %mul3A_18 = arith.muli %arg1, %mul3A_17 : i32
    "tpu.region"() ({
      %run_scoped3A = tpu.sem_alloc : memref<!tpu.dma_semaphore, #tpu.memory_space<semaphore_mem>>
      %dma_start3A_98 = arith.constant 0 : i32
      %dma_start3A_99 = tpu.memref_slice %arg16[%mul3A_18, %dma_start3A_98] : memref<10240x16xf32, #tpu.memory_space<vmem_shared>> -> memref<640x16xf32, #tpu.memory_space<vmem_shared>>
      %dma_start3A_100 = arith.constant 0 : i32
      %dma_start3A_101 = tpu.memref_slice %arg16[%mul3A_18, %dma_start3A_100] : memref<10240x16xf32, #tpu.memory_space<vmem_shared>> -> memref<640x16xf32, #tpu.memory_space<vmem_shared>>
      tpu.enqueue_dma source(%arg15 : memref<640x16xf32, #tpu.memory_space<vmem>>) target(%dma_start3A_101 : memref<640x16xf32, #tpu.memory_space<vmem_shared>>) target_semaphore(%run_scoped3A : memref<!tpu.dma_semaphore, #tpu.memory_space<semaphore_mem>>)
      %dma_wait3A_102 = arith.constant 0 : i32
      %dma_wait3A_103 = tpu.memref_slice %arg16[%mul3A_18, %dma_wait3A_102] : memref<10240x16xf32, #tpu.memory_space<vmem_shared>> -> memref<640x16xf32, #tpu.memory_space<vmem_shared>>
      %dma_wait3A_104 = arith.constant 0 : i32
      %dma_wait3A_105 = tpu.memref_slice %arg16[%mul3A_18, %dma_wait3A_104] : memref<10240x16xf32, #tpu.memory_space<vmem_shared>> -> memref<640x16xf32, #tpu.memory_space<vmem_shared>>
      tpu.wait_dma2 semaphore(%run_scoped3A : memref<!tpu.dma_semaphore, #tpu.memory_space<semaphore_mem>>) src(%arg15 : memref<640x16xf32, #tpu.memory_space<vmem>>) dst(%dma_wait3A_105 : memref<640x16xf32, #tpu.memory_space<vmem_shared>>)
      tpu.yield
    }) : () -> ()
    %mul3A_19 = arith.constant 640 : i32
    %mul3A_20 = arith.muli %arg1, %mul3A_19 : i32
    "tpu.region"() ({
      %run_scoped3A = tpu.sem_alloc : memref<!tpu.dma_semaphore, #tpu.memory_space<semaphore_mem>>
      %dma_start3A_98 = arith.constant 0 : i32
      %dma_start3A_99 = tpu.memref_slice %arg17[%mul3A_20, %dma_start3A_98] : memref<10240x16xf32, #tpu.memory_space<vmem_shared>> -> memref<640x16xf32, #tpu.memory_space<vmem_shared>>
      %dma_start3A_100 = arith.constant 0 : i32
      %dma_start3A_101 = tpu.memref_slice %arg17[%mul3A_20, %dma_start3A_100] : memref<10240x16xf32, #tpu.memory_space<vmem_shared>> -> memref<640x16xf32, #tpu.memory_space<vmem_shared>>
      tpu.enqueue_dma source(%arg15 : memref<640x16xf32, #tpu.memory_space<vmem>>) target(%dma_start3A_101 : memref<640x16xf32, #tpu.memory_space<vmem_shared>>) target_semaphore(%run_scoped3A : memref<!tpu.dma_semaphore, #tpu.memory_space<semaphore_mem>>)
      %dma_wait3A_102 = arith.constant 0 : i32
      %dma_wait3A_103 = tpu.memref_slice %arg17[%mul3A_20, %dma_wait3A_102] : memref<10240x16xf32, #tpu.memory_space<vmem_shared>> -> memref<640x16xf32, #tpu.memory_space<vmem_shared>>
      %dma_wait3A_104 = arith.constant 0 : i32
      %dma_wait3A_105 = tpu.memref_slice %arg17[%mul3A_20, %dma_wait3A_104] : memref<10240x16xf32, #tpu.memory_space<vmem_shared>> -> memref<640x16xf32, #tpu.memory_space<vmem_shared>>
      tpu.wait_dma2 semaphore(%run_scoped3A : memref<!tpu.dma_semaphore, #tpu.memory_space<semaphore_mem>>) src(%arg15 : memref<640x16xf32, #tpu.memory_space<vmem>>) dst(%dma_wait3A_105 : memref<640x16xf32, #tpu.memory_space<vmem_shared>>)
      tpu.yield
    }) : () -> ()
    %barrier3A = arith.constant 0 : index
    tpu.barrier barrier_id(%barrier3A)
    %scan3A_21 = arith.constant 0 : i32
    %scan3A_22 = arith.constant 0 : i32
    %scan3A_23 = arith.constant 80 : i32
    %scan3A_24 = arith.addi %scan3A_22, %scan3A_23 : i32
    %scan3A_25 = arith.constant 1 : i32
    %scan3A_26 = scf.for %scan3A_98 = %scan3A_22 to %scan3A_24 step %scan3A_25 iter_args(%scan3A_99 = %scan3A_21) -> (i32)  : i32 {
      %dma_start3A_100 = arith.constant 0 : i32
      %dma_start3A_101 = tpu.memref_slice %arg13[%scan3A_98, %dma_start3A_100] : memref<80x125xi32, #tpu.memory_space<vmem>> -> memref<1x125xi32, #tpu.memory_space<vmem>>
      %dma_start3A_102 = tpu.memref_squeeze %dma_start3A_101 : memref<1x125xi32, #tpu.memory_space<vmem>> -> memref<125xi32, #tpu.memory_space<vmem>>
      %dma_start3A_103 = arith.constant 0 : i32
      %dma_start3A_104 = arith.constant 0 : i32
      %dma_start3A_105 = tpu.memref_slice %arg16[%dma_start3A_103, %dma_start3A_104] : memref<10240x16xf32, #tpu.memory_space<vmem_shared>> -> memref<10240x16xf32, #tpu.memory_space<vmem_shared>>
      tpu.enqueue_indirect_dma source(%arg14 : memref<125x16xf32, #tpu.memory_space<vmem>>) target(%dma_start3A_105 : memref<10240x16xf32, #tpu.memory_space<vmem_shared>>) offsets(%dma_start3A_102 : memref<125xi32, #tpu.memory_space<vmem>>) semaphore(%arg20 : memref<!tpu.dma_semaphore, #tpu.memory_space<semaphore_mem>>) {add = true}
      %dma_start3A_106 = arith.constant 0 : i32
      %dma_start3A_107 = tpu.memref_slice %arg12[%scan3A_98, %dma_start3A_106] : memref<80x125xi32, #tpu.memory_space<vmem>> -> memref<1x125xi32, #tpu.memory_space<vmem>>
      %dma_start3A_108 = tpu.memref_squeeze %dma_start3A_107 : memref<1x125xi32, #tpu.memory_space<vmem>> -> memref<125xi32, #tpu.memory_space<vmem>>
      %dma_start3A_109 = arith.constant 0 : i32
      %dma_start3A_110 = arith.constant 0 : i32
      %dma_start3A_111 = tpu.memref_slice %arg17[%dma_start3A_109, %dma_start3A_110] : memref<10240x16xf32, #tpu.memory_space<vmem_shared>> -> memref<10240x16xf32, #tpu.memory_space<vmem_shared>>
      tpu.enqueue_indirect_dma source(%arg14 : memref<125x16xf32, #tpu.memory_space<vmem>>) target(%dma_start3A_111 : memref<10240x16xf32, #tpu.memory_space<vmem_shared>>) offsets(%dma_start3A_108 : memref<125xi32, #tpu.memory_space<vmem>>) semaphore(%arg21 : memref<!tpu.dma_semaphore, #tpu.memory_space<semaphore_mem>>) {add = true}
      %scan3A_112 = arith.constant 0 : i32
      scf.yield %scan3A_112 : i32
    }
    %scan3A_27 = arith.constant 80 : i32
    "tpu.region"() ({
      %run_scoped3A = tpu.sem_alloc : memref<!tpu.dma_semaphore, #tpu.memory_space<semaphore_mem>>
      %dma_start3A_98 = arith.constant 0 : i32
      %dma_start3A_99 = arith.constant 0 : i32
      %dma_start3A_100 = tpu.memref_slice %arg3[%add3A, %dma_start3A_98, %dma_start3A_99] : memref<32x3x128xi32, #tpu.memory_space<hbm>> -> memref<1x3x128xi32, #tpu.memory_space<hbm>>
      %dma_start3A_101 = tpu.memref_squeeze %dma_start3A_100 : memref<1x3x128xi32, #tpu.memory_space<hbm>> -> memref<3x128xi32, #tpu.memory_space<hbm>>
      %dma_start3A_102 = arith.constant 0 : i32
      %dma_start3A_103 = arith.constant 0 : i32
      %dma_start3A_104 = tpu.memref_slice %arg3[%add3A, %dma_start3A_102, %dma_start3A_103] : memref<32x3x128xi32, #tpu.memory_space<hbm>> -> memref<1x3x128xi32, #tpu.memory_space<hbm>>
      %dma_start3A_105 = tpu.memref_squeeze %dma_start3A_104 : memref<1x3x128xi32, #tpu.memory_space<hbm>> -> memref<3x128xi32, #tpu.memory_space<hbm>>
      tpu.enqueue_dma source(%dma_start3A_105 : memref<3x128xi32, #tpu.memory_space<hbm>>) target(%arg9 : memref<3x128xi32, #tpu.memory_space<vmem>>) target_semaphore(%run_scoped3A : memref<!tpu.dma_semaphore, #tpu.memory_space<semaphore_mem>>)
      %dma_wait3A_106 = arith.constant 0 : i32
      %dma_wait3A_107 = arith.constant 0 : i32
      %dma_wait3A_108 = tpu.memref_slice %arg3[%add3A, %dma_wait3A_106, %dma_wait3A_107] : memref<32x3x128xi32, #tpu.memory_space<hbm>> -> memref<1x3x128xi32, #tpu.memory_space<hbm>>
      %dma_wait3A_109 = tpu.memref_squeeze %dma_wait3A_108 : memref<1x3x128xi32, #tpu.memory_space<hbm>> -> memref<3x128xi32, #tpu.memory_space<hbm>>
      %dma_wait3A_110 = arith.constant 0 : i32
      %dma_wait3A_111 = arith.constant 0 : i32
      %dma_wait3A_112 = tpu.memref_slice %arg3[%add3A, %dma_wait3A_110, %dma_wait3A_111] : memref<32x3x128xi32, #tpu.memory_space<hbm>> -> memref<1x3x128xi32, #tpu.memory_space<hbm>>
      %dma_wait3A_113 = tpu.memref_squeeze %dma_wait3A_112 : memref<1x3x128xi32, #tpu.memory_space<hbm>> -> memref<3x128xi32, #tpu.memory_space<hbm>>
      tpu.wait_dma2 semaphore(%run_scoped3A : memref<!tpu.dma_semaphore, #tpu.memory_space<semaphore_mem>>) src(%dma_wait3A_113 : memref<3x128xi32, #tpu.memory_space<hbm>>) dst(%arg9 : memref<3x128xi32, #tpu.memory_space<vmem>>)
      tpu.yield
    }) : () -> ()
    %dma_start3A = arith.constant 0 : i32
    %dma_start3A_28 = arith.constant 0 : i32
    %dma_start3A_29 = tpu.memref_slice %arg9[%dma_start3A, %dma_start3A_28] : memref<3x128xi32, #tpu.memory_space<vmem>> -> memref<1x128xi32, #tpu.memory_space<vmem>>
    %dma_start3A_30 = tpu.memref_squeeze %dma_start3A_29 : memref<1x128xi32, #tpu.memory_space<vmem>> -> memref<128xi32, #tpu.memory_space<vmem>>
    %dma_start3A_31 = arith.constant 0 : i32
    %dma_start3A_32 = arith.constant 0 : i32
    %dma_start3A_33 = tpu.memref_slice %arg2[%dma_start3A_31, %dma_start3A_32] : memref<100000x128xf32, #tpu.memory_space<hbm>> -> memref<100000x128xf32, #tpu.memory_space<hbm>>
    tpu.enqueue_indirect_dma source(%dma_start3A_33 : memref<100000x128xf32, #tpu.memory_space<hbm>>) target(%arg10 : memref<128x128xf32, #tpu.memory_space<vmem>>) offsets(%dma_start3A_30 : memref<128xi32, #tpu.memory_space<vmem>>) semaphore(%arg18 : memref<!tpu.dma_semaphore, #tpu.memory_space<semaphore_mem>>)
    %dma_start3A_34 = arith.constant 1 : i32
    %dma_start3A_35 = arith.constant 0 : i32
    %dma_start3A_36 = tpu.memref_slice %arg9[%dma_start3A_34, %dma_start3A_35] : memref<3x128xi32, #tpu.memory_space<vmem>> -> memref<1x128xi32, #tpu.memory_space<vmem>>
    %dma_start3A_37 = tpu.memref_squeeze %dma_start3A_36 : memref<1x128xi32, #tpu.memory_space<vmem>> -> memref<128xi32, #tpu.memory_space<vmem>>
    %dma_start3A_38 = arith.constant 0 : i32
    %dma_start3A_39 = arith.constant 0 : i32
    %dma_start3A_40 = tpu.memref_slice %arg2[%dma_start3A_38, %dma_start3A_39] : memref<100000x128xf32, #tpu.memory_space<hbm>> -> memref<100000x128xf32, #tpu.memory_space<hbm>>
    tpu.enqueue_indirect_dma source(%dma_start3A_40 : memref<100000x128xf32, #tpu.memory_space<hbm>>) target(%arg11 : memref<128x128xf32, #tpu.memory_space<vmem>>) offsets(%dma_start3A_37 : memref<128xi32, #tpu.memory_space<vmem>>) semaphore(%arg19 : memref<!tpu.dma_semaphore, #tpu.memory_space<semaphore_mem>>)
    %dma_wait3A = arith.constant 0 : i32
    %dma_wait3A_41 = arith.constant 0 : i32
    %dma_wait3A_42 = tpu.memref_slice %arg9[%dma_wait3A, %dma_wait3A_41] : memref<3x128xi32, #tpu.memory_space<vmem>> -> memref<1x128xi32, #tpu.memory_space<vmem>>
    %dma_wait3A_43 = tpu.memref_squeeze %dma_wait3A_42 : memref<1x128xi32, #tpu.memory_space<vmem>> -> memref<128xi32, #tpu.memory_space<vmem>>
    %dma_wait3A_44 = arith.constant 0 : i32
    %dma_wait3A_45 = arith.constant 0 : i32
    %dma_wait3A_46 = tpu.memref_slice %arg2[%dma_wait3A_44, %dma_wait3A_45] : memref<100000x128xf32, #tpu.memory_space<hbm>> -> memref<100000x128xf32, #tpu.memory_space<hbm>>
    tpu.wait_indirect_dma semaphore(%arg18 : memref<!tpu.dma_semaphore, #tpu.memory_space<semaphore_mem>>) src(%dma_wait3A_46 : memref<100000x128xf32, #tpu.memory_space<hbm>>) dst(%arg10 : memref<128x128xf32, #tpu.memory_space<vmem>>)
    %mul3A_47 = arith.constant 3 : i32
    %mul3A_48 = arith.muli %add3A, %mul3A_47 : i32
    %add3A_49 = arith.constant 0 : i32
    %add3A_50 = arith.addi %mul3A_48, %add3A_49 : i32
    %mul3A_51 = arith.constant 128 : i32
    %mul3A_52 = arith.muli %add3A_50, %mul3A_51 : i32
    "tpu.region"() ({
      %run_scoped3A = tpu.sem_alloc : memref<!tpu.dma_semaphore, #tpu.memory_space<semaphore_mem>>
      %dma_start3A_98 = arith.constant 0 : i32
      %dma_start3A_99 = tpu.memref_slice %arg6[%mul3A_52, %dma_start3A_98] : memref<12288x128xf32, #tpu.memory_space<hbm>> -> memref<128x128xf32, #tpu.memory_space<hbm>>
      %dma_start3A_100 = arith.constant 0 : i32
      %dma_start3A_101 = tpu.memref_slice %arg6[%mul3A_52, %dma_start3A_100] : memref<12288x128xf32, #tpu.memory_space<hbm>> -> memref<128x128xf32, #tpu.memory_space<hbm>>
      tpu.enqueue_dma source(%arg10 : memref<128x128xf32, #tpu.memory_space<vmem>>) target(%dma_start3A_101 : memref<128x128xf32, #tpu.memory_space<hbm>>) target_semaphore(%run_scoped3A : memref<!tpu.dma_semaphore, #tpu.memory_space<semaphore_mem>>)
      %dma_wait3A_102 = arith.constant 0 : i32
      %dma_wait3A_103 = tpu.memref_slice %arg6[%mul3A_52, %dma_wait3A_102] : memref<12288x128xf32, #tpu.memory_space<hbm>> -> memref<128x128xf32, #tpu.memory_space<hbm>>
      %dma_wait3A_104 = arith.constant 0 : i32
      %dma_wait3A_105 = tpu.memref_slice %arg6[%mul3A_52, %dma_wait3A_104] : memref<12288x128xf32, #tpu.memory_space<hbm>> -> memref<128x128xf32, #tpu.memory_space<hbm>>
      tpu.wait_dma2 semaphore(%run_scoped3A : memref<!tpu.dma_semaphore, #tpu.memory_space<semaphore_mem>>) src(%arg10 : memref<128x128xf32, #tpu.memory_space<vmem>>) dst(%dma_wait3A_105 : memref<128x128xf32, #tpu.memory_space<hbm>>)
      tpu.yield
    }) : () -> ()
    %dma_start3A_53 = arith.constant 2 : i32
    %dma_start3A_54 = arith.constant 0 : i32
    %dma_start3A_55 = tpu.memref_slice %arg9[%dma_start3A_53, %dma_start3A_54] : memref<3x128xi32, #tpu.memory_space<vmem>> -> memref<1x128xi32, #tpu.memory_space<vmem>>
    %dma_start3A_56 = tpu.memref_squeeze %dma_start3A_55 : memref<1x128xi32, #tpu.memory_space<vmem>> -> memref<128xi32, #tpu.memory_space<vmem>>
    %dma_start3A_57 = arith.constant 0 : i32
    %dma_start3A_58 = arith.constant 0 : i32
    %dma_start3A_59 = tpu.memref_slice %arg2[%dma_start3A_57, %dma_start3A_58] : memref<100000x128xf32, #tpu.memory_space<hbm>> -> memref<100000x128xf32, #tpu.memory_space<hbm>>
    tpu.enqueue_indirect_dma source(%dma_start3A_59 : memref<100000x128xf32, #tpu.memory_space<hbm>>) target(%arg10 : memref<128x128xf32, #tpu.memory_space<vmem>>) offsets(%dma_start3A_56 : memref<128xi32, #tpu.memory_space<vmem>>) semaphore(%arg18 : memref<!tpu.dma_semaphore, #tpu.memory_space<semaphore_mem>>)
    %dma_wait3A_60 = arith.constant 0 : i32
    %dma_wait3A_61 = arith.constant 0 : i32
    %dma_wait3A_62 = tpu.memref_slice %arg9[%dma_wait3A_60, %dma_wait3A_61] : memref<3x128xi32, #tpu.memory_space<vmem>> -> memref<1x128xi32, #tpu.memory_space<vmem>>
    %dma_wait3A_63 = tpu.memref_squeeze %dma_wait3A_62 : memref<1x128xi32, #tpu.memory_space<vmem>> -> memref<128xi32, #tpu.memory_space<vmem>>
    %dma_wait3A_64 = arith.constant 0 : i32
    %dma_wait3A_65 = arith.constant 0 : i32
    %dma_wait3A_66 = tpu.memref_slice %arg2[%dma_wait3A_64, %dma_wait3A_65] : memref<100000x128xf32, #tpu.memory_space<hbm>> -> memref<100000x128xf32, #tpu.memory_space<hbm>>
    tpu.wait_indirect_dma semaphore(%arg19 : memref<!tpu.dma_semaphore, #tpu.memory_space<semaphore_mem>>) src(%dma_wait3A_66 : memref<100000x128xf32, #tpu.memory_space<hbm>>) dst(%arg11 : memref<128x128xf32, #tpu.memory_space<vmem>>)
    %mul3A_67 = arith.constant 3 : i32
    %mul3A_68 = arith.muli %add3A, %mul3A_67 : i32
    %add3A_69 = arith.constant 1 : i32
    %add3A_70 = arith.addi %mul3A_68, %add3A_69 : i32
    %mul3A_71 = arith.constant 128 : i32
    %mul3A_72 = arith.muli %add3A_70, %mul3A_71 : i32
    "tpu.region"() ({
      %run_scoped3A = tpu.sem_alloc : memref<!tpu.dma_semaphore, #tpu.memory_space<semaphore_mem>>
      %dma_start3A_98 = arith.constant 0 : i32
      %dma_start3A_99 = tpu.memref_slice %arg6[%mul3A_72, %dma_start3A_98] : memref<12288x128xf32, #tpu.memory_space<hbm>> -> memref<128x128xf32, #tpu.memory_space<hbm>>
      %dma_start3A_100 = arith.constant 0 : i32
      %dma_start3A_101 = tpu.memref_slice %arg6[%mul3A_72, %dma_start3A_100] : memref<12288x128xf32, #tpu.memory_space<hbm>> -> memref<128x128xf32, #tpu.memory_space<hbm>>
      tpu.enqueue_dma source(%arg11 : memref<128x128xf32, #tpu.memory_space<vmem>>) target(%dma_start3A_101 : memref<128x128xf32, #tpu.memory_space<hbm>>) target_semaphore(%run_scoped3A : memref<!tpu.dma_semaphore, #tpu.memory_space<semaphore_mem>>)
      %dma_wait3A_102 = arith.constant 0 : i32
      %dma_wait3A_103 = tpu.memref_slice %arg6[%mul3A_72, %dma_wait3A_102] : memref<12288x128xf32, #tpu.memory_space<hbm>> -> memref<128x128xf32, #tpu.memory_space<hbm>>
      %dma_wait3A_104 = arith.constant 0 : i32
      %dma_wait3A_105 = tpu.memref_slice %arg6[%mul3A_72, %dma_wait3A_104] : memref<12288x128xf32, #tpu.memory_space<hbm>> -> memref<128x128xf32, #tpu.memory_space<hbm>>
      tpu.wait_dma2 semaphore(%run_scoped3A : memref<!tpu.dma_semaphore, #tpu.memory_space<semaphore_mem>>) src(%arg11 : memref<128x128xf32, #tpu.memory_space<vmem>>) dst(%dma_wait3A_105 : memref<128x128xf32, #tpu.memory_space<hbm>>)
      tpu.yield
    }) : () -> ()
    %dma_wait3A_73 = arith.constant 0 : i32
    %dma_wait3A_74 = arith.constant 0 : i32
    %dma_wait3A_75 = tpu.memref_slice %arg9[%dma_wait3A_73, %dma_wait3A_74] : memref<3x128xi32, #tpu.memory_space<vmem>> -> memref<1x128xi32, #tpu.memory_space<vmem>>
    %dma_wait3A_76 = tpu.memref_squeeze %dma_wait3A_75 : memref<1x128xi32, #tpu.memory_space<vmem>> -> memref<128xi32, #tpu.memory_space<vmem>>
    %dma_wait3A_77 = arith.constant 0 : i32
    %dma_wait3A_78 = arith.constant 0 : i32
    %dma_wait3A_79 = tpu.memref_slice %arg2[%dma_wait3A_77, %dma_wait3A_78] : memref<100000x128xf32, #tpu.memory_space<hbm>> -> memref<100000x128xf32, #tpu.memory_space<hbm>>
    tpu.wait_indirect_dma semaphore(%arg18 : memref<!tpu.dma_semaphore, #tpu.memory_space<semaphore_mem>>) src(%dma_wait3A_79 : memref<100000x128xf32, #tpu.memory_space<hbm>>) dst(%arg10 : memref<128x128xf32, #tpu.memory_space<vmem>>)
    %mul3A_80 = arith.constant 3 : i32
    %mul3A_81 = arith.muli %add3A, %mul3A_80 : i32
    %add3A_82 = arith.constant 2 : i32
    %add3A_83 = arith.addi %mul3A_81, %add3A_82 : i32
    %mul3A_84 = arith.constant 128 : i32
    %mul3A_85 = arith.muli %add3A_83, %mul3A_84 : i32
    "tpu.region"() ({
      %run_scoped3A = tpu.sem_alloc : memref<!tpu.dma_semaphore, #tpu.memory_space<semaphore_mem>>
      %dma_start3A_98 = arith.constant 0 : i32
      %dma_start3A_99 = tpu.memref_slice %arg6[%mul3A_85, %dma_start3A_98] : memref<12288x128xf32, #tpu.memory_space<hbm>> -> memref<128x128xf32, #tpu.memory_space<hbm>>
      %dma_start3A_100 = arith.constant 0 : i32
      %dma_start3A_101 = tpu.memref_slice %arg6[%mul3A_85, %dma_start3A_100] : memref<12288x128xf32, #tpu.memory_space<hbm>> -> memref<128x128xf32, #tpu.memory_space<hbm>>
      tpu.enqueue_dma source(%arg10 : memref<128x128xf32, #tpu.memory_space<vmem>>) target(%dma_start3A_101 : memref<128x128xf32, #tpu.memory_space<hbm>>) target_semaphore(%run_scoped3A : memref<!tpu.dma_semaphore, #tpu.memory_space<semaphore_mem>>)
      %dma_wait3A_102 = arith.constant 0 : i32
      %dma_wait3A_103 = tpu.memref_slice %arg6[%mul3A_85, %dma_wait3A_102] : memref<12288x128xf32, #tpu.memory_space<hbm>> -> memref<128x128xf32, #tpu.memory_space<hbm>>
      %dma_wait3A_104 = arith.constant 0 : i32
      %dma_wait3A_105 = tpu.memref_slice %arg6[%mul3A_85, %dma_wait3A_104] : memref<12288x128xf32, #tpu.memory_space<hbm>> -> memref<128x128xf32, #tpu.memory_space<hbm>>
      tpu.wait_dma2 semaphore(%run_scoped3A : memref<!tpu.dma_semaphore, #tpu.memory_space<semaphore_mem>>) src(%arg10 : memref<128x128xf32, #tpu.memory_space<vmem>>) dst(%dma_wait3A_105 : memref<128x128xf32, #tpu.memory_space<hbm>>)
      tpu.yield
    }) : () -> ()
    %scan3A_86 = arith.constant 0 : i32
    %scan3A_87 = arith.constant 0 : i32
    %scan3A_88 = arith.constant 80 : i32
    %scan3A_89 = arith.addi %scan3A_87, %scan3A_88 : i32
    %scan3A_90 = arith.constant 1 : i32
    %scan3A_91 = scf.for %scan3A_98 = %scan3A_87 to %scan3A_89 step %scan3A_90 iter_args(%scan3A_99 = %scan3A_86) -> (i32)  : i32 {
      %dma_wait3A_100 = arith.constant 0 : i32
      %dma_wait3A_101 = arith.constant 0 : i32
      %dma_wait3A_102 = tpu.memref_slice %arg13[%dma_wait3A_100, %dma_wait3A_101] : memref<80x125xi32, #tpu.memory_space<vmem>> -> memref<1x125xi32, #tpu.memory_space<vmem>>
      %dma_wait3A_103 = tpu.memref_squeeze %dma_wait3A_102 : memref<1x125xi32, #tpu.memory_space<vmem>> -> memref<125xi32, #tpu.memory_space<vmem>>
      %dma_wait3A_104 = arith.constant 0 : i32
      %dma_wait3A_105 = arith.constant 0 : i32
      %dma_wait3A_106 = tpu.memref_slice %arg16[%dma_wait3A_104, %dma_wait3A_105] : memref<10240x16xf32, #tpu.memory_space<vmem_shared>> -> memref<10240x16xf32, #tpu.memory_space<vmem_shared>>
      tpu.wait_indirect_dma semaphore(%arg20 : memref<!tpu.dma_semaphore, #tpu.memory_space<semaphore_mem>>) src(%arg14 : memref<125x16xf32, #tpu.memory_space<vmem>>) dst(%dma_wait3A_106 : memref<10240x16xf32, #tpu.memory_space<vmem_shared>>)
      %dma_wait3A_107 = arith.constant 0 : i32
      %dma_wait3A_108 = arith.constant 0 : i32
      %dma_wait3A_109 = tpu.memref_slice %arg12[%dma_wait3A_107, %dma_wait3A_108] : memref<80x125xi32, #tpu.memory_space<vmem>> -> memref<1x125xi32, #tpu.memory_space<vmem>>
      %dma_wait3A_110 = tpu.memref_squeeze %dma_wait3A_109 : memref<1x125xi32, #tpu.memory_space<vmem>> -> memref<125xi32, #tpu.memory_space<vmem>>
      %dma_wait3A_111 = arith.constant 0 : i32
      %dma_wait3A_112 = arith.constant 0 : i32
      %dma_wait3A_113 = tpu.memref_slice %arg17[%dma_wait3A_111, %dma_wait3A_112] : memref<10240x16xf32, #tpu.memory_space<vmem_shared>> -> memref<10240x16xf32, #tpu.memory_space<vmem_shared>>
      tpu.wait_indirect_dma semaphore(%arg21 : memref<!tpu.dma_semaphore, #tpu.memory_space<semaphore_mem>>) src(%arg14 : memref<125x16xf32, #tpu.memory_space<vmem>>) dst(%dma_wait3A_113 : memref<10240x16xf32, #tpu.memory_space<vmem_shared>>)
      %scan3A_114 = arith.constant 0 : i32
      scf.yield %scan3A_114 : i32
    }
    %scan3A_92 = arith.constant 80 : i32
    %barrier3A_93 = arith.constant 0 : index
    tpu.barrier barrier_id(%barrier3A_93)
    %mul3A_94 = arith.constant 640 : i32
    %mul3A_95 = arith.muli %arg1, %mul3A_94 : i32
    "tpu.region"() ({
      %run_scoped3A = tpu.sem_alloc : memref<!tpu.dma_semaphore, #tpu.memory_space<semaphore_mem>>
      %dma_start3A_98 = arith.constant 0 : i32
      %dma_start3A_99 = arith.constant 0 : i32
      %dma_start3A_100 = tpu.memref_slice %arg7[%arg0, %arg1, %dma_start3A_98, %dma_start3A_99] : memref<2x16x640x16xf32, #tpu.memory_space<hbm>> -> memref<1x1x640x16xf32, #tpu.memory_space<hbm>>
      %dma_start3A_101 = tpu.memref_squeeze %dma_start3A_100 : memref<1x1x640x16xf32, #tpu.memory_space<hbm>> -> memref<640x16xf32, #tpu.memory_space<hbm>>
      %dma_start3A_102 = arith.constant 0 : i32
      %dma_start3A_103 = tpu.memref_slice %arg16[%mul3A_95, %dma_start3A_102] : memref<10240x16xf32, #tpu.memory_space<vmem_shared>> -> memref<640x16xf32, #tpu.memory_space<vmem_shared>>
      tpu.enqueue_dma source(%dma_start3A_103 : memref<640x16xf32, #tpu.memory_space<vmem_shared>>) target(%dma_start3A_101 : memref<640x16xf32, #tpu.memory_space<hbm>>) target_semaphore(%run_scoped3A : memref<!tpu.dma_semaphore, #tpu.memory_space<semaphore_mem>>)
      %dma_wait3A_104 = arith.constant 0 : i32
      %dma_wait3A_105 = arith.constant 0 : i32
      %dma_wait3A_106 = tpu.memref_slice %arg7[%arg0, %arg1, %dma_wait3A_104, %dma_wait3A_105] : memref<2x16x640x16xf32, #tpu.memory_space<hbm>> -> memref<1x1x640x16xf32, #tpu.memory_space<hbm>>
      %dma_wait3A_107 = tpu.memref_squeeze %dma_wait3A_106 : memref<1x1x640x16xf32, #tpu.memory_space<hbm>> -> memref<640x16xf32, #tpu.memory_space<hbm>>
      %dma_wait3A_108 = arith.constant 0 : i32
      %dma_wait3A_109 = tpu.memref_slice %arg16[%mul3A_95, %dma_wait3A_108] : memref<10240x16xf32, #tpu.memory_space<vmem_shared>> -> memref<640x16xf32, #tpu.memory_space<vmem_shared>>
      tpu.wait_dma2 semaphore(%run_scoped3A : memref<!tpu.dma_semaphore, #tpu.memory_space<semaphore_mem>>) src(%dma_wait3A_109 : memref<640x16xf32, #tpu.memory_space<vmem_shared>>) dst(%dma_wait3A_107 : memref<640x16xf32, #tpu.memory_space<hbm>>)
      tpu.yield
    }) : () -> ()
    %mul3A_96 = arith.constant 640 : i32
    %mul3A_97 = arith.muli %arg1, %mul3A_96 : i32
    "tpu.region"() ({
      %run_scoped3A = tpu.sem_alloc : memref<!tpu.dma_semaphore, #tpu.memory_space<semaphore_mem>>
      %dma_start3A_98 = arith.constant 0 : i32
      %dma_start3A_99 = arith.constant 0 : i32
      %dma_start3A_100 = tpu.memref_slice %arg8[%arg0, %arg1, %dma_start3A_98, %dma_start3A_99] : memref<2x16x640x16xf32, #tpu.memory_space<hbm>> -> memref<1x1x640x16xf32, #tpu.memory_space<hbm>>
      %dma_start3A_101 = tpu.memref_squeeze %dma_start3A_100 : memref<1x1x640x16xf32, #tpu.memory_space<hbm>> -> memref<640x16xf32, #tpu.memory_space<hbm>>
      %dma_start3A_102 = arith.constant 0 : i32
      %dma_start3A_103 = tpu.memref_slice %arg17[%mul3A_97, %dma_start3A_102] : memref<10240x16xf32, #tpu.memory_space<vmem_shared>> -> memref<640x16xf32, #tpu.memory_space<vmem_shared>>
      tpu.enqueue_dma source(%dma_start3A_103 : memref<640x16xf32, #tpu.memory_space<vmem_shared>>) target(%dma_start3A_101 : memref<640x16xf32, #tpu.memory_space<hbm>>) target_semaphore(%run_scoped3A : memref<!tpu.dma_semaphore, #tpu.memory_space<semaphore_mem>>)
      %dma_wait3A_104 = arith.constant 0 : i32
      %dma_wait3A_105 = arith.constant 0 : i32
      %dma_wait3A_106 = tpu.memref_slice %arg8[%arg0, %arg1, %dma_wait3A_104, %dma_wait3A_105] : memref<2x16x640x16xf32, #tpu.memory_space<hbm>> -> memref<1x1x640x16xf32, #tpu.memory_space<hbm>>
      %dma_wait3A_107 = tpu.memref_squeeze %dma_wait3A_106 : memref<1x1x640x16xf32, #tpu.memory_space<hbm>> -> memref<640x16xf32, #tpu.memory_space<hbm>>
      %dma_wait3A_108 = arith.constant 0 : i32
      %dma_wait3A_109 = tpu.memref_slice %arg17[%mul3A_97, %dma_wait3A_108] : memref<10240x16xf32, #tpu.memory_space<vmem_shared>> -> memref<640x16xf32, #tpu.memory_space<vmem_shared>>
      tpu.wait_dma2 semaphore(%run_scoped3A : memref<!tpu.dma_semaphore, #tpu.memory_space<semaphore_mem>>) src(%dma_wait3A_109 : memref<640x16xf32, #tpu.memory_space<vmem_shared>>) dst(%dma_wait3A_107 : memref<640x16xf32, #tpu.memory_space<hbm>>)
      tpu.yield
    }) : () -> ()
    return
  }
}

module attributes {stable_mosaic.version = 14 : i64} {
  func.func @_enc_body(%arg0: i32, %arg1: memref<400x64xf32, #tpu.memory_space<vmem>>, %arg2: memref<400x64xf32, #tpu.memory_space<vmem>>, %arg3: memref<400x1xf32, #tpu.memory_space<vmem>>, %arg4: memref<1x1024xf32, #tpu.memory_space<vmem>>, %arg5: memref<400x1xi32, #tpu.memory_space<vmem>>, %arg6: memref<400x128xf32, #tpu.memory_space<vmem>>, %arg7: memref<64x128xf32, #tpu.memory_space<vmem>>, %arg8: memref<1x128xf32, #tpu.memory_space<vmem>>, %arg9: memref<64x128xf32, #tpu.memory_space<vmem>>, %arg10: memref<1x128xf32, #tpu.memory_space<vmem>>, %arg11: memref<1x128xf32, #tpu.memory_space<vmem>>, %arg12: memref<1x128xf32, #tpu.memory_space<vmem>>, %arg13: memref<1x128xf32, #tpu.memory_space<vmem>>, %arg14: memref<400x128xf32, #tpu.memory_space<vmem>>, %arg15: memref<400x128xf32, #tpu.memory_space<vmem>>, %arg16: memref<2x400x64xf32, #tpu.memory_space<vmem>>, %arg17: memref<2x400x64xf32, #tpu.memory_space<vmem>>) attributes {dimension_semantics = [#tpu.dimension_semantics<arbitrary>], iteration_bounds = array<i64: 25>, scalar_prefetch = 0 : i64, scratch_operands = 0 : i64, tpu.core_type = #tpu.core_type<tc>, window_params = [{transform_indices = @transform_0, window_bounds = array<i64: 400, 64>}, {transform_indices = @transform_1, window_bounds = array<i64: 400, 64>}, {transform_indices = @transform_2, window_bounds = array<i64: 400, 1>}, {pipeline_mode = #tpu.pipeline_mode<synchronous>, transform_indices = @transform_3, window_bounds = array<i64: 1, 1024>}, {transform_indices = @transform_4, window_bounds = array<i64: 400, 1>}, {transform_indices = @transform_5, window_bounds = array<i64: 400, 128>}, {pipeline_mode = #tpu.pipeline_mode<synchronous>, transform_indices = @transform_6, window_bounds = array<i64: 64, 128>}, {pipeline_mode = #tpu.pipeline_mode<synchronous>, transform_indices = @transform_7, window_bounds = array<i64: 1, 128>}, {pipeline_mode = #tpu.pipeline_mode<synchronous>, transform_indices = @transform_8, window_bounds = array<i64: 64, 128>}, {pipeline_mode = #tpu.pipeline_mode<synchronous>, transform_indices = @transform_9, window_bounds = array<i64: 1, 128>}, {pipeline_mode = #tpu.pipeline_mode<synchronous>, transform_indices = @transform_10, window_bounds = array<i64: 1, 128>}, {pipeline_mode = #tpu.pipeline_mode<synchronous>, transform_indices = @transform_11, window_bounds = array<i64: 1, 128>}, {pipeline_mode = #tpu.pipeline_mode<synchronous>, transform_indices = @transform_12, window_bounds = array<i64: 1, 128>}, {transform_indices = @transform_13, window_bounds = array<i64: 400, 128>}, {transform_indices = @transform_14, window_bounds = array<i64: 400, 128>}, {transform_indices = @transform_15, window_bounds = array<i64: 2, 400, 64>}, {transform_indices = @transform_16, window_bounds = array<i64: 2, 400, 64>}]} {
    %get3A = arith.constant 0 : index
    %get3A_0 = arith.constant 0 : index
    %get3A_1 = vector.load %arg1[%get3A, %get3A_0] : memref<400x64xf32, #tpu.memory_space<vmem>>, vector<400x64xf32>
    %get3A_2 = arith.constant 0 : index
    %get3A_3 = arith.constant 0 : index
    %get3A_4 = vector.load %arg7[%get3A_2, %get3A_3] : memref<64x128xf32, #tpu.memory_space<vmem>>, vector<64x128xf32>
    %dot_general3A = arith.constant dense<0.000000e+00> : vector<400x128xf32>
    %dot_general3A_5 = tpu.matmul %get3A_1, %get3A_4, %dot_general3A {dimension_numbers = #tpu.dot_dimension_numbers<[1], [0], [0], [1], [0, 0, 1, 1], [], []>, transpose_lhs_hint = false} : vector<400x64xf32>, vector<64x128xf32>, vector<400x128xf32> -> vector<400x128xf32>
    %get3A_6 = arith.constant 0 : index
    %get3A_7 = arith.constant 0 : index
    %get3A_8 = vector.load %arg8[%get3A_6, %get3A_7] : memref<1x128xf32, #tpu.memory_space<vmem>>, vector<1x128xf32>
    %get3A_9 = vector.shape_cast %get3A_8 : vector<1x128xf32> to vector<128xf32>
    %broadcast_in_dim3A = vector.shape_cast %get3A_9 : vector<128xf32> to vector<1x128xf32>
    %add3A = vector.broadcast %broadcast_in_dim3A : vector<1x128xf32> to vector<400x128xf32>
    %add3A_10 = arith.addf %dot_general3A_5, %add3A : vector<400x128xf32>
    %get3A_11 = arith.constant 0 : index
    %get3A_12 = arith.constant 0 : index
    %get3A_13 = vector.load %arg5[%get3A_11, %get3A_12] : memref<400x1xi32, #tpu.memory_space<vmem>>, vector<400x1xi32>
    %iota3A = tpu.iota {dimensions = array<i32: 1>} : vector<400x1024xi32>
    %eq3A = vector.broadcast %get3A_13 : vector<400x1xi32> to vector<400x1024xi32>
    %eq3A_14 = arith.cmpi eq, %iota3A, %eq3A : vector<400x1024xi32>
    %get3A_15 = arith.constant 0 : index
    %get3A_16 = arith.constant 0 : index
    %get3A_17 = vector.load %arg4[%get3A_15, %get3A_16] : memref<1x1024xf32, #tpu.memory_space<vmem>>, vector<1x1024xf32>
    %jit3A = arith.constant 0.000000e+00 : f32
    %broadcast_in_dim3A_18 = vector.shape_cast %get3A_17 : vector<1x1024xf32> to vector<1x1024xf32>
    %broadcast_in_dim3A_19 = vector.broadcast %broadcast_in_dim3A_18 : vector<1x1024xf32> to vector<400x1024xf32>
    %broadcast_in_dim3A_20 = vector.broadcast %jit3A : f32 to vector<400x1024xf32>
    %select_n3A = arith.select %eq3A_14, %broadcast_in_dim3A_19, %broadcast_in_dim3A_20 : vector<400x1024xi1>, vector<400x1024xf32>
    %reduce_sum3A = arith.constant dense<0.000000e+00> : vector<400xf32>
    %reduce_sum3A_21 = vector.multi_reduction <add>, %select_n3A, %reduce_sum3A [1] : vector<400x1024xf32> to vector<400xf32>
    %broadcast_in_dim3A_22 = vector.shape_cast %reduce_sum3A_21 : vector<400xf32> to vector<400x1xf32>
    %get3A_23 = arith.constant 0 : index
    %get3A_24 = arith.constant 0 : index
    %get3A_25 = vector.load %arg3[%get3A_23, %get3A_24] : memref<400x1xf32, #tpu.memory_space<vmem>>, vector<400x1xf32>
    %sub3A = arith.subf %broadcast_in_dim3A_22, %get3A_25 : vector<400x1xf32>
    %get3A_26 = arith.constant 0 : index
    %get3A_27 = arith.constant 0 : index
    %get3A_28 = vector.load %arg11[%get3A_26, %get3A_27] : memref<1x128xf32, #tpu.memory_space<vmem>>, vector<1x128xf32>
    %get3A_29 = vector.shape_cast %get3A_28 : vector<1x128xf32> to vector<128xf32>
    %broadcast_in_dim3A_30 = vector.shape_cast %get3A_29 : vector<128xf32> to vector<1x128xf32>
    %mul3A = vector.broadcast %sub3A : vector<400x1xf32> to vector<400x128xf32>
    %mul3A_31 = vector.broadcast %broadcast_in_dim3A_30 : vector<1x128xf32> to vector<400x128xf32>
    %mul3A_32 = arith.mulf %mul3A, %mul3A_31 : vector<400x128xf32>
    %add3A_33 = arith.addf %add3A_10, %mul3A_32 : vector<400x128xf32>
    %get3A_34 = arith.constant 0 : index
    %get3A_35 = arith.constant 0 : index
    %get3A_36 = vector.load %arg12[%get3A_34, %get3A_35] : memref<1x128xf32, #tpu.memory_space<vmem>>, vector<1x128xf32>
    %get3A_37 = vector.shape_cast %get3A_36 : vector<1x128xf32> to vector<128xf32>
    %broadcast_in_dim3A_38 = vector.shape_cast %get3A_37 : vector<128xf32> to vector<1x128xf32>
    %add3A_39 = vector.broadcast %broadcast_in_dim3A_38 : vector<1x128xf32> to vector<400x128xf32>
    %add3A_40 = arith.addf %add3A_33, %add3A_39 : vector<400x128xf32>
    %mul3A_41 = arith.constant 400 : i32
    %mul3A_42 = arith.muli %arg0, %mul3A_41 : i32
    %iota3A_43 = tpu.iota {dimensions = array<i32: 0>} : vector<400x1xi32>
    %add3A_44 = vector.broadcast %mul3A_42 : i32 to vector<400x1xi32>
    %add3A_45 = arith.addi %add3A_44, %iota3A_43 : vector<400x1xi32>
    %lt3A = arith.constant 1024 : i32
    %lt3A_46 = vector.broadcast %lt3A : i32 to vector<400x1xi32>
    %lt3A_47 = arith.cmpi slt, %add3A_45, %lt3A_46 : vector<400x1xi32>
    %jit3A_48 = arith.constant 1.000000e+00 : f32
    %jit3A_49 = arith.constant 0.000000e+00 : f32
    %broadcast_in_dim3A_50 = vector.broadcast %jit3A_48 : f32 to vector<400x1xf32>
    %broadcast_in_dim3A_51 = vector.broadcast %jit3A_49 : f32 to vector<400x1xf32>
    %select_n3A_52 = arith.select %lt3A_47, %broadcast_in_dim3A_50, %broadcast_in_dim3A_51 : vector<400x1xi1>, vector<400x1xf32>
    %get3A_53 = arith.constant 0 : index
    %get3A_54 = arith.constant 0 : index
    %get3A_55 = vector.load %arg13[%get3A_53, %get3A_54] : memref<1x128xf32, #tpu.memory_space<vmem>>, vector<1x128xf32>
    %get3A_56 = vector.shape_cast %get3A_55 : vector<1x128xf32> to vector<128xf32>
    %broadcast_in_dim3A_57 = vector.shape_cast %get3A_56 : vector<128xf32> to vector<1x128xf32>
    %mul3A_58 = vector.broadcast %select_n3A_52 : vector<400x1xf32> to vector<400x128xf32>
    %mul3A_59 = vector.broadcast %broadcast_in_dim3A_57 : vector<1x128xf32> to vector<400x128xf32>
    %mul3A_60 = arith.mulf %mul3A_58, %mul3A_59 : vector<400x128xf32>
    %add3A_61 = arith.addf %add3A_40, %mul3A_60 : vector<400x128xf32>
    %swap3A = arith.constant 0 : index
    %swap3A_62 = arith.constant 0 : index
    %swap3A_63 = vector.load %arg14[%swap3A, %swap3A_62] : memref<400x128xf32, #tpu.memory_space<vmem>>, vector<400x128xf32>
    tpu.vector_store %arg14[%swap3A, %swap3A_62], %add3A_61 {strides = array<i32>} : memref<400x128xf32, #tpu.memory_space<vmem>>, vector<400x128xf32>,
    %get3A_64 = arith.constant 0 : index
    %get3A_65 = arith.constant 0 : index
    %get3A_66 = vector.load %arg2[%get3A_64, %get3A_65] : memref<400x64xf32, #tpu.memory_space<vmem>>, vector<400x64xf32>
    %get3A_67 = arith.constant 0 : index
    %get3A_68 = arith.constant 0 : index
    %get3A_69 = vector.load %arg9[%get3A_67, %get3A_68] : memref<64x128xf32, #tpu.memory_space<vmem>>, vector<64x128xf32>
    %dot_general3A_70 = arith.constant dense<0.000000e+00> : vector<400x128xf32>
    %dot_general3A_71 = tpu.matmul %get3A_66, %get3A_69, %dot_general3A_70 {dimension_numbers = #tpu.dot_dimension_numbers<[1], [0], [0], [1], [0, 0, 1, 1], [], []>, transpose_lhs_hint = false} : vector<400x64xf32>, vector<64x128xf32>, vector<400x128xf32> -> vector<400x128xf32>
    %get3A_72 = arith.constant 0 : index
    %get3A_73 = arith.constant 0 : index
    %get3A_74 = vector.load %arg10[%get3A_72, %get3A_73] : memref<1x128xf32, #tpu.memory_space<vmem>>, vector<1x128xf32>
    %get3A_75 = vector.shape_cast %get3A_74 : vector<1x128xf32> to vector<128xf32>
    %broadcast_in_dim3A_76 = vector.shape_cast %get3A_75 : vector<128xf32> to vector<1x128xf32>
    %add3A_77 = vector.broadcast %broadcast_in_dim3A_76 : vector<1x128xf32> to vector<400x128xf32>
    %add3A_78 = arith.addf %dot_general3A_71, %add3A_77 : vector<400x128xf32>
    %get3A_79 = arith.constant 0 : index
    %get3A_80 = arith.constant 0 : index
    %get3A_81 = vector.load %arg6[%get3A_79, %get3A_80] : memref<400x128xf32, #tpu.memory_space<vmem>>, vector<400x128xf32>
    %add3A_82 = arith.addf %add3A_78, %get3A_81 : vector<400x128xf32>
    %swap3A_83 = arith.constant 0 : index
    %swap3A_84 = arith.constant 0 : index
    %swap3A_85 = vector.load %arg15[%swap3A_83, %swap3A_84] : memref<400x128xf32, #tpu.memory_space<vmem>>, vector<400x128xf32>
    tpu.vector_store %arg15[%swap3A_83, %swap3A_84], %add3A_82 {strides = array<i32>} : memref<400x128xf32, #tpu.memory_space<vmem>>, vector<400x128xf32>,
    %slice3A = vector.extract_strided_slice %add3A_61 {offsets = [0, 0], sizes = [400, 64], strides = [1, 1]} : vector<400x128xf32> to vector<400x64xf32>
    %swap3A_86 = arith.constant 0 : index
    %swap3A_87 = arith.constant 0 : index
    %swap3A_88 = arith.constant 0 : index
    %swap3A_89 = vector.load %arg16[%swap3A_86, %swap3A_87, %swap3A_88] : memref<2x400x64xf32, #tpu.memory_space<vmem>>, vector<1x400x64xf32>
    %swap3A_90 = vector.shape_cast %swap3A_89 : vector<1x400x64xf32> to vector<400x64xf32>
    %swap3A_91 = vector.shape_cast %slice3A : vector<400x64xf32> to vector<1x400x64xf32>
    tpu.vector_store %arg16[%swap3A_86, %swap3A_87, %swap3A_88], %swap3A_91 {strides = array<i32>} : memref<2x400x64xf32, #tpu.memory_space<vmem>>, vector<1x400x64xf32>,
    %slice3A_92 = vector.extract_strided_slice %add3A_61 {offsets = [0, 64], sizes = [400, 64], strides = [1, 1]} : vector<400x128xf32> to vector<400x64xf32>
    %swap3A_93 = arith.constant 1 : index
    %swap3A_94 = arith.constant 0 : index
    %swap3A_95 = arith.constant 0 : index
    %swap3A_96 = vector.load %arg16[%swap3A_93, %swap3A_94, %swap3A_95] : memref<2x400x64xf32, #tpu.memory_space<vmem>>, vector<1x400x64xf32>
    %swap3A_97 = vector.shape_cast %swap3A_96 : vector<1x400x64xf32> to vector<400x64xf32>
    %swap3A_98 = vector.shape_cast %slice3A_92 : vector<400x64xf32> to vector<1x400x64xf32>
    tpu.vector_store %arg16[%swap3A_93, %swap3A_94, %swap3A_95], %swap3A_98 {strides = array<i32>} : memref<2x400x64xf32, #tpu.memory_space<vmem>>, vector<1x400x64xf32>,
    %slice3A_99 = vector.extract_strided_slice %add3A_82 {offsets = [0, 0], sizes = [400, 64], strides = [1, 1]} : vector<400x128xf32> to vector<400x64xf32>
    %swap3A_100 = arith.constant 0 : index
    %swap3A_101 = arith.constant 0 : index
    %swap3A_102 = arith.constant 0 : index
    %swap3A_103 = vector.load %arg17[%swap3A_100, %swap3A_101, %swap3A_102] : memref<2x400x64xf32, #tpu.memory_space<vmem>>, vector<1x400x64xf32>
    %swap3A_104 = vector.shape_cast %swap3A_103 : vector<1x400x64xf32> to vector<400x64xf32>
    %swap3A_105 = vector.shape_cast %slice3A_99 : vector<400x64xf32> to vector<1x400x64xf32>
    tpu.vector_store %arg17[%swap3A_100, %swap3A_101, %swap3A_102], %swap3A_105 {strides = array<i32>} : memref<2x400x64xf32, #tpu.memory_space<vmem>>, vector<1x400x64xf32>,
    %slice3A_106 = vector.extract_strided_slice %add3A_82 {offsets = [0, 64], sizes = [400, 64], strides = [1, 1]} : vector<400x128xf32> to vector<400x64xf32>
    %swap3A_107 = arith.constant 1 : index
    %swap3A_108 = arith.constant 0 : index
    %swap3A_109 = arith.constant 0 : index
    %swap3A_110 = vector.load %arg17[%swap3A_107, %swap3A_108, %swap3A_109] : memref<2x400x64xf32, #tpu.memory_space<vmem>>, vector<1x400x64xf32>
    %swap3A_111 = vector.shape_cast %swap3A_110 : vector<1x400x64xf32> to vector<400x64xf32>
    %swap3A_112 = vector.shape_cast %slice3A_106 : vector<400x64xf32> to vector<1x400x64xf32>
    tpu.vector_store %arg17[%swap3A_107, %swap3A_108, %swap3A_109], %swap3A_112 {strides = array<i32>} : memref<2x400x64xf32, #tpu.memory_space<vmem>>, vector<1x400x64xf32>,
    return
  }
  func.func @transform_0(%arg0: i32) -> (i32, i32) {
    %c0_i32 = arith.constant 0 : i32
    %c0_i32_0 = arith.constant 0 : i32
    return %arg0, %c0_i32 : i32, i32
  }
  func.func @transform_1(%arg0: i32) -> (i32, i32) {
    %c0_i32 = arith.constant 0 : i32
    %c0_i32_0 = arith.constant 0 : i32
    return %arg0, %c0_i32 : i32, i32
  }
  func.func @transform_2(%arg0: i32) -> (i32, i32) {
    %c0_i32 = arith.constant 0 : i32
    %c0_i32_0 = arith.constant 0 : i32
    return %arg0, %c0_i32 : i32, i32
  }
  func.func @transform_3(%arg0: i32) -> (i32, i32) {
    %c0_i32 = arith.constant 0 : i32
    %c0_i32_0 = arith.constant 0 : i32
    %c0_i32_1 = arith.constant 0 : i32
    return %c0_i32, %c0_i32_0 : i32, i32
  }
  func.func @transform_4(%arg0: i32) -> (i32, i32) {
    %c0_i32 = arith.constant 0 : i32
    %c0_i32_0 = arith.constant 0 : i32
    return %arg0, %c0_i32 : i32, i32
  }
  func.func @transform_5(%arg0: i32) -> (i32, i32) {
    %c0_i32 = arith.constant 0 : i32
    %c0_i32_0 = arith.constant 0 : i32
    return %arg0, %c0_i32 : i32, i32
  }
  func.func @transform_6(%arg0: i32) -> (i32, i32) {
    %c0_i32 = arith.constant 0 : i32
    %c0_i32_0 = arith.constant 0 : i32
    %c0_i32_1 = arith.constant 0 : i32
    return %c0_i32, %c0_i32_0 : i32, i32
  }
  func.func @transform_7(%arg0: i32) -> (i32, i32) {
    %c0_i32 = arith.constant 0 : i32
    %c0_i32_0 = arith.constant 0 : i32
    %c0_i32_1 = arith.constant 0 : i32
    return %c0_i32, %c0_i32_0 : i32, i32
  }
  func.func @transform_8(%arg0: i32) -> (i32, i32) {
    %c0_i32 = arith.constant 0 : i32
    %c0_i32_0 = arith.constant 0 : i32
    %c0_i32_1 = arith.constant 0 : i32
    return %c0_i32, %c0_i32_0 : i32, i32
  }
  func.func @transform_9(%arg0: i32) -> (i32, i32) {
    %c0_i32 = arith.constant 0 : i32
    %c0_i32_0 = arith.constant 0 : i32
    %c0_i32_1 = arith.constant 0 : i32
    return %c0_i32, %c0_i32_0 : i32, i32
  }
  func.func @transform_10(%arg0: i32) -> (i32, i32) {
    %c0_i32 = arith.constant 0 : i32
    %c0_i32_0 = arith.constant 0 : i32
    %c0_i32_1 = arith.constant 0 : i32
    return %c0_i32, %c0_i32_0 : i32, i32
  }
  func.func @transform_11(%arg0: i32) -> (i32, i32) {
    %c0_i32 = arith.constant 0 : i32
    %c0_i32_0 = arith.constant 0 : i32
    %c0_i32_1 = arith.constant 0 : i32
    return %c0_i32, %c0_i32_0 : i32, i32
  }
  func.func @transform_12(%arg0: i32) -> (i32, i32) {
    %c0_i32 = arith.constant 0 : i32
    %c0_i32_0 = arith.constant 0 : i32
    %c0_i32_1 = arith.constant 0 : i32
    return %c0_i32, %c0_i32_0 : i32, i32
  }
  func.func @transform_13(%arg0: i32) -> (i32, i32) {
    %c0_i32 = arith.constant 0 : i32
    %c0_i32_0 = arith.constant 0 : i32
    return %arg0, %c0_i32 : i32, i32
  }
  func.func @transform_14(%arg0: i32) -> (i32, i32) {
    %c0_i32 = arith.constant 0 : i32
    %c0_i32_0 = arith.constant 0 : i32
    return %arg0, %c0_i32 : i32, i32
  }
  func.func @transform_15(%arg0: i32) -> (i32, i32, i32) {
    %c0_i32 = arith.constant 0 : i32
    %c0_i32_0 = arith.constant 0 : i32
    %c0_i32_1 = arith.constant 0 : i32
    return %c0_i32, %arg0, %c0_i32_0 : i32, i32, i32
  }
  func.func @transform_16(%arg0: i32) -> (i32, i32, i32) {
    %c0_i32 = arith.constant 0 : i32
    %c0_i32_0 = arith.constant 0 : i32
    %c0_i32_1 = arith.constant 0 : i32
    return %c0_i32, %arg0, %c0_i32_0 : i32, i32, i32
  }
}

module attributes {stable_mosaic.version = 14 : i64} {
  func.func @_upd_body(%arg0: i32, %arg1: memref<400x128xf32, #tpu.memory_space<vmem>>, %arg2: memref<400x128xf32, #tpu.memory_space<vmem>>, %arg3: memref<2x400x64xf32, #tpu.memory_space<vmem>>, %arg4: memref<2x400x64xf32, #tpu.memory_space<vmem>>, %arg5: memref<2x400x16xf32, #tpu.memory_space<vmem>>, %arg6: memref<2x400x16xf32, #tpu.memory_space<vmem>>, %arg7: memref<128x128xf32, #tpu.memory_space<vmem>>, %arg8: memref<128x128xf32, #tpu.memory_space<vmem>>, %arg9: memref<128x128xf32, #tpu.memory_space<vmem>>, %arg10: memref<128x128xf32, #tpu.memory_space<vmem>>, %arg11: memref<400x128xf32, #tpu.memory_space<vmem>>, %arg12: memref<2x400x64xf32, #tpu.memory_space<vmem>>) attributes {dimension_semantics = [#tpu.dimension_semantics<arbitrary>], iteration_bounds = array<i64: 25>, scalar_prefetch = 0 : i64, scratch_operands = 0 : i64, tpu.core_type = #tpu.core_type<tc>, window_params = [{transform_indices = @transform_0, window_bounds = array<i64: 400, 128>}, {transform_indices = @transform_1, window_bounds = array<i64: 400, 128>}, {transform_indices = @transform_2, window_bounds = array<i64: 2, 400, 64>}, {transform_indices = @transform_3, window_bounds = array<i64: 2, 400, 64>}, {transform_indices = @transform_4, window_bounds = array<i64: 2, 400, 16>}, {transform_indices = @transform_5, window_bounds = array<i64: 2, 400, 16>}, {pipeline_mode = #tpu.pipeline_mode<synchronous>, transform_indices = @transform_6, window_bounds = array<i64: 128, 128>}, {pipeline_mode = #tpu.pipeline_mode<synchronous>, transform_indices = @transform_7, window_bounds = array<i64: 128, 128>}, {pipeline_mode = #tpu.pipeline_mode<synchronous>, transform_indices = @transform_8, window_bounds = array<i64: 128, 128>}, {pipeline_mode = #tpu.pipeline_mode<synchronous>, transform_indices = @transform_9, window_bounds = array<i64: 128, 128>}, {transform_indices = @transform_10, window_bounds = array<i64: 400, 128>}, {transform_indices = @transform_11, window_bounds = array<i64: 2, 400, 64>}]} {
    %get3A = arith.constant 0 : index
    %get3A_0 = arith.constant 0 : index
    %get3A_1 = arith.constant 0 : index
    %get3A_2 = vector.load %arg3[%get3A, %get3A_0, %get3A_1] : memref<2x400x64xf32, #tpu.memory_space<vmem>>, vector<1x400x64xf32>
    %get3A_3 = vector.shape_cast %get3A_2 : vector<1x400x64xf32> to vector<400x64xf32>
    %get3A_4 = arith.constant 1 : index
    %get3A_5 = arith.constant 0 : index
    %get3A_6 = arith.constant 0 : index
    %get3A_7 = vector.load %arg3[%get3A_4, %get3A_5, %get3A_6] : memref<2x400x64xf32, #tpu.memory_space<vmem>>, vector<1x400x64xf32>
    %get3A_8 = vector.shape_cast %get3A_7 : vector<1x400x64xf32> to vector<400x64xf32>
    %concatenate3A = tpu.concatenate %get3A_3, %get3A_8 in 1 : vector<400x64xf32>, vector<400x64xf32> -> vector<400x128xf32>
    %get3A_9 = arith.constant 0 : index
    %get3A_10 = arith.constant 0 : index
    %get3A_11 = arith.constant 0 : index
    %get3A_12 = vector.load %arg5[%get3A_9, %get3A_10, %get3A_11] : memref<2x400x16xf32, #tpu.memory_space<vmem>>, vector<1x400x1xf32>
    %get3A_13 = vector.shape_cast %get3A_12 : vector<1x400x1xf32> to vector<400xf32>
    %get3A_14 = arith.constant 1 : index
    %get3A_15 = arith.constant 0 : index
    %get3A_16 = arith.constant 0 : index
    %get3A_17 = vector.load %arg5[%get3A_14, %get3A_15, %get3A_16] : memref<2x400x16xf32, #tpu.memory_space<vmem>>, vector<1x400x1xf32>
    %get3A_18 = vector.shape_cast %get3A_17 : vector<1x400x1xf32> to vector<400xf32>
    %add3A = arith.addf %get3A_13, %get3A_18 : vector<400xf32>
    %max3A = arith.constant 1.000000e+00 : f32
    %max3A_19 = vector.broadcast %max3A : f32 to vector<400xf32>
    %max3A_20 = arith.maximumf %add3A, %max3A_19 : vector<400xf32>
    %div3A = arith.constant 1.000000e+00 : f32
    %div3A_21 = vector.broadcast %div3A : f32 to vector<400xf32>
    %div3A_22 = arith.divf %div3A_21, %max3A_20 : vector<400xf32>
    %broadcast_in_dim3A = vector.shape_cast %div3A_22 : vector<400xf32> to vector<400x1xf32>
    %mul3A = vector.broadcast %broadcast_in_dim3A : vector<400x1xf32> to vector<400x128xf32>
    %mul3A_23 = arith.mulf %concatenate3A, %mul3A : vector<400x128xf32>
    %get3A_24 = arith.constant 0 : index
    %get3A_25 = arith.constant 0 : index
    %get3A_26 = arith.constant 0 : index
    %get3A_27 = vector.load %arg4[%get3A_24, %get3A_25, %get3A_26] : memref<2x400x64xf32, #tpu.memory_space<vmem>>, vector<1x400x64xf32>
    %get3A_28 = vector.shape_cast %get3A_27 : vector<1x400x64xf32> to vector<400x64xf32>
    %get3A_29 = arith.constant 1 : index
    %get3A_30 = arith.constant 0 : index
    %get3A_31 = arith.constant 0 : index
    %get3A_32 = vector.load %arg4[%get3A_29, %get3A_30, %get3A_31] : memref<2x400x64xf32, #tpu.memory_space<vmem>>, vector<1x400x64xf32>
    %get3A_33 = vector.shape_cast %get3A_32 : vector<1x400x64xf32> to vector<400x64xf32>
    %concatenate3A_34 = tpu.concatenate %get3A_28, %get3A_33 in 1 : vector<400x64xf32>, vector<400x64xf32> -> vector<400x128xf32>
    %get3A_35 = arith.constant 0 : index
    %get3A_36 = arith.constant 0 : index
    %get3A_37 = arith.constant 0 : index
    %get3A_38 = vector.load %arg6[%get3A_35, %get3A_36, %get3A_37] : memref<2x400x16xf32, #tpu.memory_space<vmem>>, vector<1x400x1xf32>
    %get3A_39 = vector.shape_cast %get3A_38 : vector<1x400x1xf32> to vector<400xf32>
    %get3A_40 = arith.constant 1 : index
    %get3A_41 = arith.constant 0 : index
    %get3A_42 = arith.constant 0 : index
    %get3A_43 = vector.load %arg6[%get3A_40, %get3A_41, %get3A_42] : memref<2x400x16xf32, #tpu.memory_space<vmem>>, vector<1x400x1xf32>
    %get3A_44 = vector.shape_cast %get3A_43 : vector<1x400x1xf32> to vector<400xf32>
    %add3A_45 = arith.addf %get3A_39, %get3A_44 : vector<400xf32>
    %max3A_46 = arith.constant 1.000000e+00 : f32
    %max3A_47 = vector.broadcast %max3A_46 : f32 to vector<400xf32>
    %max3A_48 = arith.maximumf %add3A_45, %max3A_47 : vector<400xf32>
    %div3A_49 = arith.constant 1.000000e+00 : f32
    %div3A_50 = vector.broadcast %div3A_49 : f32 to vector<400xf32>
    %div3A_51 = arith.divf %div3A_50, %max3A_48 : vector<400xf32>
    %broadcast_in_dim3A_52 = vector.shape_cast %div3A_51 : vector<400xf32> to vector<400x1xf32>
    %mul3A_53 = vector.broadcast %broadcast_in_dim3A_52 : vector<400x1xf32> to vector<400x128xf32>
    %mul3A_54 = arith.mulf %concatenate3A_34, %mul3A_53 : vector<400x128xf32>
    %get3A_55 = arith.constant 0 : index
    %get3A_56 = arith.constant 0 : index
    %get3A_57 = vector.load %arg1[%get3A_55, %get3A_56] : memref<400x128xf32, #tpu.memory_space<vmem>>, vector<400x128xf32>
    %get3A_58 = arith.constant 0 : index
    %get3A_59 = arith.constant 0 : index
    %get3A_60 = vector.load %arg7[%get3A_58, %get3A_59] : memref<128x128xf32, #tpu.memory_space<vmem>>, vector<128x128xf32>
    %dot_general3A = arith.constant dense<0.000000e+00> : vector<400x128xf32>
    %dot_general3A_61 = tpu.matmul %get3A_57, %get3A_60, %dot_general3A {dimension_numbers = #tpu.dot_dimension_numbers<[1], [0], [0], [1], [0, 0, 1, 1], [], []>, transpose_lhs_hint = false} : vector<400x128xf32>, vector<128x128xf32>, vector<400x128xf32> -> vector<400x128xf32>
    %get3A_62 = arith.constant 0 : index
    %get3A_63 = arith.constant 0 : index
    %get3A_64 = vector.load %arg8[%get3A_62, %get3A_63] : memref<128x128xf32, #tpu.memory_space<vmem>>, vector<128x128xf32>
    %dot_general3A_65 = arith.constant dense<0.000000e+00> : vector<400x128xf32>
    %dot_general3A_66 = tpu.matmul %mul3A_23, %get3A_64, %dot_general3A_65 {dimension_numbers = #tpu.dot_dimension_numbers<[1], [0], [0], [1], [0, 0, 1, 1], [], []>, transpose_lhs_hint = false} : vector<400x128xf32>, vector<128x128xf32>, vector<400x128xf32> -> vector<400x128xf32>
    %add3A_67 = arith.addf %dot_general3A_61, %dot_general3A_66 : vector<400x128xf32>
    %max3A_68 = arith.constant 0.000000e+00 : f32
    %max3A_69 = vector.broadcast %max3A_68 : f32 to vector<400x128xf32>
    %max3A_70 = arith.maximumf %add3A_67, %max3A_69 : vector<400x128xf32>
    %swap3A = arith.constant 0 : index
    %swap3A_71 = arith.constant 0 : index
    %swap3A_72 = vector.load %arg11[%swap3A, %swap3A_71] : memref<400x128xf32, #tpu.memory_space<vmem>>, vector<400x128xf32>
    tpu.vector_store %arg11[%swap3A, %swap3A_71], %max3A_70 {strides = array<i32>} : memref<400x128xf32, #tpu.memory_space<vmem>>, vector<400x128xf32>,
    %get3A_73 = arith.constant 0 : index
    %get3A_74 = arith.constant 0 : index
    %get3A_75 = vector.load %arg2[%get3A_73, %get3A_74] : memref<400x128xf32, #tpu.memory_space<vmem>>, vector<400x128xf32>
    %get3A_76 = arith.constant 0 : index
    %get3A_77 = arith.constant 0 : index
    %get3A_78 = vector.load %arg9[%get3A_76, %get3A_77] : memref<128x128xf32, #tpu.memory_space<vmem>>, vector<128x128xf32>
    %dot_general3A_79 = arith.constant dense<0.000000e+00> : vector<400x128xf32>
    %dot_general3A_80 = tpu.matmul %get3A_75, %get3A_78, %dot_general3A_79 {dimension_numbers = #tpu.dot_dimension_numbers<[1], [0], [0], [1], [0, 0, 1, 1], [], []>, transpose_lhs_hint = false} : vector<400x128xf32>, vector<128x128xf32>, vector<400x128xf32> -> vector<400x128xf32>
    %get3A_81 = arith.constant 0 : index
    %get3A_82 = arith.constant 0 : index
    %get3A_83 = vector.load %arg10[%get3A_81, %get3A_82] : memref<128x128xf32, #tpu.memory_space<vmem>>, vector<128x128xf32>
    %dot_general3A_84 = arith.constant dense<0.000000e+00> : vector<400x128xf32>
    %dot_general3A_85 = tpu.matmul %mul3A_54, %get3A_83, %dot_general3A_84 {dimension_numbers = #tpu.dot_dimension_numbers<[1], [0], [0], [1], [0, 0, 1, 1], [], []>, transpose_lhs_hint = false} : vector<400x128xf32>, vector<128x128xf32>, vector<400x128xf32> -> vector<400x128xf32>
    %add3A_86 = arith.addf %dot_general3A_80, %dot_general3A_85 : vector<400x128xf32>
    %max3A_87 = arith.constant 0.000000e+00 : f32
    %max3A_88 = vector.broadcast %max3A_87 : f32 to vector<400x128xf32>
    %max3A_89 = arith.maximumf %add3A_86, %max3A_88 : vector<400x128xf32>
    %slice3A = vector.extract_strided_slice %max3A_89 {offsets = [0, 0], sizes = [400, 64], strides = [1, 1]} : vector<400x128xf32> to vector<400x64xf32>
    %swap3A_90 = arith.constant 0 : index
    %swap3A_91 = arith.constant 0 : index
    %swap3A_92 = arith.constant 0 : index
    %swap3A_93 = vector.load %arg12[%swap3A_90, %swap3A_91, %swap3A_92] : memref<2x400x64xf32, #tpu.memory_space<vmem>>, vector<1x400x64xf32>
    %swap3A_94 = vector.shape_cast %swap3A_93 : vector<1x400x64xf32> to vector<400x64xf32>
    %swap3A_95 = vector.shape_cast %slice3A : vector<400x64xf32> to vector<1x400x64xf32>
    tpu.vector_store %arg12[%swap3A_90, %swap3A_91, %swap3A_92], %swap3A_95 {strides = array<i32>} : memref<2x400x64xf32, #tpu.memory_space<vmem>>, vector<1x400x64xf32>,
    %slice3A_96 = vector.extract_strided_slice %max3A_89 {offsets = [0, 64], sizes = [400, 64], strides = [1, 1]} : vector<400x128xf32> to vector<400x64xf32>
    %swap3A_97 = arith.constant 1 : index
    %swap3A_98 = arith.constant 0 : index
    %swap3A_99 = arith.constant 0 : index
    %swap3A_100 = vector.load %arg12[%swap3A_97, %swap3A_98, %swap3A_99] : memref<2x400x64xf32, #tpu.memory_space<vmem>>, vector<1x400x64xf32>
    %swap3A_101 = vector.shape_cast %swap3A_100 : vector<1x400x64xf32> to vector<400x64xf32>
    %swap3A_102 = vector.shape_cast %slice3A_96 : vector<400x64xf32> to vector<1x400x64xf32>
    tpu.vector_store %arg12[%swap3A_97, %swap3A_98, %swap3A_99], %swap3A_102 {strides = array<i32>} : memref<2x400x64xf32, #tpu.memory_space<vmem>>, vector<1x400x64xf32>,
    return
  }
  func.func @transform_0(%arg0: i32) -> (i32, i32) {
    %c0_i32 = arith.constant 0 : i32
    %c0_i32_0 = arith.constant 0 : i32
    return %arg0, %c0_i32 : i32, i32
  }
  func.func @transform_1(%arg0: i32) -> (i32, i32) {
    %c0_i32 = arith.constant 0 : i32
    %c0_i32_0 = arith.constant 0 : i32
    return %arg0, %c0_i32 : i32, i32
  }
  func.func @transform_2(%arg0: i32) -> (i32, i32, i32) {
    %c0_i32 = arith.constant 0 : i32
    %c0_i32_0 = arith.constant 0 : i32
    %c0_i32_1 = arith.constant 0 : i32
    return %c0_i32, %arg0, %c0_i32_0 : i32, i32, i32
  }
  func.func @transform_3(%arg0: i32) -> (i32, i32, i32) {
    %c0_i32 = arith.constant 0 : i32
    %c0_i32_0 = arith.constant 0 : i32
    %c0_i32_1 = arith.constant 0 : i32
    return %c0_i32, %arg0, %c0_i32_0 : i32, i32, i32
  }
  func.func @transform_4(%arg0: i32) -> (i32, i32, i32) {
    %c0_i32 = arith.constant 0 : i32
    %c0_i32_0 = arith.constant 0 : i32
    %c0_i32_1 = arith.constant 0 : i32
    return %c0_i32, %arg0, %c0_i32_0 : i32, i32, i32
  }
  func.func @transform_5(%arg0: i32) -> (i32, i32, i32) {
    %c0_i32 = arith.constant 0 : i32
    %c0_i32_0 = arith.constant 0 : i32
    %c0_i32_1 = arith.constant 0 : i32
    return %c0_i32, %arg0, %c0_i32_0 : i32, i32, i32
  }
  func.func @transform_6(%arg0: i32) -> (i32, i32) {
    %c0_i32 = arith.constant 0 : i32
    %c0_i32_0 = arith.constant 0 : i32
    %c0_i32_1 = arith.constant 0 : i32
    return %c0_i32, %c0_i32_0 : i32, i32
  }
  func.func @transform_7(%arg0: i32) -> (i32, i32) {
    %c0_i32 = arith.constant 0 : i32
    %c0_i32_0 = arith.constant 0 : i32
    %c0_i32_1 = arith.constant 0 : i32
    return %c0_i32, %c0_i32_0 : i32, i32
  }
  func.func @transform_8(%arg0: i32) -> (i32, i32) {
    %c0_i32 = arith.constant 0 : i32
    %c0_i32_0 = arith.constant 0 : i32
    %c0_i32_1 = arith.constant 0 : i32
    return %c0_i32, %c0_i32_0 : i32, i32
  }
  func.func @transform_9(%arg0: i32) -> (i32, i32) {
    %c0_i32 = arith.constant 0 : i32
    %c0_i32_0 = arith.constant 0 : i32
    %c0_i32_1 = arith.constant 0 : i32
    return %c0_i32, %c0_i32_0 : i32, i32
  }
  func.func @transform_10(%arg0: i32) -> (i32, i32) {
    %c0_i32 = arith.constant 0 : i32
    %c0_i32_0 = arith.constant 0 : i32
    return %arg0, %c0_i32 : i32, i32
  }
  func.func @transform_11(%arg0: i32) -> (i32, i32, i32) {
    %c0_i32 = arith.constant 0 : i32
    %c0_i32_0 = arith.constant 0 : i32
    %c0_i32_1 = arith.constant 0 : i32
    return %c0_i32, %arg0, %c0_i32_0 : i32, i32, i32
  }
}

module attributes {stable_mosaic.version = 14 : i64} {
  func.func @_fin_body(%arg0: i32, %arg1: memref<400x128xf32, #tpu.memory_space<vmem>>, %arg2: memref<2x400x64xf32, #tpu.memory_space<vmem>>, %arg3: memref<2x400x16xf32, #tpu.memory_space<vmem>>, %arg4: memref<128x128xf32, #tpu.memory_space<vmem>>, %arg5: memref<128x128xf32, #tpu.memory_space<vmem>>, %arg6: memref<1x128xf32, #tpu.memory_space<vmem>>, %arg7: memref<1x128xf32, #tpu.memory_space<vmem>>, %arg8: memref<1x128xf32, #tpu.memory_space<vmem>>, %arg9: memref<1x1xf32, #tpu.memory_space<vmem>>, %arg10: memref<400x1xf32, #tpu.memory_space<vmem>>) attributes {dimension_semantics = [#tpu.dimension_semantics<arbitrary>], iteration_bounds = array<i64: 25>, scalar_prefetch = 0 : i64, scratch_operands = 0 : i64, tpu.core_type = #tpu.core_type<tc>, window_params = [{transform_indices = @transform_0, window_bounds = array<i64: 400, 128>}, {transform_indices = @transform_1, window_bounds = array<i64: 2, 400, 64>}, {transform_indices = @transform_2, window_bounds = array<i64: 2, 400, 16>}, {pipeline_mode = #tpu.pipeline_mode<synchronous>, transform_indices = @transform_3, window_bounds = array<i64: 128, 128>}, {pipeline_mode = #tpu.pipeline_mode<synchronous>, transform_indices = @transform_4, window_bounds = array<i64: 128, 128>}, {pipeline_mode = #tpu.pipeline_mode<synchronous>, transform_indices = @transform_5, window_bounds = array<i64: 1, 128>}, {pipeline_mode = #tpu.pipeline_mode<synchronous>, transform_indices = @transform_6, window_bounds = array<i64: 1, 128>}, {pipeline_mode = #tpu.pipeline_mode<synchronous>, transform_indices = @transform_7, window_bounds = array<i64: 1, 128>}, {pipeline_mode = #tpu.pipeline_mode<synchronous>, transform_indices = @transform_8, window_bounds = array<i64: 1, 1>}, {transform_indices = @transform_9, window_bounds = array<i64: 400, 1>}]} {
    %get3A = arith.constant 0 : index
    %get3A_0 = arith.constant 0 : index
    %get3A_1 = arith.constant 0 : index
    %get3A_2 = vector.load %arg2[%get3A, %get3A_0, %get3A_1] : memref<2x400x64xf32, #tpu.memory_space<vmem>>, vector<1x400x64xf32>
    %get3A_3 = vector.shape_cast %get3A_2 : vector<1x400x64xf32> to vector<400x64xf32>
    %get3A_4 = arith.constant 1 : index
    %get3A_5 = arith.constant 0 : index
    %get3A_6 = arith.constant 0 : index
    %get3A_7 = vector.load %arg2[%get3A_4, %get3A_5, %get3A_6] : memref<2x400x64xf32, #tpu.memory_space<vmem>>, vector<1x400x64xf32>
    %get3A_8 = vector.shape_cast %get3A_7 : vector<1x400x64xf32> to vector<400x64xf32>
    %concatenate3A = tpu.concatenate %get3A_3, %get3A_8 in 1 : vector<400x64xf32>, vector<400x64xf32> -> vector<400x128xf32>
    %get3A_9 = arith.constant 0 : index
    %get3A_10 = arith.constant 0 : index
    %get3A_11 = arith.constant 0 : index
    %get3A_12 = vector.load %arg3[%get3A_9, %get3A_10, %get3A_11] : memref<2x400x16xf32, #tpu.memory_space<vmem>>, vector<1x400x1xf32>
    %get3A_13 = vector.shape_cast %get3A_12 : vector<1x400x1xf32> to vector<400xf32>
    %get3A_14 = arith.constant 1 : index
    %get3A_15 = arith.constant 0 : index
    %get3A_16 = arith.constant 0 : index
    %get3A_17 = vector.load %arg3[%get3A_14, %get3A_15, %get3A_16] : memref<2x400x16xf32, #tpu.memory_space<vmem>>, vector<1x400x1xf32>
    %get3A_18 = vector.shape_cast %get3A_17 : vector<1x400x1xf32> to vector<400xf32>
    %add3A = arith.addf %get3A_13, %get3A_18 : vector<400xf32>
    %max3A = arith.constant 1.000000e+00 : f32
    %max3A_19 = vector.broadcast %max3A : f32 to vector<400xf32>
    %max3A_20 = arith.maximumf %add3A, %max3A_19 : vector<400xf32>
    %div3A = arith.constant 1.000000e+00 : f32
    %div3A_21 = vector.broadcast %div3A : f32 to vector<400xf32>
    %div3A_22 = arith.divf %div3A_21, %max3A_20 : vector<400xf32>
    %broadcast_in_dim3A = vector.shape_cast %div3A_22 : vector<400xf32> to vector<400x1xf32>
    %mul3A = vector.broadcast %broadcast_in_dim3A : vector<400x1xf32> to vector<400x128xf32>
    %mul3A_23 = arith.mulf %concatenate3A, %mul3A : vector<400x128xf32>
    %get3A_24 = arith.constant 0 : index
    %get3A_25 = arith.constant 0 : index
    %get3A_26 = vector.load %arg1[%get3A_24, %get3A_25] : memref<400x128xf32, #tpu.memory_space<vmem>>, vector<400x128xf32>
    %get3A_27 = arith.constant 0 : index
    %get3A_28 = arith.constant 0 : index
    %get3A_29 = vector.load %arg4[%get3A_27, %get3A_28] : memref<128x128xf32, #tpu.memory_space<vmem>>, vector<128x128xf32>
    %dot_general3A = arith.constant dense<0.000000e+00> : vector<400x128xf32>
    %dot_general3A_30 = tpu.matmul %get3A_26, %get3A_29, %dot_general3A {dimension_numbers = #tpu.dot_dimension_numbers<[1], [0], [0], [1], [0, 0, 1, 1], [], []>, transpose_lhs_hint = false} : vector<400x128xf32>, vector<128x128xf32>, vector<400x128xf32> -> vector<400x128xf32>
    %get3A_31 = arith.constant 0 : index
    %get3A_32 = arith.constant 0 : index
    %get3A_33 = vector.load %arg5[%get3A_31, %get3A_32] : memref<128x128xf32, #tpu.memory_space<vmem>>, vector<128x128xf32>
    %dot_general3A_34 = arith.constant dense<0.000000e+00> : vector<400x128xf32>
    %dot_general3A_35 = tpu.matmul %mul3A_23, %get3A_33, %dot_general3A_34 {dimension_numbers = #tpu.dot_dimension_numbers<[1], [0], [0], [1], [0, 0, 1, 1], [], []>, transpose_lhs_hint = false} : vector<400x128xf32>, vector<128x128xf32>, vector<400x128xf32> -> vector<400x128xf32>
    %add3A_36 = arith.addf %dot_general3A_30, %dot_general3A_35 : vector<400x128xf32>
    %max3A_37 = arith.constant 0.000000e+00 : f32
    %max3A_38 = vector.broadcast %max3A_37 : f32 to vector<400x128xf32>
    %max3A_39 = arith.maximumf %add3A_36, %max3A_38 : vector<400x128xf32>
    %reduce_sum3A = arith.constant dense<0.000000e+00> : vector<400xf32>
    %reduce_sum3A_40 = vector.multi_reduction <add>, %max3A_39, %reduce_sum3A [1] : vector<400x128xf32> to vector<400xf32>
    %broadcast_in_dim3A_41 = vector.shape_cast %reduce_sum3A_40 : vector<400xf32> to vector<400x1xf32>
    %div3A_42 = arith.constant 1.280000e+02 : f32
    %div3A_43 = vector.broadcast %div3A_42 : f32 to vector<400x1xf32>
    %div3A_44 = arith.divf %broadcast_in_dim3A_41, %div3A_43 : vector<400x1xf32>
    %sub3A = vector.broadcast %div3A_44 : vector<400x1xf32> to vector<400x128xf32>
    %sub3A_45 = arith.subf %max3A_39, %sub3A : vector<400x128xf32>
    %integer_pow3A = arith.mulf %sub3A_45, %sub3A_45 : vector<400x128xf32>
    %reduce_sum3A_46 = arith.constant dense<0.000000e+00> : vector<400xf32>
    %reduce_sum3A_47 = vector.multi_reduction <add>, %integer_pow3A, %reduce_sum3A_46 [1] : vector<400x128xf32> to vector<400xf32>
    %broadcast_in_dim3A_48 = vector.shape_cast %reduce_sum3A_47 : vector<400xf32> to vector<400x1xf32>
    %div3A_49 = arith.constant 1.280000e+02 : f32
    %div3A_50 = vector.broadcast %div3A_49 : f32 to vector<400x1xf32>
    %div3A_51 = arith.divf %broadcast_in_dim3A_48, %div3A_50 : vector<400x1xf32>
    %sub3A_52 = vector.broadcast %div3A_44 : vector<400x1xf32> to vector<400x128xf32>
    %sub3A_53 = arith.subf %max3A_39, %sub3A_52 : vector<400x128xf32>
    %add3A_54 = arith.constant 9.99999974E-6 : f32
    %add3A_55 = vector.broadcast %add3A_54 : f32 to vector<400x1xf32>
    %add3A_56 = arith.addf %div3A_51, %add3A_55 : vector<400x1xf32>
    %sqrt3A = math.sqrt %add3A_56 : vector<400x1xf32>
    %div3A_57 = vector.broadcast %sqrt3A : vector<400x1xf32> to vector<400x128xf32>
    %div3A_58 = arith.divf %sub3A_53, %div3A_57 : vector<400x128xf32>
    %get3A_59 = arith.constant 0 : index
    %get3A_60 = arith.constant 0 : index
    %get3A_61 = vector.load %arg6[%get3A_59, %get3A_60] : memref<1x128xf32, #tpu.memory_space<vmem>>, vector<1x128xf32>
    %get3A_62 = vector.shape_cast %get3A_61 : vector<1x128xf32> to vector<128xf32>
    %broadcast_in_dim3A_63 = vector.shape_cast %get3A_62 : vector<128xf32> to vector<1x128xf32>
    %mul3A_64 = vector.broadcast %broadcast_in_dim3A_63 : vector<1x128xf32> to vector<400x128xf32>
    %mul3A_65 = arith.mulf %div3A_58, %mul3A_64 : vector<400x128xf32>
    %get3A_66 = arith.constant 0 : index
    %get3A_67 = arith.constant 0 : index
    %get3A_68 = vector.load %arg7[%get3A_66, %get3A_67] : memref<1x128xf32, #tpu.memory_space<vmem>>, vector<1x128xf32>
    %get3A_69 = vector.shape_cast %get3A_68 : vector<1x128xf32> to vector<128xf32>
    %broadcast_in_dim3A_70 = vector.shape_cast %get3A_69 : vector<128xf32> to vector<1x128xf32>
    %add3A_71 = vector.broadcast %broadcast_in_dim3A_70 : vector<1x128xf32> to vector<400x128xf32>
    %add3A_72 = arith.addf %mul3A_65, %add3A_71 : vector<400x128xf32>
    %get3A_73 = arith.constant 0 : index
    %get3A_74 = arith.constant 0 : index
    %get3A_75 = vector.load %arg8[%get3A_73, %get3A_74] : memref<1x128xf32, #tpu.memory_space<vmem>>, vector<1x128xf32>
    %get3A_76 = vector.shape_cast %get3A_75 : vector<1x128xf32> to vector<128xf32>
    %broadcast_in_dim3A_77 = vector.shape_cast %get3A_76 : vector<128xf32> to vector<1x128xf32>
    %mul3A_78 = vector.broadcast %broadcast_in_dim3A_77 : vector<1x128xf32> to vector<400x128xf32>
    %mul3A_79 = arith.mulf %add3A_72, %mul3A_78 : vector<400x128xf32>
    %reduce_sum3A_80 = arith.constant dense<0.000000e+00> : vector<400xf32>
    %reduce_sum3A_81 = vector.multi_reduction <add>, %mul3A_79, %reduce_sum3A_80 [1] : vector<400x128xf32> to vector<400xf32>
    %broadcast_in_dim3A_82 = vector.shape_cast %reduce_sum3A_81 : vector<400xf32> to vector<400x1xf32>
    %get3A_83 = arith.constant 0 : index
    %get3A_84 = arith.constant 0 : index
    %get3A_85 = vector.load %arg9[%get3A_83, %get3A_84] : memref<1x1xf32, #tpu.memory_space<vmem>>, vector<1x1xf32>
    %get3A_86 = vector.extract %get3A_85[0, 0] : f32 from vector<1x1xf32>
    %add3A_87 = vector.broadcast %get3A_86 : f32 to vector<400x1xf32>
    %add3A_88 = arith.addf %broadcast_in_dim3A_82, %add3A_87 : vector<400x1xf32>
    %swap3A = arith.constant 0 : index
    %swap3A_89 = arith.constant 0 : index
    %swap3A_90 = vector.load %arg10[%swap3A, %swap3A_89] : memref<400x1xf32, #tpu.memory_space<vmem>>, vector<400x1xf32>
    tpu.vector_store %arg10[%swap3A, %swap3A_89], %add3A_88 {strides = array<i32>} : memref<400x1xf32, #tpu.memory_space<vmem>>, vector<400x1xf32>,
    return
  }
  func.func @transform_0(%arg0: i32) -> (i32, i32) {
    %c0_i32 = arith.constant 0 : i32
    %c0_i32_0 = arith.constant 0 : i32
    return %arg0, %c0_i32 : i32, i32
  }
  func.func @transform_1(%arg0: i32) -> (i32, i32, i32) {
    %c0_i32 = arith.constant 0 : i32
    %c0_i32_0 = arith.constant 0 : i32
    %c0_i32_1 = arith.constant 0 : i32
    return %c0_i32, %arg0, %c0_i32_0 : i32, i32, i32
  }
  func.func @transform_2(%arg0: i32) -> (i32, i32, i32) {
    %c0_i32 = arith.constant 0 : i32
    %c0_i32_0 = arith.constant 0 : i32
    %c0_i32_1 = arith.constant 0 : i32
    return %c0_i32, %arg0, %c0_i32_0 : i32, i32, i32
  }
  func.func @transform_3(%arg0: i32) -> (i32, i32) {
    %c0_i32 = arith.constant 0 : i32
    %c0_i32_0 = arith.constant 0 : i32
    %c0_i32_1 = arith.constant 0 : i32
    return %c0_i32, %c0_i32_0 : i32, i32
  }
  func.func @transform_4(%arg0: i32) -> (i32, i32) {
    %c0_i32 = arith.constant 0 : i32
    %c0_i32_0 = arith.constant 0 : i32
    %c0_i32_1 = arith.constant 0 : i32
    return %c0_i32, %c0_i32_0 : i32, i32
  }
  func.func @transform_5(%arg0: i32) -> (i32, i32) {
    %c0_i32 = arith.constant 0 : i32
    %c0_i32_0 = arith.constant 0 : i32
    %c0_i32_1 = arith.constant 0 : i32
    return %c0_i32, %c0_i32_0 : i32, i32
  }
  func.func @transform_6(%arg0: i32) -> (i32, i32) {
    %c0_i32 = arith.constant 0 : i32
    %c0_i32_0 = arith.constant 0 : i32
    %c0_i32_1 = arith.constant 0 : i32
    return %c0_i32, %c0_i32_0 : i32, i32
  }
  func.func @transform_7(%arg0: i32) -> (i32, i32) {
    %c0_i32 = arith.constant 0 : i32
    %c0_i32_0 = arith.constant 0 : i32
    %c0_i32_1 = arith.constant 0 : i32
    return %c0_i32, %c0_i32_0 : i32, i32
  }
  func.func @transform_8(%arg0: i32) -> (i32, i32) {
    %c0_i32 = arith.constant 0 : i32
    %c0_i32_0 = arith.constant 0 : i32
    %c0_i32_1 = arith.constant 0 : i32
    return %c0_i32, %c0_i32_0 : i32, i32
  }
  func.func @transform_9(%arg0: i32) -> (i32, i32) {
    %c0_i32 = arith.constant 0 : i32
    %c0_i32_0 = arith.constant 0 : i32
    return %arg0, %c0_i32 : i32, i32
  }
}

</mosaic_0001>

<sc_bundles>
// kernel: kernel.11.cloned.1.call-start
scs
__scs_entry_jumppad:
0x0: {  	(pc) =	sbr.rel $0x88, $3  }
0x1: {  	(tag) =	ssettag $0x0;
	lr =	simm.s32 $0x1  }
0x2: {  	[smem:$0x3F88] =	sst lr;
	_ =	strace $0xD0000000  }
0x3: {  	_ = 	snop  }
0x4: {  	_ = 	snop  }
0x5: {  	_ = 	snop  }
0x6: {  	_ = 	snop  }
0x7: {  	_ = 	snop  }
__scs_overlays_trampoline_lowered:
0x8: {  	[smem:$0x3F97] =	sst s0  }
0x9: {  	[smem:$0x3F98] =	sst s1  }
0xa: {  	[smem:$0x3F99] =	sst s2  }
0xb: {  	[smem:$0x3F9A] =	sst s3  }
0xc: {  	[smem:$0x3F9B] =	sst s4  }
0xd: {  	[smem:$0x3F9C] =	sst s5  }
0xe: {  	[smem:$0x3F9D] =	sst s6  }
0xf: {  	[smem:$0x3F9E] =	sst s7  }
0x10: {  	[smem:$0x3F9F] =	sst s8  }
0x11: {  	[smem:$0x3FA0] =	sst s9;
	s0 =	simm.s32 @!p0 $0x0  }
0x12: {  	s1 =	sld [smem:$0x3F86];
	s0 =	simm.s32 @p0 $0x1  }
0x13: {  	[smem:$0x3FA1] =	sst s0;
	s0 =	simm.s32 @!p1 $0x0  }
0x14: {  	s2 =	sld [smem:$0x3F85];
	s0 =	simm.s32 @p1 $0x1  }
0x15: {  	[smem:$0x3FA2] =	sst s0;
	s0 =	simm.s32 @!p2 $0x0  }
0x16: {  	s3 =	sld [smem:$0x3FDB];
	s0 =	simm.s32 @p2 $0x1  }
0x17: {  	s4 =	simm.s32 $0x1BF5;
	[smem:$0x3FA4] =	sst s0  }
0x18: {  	s0 =	sld [smem:$0x3F87];
	_ =	swait.ge [sflag:s4], $0x0  }
0x19: {  	s7 =	sld [smem:$0x3F88]  }
0x1a: {  	s8 =	sadd.s32 $0xFFFFE003, lr  }
0x1b: {  	s9 =	sadd.s32 $0xFFFFFEF7, lr;
	s5 =	simm.s32 $0xFFFFFFFF;
	p2 =	slt.u32 s8, $0xFFFFF086  }
0x1c: {  	p1 =	slt.u32 s9, $0xF7A;
	s5 =	simm.s32 @!p2 $0x0  }
0x1d: {  	s5 =	simm.s32 @p1 $0x1;
	p0 =	seq.s32 s7, s2  }
0x1e: {  	s7 =	smul.u32 @!p0 $0xF7A, s2;
	p2 =	seq.s32 @!p0 s5, $0x0  }
0x1f: {  	s9 =	smul.u32 $0xF7A, s1;
	s8 =	simm.s32 @!p0 $0x1BF5;
	p2 =	por !p2, p0  }
0x20: {  	[sflag:s8] =	ssyncset.s32 @!p0 $0xFFFFF086;
	s6 =	sadd.s32 @!p0 s3, s7;
	s7 =	simm.s32 @!p0 $0x108  }
0x21: {  	s3 =	sadd.s32 s3, s9;
	s6 =	sadd.s32 @!p0 $0x88, s6;
	s7 =	simm.s32 @p2 $0x1082  }
0x22: {  	[simem:s7], [sflag:s8] =	dma.local @!p0 [hbm:s6], $0xF7A  }
0x23: {  	s9 =	sor.u32 $0xD0000000, s2;
	s6 =	simm.s32 $0x108;
	_ =	swait.ge @!p0 [sflag:s8], $0x0  }
0x24: {  	s3 =	sadd.s32 $0x88, s3;
	s6 =	simm.s32 @!p1 $0x1082;
	[sflag:s4] =	ssyncset.s32 $0xFFFFF086  }
0x25: {  	[simem:s6], [sflag:s4] =	dma.local [hbm:s3], $0xF7A  }
0x26: {  	[smem:$0x3F88] =	sst s1;
	(tag) =	ssettag s2;
	_ =	strace s9  }
0x27: {  	s1 =	sld [smem:$0x3F98]  }
0x28: {  	s2 =	sld [smem:$0x3F99]  }
0x29: {  	s4 =	sld [smem:$0x3F9B]  }
0x2a: {  	p0 =	seq.s32 s5, $0x0;
	s5 =	sld [smem:$0x3F9C]  }
0x2b: {  	s6 =	sld [smem:$0x3F9D]  }
0x2c: {  	s7 =	sld [smem:$0x3F9E]  }
0x2d: {  	s3 =	simm.s32 $0x108;
	s8 =	sld [smem:$0x3F9F]  }
0x2e: {  	s3 =	simm.s32 @!p0 $0x1082;
	s9 =	sld [smem:$0x3FA0]  }
0x2f: {  	lr =	sadd.s32 s0, s3;
	s0 =	sld [smem:$0x3F97]  }
0x30: {  	s3 =	sld [smem:$0x3F9A]  }
0x31: {  	[smem:$0x3FA3] =	sst s10  }
0x32: {  	s10 =	sld [smem:$0x3FA1];
	_ =	sdelay $0x3  }
0x33: {  	p0 =	seq.s32 s10, $0x1;
	s10 =	sld [smem:$0x3FA3];
	_ =	sdelay $0x3  }
0x34: {  	[smem:$0x3FA3] =	sst s10  }
0x35: {  	s10 =	sld [smem:$0x3FA2];
	_ =	sdelay $0x3  }
0x36: {  	p1 =	seq.s32 s10, $0x1;
	s10 =	sld [smem:$0x3FA3];
	_ =	sdelay $0x3  }
0x37: {  	[smem:$0x3FA3] =	sst s10  }
0x38: {  	s10 =	sld [smem:$0x3FA4]  }
0x39: {  	_ = 	snop;
	(pc) =	sbr.ind lr, $3  }
0x3a: {  	_ = 	snop  }
0x3b: {  	_ = 	snop  }
0x3c: {  	p2 =	seq.s32 s10, $0x1;
	s10 =	sld [smem:$0x3FA3]  }
0x3d: {  	_ =	shalt  }
0x3e: {  	_ =	shalt  }
0x3f: {  	_ =	shalt  }
0x40: {  	_ =	shalt  }
0x41: {  	_ =	shalt  }
0x42: {  	_ =	shalt  }
0x43: {  	_ =	shalt  }
0x44: {  	_ =	shalt  }
0x45: {  	_ =	shalt  }
0x46: {  	_ =	shalt  }
0x47: {  	_ =	shalt  }
0x48: {  	_ =	shalt  }
0x49: {  	_ =	shalt  }
0x4a: {  	_ =	shalt  }
0x4b: {  	_ =	shalt  }
0x4c: {  	_ =	shalt  }
0x4d: {  	_ =	shalt  }
0x4e: {  	_ =	shalt  }
0x4f: {  	_ =	shalt  }
0x50: {  	_ =	shalt  }
0x51: {  	_ =	shalt  }
0x52: {  	_ =	shalt  }
0x53: {  	_ =	shalt  }
0x54: {  	_ =	shalt  }
0x55: {  	_ =	shalt  }
0x56: {  	_ =	shalt  }
0x57: {  	_ =	shalt  }
0x58: {  	_ =	shalt  }
0x59: {  	_ =	shalt  }
0x5a: {  	_ =	shalt  }
0x5b: {  	_ =	shalt  }
0x5c: {  	_ =	shalt  }
0x5d: {  	_ =	shalt  }
0x5e: {  	_ =	shalt  }
0x5f: {  	_ =	shalt  }
0x60: {  	_ =	shalt  }
0x61: {  	_ =	shalt  }
0x62: {  	_ =	shalt  }
0x63: {  	_ =	shalt  }
0x64: {  	_ =	shalt  }
0x65: {  	_ =	shalt  }
0x66: {  	_ =	shalt  }
0x67: {  	_ =	shalt  }
0x68: {  	_ =	shalt  }
0x69: {  	_ =	shalt  }
0x6a: {  	_ =	shalt  }
0x6b: {  	_ =	shalt  }
0x6c: {  	_ =	shalt  }
0x6d: {  	_ =	shalt  }
0x6e: {  	_ =	shalt  }
0x6f: {  	_ =	shalt  }
0x70: {  	_ =	shalt  }
0x71: {  	_ =	shalt  }
0x72: {  	_ =	shalt  }
0x73: {  	_ =	shalt  }
0x74: {  	_ =	shalt  }
0x75: {  	_ =	shalt  }
0x76: {  	_ =	shalt  }
0x77: {  	_ =	shalt  }
0x78: {  	_ =	shalt  }
0x79: {  	_ =	shalt  }
0x7a: {  	_ =	shalt  }
0x7b: {  	_ =	shalt  }
0x7c: {  	_ =	shalt  }
0x7d: {  	_ =	shalt  }
0x7e: {  	_ =	shalt  }
0x7f: {  	_ =	shalt  }
0x80: {  	_ =	shalt  }
0x81: {  	_ =	shalt  }
0x82: {  	_ =	shalt  }
0x83: {  	_ =	shalt  }
0x84: {  	_ =	shalt  }
0x85: {  	_ =	shalt  }
0x86: {  	_ =	shalt  }
0x87: {  	_ =	shalt  }
.Lfunc_end0:
.L_simem_size_0:
called_computation.1_lowered:
.L_overlay_start_0:
0x88: {  	s2 =	sld [smem:$0x3FD9]  }
0x89: {  	s3 =	sld [smem:$0x3FFE];
	_ =	sdelay $0x1  }
0x8a: {  	s1 =	srdreg.scid  }
0x8b: {  	s0 =	sand.u32 $0x1, s1  }
0x8c: {  	s16 =	sshll.u32 s0, $0xA;
	s2 =	sadd.s32 s3, s2  }
0x8d: {  	s2 =	sadd.s32 s2, s16  }
0x8e: {  	[smem:$0x3FAF] =	sst s2  }
0x8f: {  	_ = 	snop  }
0x90: {  	(tm) =	ssettm $0x1  }
0x91: {  	s17 =	sld [smem:$0x3FFB];
	_ =	sdelay $0x3  }
0x92: {  	_ =	strace s17  }
0x93: {  	s2 =	sld [smem:$0x3FFC];
	_ =	sdelay $0x3  }
0x94: {  	_ =	strace s2  }
0x95: {  	s2 =	sld [smem:$0x3FFD];
	_ =	sdelay $0x3  }
0x96: {  	_ =	strace s2  }
0x97: {  	_ =	strace $0x8FFFFFFF  }
0x98: {  	s18 =	sld [smem:$0x3FDB];
	_ =	sdelay $0x1  }
0x99: {  	s19 =	simm.s32 $_scs_section_size  }
0x9a: {  	s4 =	simm.s32 $_size__tile_overlayer_lowered;
	s5 =	simm.s32 $_tile_overlayer_lowered  }
0x9b: {  	s22 =	simm.s32 $0x1BFF;
	s21 =	sshll.u32 s5, $0x1;
	s2 =	sadd.s32 s19, s18  }
0x9c: {  	s6 =	simm.s32 $0x0;
	s20 =	sshll.u32 s4, $0x1;
	s4 =	sadd.s32 s21, s2  }
0x9d: {  	[timem:s6], [sflag:s22] =	dma.local [hbm:s4], s20  }
0x9e: {  	_ =	swait.ge [sflag:s22], s20  }
0x9f: {  	s3 =	ssub.s32 $0x0, s20;
	[sflag:s22] =	ssyncset.done $0x0  }
0xa0: {  	[sflag:s22] =	ssyncadd.s32 s3;
	_ =	sdelay $0x1  }
0xa1: {  	s23 =	simm.s32 $0x1B8B  }
0xa2: {  	_ =	swait.ge [sflag:s23], $0x1  }
0xa3: {  	[sflag:s23] =	ssyncset.done $0x0  }
0xa4: {  	s25 =	simm.s32 $0x1B8E;
	s24 =	sld [smem:$0x3FFE];
	[sflag:s23] =	ssyncadd.s32 $0xFFFFFFFF  }
0xa5: {  	s26 =	simm.s32 $execute0_lowered;
	[smem:$0x3FD2] =	sst s25  }
0xa6: {  	s4 =	sshll.u32 s26, $0x1;
	_ =	strace $0x80000049;
	[dreg:$0x1] =	wrdreg $0xFFFFFFFF  }
0xa7: {  	s28 =	simm.s32 $_size_execute0_lowered;
	s2 =	sadd.s32 s2, s4;
	[dreg:$0x0] =	wrdreg $0x0  }
0xa8: {  	s4 =	sshll.u32 s28, $0x1;
	[dreg:$0x2] =	wrdreg s2  }
0xa9: {  	[dreg:$0x3] =	wrdreg s4  }
0xaa: {  	[dreg:$0x4] =	wrdreg $0xC0  }
0xab: {  	_ =	task [dreg:s6], $0x5FFFF  }
0xac: {  	[dreg:$0x1] =	wrdreg $0xFFFFFFFF  }
0xad: {  	[dreg:$0x0] =	wrdreg $0x60  }
0xae: {  	[dreg:$0x2] =	wrdreg s24  }
0xaf: {  	[dreg:$0x3] =	wrdreg $0x15C400  }
0xb0: {  	[dreg:$0x4] =	wrdreg $0x9  }
0xb1: {  	_ =	task.clear_ibuf [dreg:s6], $0x5FFFF;
	_ =	strace $0x90000049  }
0xb2: {  	s29 =	simm.s32 $0x9;
	_ =	strace $0x8000004B  }
0xb3: {  	_ =	swait.ge [sflag:s29], $0x1  }
0xb4: {  	[sflag:s29] =	ssyncadd.s32 $0xFFFFFFFF  }
0xb5: {  	_ =	strace $0x9000004B  }
0xb6: {  	_ =	sfence  }
0xb7: {  	s30 =	sld [smem:$0x0];
	_ =	sdelay $0x2  }
0xb8: {  	s31 =	sshll.u32 s1, $0xD;
	s1 =	sshrl.u32 s1, $0x2  }
0xb9: {  	s3 =	sand.u32 $0x4000, s31;
	s1 =	sadd.s32 s1, s30  }
0xba: {  	s0 =	sor.u32 s3, s0;
	s1 =	sshll.u32 s1, $0x11  }
0xbb: {  	s0 =	sor.u32 s1, s0  }
0xbc: {  	s0 =	sadd.s32 $0x8F2B, s0  }
0xbd: {  	[sflag:s0] =	ssyncadd.remote.s32 $0x1  }
0xbe: {  	_ =	sfence.sel $0xFFFF  }
0xbf: {  	[dreg:$0x0] =	wrdreg $0xFFFFFFFF;
	(pc) =	sbr.abs _section_cstart, $3  }
0xc0: {  	[dreg:$0x1] =	wrdreg $0xFFFFFFFF  }
0xc1: {  	_ =	task.clear_ibuf [dreg:s6], $0x2FFFF;
	_ =	strace $0x9FFFFFFF  }
0xc2: {  	(tm) =	ssettm $0x7FFFFFFF  }
0xc3: {  	_ =	shalt  }
tec
execute0_lowered:
.L_overlay_start_1:
0x0: {  	(tag) =	ssettag $0x1  }
0x1: {  	s0 =	rddreg [dreg:$0x0]  }
0x2: {  	s1 =	rddreg [dreg:$0x1]  }
0x3: {  	s2 =	srdreg.scid;
	s3 =	simm.s32 $0x0;
	s9 =	stileid.u32  }
0x4: {  	s28 =	simm.s32 $0x7D;
	s29 =	simm.s32 $0xA000;
	s5 =	smul.u32 $0xA00, s9  }
0x5: {  	s31 =	simm.s32 $0xBF40;
	s30 =	simm.s32 $0xDE80;
	s6 =	smul.u32 $0x28000, s9  }
0x6: {  	s2 =	sand.u32 $0x1, s2;
	[smem:$0x7FF] =	sst s3;
	s9 =	smul.u32 $0xA000, s9  }
0x7: {  	s12 =	sadd.s32 $0xBE800, s0;
	s4 =	smul.u32 $0x13880, s2;
	_ =	strace $0x8000004A  }
0x8: {  	s7 =	ssub.s32 $0x2, s2;
	s2 =	smul.u32 $0xA0000, s2;
	s5 =	sadd.s32 s5, s0  }
0x9: {  	s8 =	sshrl.u32 s7, $0x1;
	s6 =	sshrl.u32 s6, $0x2;
	s4 =	sadd.s32 s4, s0  }
0xa: {  	s0 =	sadd.s32 $0xE6800, s0;
	s13 =	ssub.s32 s7, s8;
	s18 =	sadd.s32 $0xB4800, s5  }
0xb: {  	s5 =	sadd.s32 $0xAA800, s5;
	s6 =	sadd.s32 s6, s1;
	[dreg:$0x3] =	wrdreg s18  }
0xc: {  	s2 =	sadd.s32 s9, s2;
	[dreg:$0x4] =	wrdreg s5;
	s7 =	sadd.s32 $0x2000, s6  }
0xd: {  	s8 =	sadd.s32 $0x4000, s6;
	s2 =	sshrl.u32 s2, $0x3;
	s9 =	sadd.s32 $0x6000, s6  }
0xe: {  	s26 =	smax.u32 s13, $0x1;
	s19 =	sadd.s32 $0x400, s2;
	s14 =	sadd.s32 s12, s2  }
0xf: {  	s21 =	sadd.s32 $0x800, s2;
	s15 =	sadd.s32 $0xC00, s2;
	[dreg:$0xf] =	wrdreg s26  }
0x10: {  	s16 =	sadd.s32 $0x1000, s2;
	s2 =	sadd.s32 s0, s2;
	[dreg:$0x5] =	wrdreg s14  }
0x11: {  	s10 =	sadd.s32 $0x8000, s6;
	s20 =	sadd.s32 s12, s19;
	[dreg:$0xa] =	wrdreg s2  }
0x12: {  	s11 =	sadd.s32 $0x5C400, s4;
	s17 =	sadd.s32 s12, s21;
	[dreg:$0x6] =	wrdreg s20  }
0x13: {  	s5 =	simm.s32 $0x2;
	s22 =	sadd.s32 s12, s15;
	[dreg:$0x7] =	wrdreg s17  }
0x14: {  	s13 =	simm.s32 $0x4;
	s12 =	sadd.s32 s12, s16;
	[dreg:$0x8] =	wrdreg s22  }
0x15: {  	s26 =	simm.s32 $0x13C40;
	s23 =	sadd.s32 s0, s19;
	[dreg:$0x9] =	wrdreg s12  }
0x16: {  	s24 =	sadd.s32 s0, s21;
	s25 =	sadd.s32 s0, s15;
	[dreg:$0xb] =	wrdreg s23  }
0x17: {  	s0 =	sadd.s32 s0, s16;
	s2 =	simm.s32 $0x11D00;
	[dreg:$0xc] =	wrdreg s24  }
0x18: {  	s14 =	simm.s32 $0x5;
	s17 =	sadd.s32 $0x3E00, s4;
	[dreg:$0xd] =	wrdreg s25  }
0x19: {  	[dreg:$0xe] =	wrdreg s0;
	s24 =	simm.s32 $0x6;
	s22 =	simm.s32 $0x5000  }
0x1a: {  	v0 =	vimm.f32 $0.0e+00;
	s0 =	simm.s32 $0xFDC0;
	s4 =	simm.s32 $0x1;
	s12 =	simm.s32 $0x3  }
.LBB2_1:
0x1b: {  	s16 =	simm.s32 $0x100;
	s15 =	simm.s32 $0x0  }
.LBB2_2:
0x1c: {  	p0 =	sne.s32 s16, $0x7F00;
	[tilespmem:s15+$0x13C70] =	vst v0;
	s18 =	smov.u32 s16;
	s16 =	sadd.s32 $0x100, s16  }
.Ltmp0:
0x1d: {  	[tilespmem:s15+$0x13C60] =	vst v0;
	(pc) =	sbr.rel @p0 .LBB2_2-.Ltmp0, $3  }
0x1e: {  	[tilespmem:s15+$0x13C40] =	vst v0  }
0x1f: {  	[tilespmem:s15+$0x13C50] =	vst v0;
	_ =	sdelay $0x1  }
0x20: {  	s15 =	sshra.s32 s18, $0x2  }
0x21: {  	[tilespmem:s15+$0x13C70] =	vst v0  }
0x22: {  	[tilespmem:s15+$0x13C60] =	vst v0  }
0x23: {  	[tilespmem:s15+$0x13C40] =	vst v0  }
0x24: {  	[tilespmem:s15+$0x13C50] =	vst v0;
	s23 =	simm.s32 $0x0;
	s16 =	rddreg [dreg:$0x3]  }
0x25: {  	[tilespmem:s23], [sflag:$0x6] =	stream.linear.gather [hbm4b:s16+s23], $0x5000, $0x38;
	[tilespmem:$0x1FC40] =	vst v63  }
0x26: {  	_ =	swait.ge [sflag:s24], $0x5000  }
0x27: {  	[sflag:s24] =	ssyncset.done $0x0  }
0x28: {  	s25 =	rddreg [dreg:$0x4];
	[sflag:s24] =	ssyncadd.s32 $0xFFFFB000  }
0x29: {  	[tilespmem:s22], [sflag:$0x6] =	stream.linear.gather [hbm4b:s25+s23], $0x5000, $0x38;
	[tilespmem:$0x1FC40] =	vst v63  }
0x2a: {  	_ =	swait.ge [sflag:s24], $0x5000  }
0x2b: {  	[sflag:s24] =	ssyncset.done $0x0  }
0x2c: {  	[sflag:s24] =	ssyncadd.s32 $0xFFFFB000  }
0x2d: {  	[spmem:s6] =	stream.linear.scatter [tilespmem:s26], [sflag:$0x6], $0x2000, $0x38;
	[tilespmem:$0x1FC40] =	vst v63  }
0x2e: {  	_ =	swait.ge [sflag:s24], $0x2000  }
0x2f: {  	[sflag:s24] =	ssyncset.done $0x0  }
0x30: {  	[sflag:s24] =	ssyncadd.s32 $0xFFFFE000  }
0x31: {  	[spmem:s7] =	stream.linear.scatter [tilespmem:s26], [sflag:$0x6], $0x2000, $0x38;
	[tilespmem:$0x1FC40] =	vst v63  }
0x32: {  	_ =	swait.ge [sflag:s24], $0x2000  }
0x33: {  	[sflag:s24] =	ssyncset.done $0x0  }
0x34: {  	[sflag:s24] =	ssyncadd.s32 $0xFFFFE000  }
0x35: {  	[spmem:s8] =	stream.linear.scatter [tilespmem:s26], [sflag:$0x6], $0x2000, $0x38;
	[tilespmem:$0x1FC40] =	vst v63  }
0x36: {  	_ =	swait.ge [sflag:s24], $0x2000  }
0x37: {  	[sflag:s24] =	ssyncset.done $0x0  }
0x38: {  	[sflag:s24] =	ssyncadd.s32 $0xFFFFE000  }
0x39: {  	[spmem:s9] =	stream.linear.scatter [tilespmem:s26], [sflag:$0x6], $0x2000, $0x38;
	[tilespmem:$0x1FC40] =	vst v63  }
0x3a: {  	_ =	swait.ge [sflag:s24], $0x2000  }
0x3b: {  	[sflag:s24] =	ssyncset.done $0x0  }
0x3c: {  	[sflag:s24] =	ssyncadd.s32 $0xFFFFE000  }
0x3d: {  	[spmem:s10] =	stream.linear.scatter [tilespmem:s26], [sflag:$0x6], $0x2000, $0x38;
	[tilespmem:$0x1FC40] =	vst v63  }
0x3e: {  	_ =	swait.ge [sflag:s24], $0x2000  }
0x3f: {  	[sflag:s24] =	ssyncset.done $0x0  }
0x40: {  	[sflag:s24] =	ssyncadd.s32 $0xFFFFE000  }
0x41: {  	[bflag:$0x0] =	sbarrier.arrive $0xFFFF  }
0x42: {  	[tilespmem:s29], [sflag:$0x1] =	stream.indirect.gather [hbm4b:s11+s28], $0x40, s23, s28, $0xb8;
	[tilespmem:$0x1FC40] =	vst v63  }
0x43: {  	s18 =	simm.s32 $0x80  }
0x44: {  	[tilespmem:s31], [sflag:$0x2] =	stream.indirect.gather [hbm4b:s11+s28], $0x40, s18, s28, $0xb8;
	[tilespmem:$0x1FC40] =	vst v63  }
0x45: {  	s19 =	simm.s32 $0x100  }
0x46: {  	[tilespmem:s30], [sflag:$0x3] =	stream.indirect.gather [hbm4b:s11+s28], $0x40, s19, s28, $0xb8;
	[tilespmem:$0x1FC40] =	vst v63  }
0x47: {  	s20 =	simm.s32 $0x180  }
0x48: {  	[tilespmem:s0], [sflag:$0x4] =	stream.indirect.gather [hbm4b:s11+s28], $0x40, s20, s28, $0xb8;
	[tilespmem:$0x1FC40] =	vst v63  }
0x49: {  	s21 =	simm.s32 $0x200  }
0x4a: {  	[tilespmem:s2], [sflag:$0x5] =	stream.indirect.gather [hbm4b:s11+s28], $0x40, s21, s28, $0xb8;
	[tilespmem:$0x1FC40] =	vst v63  }
0x4b: {  	_ =	swait.ge [sflag:s4], $0x1F40  }
0x4c: {  	[sflag:s4] =	ssyncset.done $0x0  }
0x4d: {  	s23 =	simm.s32 $0x5000;
	[sflag:s4] =	ssyncadd.s32 $0xFFFFE0C0  }
0x4e: {  	[spmem:s1] =	stream.indirect.scatter.add.f32 [tilespmem:s29], [sflag:$0x6], $0x40, s23, s28, $0xb8;
	[tilespmem:$0x1FC40] =	vst v63  }
0x4f: {  	_ =	swait.ge [sflag:s24], $0x1F40  }
0x50: {  	[sflag:s24] =	ssyncset.done $0x0  }
0x51: {  	s25 =	simm.s32 $0x280;
	[sflag:s24] =	ssyncadd.s32 $0xFFFFE0C0  }
0x52: {  	[tilespmem:s29], [sflag:$0x1] =	stream.indirect.gather [hbm4b:s11+s28], $0x40, s25, s28, $0xb8;
	[tilespmem:$0x1FC40] =	vst v63  }
0x53: {  	_ =	swait.ge [sflag:s5], $0x1F40  }
0x54: {  	[sflag:s5] =	ssyncset.done $0x0  }
0x55: {  	s16 =	simm.s32 $0x5080;
	[sflag:s5] =	ssyncadd.s32 $0xFFFFE0C0  }
0x56: {  	[spmem:s1] =	stream.indirect.scatter.add.f32 [tilespmem:s31], [sflag:$0x6], $0x40, s16, s28, $0xb8;
	[tilespmem:$0x1FC40] =	vst v63  }
0x57: {  	_ =	swait.ge [sflag:s24], $0x1F40  }
0x58: {  	[sflag:s24] =	ssyncset.done $0x0  }
0x59: {  	s18 =	simm.s32 $0x300;
	[sflag:s24] =	ssyncadd.s32 $0xFFFFE0C0  }
0x5a: {  	[tilespmem:s31], [sflag:$0x2] =	stream.indirect.gather [hbm4b:s11+s28], $0x40, s18, s28, $0xb8;
	[tilespmem:$0x1FC40] =	vst v63  }
0x5b: {  	_ =	swait.ge [sflag:s12], $0x1F40  }
0x5c: {  	[sflag:s12] =	ssyncset.done $0x0  }
0x5d: {  	s19 =	simm.s32 $0x5100;
	[sflag:s12] =	ssyncadd.s32 $0xFFFFE0C0  }
0x5e: {  	[spmem:s1] =	stream.indirect.scatter.add.f32 [tilespmem:s30], [sflag:$0x6], $0x40, s19, s28, $0xb8;
	[tilespmem:$0x1FC40] =	vst v63  }
0x5f: {  	_ =	swait.ge [sflag:s24], $0x1F40  }
0x60: {  	[sflag:s24] =	ssyncset.done $0x0  }
0x61: {  	s20 =	simm.s32 $0x380;
	[sflag:s24] =	ssyncadd.s32 $0xFFFFE0C0  }
0x62: {  	[tilespmem:s30], [sflag:$0x3] =	stream.indirect.gather [hbm4b:s11+s28], $0x40, s20, s28, $0xb8;
	[tilespmem:$0x1FC40] =	vst v63  }
0x63: {  	_ =	swait.ge [sflag:s13], $0x1F40  }
0x64: {  	[sflag:s13] =	ssyncset.done $0x0  }
0x65: {  	s21 =	simm.s32 $0x5180;
	[sflag:s13] =	ssyncadd.s32 $0xFFFFE0C0  }
0x66: {  	[spmem:s1] =	stream.indirect.scatter.add.f32 [tilespmem:s0], [sflag:$0x6], $0x40, s21, s28, $0xb8;
	[tilespmem:$0x1FC40] =	vst v63  }
0x67: {  	_ =	swait.ge [sflag:s24], $0x1F40  }
0x68: {  	[sflag:s24] =	ssyncset.done $0x0  }
0x69: {  	s23 =	simm.s32 $0x400;
	[sflag:s24] =	ssyncadd.s32 $0xFFFFE0C0  }
0x6a: {  	[tilespmem:s0], [sflag:$0x4] =	stream.indirect.gather [hbm4b:s11+s28], $0x40, s23, s28, $0xb8;
	[tilespmem:$0x1FC40] =	vst v63  }
0x6b: {  	_ =	swait.ge [sflag:s14], $0x1F40  }
0x6c: {  	[sflag:s14] =	ssyncset.done $0x0  }
0x6d: {  	s25 =	simm.s32 $0x5200;
	[sflag:s14] =	ssyncadd.s32 $0xFFFFE0C0  }
0x6e: {  	[spmem:s1] =	stream.indirect.scatter.add.f32 [tilespmem:s2], [sflag:$0x6], $0x40, s25, s28, $0xb8;
	[tilespmem:$0x1FC40] =	vst v63  }
0x6f: {  	_ =	swait.ge [sflag:s24], $0x1F40  }
0x70: {  	[sflag:s24] =	ssyncset.done $0x0  }
0x71: {  	s15 =	simm.s32 $0xA00;
	s16 =	simm.s32 $0x480;
	[sflag:s24] =	ssyncadd.s32 $0xFFFFE0C0  }
.LBB2_4:
0x72: {  	[tilespmem:s2], [sflag:$0x5] =	stream.indirect.gather [hbm4b:s11+s28], $0x40, s16, s28, $0xb8;
	[tilespmem:$0x1FC40] =	vst v63  }
0x73: {  	s16 =	smov.u32 s15  }
0x74: {  	p0 =	sne.s32 s15, $0x12C00;
	s15 =	sadd.s32 $0xA00, s15;
	_ =	swait.ge [sflag:s4], $0x1F40  }
0x75: {  	s16 =	sshra.s32 s16, $0x2;
	[sflag:s4] =	ssyncset.done $0x0  }
0x76: {  	s18 =	sadd.s32 $0x5000, s16;
	[sflag:s4] =	ssyncadd.s32 $0xFFFFE0C0  }
0x77: {  	[spmem:s1] =	stream.indirect.scatter.add.f32 [tilespmem:s29], [sflag:$0x6], $0x40, s18, s28, $0xb8;
	[tilespmem:$0x1FC40] =	vst v63  }
0x78: {  	_ =	swait.ge [sflag:s24], $0x1F40  }
0x79: {  	[sflag:s24] =	ssyncset.done $0x0  }
0x7a: {  	s18 =	sadd.s32 $0x280, s16;
	[sflag:s24] =	ssyncadd.s32 $0xFFFFE0C0  }
0x7b: {  	[tilespmem:s29], [sflag:$0x1] =	stream.indirect.gather [hbm4b:s11+s28], $0x40, s18, s28, $0xb8;
	[tilespmem:$0x1FC40] =	vst v63  }
0x7c: {  	_ =	swait.ge [sflag:s5], $0x1F40  }
0x7d: {  	[sflag:s5] =	ssyncset.done $0x0  }
0x7e: {  	s18 =	sadd.s32 $0x5080, s16;
	[sflag:s5] =	ssyncadd.s32 $0xFFFFE0C0  }
0x7f: {  	[spmem:s1] =	stream.indirect.scatter.add.f32 [tilespmem:s31], [sflag:$0x6], $0x40, s18, s28, $0xb8;
	[tilespmem:$0x1FC40] =	vst v63  }
0x80: {  	_ =	swait.ge [sflag:s24], $0x1F40  }
0x81: {  	[sflag:s24] =	ssyncset.done $0x0  }
0x82: {  	s18 =	sadd.s32 $0x300, s16;
	[sflag:s24] =	ssyncadd.s32 $0xFFFFE0C0  }
0x83: {  	[tilespmem:s31], [sflag:$0x2] =	stream.indirect.gather [hbm4b:s11+s28], $0x40, s18, s28, $0xb8;
	[tilespmem:$0x1FC40] =	vst v63  }
0x84: {  	_ =	swait.ge [sflag:s12], $0x1F40  }
0x85: {  	[sflag:s12] =	ssyncset.done $0x0  }
0x86: {  	s18 =	sadd.s32 $0x5100, s16;
	[sflag:s12] =	ssyncadd.s32 $0xFFFFE0C0  }
0x87: {  	[spmem:s1] =	stream.indirect.scatter.add.f32 [tilespmem:s30], [sflag:$0x6], $0x40, s18, s28, $0xb8;
	[tilespmem:$0x1FC40] =	vst v63  }
0x88: {  	_ =	swait.ge [sflag:s24], $0x1F40  }
0x89: {  	[sflag:s24] =	ssyncset.done $0x0  }
0x8a: {  	s18 =	sadd.s32 $0x380, s16;
	[sflag:s24] =	ssyncadd.s32 $0xFFFFE0C0  }
0x8b: {  	[tilespmem:s30], [sflag:$0x3] =	stream.indirect.gather [hbm4b:s11+s28], $0x40, s18, s28, $0xb8;
	[tilespmem:$0x1FC40] =	vst v63  }
0x8c: {  	_ =	swait.ge [sflag:s13], $0x1F40  }
0x8d: {  	[sflag:s13] =	ssyncset.done $0x0  }
0x8e: {  	s18 =	sadd.s32 $0x5180, s16;
	[sflag:s13] =	ssyncadd.s32 $0xFFFFE0C0  }
0x8f: {  	[spmem:s1] =	stream.indirect.scatter.add.f32 [tilespmem:s0], [sflag:$0x6], $0x40, s18, s28, $0xb8;
	[tilespmem:$0x1FC40] =	vst v63  }
0x90: {  	_ =	swait.ge [sflag:s24], $0x1F40  }
0x91: {  	[sflag:s24] =	ssyncset.done $0x0  }
0x92: {  	s18 =	sadd.s32 $0x400, s16;
	[sflag:s24] =	ssyncadd.s32 $0xFFFFE0C0  }
0x93: {  	[tilespmem:s0], [sflag:$0x4] =	stream.indirect.gather [hbm4b:s11+s28], $0x40, s18, s28, $0xb8;
	[tilespmem:$0x1FC40] =	vst v63  }
0x94: {  	_ =	swait.ge [sflag:s14], $0x1F40  }
0x95: {  	[sflag:s14] =	ssyncset.done $0x0  }
.Ltmp1:
0x96: {  	s18 =	sadd.s32 $0x5200, s16;
	[sflag:s14] =	ssyncadd.s32 $0xFFFFE0C0;
	(pc) =	sbr.rel @p0 .LBB2_4-.Ltmp1, $4  }
0x97: {  	[spmem:s1] =	stream.indirect.scatter.add.f32 [tilespmem:s2], [sflag:$0x6], $0x40, s18, s28, $0xb8;
	[tilespmem:$0x1FC40] =	vst v63  }
0x98: {  	_ =	swait.ge [sflag:s24], $0x1F40  }
0x99: {  	[sflag:s24] =	ssyncset.done $0x0  }
0x9a: {  	s16 =	sadd.s32 $0x480, s16;
	[sflag:s24] =	ssyncadd.s32 $0xFFFFE0C0  }
0x9b: {  	[tilespmem:s2], [sflag:$0x5] =	stream.indirect.gather [hbm4b:s11+s28], $0x40, s16, s28, $0xb8;
	[tilespmem:$0x1FC40] =	vst v63  }
0x9c: {  	_ =	swait.ge [sflag:s4], $0x1F40  }
0x9d: {  	[sflag:s4] =	ssyncset.done $0x0  }
0x9e: {  	s15 =	simm.s32 $0x9D80;
	[sflag:s4] =	ssyncadd.s32 $0xFFFFE0C0  }
0x9f: {  	[spmem:s1] =	stream.indirect.scatter.add.f32 [tilespmem:s29], [sflag:$0x6], $0x40, s15, s28, $0xb8;
	[tilespmem:$0x1FC40] =	vst v63  }
0xa0: {  	_ =	swait.ge [sflag:s24], $0x1F40  }
0xa1: {  	[sflag:s24] =	ssyncset.done $0x0  }
0xa2: {  	[sflag:s24] =	ssyncadd.s32 $0xFFFFE0C0  }
0xa3: {  	_ =	swait.ge [sflag:s5], $0x1F40  }
0xa4: {  	[sflag:s5] =	ssyncset.done $0x0  }
0xa5: {  	s25 =	simm.s32 $0x9E00;
	[sflag:s5] =	ssyncadd.s32 $0xFFFFE0C0  }
0xa6: {  	[spmem:s1] =	stream.indirect.scatter.add.f32 [tilespmem:s31], [sflag:$0x6], $0x40, s25, s28, $0xb8;
	[tilespmem:$0x1FC40] =	vst v63  }
0xa7: {  	_ =	swait.ge [sflag:s24], $0x1F40  }
0xa8: {  	[sflag:s24] =	ssyncset.done $0x0  }
0xa9: {  	[sflag:s24] =	ssyncadd.s32 $0xFFFFE0C0  }
0xaa: {  	_ =	swait.ge [sflag:s12], $0x1F40  }
0xab: {  	[sflag:s12] =	ssyncset.done $0x0  }
0xac: {  	s16 =	simm.s32 $0x9E80;
	[sflag:s12] =	ssyncadd.s32 $0xFFFFE0C0  }
0xad: {  	[spmem:s1] =	stream.indirect.scatter.add.f32 [tilespmem:s30], [sflag:$0x6], $0x40, s16, s28, $0xb8;
	[tilespmem:$0x1FC40] =	vst v63  }
0xae: {  	_ =	swait.ge [sflag:s24], $0x1F40  }
0xaf: {  	[sflag:s24] =	ssyncset.done $0x0  }
0xb0: {  	[sflag:s24] =	ssyncadd.s32 $0xFFFFE0C0  }
0xb1: {  	_ =	swait.ge [sflag:s13], $0x1F40  }
0xb2: {  	[sflag:s13] =	ssyncset.done $0x0  }
0xb3: {  	s18 =	simm.s32 $0x9F00;
	[sflag:s13] =	ssyncadd.s32 $0xFFFFE0C0  }
0xb4: {  	[spmem:s1] =	stream.indirect.scatter.add.f32 [tilespmem:s0], [sflag:$0x6], $0x40, s18, s28, $0xb8;
	[tilespmem:$0x1FC40] =	vst v63  }
0xb5: {  	_ =	swait.ge [sflag:s24], $0x1F40  }
0xb6: {  	[sflag:s24] =	ssyncset.done $0x0  }
0xb7: {  	[sflag:s24] =	ssyncadd.s32 $0xFFFFE0C0  }
0xb8: {  	_ =	swait.ge [sflag:s14], $0x1F40  }
0xb9: {  	[sflag:s14] =	ssyncset.done $0x0  }
0xba: {  	s19 =	simm.s32 $0x9F80;
	[sflag:s14] =	ssyncadd.s32 $0xFFFFE0C0  }
0xbb: {  	[spmem:s1] =	stream.indirect.scatter.add.f32 [tilespmem:s2], [sflag:$0x6], $0x40, s19, s28, $0xb8;
	[tilespmem:$0x1FC40] =	vst v63  }
0xbc: {  	_ =	swait.ge [sflag:s24], $0x1F40  }
0xbd: {  	[sflag:s24] =	ssyncset.done $0x0  }
0xbe: {  	s20 =	stileid.u32;
	[sflag:s24] =	ssyncadd.s32 $0xFFFFE0C0  }
0xbf: {  	s15 =	sshll.u32 s20, $0x6;
	[bflag:$0x0] =	sbarrier.arrive $0xFFFF  }
0xc0: {  	s15 =	sor.u32 $0x1C06, s15;
	s16 =	sshrl.u32 s6, $0x3;
	s18 =	rddreg [dreg:$0x5]  }
0xc1: {  	[hbm:s18], [sflag:s15] =	dma.local [spmem:s16], $0x400  }
0xc2: {  	_ =	swait.ge [sflag:s24], $0x400  }
0xc3: {  	[sflag:s24] =	ssyncset.done $0x0  }
0xc4: {  	s25 =	sshrl.u32 s7, $0x3;
	s21 =	rddreg [dreg:$0x6];
	[sflag:s24] =	ssyncadd.s32 $0xFFFFFC00  }
0xc5: {  	[hbm:s21], [sflag:s15] =	dma.local [spmem:s25], $0x400  }
0xc6: {  	_ =	swait.ge [sflag:s24], $0x400  }
0xc7: {  	[sflag:s24] =	ssyncset.done $0x0  }
0xc8: {  	s18 =	sshrl.u32 s8, $0x3;
	s19 =	rddreg [dreg:$0x7];
	[sflag:s24] =	ssyncadd.s32 $0xFFFFFC00  }
0xc9: {  	[hbm:s19], [sflag:s15] =	dma.local [spmem:s18], $0x400  }
0xca: {  	_ =	swait.ge [sflag:s24], $0x400  }
0xcb: {  	[sflag:s24] =	ssyncset.done $0x0  }
0xcc: {  	s19 =	sshrl.u32 s9, $0x3;
	s20 =	rddreg [dreg:$0x8];
	[sflag:s24] =	ssyncadd.s32 $0xFFFFFC00  }
0xcd: {  	[hbm:s20], [sflag:s15] =	dma.local [spmem:s19], $0x400  }
0xce: {  	_ =	swait.ge [sflag:s24], $0x400  }
0xcf: {  	[sflag:s24] =	ssyncset.done $0x0  }
0xd0: {  	s20 =	sshrl.u32 s10, $0x3;
	s21 =	rddreg [dreg:$0x9];
	[sflag:s24] =	ssyncadd.s32 $0xFFFFFC00  }
0xd1: {  	[hbm:s21], [sflag:s15] =	dma.local [spmem:s20], $0x400  }
0xd2: {  	_ =	swait.ge [sflag:s24], $0x400  }
0xd3: {  	[sflag:s24] =	ssyncset.done $0x0  }
0xd4: {  	[sflag:s24] =	ssyncadd.s32 $0xFFFFFC00  }
0xd5: {  	[bflag:$0x0] =	sbarrier.arrive $0xFFFF  }
0xd6: {  	[spmem:s6] =	stream.linear.scatter [tilespmem:s26], [sflag:$0x6], $0x2000, $0x38;
	[tilespmem:$0x1FC40] =	vst v63  }
0xd7: {  	_ =	swait.ge [sflag:s24], $0x2000  }
0xd8: {  	[sflag:s24] =	ssyncset.done $0x0  }
0xd9: {  	[sflag:s24] =	ssyncadd.s32 $0xFFFFE000  }
0xda: {  	[spmem:s7] =	stream.linear.scatter [tilespmem:s26], [sflag:$0x6], $0x2000, $0x38;
	[tilespmem:$0x1FC40] =	vst v63  }
0xdb: {  	_ =	swait.ge [sflag:s24], $0x2000  }
0xdc: {  	[sflag:s24] =	ssyncset.done $0x0  }
0xdd: {  	[sflag:s24] =	ssyncadd.s32 $0xFFFFE000  }
0xde: {  	[spmem:s8] =	stream.linear.scatter [tilespmem:s26], [sflag:$0x6], $0x2000, $0x38;
	[tilespmem:$0x1FC40] =	vst v63  }
0xdf: {  	_ =	swait.ge [sflag:s24], $0x2000  }
0xe0: {  	[sflag:s24] =	ssyncset.done $0x0  }
0xe1: {  	[sflag:s24] =	ssyncadd.s32 $0xFFFFE000  }
0xe2: {  	[spmem:s9] =	stream.linear.scatter [tilespmem:s26], [sflag:$0x6], $0x2000, $0x38;
	[tilespmem:$0x1FC40] =	vst v63  }
0xe3: {  	_ =	swait.ge [sflag:s24], $0x2000  }
0xe4: {  	[sflag:s24] =	ssyncset.done $0x0  }
0xe5: {  	[sflag:s24] =	ssyncadd.s32 $0xFFFFE000  }
0xe6: {  	[spmem:s10] =	stream.linear.scatter [tilespmem:s26], [sflag:$0x6], $0x2000, $0x38;
	[tilespmem:$0x1FC40] =	vst v63  }
0xe7: {  	_ =	swait.ge [sflag:s24], $0x2000  }
0xe8: {  	[sflag:s24] =	ssyncset.done $0x0  }
0xe9: {  	[sflag:s24] =	ssyncadd.s32 $0xFFFFE000  }
0xea: {  	[bflag:$0x0] =	sbarrier.arrive $0xFFFF  }
0xeb: {  	[tilespmem:s29], [sflag:$0x1] =	stream.indirect.gather [hbm4b:s17+s28], $0x40, s22, s28, $0xb8;
	[tilespmem:$0x1FC40] =	vst v63  }
0xec: {  	s23 =	simm.s32 $0x5080  }
0xed: {  	[tilespmem:s31], [sflag:$0x2] =	stream.indirect.gather [hbm4b:s17+s28], $0x40, s23, s28, $0xb8;
	[tilespmem:$0x1FC40] =	vst v63  }
0xee: {  	s22 =	simm.s32 $0x5100  }
0xef: {  	[tilespmem:s30], [sflag:$0x3] =	stream.indirect.gather [hbm4b:s17+s28], $0x40, s22, s28, $0xb8;
	[tilespmem:$0x1FC40] =	vst v63  }
0xf0: {  	s23 =	simm.s32 $0x5180  }
0xf1: {  	[tilespmem:s0], [sflag:$0x4] =	stream.indirect.gather [hbm4b:s17+s28], $0x40, s23, s28, $0xb8;
	[tilespmem:$0x1FC40] =	vst v63  }
0xf2: {  	s22 =	simm.s32 $0x5200  }
0xf3: {  	[tilespmem:s2], [sflag:$0x5] =	stream.indirect.gather [hbm4b:s17+s28], $0x40, s22, s28, $0xb8;
	[tilespmem:$0x1FC40] =	vst v63  }
0xf4: {  	_ =	swait.ge [sflag:s4], $0x1F40  }
0xf5: {  	[sflag:s4] =	ssyncset.done $0x0  }
0xf6: {  	s23 =	simm.s32 $0x0;
	[sflag:s4] =	ssyncadd.s32 $0xFFFFE0C0  }
0xf7: {  	[spmem:s1] =	stream.indirect.scatter.add.f32 [tilespmem:s29], [sflag:$0x6], $0x40, s23, s28, $0xb8;
	[tilespmem:$0x1FC40] =	vst v63  }
0xf8: {  	_ =	swait.ge [sflag:s24], $0x1F40  }
0xf9: {  	[sflag:s24] =	ssyncset.done $0x0  }
0xfa: {  	s22 =	simm.s32 $0x5280;
	[sflag:s24] =	ssyncadd.s32 $0xFFFFE0C0  }
0xfb: {  	[tilespmem:s29], [sflag:$0x1] =	stream.indirect.gather [hbm4b:s17+s28], $0x40, s22, s28, $0xb8;
	[tilespmem:$0x1FC40] =	vst v63  }
0xfc: {  	_ =	swait.ge [sflag:s5], $0x1F40  }
0xfd: {  	[sflag:s5] =	ssyncset.done $0x0  }
0xfe: {  	s23 =	simm.s32 $0x80;
	[sflag:s5] =	ssyncadd.s32 $0xFFFFE0C0  }
0xff: {  	[spmem:s1] =	stream.indirect.scatter.add.f32 [tilespmem:s31], [sflag:$0x6], $0x40, s23, s28, $0xb8;
	[tilespmem:$0x1FC40] =	vst v63  }
0x100: {  	_ =	swait.ge [sflag:s24], $0x1F40  }
0x101: {  	[sflag:s24] =	ssyncset.done $0x0  }
0x102: {  	s22 =	simm.s32 $0x5300;
	[sflag:s24] =	ssyncadd.s32 $0xFFFFE0C0  }
0x103: {  	[tilespmem:s31], [sflag:$0x2] =	stream.indirect.gather [hbm4b:s17+s28], $0x40, s22, s28, $0xb8;
	[tilespmem:$0x1FC40] =	vst v63  }
0x104: {  	_ =	swait.ge [sflag:s12], $0x1F40  }
0x105: {  	[sflag:s12] =	ssyncset.done $0x0  }
0x106: {  	s23 =	simm.s32 $0x100;
	[sflag:s12] =	ssyncadd.s32 $0xFFFFE0C0  }
0x107: {  	[spmem:s1] =	stream.indirect.scatter.add.f32 [tilespmem:s30], [sflag:$0x6], $0x40, s23, s28, $0xb8;
	[tilespmem:$0x1FC40] =	vst v63  }
0x108: {  	_ =	swait.ge [sflag:s24], $0x1F40  }
0x109: {  	[sflag:s24] =	ssyncset.done $0x0  }
0x10a: {  	s22 =	simm.s32 $0x5380;
	[sflag:s24] =	ssyncadd.s32 $0xFFFFE0C0  }
0x10b: {  	[tilespmem:s30], [sflag:$0x3] =	stream.indirect.gather [hbm4b:s17+s28], $0x40, s22, s28, $0xb8;
	[tilespmem:$0x1FC40] =	vst v63  }
0x10c: {  	_ =	swait.ge [sflag:s13], $0x1F40  }
0x10d: {  	[sflag:s13] =	ssyncset.done $0x0  }
0x10e: {  	s23 =	simm.s32 $0x180;
	[sflag:s13] =	ssyncadd.s32 $0xFFFFE0C0  }
0x10f: {  	[spmem:s1] =	stream.indirect.scatter.add.f32 [tilespmem:s0], [sflag:$0x6], $0x40, s23, s28, $0xb8;
	[tilespmem:$0x1FC40] =	vst v63  }
0x110: {  	_ =	swait.ge [sflag:s24], $0x1F40  }
0x111: {  	[sflag:s24] =	ssyncset.done $0x0  }
0x112: {  	s22 =	simm.s32 $0x5400;
	[sflag:s24] =	ssyncadd.s32 $0xFFFFE0C0  }
0x113: {  	[tilespmem:s0], [sflag:$0x4] =	stream.indirect.gather [hbm4b:s17+s28], $0x40, s22, s28, $0xb8;
	[tilespmem:$0x1FC40] =	vst v63  }
0x114: {  	_ =	swait.ge [sflag:s14], $0x1F40  }
0x115: {  	[sflag:s14] =	ssyncset.done $0x0  }
0x116: {  	s23 =	simm.s32 $0x200;
	[sflag:s14] =	ssyncadd.s32 $0xFFFFE0C0  }
0x117: {  	[spmem:s1] =	stream.indirect.scatter.add.f32 [tilespmem:s2], [sflag:$0x6], $0x40, s23, s28, $0xb8;
	[tilespmem:$0x1FC40] =	vst v63  }
0x118: {  	_ =	swait.ge [sflag:s24], $0x1F40  }
0x119: {  	[sflag:s24] =	ssyncset.done $0x0  }
0x11a: {  	s21 =	simm.s32 $0xA00;
	s22 =	simm.s32 $0x5480;
	[sflag:s24] =	ssyncadd.s32 $0xFFFFE0C0  }
.LBB2_6:
0x11b: {  	[tilespmem:s2], [sflag:$0x5] =	stream.indirect.gather [hbm4b:s17+s28], $0x40, s22, s28, $0xb8;
	[tilespmem:$0x1FC40] =	vst v63  }
0x11c: {  	s22 =	smov.u32 s21  }
0x11d: {  	p0 =	sne.s32 s21, $0x12C00;
	s21 =	sadd.s32 $0xA00, s21;
	_ =	swait.ge [sflag:s4], $0x1F40  }
0x11e: {  	[sflag:s4] =	ssyncset.done $0x0  }
0x11f: {  	s22 =	sshra.s32 s22, $0x2;
	[sflag:s4] =	ssyncadd.s32 $0xFFFFE0C0  }
0x120: {  	[spmem:s1] =	stream.indirect.scatter.add.f32 [tilespmem:s29], [sflag:$0x6], $0x40, s22, s28, $0xb8;
	[tilespmem:$0x1FC40] =	vst v63  }
0x121: {  	_ =	swait.ge [sflag:s24], $0x1F40  }
0x122: {  	[sflag:s24] =	ssyncset.done $0x0  }
0x123: {  	s23 =	sadd.s32 $0x5280, s22;
	[sflag:s24] =	ssyncadd.s32 $0xFFFFE0C0  }
0x124: {  	[tilespmem:s29], [sflag:$0x1] =	stream.indirect.gather [hbm4b:s17+s28], $0x40, s23, s28, $0xb8;
	[tilespmem:$0x1FC40] =	vst v63  }
0x125: {  	_ =	swait.ge [sflag:s5], $0x1F40  }
0x126: {  	[sflag:s5] =	ssyncset.done $0x0  }
0x127: {  	s23 =	sadd.s32 $0x80, s22;
	[sflag:s5] =	ssyncadd.s32 $0xFFFFE0C0  }
0x128: {  	[spmem:s1] =	stream.indirect.scatter.add.f32 [tilespmem:s31], [sflag:$0x6], $0x40, s23, s28, $0xb8;
	[tilespmem:$0x1FC40] =	vst v63  }
0x129: {  	_ =	swait.ge [sflag:s24], $0x1F40  }
0x12a: {  	[sflag:s24] =	ssyncset.done $0x0  }
0x12b: {  	s23 =	sadd.s32 $0x5300, s22;
	[sflag:s24] =	ssyncadd.s32 $0xFFFFE0C0  }
0x12c: {  	[tilespmem:s31], [sflag:$0x2] =	stream.indirect.gather [hbm4b:s17+s28], $0x40, s23, s28, $0xb8;
	[tilespmem:$0x1FC40] =	vst v63  }
0x12d: {  	_ =	swait.ge [sflag:s12], $0x1F40  }
0x12e: {  	[sflag:s12] =	ssyncset.done $0x0  }
0x12f: {  	s23 =	sadd.s32 $0x100, s22;
	[sflag:s12] =	ssyncadd.s32 $0xFFFFE0C0  }
0x130: {  	[spmem:s1] =	stream.indirect.scatter.add.f32 [tilespmem:s30], [sflag:$0x6], $0x40, s23, s28, $0xb8;
	[tilespmem:$0x1FC40] =	vst v63  }
0x131: {  	_ =	swait.ge [sflag:s24], $0x1F40  }
0x132: {  	[sflag:s24] =	ssyncset.done $0x0  }
0x133: {  	s23 =	sadd.s32 $0x5380, s22;
	[sflag:s24] =	ssyncadd.s32 $0xFFFFE0C0  }
0x134: {  	[tilespmem:s30], [sflag:$0x3] =	stream.indirect.gather [hbm4b:s17+s28], $0x40, s23, s28, $0xb8;
	[tilespmem:$0x1FC40] =	vst v63  }
0x135: {  	_ =	swait.ge [sflag:s13], $0x1F40  }
0x136: {  	[sflag:s13] =	ssyncset.done $0x0  }
0x137: {  	s23 =	sadd.s32 $0x180, s22;
	[sflag:s13] =	ssyncadd.s32 $0xFFFFE0C0  }
0x138: {  	[spmem:s1] =	stream.indirect.scatter.add.f32 [tilespmem:s0], [sflag:$0x6], $0x40, s23, s28, $0xb8;
	[tilespmem:$0x1FC40] =	vst v63  }
0x139: {  	_ =	swait.ge [sflag:s24], $0x1F40  }
0x13a: {  	[sflag:s24] =	ssyncset.done $0x0  }
0x13b: {  	s23 =	sadd.s32 $0x5400, s22;
	[sflag:s24] =	ssyncadd.s32 $0xFFFFE0C0  }
0x13c: {  	[tilespmem:s0], [sflag:$0x4] =	stream.indirect.gather [hbm4b:s17+s28], $0x40, s23, s28, $0xb8;
	[tilespmem:$0x1FC40] =	vst v63  }
0x13d: {  	_ =	swait.ge [sflag:s14], $0x1F40  }
0x13e: {  	[sflag:s14] =	ssyncset.done $0x0  }
.Ltmp2:
0x13f: {  	s23 =	sadd.s32 $0x200, s22;
	[sflag:s14] =	ssyncadd.s32 $0xFFFFE0C0;
	(pc) =	sbr.rel @p0 .LBB2_6-.Ltmp2, $4  }
0x140: {  	[spmem:s1] =	stream.indirect.scatter.add.f32 [tilespmem:s2], [sflag:$0x6], $0x40, s23, s28, $0xb8;
	[tilespmem:$0x1FC40] =	vst v63  }
0x141: {  	_ =	swait.ge [sflag:s24], $0x1F40  }
0x142: {  	[sflag:s24] =	ssyncset.done $0x0  }
0x143: {  	s22 =	sadd.s32 $0x5480, s22;
	[sflag:s24] =	ssyncadd.s32 $0xFFFFE0C0  }
0x144: {  	[tilespmem:s2], [sflag:$0x5] =	stream.indirect.gather [hbm4b:s17+s28], $0x40, s22, s28, $0xb8;
	[tilespmem:$0x1FC40] =	vst v63  }
0x145: {  	_ =	swait.ge [sflag:s4], $0x1F40  }
0x146: {  	[sflag:s4] =	ssyncset.done $0x0  }
0x147: {  	s21 =	simm.s32 $0x4D80;
	[sflag:s4] =	ssyncadd.s32 $0xFFFFE0C0  }
0x148: {  	[spmem:s1] =	stream.indirect.scatter.add.f32 [tilespmem:s29], [sflag:$0x6], $0x40, s21, s28, $0xb8;
	[tilespmem:$0x1FC40] =	vst v63  }
0x149: {  	_ =	swait.ge [sflag:s24], $0x1F40  }
0x14a: {  	[sflag:s24] =	ssyncset.done $0x0  }
0x14b: {  	[sflag:s24] =	ssyncadd.s32 $0xFFFFE0C0  }
0x14c: {  	_ =	swait.ge [sflag:s5], $0x1F40  }
0x14d: {  	[sflag:s5] =	ssyncset.done $0x0  }
0x14e: {  	s22 =	simm.s32 $0x4E00;
	[sflag:s5] =	ssyncadd.s32 $0xFFFFE0C0  }
0x14f: {  	[spmem:s1] =	stream.indirect.scatter.add.f32 [tilespmem:s31], [sflag:$0x6], $0x40, s22, s28, $0xb8;
	[tilespmem:$0x1FC40] =	vst v63  }
0x150: {  	_ =	swait.ge [sflag:s24], $0x1F40  }
0x151: {  	[sflag:s24] =	ssyncset.done $0x0  }
0x152: {  	[sflag:s24] =	ssyncadd.s32 $0xFFFFE0C0  }
0x153: {  	_ =	swait.ge [sflag:s12], $0x1F40  }
0x154: {  	[sflag:s12] =	ssyncset.done $0x0  }
0x155: {  	s23 =	simm.s32 $0x4E80;
	[sflag:s12] =	ssyncadd.s32 $0xFFFFE0C0  }
0x156: {  	[spmem:s1] =	stream.indirect.scatter.add.f32 [tilespmem:s30], [sflag:$0x6], $0x40, s23, s28, $0xb8;
	[tilespmem:$0x1FC40] =	vst v63  }
0x157: {  	_ =	swait.ge [sflag:s24], $0x1F40  }
0x158: {  	[sflag:s24] =	ssyncset.done $0x0  }
0x159: {  	[sflag:s24] =	ssyncadd.s32 $0xFFFFE0C0  }
0x15a: {  	_ =	swait.ge [sflag:s13], $0x1F40  }
0x15b: {  	[sflag:s13] =	ssyncset.done $0x0  }
0x15c: {  	s22 =	simm.s32 $0x4F00;
	[sflag:s13] =	ssyncadd.s32 $0xFFFFE0C0  }
0x15d: {  	[spmem:s1] =	stream.indirect.scatter.add.f32 [tilespmem:s0], [sflag:$0x6], $0x40, s22, s28, $0xb8;
	[tilespmem:$0x1FC40] =	vst v63  }
0x15e: {  	_ =	swait.ge [sflag:s24], $0x1F40  }
0x15f: {  	[sflag:s24] =	ssyncset.done $0x0  }
0x160: {  	[sflag:s24] =	ssyncadd.s32 $0xFFFFE0C0  }
0x161: {  	_ =	swait.ge [sflag:s14], $0x1F40  }
0x162: {  	[sflag:s14] =	ssyncset.done $0x0  }
0x163: {  	s23 =	simm.s32 $0x4F80;
	[sflag:s14] =	ssyncadd.s32 $0xFFFFE0C0  }
0x164: {  	[spmem:s1] =	stream.indirect.scatter.add.f32 [tilespmem:s2], [sflag:$0x6], $0x40, s23, s28, $0xb8;
	[tilespmem:$0x1FC40] =	vst v63  }
0x165: {  	_ =	swait.ge [sflag:s24], $0x1F40  }
0x166: {  	[sflag:s24] =	ssyncset.done $0x0  }
0x167: {  	[sflag:s24] =	ssyncadd.s32 $0xFFFFE0C0  }
0x168: {  	[bflag:$0x0] =	sbarrier.arrive $0xFFFF  }
0x169: {  	s22 =	rddreg [dreg:$0xa]  }
0x16a: {  	[hbm:s22], [sflag:s15] =	dma.local [spmem:s16], $0x400  }
0x16b: {  	_ =	swait.ge [sflag:s24], $0x400  }
0x16c: {  	[sflag:s24] =	ssyncset.done $0x0  }
0x16d: {  	s23 =	rddreg [dreg:$0xb];
	[sflag:s24] =	ssyncadd.s32 $0xFFFFFC00  }
0x16e: {  	[hbm:s23], [sflag:s15] =	dma.local [spmem:s25], $0x400  }
0x16f: {  	_ =	swait.ge [sflag:s24], $0x400  }
0x170: {  	[sflag:s24] =	ssyncset.done $0x0  }
0x171: {  	s21 =	rddreg [dreg:$0xc];
	[sflag:s24] =	ssyncadd.s32 $0xFFFFFC00  }
0x172: {  	[hbm:s21], [sflag:s15] =	dma.local [spmem:s18], $0x400  }
0x173: {  	_ =	swait.ge [sflag:s24], $0x400  }
0x174: {  	[sflag:s24] =	ssyncset.done $0x0  }
0x175: {  	s22 =	rddreg [dreg:$0xd];
	[sflag:s24] =	ssyncadd.s32 $0xFFFFFC00  }
0x176: {  	[hbm:s22], [sflag:s15] =	dma.local [spmem:s19], $0x400  }
0x177: {  	_ =	swait.ge [sflag:s24], $0x400  }
0x178: {  	[sflag:s24] =	ssyncset.done $0x0  }
0x179: {  	s23 =	rddreg [dreg:$0xe];
	[sflag:s24] =	ssyncadd.s32 $0xFFFFFC00  }
0x17a: {  	[hbm:s23], [sflag:s15] =	dma.local [spmem:s20], $0x400  }
0x17b: {  	_ =	swait.ge [sflag:s24], $0x400  }
0x17c: {  	s3 =	sadd.s32 $0x1, s3;
	s25 =	rddreg [dreg:$0xf]  }
0x17d: {  	p0 =	sne.s32 s3, s25  }
.Ltmp3:
0x17e: {  	_ = 	snop;
	(pc) =	sbr.rel @p0 .LBB2_1-.Ltmp3, $3  }
0x17f: {  	_ =	sdelay $0x1  }
0x180: {  	[sflag:s24] =	ssyncset.done $0x0  }
0x181: {  	s22 =	simm.s32 $0x5000;
	[sflag:s24] =	ssyncadd.s32 $0xFFFFFC00  }
0x182: {  	_ =	sfence.sel $0x180000  }
0x183: {  	[bflag:$0x0] =	sbarrier.arrive $0xFFFF  }
0x184: {  	_ =	strace $0x9000004A  }
0x185: {  	s0 =	stileid.u32;
	[bflag:$0x2] =	sbarrier.arrive $0xFFFF  }
0x186: {  	p0 =	sne.s32 s0, $0x0;
	s0 =	rddreg [dreg:$0x2]  }
0x187: {  	s0 =	sadd.s32 @!p0 $0x100000, s0  }
0x188: {  	[sflag:s0] =	ssyncadd.tile.s32 @!p0 $0x1;
	_ =	shalt  }
.Lfunc_end2:
_tile_overlayer_lowered:
.L_overlay_start_2:
0x189: {  	(tag) =	ssettag $0x2  }
0x18a: {  	s0 =	rddreg [dreg:$0x0];
	s2 =	stileid.u32  }
0x18b: {  	s1 =	rddreg [dreg:$0x1];
	p0 =	sne.s32 s2, $0x0  }
0x18c: {  	s3 =	rddreg [dreg:$0x2];
	[bflag:$0x3] =	sbarrier.arrive $0xFFFF;
	s2 =	simm.s32 @!p0 $0x1C06  }
0x18d: {  	[timem:s3], [sflag:s2] =	dma.local @!p0 [hbm:s0], s1  }
0x18e: {  	s0 =	simm.s32 @!p0 $0x6  }
0x18f: {  	_ =	swait.ge @!p0 [sflag:s0], s1  }
0x190: {  	s1 =	ssub.s32 @!p0 $0x0, s1;
	[sflag:s0] =	ssyncset.done @!p0 $0x0  }
0x191: {  	[sflag:s0] =	ssyncadd.s32 @!p0 s1  }
0x192: {  	[bflag:$0x3] =	sbarrier.arrive $0xFFFF  }
0x193: {  	_ =	shalt  }

// kernel: kernel.14.cloned.1.call-start
scs
__scs_entry_jumppad:
0x0: {  	(pc) =	sbr.rel $0x88, $3  }
0x1: {  	(tag) =	ssettag $0x0;
	lr =	simm.s32 $0x1  }
0x2: {  	[smem:$0x3F88] =	sst lr;
	_ =	strace $0xD0000000  }
0x3: {  	_ = 	snop  }
0x4: {  	_ = 	snop  }
0x5: {  	_ = 	snop  }
0x6: {  	_ = 	snop  }
0x7: {  	_ = 	snop  }
__scs_overlays_trampoline_lowered:
0x8: {  	[smem:$0x3F97] =	sst s0  }
0x9: {  	[smem:$0x3F98] =	sst s1  }
0xa: {  	[smem:$0x3F99] =	sst s2  }
0xb: {  	[smem:$0x3F9A] =	sst s3  }
0xc: {  	[smem:$0x3F9B] =	sst s4  }
0xd: {  	[smem:$0x3F9C] =	sst s5  }
0xe: {  	[smem:$0x3F9D] =	sst s6  }
0xf: {  	[smem:$0x3F9E] =	sst s7  }
0x10: {  	[smem:$0x3F9F] =	sst s8  }
0x11: {  	[smem:$0x3FA0] =	sst s9;
	s0 =	simm.s32 @!p0 $0x0  }
0x12: {  	s1 =	sld [smem:$0x3F86];
	s0 =	simm.s32 @p0 $0x1  }
0x13: {  	[smem:$0x3FA1] =	sst s0;
	s0 =	simm.s32 @!p1 $0x0  }
0x14: {  	s2 =	sld [smem:$0x3F85];
	s0 =	simm.s32 @p1 $0x1  }
0x15: {  	[smem:$0x3FA2] =	sst s0;
	s0 =	simm.s32 @!p2 $0x0  }
0x16: {  	s3 =	sld [smem:$0x3FDB];
	s0 =	simm.s32 @p2 $0x1  }
0x17: {  	s4 =	simm.s32 $0x1BF5;
	[smem:$0x3FA4] =	sst s0  }
0x18: {  	s0 =	sld [smem:$0x3F87];
	_ =	swait.ge [sflag:s4], $0x0  }
0x19: {  	s7 =	sld [smem:$0x3F88]  }
0x1a: {  	s8 =	sadd.s32 $0xFFFFE003, lr  }
0x1b: {  	s9 =	sadd.s32 $0xFFFFFEF7, lr;
	s5 =	simm.s32 $0xFFFFFFFF;
	p2 =	slt.u32 s8, $0xFFFFF086  }
0x1c: {  	p1 =	slt.u32 s9, $0xF7A;
	s5 =	simm.s32 @!p2 $0x0  }
0x1d: {  	s5 =	simm.s32 @p1 $0x1;
	p0 =	seq.s32 s7, s2  }
0x1e: {  	s7 =	smul.u32 @!p0 $0xF7A, s2;
	p2 =	seq.s32 @!p0 s5, $0x0  }
0x1f: {  	s9 =	smul.u32 $0xF7A, s1;
	s8 =	simm.s32 @!p0 $0x1BF5;
	p2 =	por !p2, p0  }
0x20: {  	[sflag:s8] =	ssyncset.s32 @!p0 $0xFFFFF086;
	s6 =	sadd.s32 @!p0 s3, s7;
	s7 =	simm.s32 @!p0 $0x108  }
0x21: {  	s3 =	sadd.s32 s3, s9;
	s6 =	sadd.s32 @!p0 $0x88, s6;
	s7 =	simm.s32 @p2 $0x1082  }
0x22: {  	[simem:s7], [sflag:s8] =	dma.local @!p0 [hbm:s6], $0xF7A  }
0x23: {  	s9 =	sor.u32 $0xD0000000, s2;
	s6 =	simm.s32 $0x108;
	_ =	swait.ge @!p0 [sflag:s8], $0x0  }
0x24: {  	s3 =	sadd.s32 $0x88, s3;
	s6 =	simm.s32 @!p1 $0x1082;
	[sflag:s4] =	ssyncset.s32 $0xFFFFF086  }
0x25: {  	[simem:s6], [sflag:s4] =	dma.local [hbm:s3], $0xF7A  }
0x26: {  	[smem:$0x3F88] =	sst s1;
	(tag) =	ssettag s2;
	_ =	strace s9  }
0x27: {  	s1 =	sld [smem:$0x3F98]  }
0x28: {  	s2 =	sld [smem:$0x3F99]  }
0x29: {  	s4 =	sld [smem:$0x3F9B]  }
0x2a: {  	p0 =	seq.s32 s5, $0x0;
	s5 =	sld [smem:$0x3F9C]  }
0x2b: {  	s6 =	sld [smem:$0x3F9D]  }
0x2c: {  	s7 =	sld [smem:$0x3F9E]  }
0x2d: {  	s3 =	simm.s32 $0x108;
	s8 =	sld [smem:$0x3F9F]  }
0x2e: {  	s3 =	simm.s32 @!p0 $0x1082;
	s9 =	sld [smem:$0x3FA0]  }
0x2f: {  	lr =	sadd.s32 s0, s3;
	s0 =	sld [smem:$0x3F97]  }
0x30: {  	s3 =	sld [smem:$0x3F9A]  }
0x31: {  	[smem:$0x3FA3] =	sst s10  }
0x32: {  	s10 =	sld [smem:$0x3FA1];
	_ =	sdelay $0x3  }
0x33: {  	p0 =	seq.s32 s10, $0x1;
	s10 =	sld [smem:$0x3FA3];
	_ =	sdelay $0x3  }
0x34: {  	[smem:$0x3FA3] =	sst s10  }
0x35: {  	s10 =	sld [smem:$0x3FA2];
	_ =	sdelay $0x3  }
0x36: {  	p1 =	seq.s32 s10, $0x1;
	s10 =	sld [smem:$0x3FA3];
	_ =	sdelay $0x3  }
0x37: {  	[smem:$0x3FA3] =	sst s10  }
0x38: {  	s10 =	sld [smem:$0x3FA4]  }
0x39: {  	_ = 	snop;
	(pc) =	sbr.ind lr, $3  }
0x3a: {  	_ = 	snop  }
0x3b: {  	_ = 	snop  }
0x3c: {  	p2 =	seq.s32 s10, $0x1;
	s10 =	sld [smem:$0x3FA3]  }
0x3d: {  	_ =	shalt  }
0x3e: {  	_ =	shalt  }
0x3f: {  	_ =	shalt  }
0x40: {  	_ =	shalt  }
0x41: {  	_ =	shalt  }
0x42: {  	_ =	shalt  }
0x43: {  	_ =	shalt  }
0x44: {  	_ =	shalt  }
0x45: {  	_ =	shalt  }
0x46: {  	_ =	shalt  }
0x47: {  	_ =	shalt  }
0x48: {  	_ =	shalt  }
0x49: {  	_ =	shalt  }
0x4a: {  	_ =	shalt  }
0x4b: {  	_ =	shalt  }
0x4c: {  	_ =	shalt  }
0x4d: {  	_ =	shalt  }
0x4e: {  	_ =	shalt  }
0x4f: {  	_ =	shalt  }
0x50: {  	_ =	shalt  }
0x51: {  	_ =	shalt  }
0x52: {  	_ =	shalt  }
0x53: {  	_ =	shalt  }
0x54: {  	_ =	shalt  }
0x55: {  	_ =	shalt  }
0x56: {  	_ =	shalt  }
0x57: {  	_ =	shalt  }
0x58: {  	_ =	shalt  }
0x59: {  	_ =	shalt  }
0x5a: {  	_ =	shalt  }
0x5b: {  	_ =	shalt  }
0x5c: {  	_ =	shalt  }
0x5d: {  	_ =	shalt  }
0x5e: {  	_ =	shalt  }
0x5f: {  	_ =	shalt  }
0x60: {  	_ =	shalt  }
0x61: {  	_ =	shalt  }
0x62: {  	_ =	shalt  }
0x63: {  	_ =	shalt  }
0x64: {  	_ =	shalt  }
0x65: {  	_ =	shalt  }
0x66: {  	_ =	shalt  }
0x67: {  	_ =	shalt  }
0x68: {  	_ =	shalt  }
0x69: {  	_ =	shalt  }
0x6a: {  	_ =	shalt  }
0x6b: {  	_ =	shalt  }
0x6c: {  	_ =	shalt  }
0x6d: {  	_ =	shalt  }
0x6e: {  	_ =	shalt  }
0x6f: {  	_ =	shalt  }
0x70: {  	_ =	shalt  }
0x71: {  	_ =	shalt  }
0x72: {  	_ =	shalt  }
0x73: {  	_ =	shalt  }
0x74: {  	_ =	shalt  }
0x75: {  	_ =	shalt  }
0x76: {  	_ =	shalt  }
0x77: {  	_ =	shalt  }
0x78: {  	_ =	shalt  }
0x79: {  	_ =	shalt  }
0x7a: {  	_ =	shalt  }
0x7b: {  	_ =	shalt  }
0x7c: {  	_ =	shalt  }
0x7d: {  	_ =	shalt  }
0x7e: {  	_ =	shalt  }
0x7f: {  	_ =	shalt  }
0x80: {  	_ =	shalt  }
0x81: {  	_ =	shalt  }
0x82: {  	_ =	shalt  }
0x83: {  	_ =	shalt  }
0x84: {  	_ =	shalt  }
0x85: {  	_ =	shalt  }
0x86: {  	_ =	shalt  }
0x87: {  	_ =	shalt  }
.Lfunc_end0:
.L_simem_size_0:
called_computation.2_lowered:
.L_overlay_start_0:
0x88: {  	s2 =	sld [smem:$0x3FD9]  }
0x89: {  	s3 =	sld [smem:$0x3FFE];
	_ =	sdelay $0x1  }
0x8a: {  	s1 =	srdreg.scid  }
0x8b: {  	s0 =	sand.u32 $0x1, s1  }
0x8c: {  	s16 =	sshll.u32 s0, $0xA;
	s2 =	sadd.s32 s3, s2  }
0x8d: {  	s2 =	sadd.s32 s2, s16  }
0x8e: {  	[smem:$0x3FAF] =	sst s2  }
0x8f: {  	_ = 	snop  }
0x90: {  	(tm) =	ssettm $0x1  }
0x91: {  	s17 =	sld [smem:$0x3FFB];
	_ =	sdelay $0x3  }
0x92: {  	_ =	strace s17  }
0x93: {  	s2 =	sld [smem:$0x3FFC];
	_ =	sdelay $0x3  }
0x94: {  	_ =	strace s2  }
0x95: {  	s2 =	sld [smem:$0x3FFD];
	_ =	sdelay $0x3  }
0x96: {  	_ =	strace s2  }
0x97: {  	_ =	strace $0x8FFFFFFF  }
0x98: {  	s18 =	sld [smem:$0x3FDB];
	_ =	sdelay $0x1  }
0x99: {  	s19 =	simm.s32 $_scs_section_size  }
0x9a: {  	s4 =	simm.s32 $_size__tile_overlayer_lowered;
	s5 =	simm.s32 $_tile_overlayer_lowered  }
0x9b: {  	s22 =	simm.s32 $0x1BFF;
	s21 =	sshll.u32 s5, $0x1;
	s2 =	sadd.s32 s19, s18  }
0x9c: {  	s6 =	simm.s32 $0x0;
	s20 =	sshll.u32 s4, $0x1;
	s4 =	sadd.s32 s21, s2  }
0x9d: {  	[timem:s6], [sflag:s22] =	dma.local [hbm:s4], s20  }
0x9e: {  	_ =	swait.ge [sflag:s22], s20  }
0x9f: {  	s3 =	ssub.s32 $0x0, s20;
	[sflag:s22] =	ssyncset.done $0x0  }
0xa0: {  	[sflag:s22] =	ssyncadd.s32 s3;
	_ =	sdelay $0x1  }
0xa1: {  	s23 =	simm.s32 $0x1B8B  }
0xa2: {  	_ =	swait.ge [sflag:s23], $0x1  }
0xa3: {  	[sflag:s23] =	ssyncset.done $0x0  }
0xa4: {  	s25 =	simm.s32 $0x1B8E;
	s24 =	sld [smem:$0x3FFE];
	[sflag:s23] =	ssyncadd.s32 $0xFFFFFFFF  }
0xa5: {  	s26 =	simm.s32 $execute0_lowered;
	[smem:$0x3FD2] =	sst s25  }
0xa6: {  	s4 =	sshll.u32 s26, $0x1;
	_ =	strace $0x8000004C;
	[dreg:$0x1] =	wrdreg $0xFFFFFFFF  }
0xa7: {  	s28 =	simm.s32 $_size_execute0_lowered;
	s2 =	sadd.s32 s2, s4;
	[dreg:$0x0] =	wrdreg $0x0  }
0xa8: {  	s4 =	sshll.u32 s28, $0x1;
	[dreg:$0x2] =	wrdreg s2  }
0xa9: {  	[dreg:$0x3] =	wrdreg s4  }
0xaa: {  	[dreg:$0x4] =	wrdreg $0xC0  }
0xab: {  	_ =	task [dreg:s6], $0x5FFFF  }
0xac: {  	[dreg:$0x1] =	wrdreg $0xFFFFFFFF  }
0xad: {  	[dreg:$0x0] =	wrdreg $0x60  }
0xae: {  	[dreg:$0x2] =	wrdreg s24  }
0xaf: {  	[dreg:$0x3] =	wrdreg $0x15C400  }
0xb0: {  	[dreg:$0x4] =	wrdreg $0x9  }
0xb1: {  	_ =	task.clear_ibuf [dreg:s6], $0x5FFFF;
	_ =	strace $0x9000004C  }
0xb2: {  	s29 =	simm.s32 $0x9;
	_ =	strace $0x8000004E  }
0xb3: {  	_ =	swait.ge [sflag:s29], $0x1  }
0xb4: {  	[sflag:s29] =	ssyncadd.s32 $0xFFFFFFFF  }
0xb5: {  	_ =	strace $0x9000004E  }
0xb6: {  	_ =	sfence  }
0xb7: {  	s30 =	sld [smem:$0x0];
	_ =	sdelay $0x2  }
0xb8: {  	s31 =	sshll.u32 s1, $0xD;
	s1 =	sshrl.u32 s1, $0x2  }
0xb9: {  	s3 =	sand.u32 $0x4000, s31;
	s1 =	sadd.s32 s1, s30  }
0xba: {  	s0 =	sor.u32 s3, s0;
	s1 =	sshll.u32 s1, $0x11  }
0xbb: {  	s0 =	sor.u32 s1, s0  }
0xbc: {  	s0 =	sadd.s32 $0x8F2B, s0  }
0xbd: {  	[sflag:s0] =	ssyncadd.remote.s32 $0x1  }
0xbe: {  	_ =	sfence.sel $0xFFFF  }
0xbf: {  	[dreg:$0x0] =	wrdreg $0xFFFFFFFF;
	(pc) =	sbr.abs _section_cstart, $3  }
0xc0: {  	[dreg:$0x1] =	wrdreg $0xFFFFFFFF  }
0xc1: {  	_ =	task.clear_ibuf [dreg:s6], $0x2FFFF;
	_ =	strace $0x9FFFFFFF  }
0xc2: {  	(tm) =	ssettm $0x7FFFFFFF  }
0xc3: {  	_ =	shalt  }
tec
execute0_lowered:
.L_overlay_start_1:
0x0: {  	(tag) =	ssettag $0x1  }
0x1: {  	s0 =	srdreg.scid;
	s1 =	rddreg [dreg:$0x0]  }
0x2: {  	s8 =	stileid.u32;
	s2 =	rddreg [dreg:$0x1];
	s3 =	simm.s32 $0x0  }
0x3: {  	s18 =	simm.s32 $0x6;
	s20 =	simm.s32 $0x13C40;
	s5 =	smul.u32 $0xA00, s8  }
0x4: {  	s21 =	simm.s32 $0x7D;
	s22 =	simm.s32 $0xA000;
	s7 =	smul.u32 $0xA000, s8  }
0x5: {  	s29 =	simm.s32 $0xFDC0;
	s0 =	sand.u32 $0x1, s0;
	s24 =	smul.u32 $0x28000, s8  }
0x6: {  	s31 =	simm.s32 $0x11D00;
	s19 =	simm.s32 $0x2;
	s4 =	smul.u32 $0x13880, s0  }
0x7: {  	s23 =	simm.s32 $0x4;
	[smem:$0x7FF] =	sst s3;
	s6 =	smul.u32 $0xA0000, s0  }
0x8: {  	_ =	strace $0x8000004D;
	s0 =	ssub.s32 $0x2, s0;
	s25 =	sadd.s32 s5, s1  }
0x9: {  	s28 =	sshrl.u32 s0, $0x1;
	s11 =	sadd.s32 s4, s1;
	s26 =	sadd.s32 s7, s6  }
0xa: {  	s4 =	sshrl.u32 s24, $0x2;
	s0 =	ssub.s32 s0, s28;
	s30 =	sadd.s32 $0xB4800, s25  }
0xb: {  	s6 =	sadd.s32 $0xAA800, s25;
	s24 =	simm.s32 $0xBF40;
	s25 =	simm.s32 $0x5  }
0xc: {  	s5 =	sshrl.u32 s26, $0x3;
	s4 =	sadd.s32 s4, s2;
	[dreg:$0x3] =	wrdreg s30  }
0xd: {  	s11 =	sadd.s32 $0x3E00, s11;
	s17 =	smax.u32 s0, $0x1;
	s26 =	simm.s32 $0xDE80  }
0xe: {  	s0 =	simm.s32 $0x3;
	s1 =	sadd.s32 s5, s1;
	s7 =	sadd.s32 $0x2000, s4  }
0xf: {  	s8 =	sadd.s32 $0x4000, s4;
	s9 =	sadd.s32 $0x6000, s4;
	s10 =	sadd.s32 $0x8000, s4  }
0x10: {  	s12 =	sadd.s32 $0xBE800, s1;
	s13 =	sadd.s32 $0xBEC00, s1;
	s14 =	sadd.s32 $0xBF000, s1  }
0x11: {  	v0 =	vimm.f32 $0.0e+00;
	s15 =	sadd.s32 $0xBF400, s1;
	s16 =	sadd.s32 $0xBF800, s1;
	s1 =	simm.s32 $0x1  }
.LBB2_1:
0x12: {  	s30 =	simm.s32 $0x100;
	s28 =	simm.s32 $0x0  }
.LBB2_2:
0x13: {  	p0 =	sne.s32 s30, $0x7F00;
	[tilespmem:s28+$0x13C70] =	vst v0;
	s5 =	smov.u32 s30;
	s30 =	sadd.s32 $0x100, s30  }
.Ltmp0:
0x14: {  	[tilespmem:s28+$0x13C60] =	vst v0;
	(pc) =	sbr.rel @p0 .LBB2_2-.Ltmp0, $3  }
0x15: {  	[tilespmem:s28+$0x13C40] =	vst v0  }
0x16: {  	[tilespmem:s28+$0x13C50] =	vst v0;
	_ =	sdelay $0x1  }
0x17: {  	s28 =	sshra.s32 s5, $0x2  }
0x18: {  	[tilespmem:s28+$0x13C70] =	vst v0  }
0x19: {  	[tilespmem:s28+$0x13C60] =	vst v0  }
0x1a: {  	[tilespmem:s28+$0x13C40] =	vst v0  }
0x1b: {  	[tilespmem:s28+$0x13C50] =	vst v0;
	s5 =	simm.s32 $0x0;
	s28 =	rddreg [dreg:$0x3]  }
0x1c: {  	[tilespmem:s5], [sflag:$0x6] =	stream.linear.gather [hbm4b:s28+s5], $0x5000, $0x38;
	[tilespmem:$0x1FC40] =	vst v63  }
0x1d: {  	_ =	swait.ge [sflag:s18], $0x5000  }
0x1e: {  	[sflag:s18] =	ssyncset.done $0x0  }
0x1f: {  	s28 =	simm.s32 $0x5000;
	[sflag:s18] =	ssyncadd.s32 $0xFFFFB000  }
0x20: {  	[tilespmem:s28], [sflag:$0x6] =	stream.linear.gather [hbm4b:s6+s5], $0x5000, $0x38;
	[tilespmem:$0x1FC40] =	vst v63  }
0x21: {  	_ =	swait.ge [sflag:s18], $0x5000  }
0x22: {  	[sflag:s18] =	ssyncset.done $0x0  }
0x23: {  	[sflag:s18] =	ssyncadd.s32 $0xFFFFB000  }
0x24: {  	[spmem:s4] =	stream.linear.scatter [tilespmem:s20], [sflag:$0x6], $0x2000, $0x38;
	[tilespmem:$0x1FC40] =	vst v63  }
0x25: {  	_ =	swait.ge [sflag:s18], $0x2000  }
0x26: {  	[sflag:s18] =	ssyncset.done $0x0  }
0x27: {  	[sflag:s18] =	ssyncadd.s32 $0xFFFFE000  }
0x28: {  	[spmem:s7] =	stream.linear.scatter [tilespmem:s20], [sflag:$0x6], $0x2000, $0x38;
	[tilespmem:$0x1FC40] =	vst v63  }
0x29: {  	_ =	swait.ge [sflag:s18], $0x2000  }
0x2a: {  	[sflag:s18] =	ssyncset.done $0x0  }
0x2b: {  	[sflag:s18] =	ssyncadd.s32 $0xFFFFE000  }
0x2c: {  	[spmem:s8] =	stream.linear.scatter [tilespmem:s20], [sflag:$0x6], $0x2000, $0x38;
	[tilespmem:$0x1FC40] =	vst v63  }
0x2d: {  	_ =	swait.ge [sflag:s18], $0x2000  }
0x2e: {  	[sflag:s18] =	ssyncset.done $0x0  }
0x2f: {  	[sflag:s18] =	ssyncadd.s32 $0xFFFFE000  }
0x30: {  	[spmem:s9] =	stream.linear.scatter [tilespmem:s20], [sflag:$0x6], $0x2000, $0x38;
	[tilespmem:$0x1FC40] =	vst v63  }
0x31: {  	_ =	swait.ge [sflag:s18], $0x2000  }
0x32: {  	[sflag:s18] =	ssyncset.done $0x0  }
0x33: {  	[sflag:s18] =	ssyncadd.s32 $0xFFFFE000  }
0x34: {  	[spmem:s10] =	stream.linear.scatter [tilespmem:s20], [sflag:$0x6], $0x2000, $0x38;
	[tilespmem:$0x1FC40] =	vst v63  }
0x35: {  	_ =	swait.ge [sflag:s18], $0x2000  }
0x36: {  	[sflag:s18] =	ssyncset.done $0x0  }
0x37: {  	[sflag:s18] =	ssyncadd.s32 $0xFFFFE000  }
0x38: {  	[bflag:$0x0] =	sbarrier.arrive $0xFFFF  }
0x39: {  	[tilespmem:s22], [sflag:$0x1] =	stream.indirect.gather [hbm4b:s11+s21], $0x40, s5, s21, $0xb8;
	[tilespmem:$0x1FC40] =	vst v63  }
0x3a: {  	s5 =	simm.s32 $0x80  }
0x3b: {  	[tilespmem:s24], [sflag:$0x2] =	stream.indirect.gather [hbm4b:s11+s21], $0x40, s5, s21, $0xb8;
	[tilespmem:$0x1FC40] =	vst v63  }
0x3c: {  	s5 =	simm.s32 $0x100  }
0x3d: {  	[tilespmem:s26], [sflag:$0x3] =	stream.indirect.gather [hbm4b:s11+s21], $0x40, s5, s21, $0xb8;
	[tilespmem:$0x1FC40] =	vst v63  }
0x3e: {  	s5 =	simm.s32 $0x180  }
0x3f: {  	[tilespmem:s29], [sflag:$0x4] =	stream.indirect.gather [hbm4b:s11+s21], $0x40, s5, s21, $0xb8;
	[tilespmem:$0x1FC40] =	vst v63  }
0x40: {  	s5 =	simm.s32 $0x200  }
0x41: {  	[tilespmem:s31], [sflag:$0x5] =	stream.indirect.gather [hbm4b:s11+s21], $0x40, s5, s21, $0xb8;
	[tilespmem:$0x1FC40] =	vst v63  }
0x42: {  	_ =	swait.ge [sflag:s1], $0x1F40  }
0x43: {  	[sflag:s1] =	ssyncset.done $0x0  }
0x44: {  	s5 =	simm.s32 $0x5000;
	[sflag:s1] =	ssyncadd.s32 $0xFFFFE0C0  }
0x45: {  	[spmem:s2] =	stream.indirect.scatter.add.f32 [tilespmem:s22], [sflag:$0x6], $0x40, s5, s21, $0xb8;
	[tilespmem:$0x1FC40] =	vst v63  }
0x46: {  	_ =	swait.ge [sflag:s18], $0x1F40  }
0x47: {  	[sflag:s18] =	ssyncset.done $0x0  }
0x48: {  	s5 =	simm.s32 $0x280;
	[sflag:s18] =	ssyncadd.s32 $0xFFFFE0C0  }
0x49: {  	[tilespmem:s22], [sflag:$0x1] =	stream.indirect.gather [hbm4b:s11+s21], $0x40, s5, s21, $0xb8;
	[tilespmem:$0x1FC40] =	vst v63  }
0x4a: {  	_ =	swait.ge [sflag:s19], $0x1F40  }
0x4b: {  	[sflag:s19] =	ssyncset.done $0x0  }
0x4c: {  	s5 =	simm.s32 $0x5080;
	[sflag:s19] =	ssyncadd.s32 $0xFFFFE0C0  }
0x4d: {  	[spmem:s2] =	stream.indirect.scatter.add.f32 [tilespmem:s24], [sflag:$0x6], $0x40, s5, s21, $0xb8;
	[tilespmem:$0x1FC40] =	vst v63  }
0x4e: {  	_ =	swait.ge [sflag:s18], $0x1F40  }
0x4f: {  	[sflag:s18] =	ssyncset.done $0x0  }
0x50: {  	s5 =	simm.s32 $0x300;
	[sflag:s18] =	ssyncadd.s32 $0xFFFFE0C0  }
0x51: {  	[tilespmem:s24], [sflag:$0x2] =	stream.indirect.gather [hbm4b:s11+s21], $0x40, s5, s21, $0xb8;
	[tilespmem:$0x1FC40] =	vst v63  }
0x52: {  	_ =	swait.ge [sflag:s0], $0x1F40  }
0x53: {  	[sflag:s0] =	ssyncset.done $0x0  }
0x54: {  	s5 =	simm.s32 $0x5100;
	[sflag:s0] =	ssyncadd.s32 $0xFFFFE0C0  }
0x55: {  	[spmem:s2] =	stream.indirect.scatter.add.f32 [tilespmem:s26], [sflag:$0x6], $0x40, s5, s21, $0xb8;
	[tilespmem:$0x1FC40] =	vst v63  }
0x56: {  	_ =	swait.ge [sflag:s18], $0x1F40  }
0x57: {  	[sflag:s18] =	ssyncset.done $0x0  }
0x58: {  	s5 =	simm.s32 $0x380;
	[sflag:s18] =	ssyncadd.s32 $0xFFFFE0C0  }
0x59: {  	[tilespmem:s26], [sflag:$0x3] =	stream.indirect.gather [hbm4b:s11+s21], $0x40, s5, s21, $0xb8;
	[tilespmem:$0x1FC40] =	vst v63  }
0x5a: {  	_ =	swait.ge [sflag:s23], $0x1F40  }
0x5b: {  	[sflag:s23] =	ssyncset.done $0x0  }
0x5c: {  	s5 =	simm.s32 $0x5180;
	[sflag:s23] =	ssyncadd.s32 $0xFFFFE0C0  }
0x5d: {  	[spmem:s2] =	stream.indirect.scatter.add.f32 [tilespmem:s29], [sflag:$0x6], $0x40, s5, s21, $0xb8;
	[tilespmem:$0x1FC40] =	vst v63  }
0x5e: {  	_ =	swait.ge [sflag:s18], $0x1F40  }
0x5f: {  	[sflag:s18] =	ssyncset.done $0x0  }
0x60: {  	s5 =	simm.s32 $0x400;
	[sflag:s18] =	ssyncadd.s32 $0xFFFFE0C0  }
0x61: {  	[tilespmem:s29], [sflag:$0x4] =	stream.indirect.gather [hbm4b:s11+s21], $0x40, s5, s21, $0xb8;
	[tilespmem:$0x1FC40] =	vst v63  }
0x62: {  	_ =	swait.ge [sflag:s25], $0x1F40  }
0x63: {  	[sflag:s25] =	ssyncset.done $0x0  }
0x64: {  	s5 =	simm.s32 $0x5200;
	[sflag:s25] =	ssyncadd.s32 $0xFFFFE0C0  }
0x65: {  	[spmem:s2] =	stream.indirect.scatter.add.f32 [tilespmem:s31], [sflag:$0x6], $0x40, s5, s21, $0xb8;
	[tilespmem:$0x1FC40] =	vst v63  }
0x66: {  	_ =	swait.ge [sflag:s18], $0x1F40  }
0x67: {  	[sflag:s18] =	ssyncset.done $0x0  }
0x68: {  	s30 =	simm.s32 $0xA00;
	s28 =	simm.s32 $0x480;
	[sflag:s18] =	ssyncadd.s32 $0xFFFFE0C0  }
.LBB2_4:
0x69: {  	[tilespmem:s31], [sflag:$0x5] =	stream.indirect.gather [hbm4b:s11+s21], $0x40, s28, s21, $0xb8;
	[tilespmem:$0x1FC40] =	vst v63  }
0x6a: {  	s5 =	smov.u32 s30  }
0x6b: {  	p0 =	sne.s32 s30, $0x12C00;
	s30 =	sadd.s32 $0xA00, s30;
	_ =	swait.ge [sflag:s1], $0x1F40  }
0x6c: {  	s28 =	sshra.s32 s5, $0x2;
	[sflag:s1] =	ssyncset.done $0x0  }
0x6d: {  	s5 =	sadd.s32 $0x5000, s28;
	[sflag:s1] =	ssyncadd.s32 $0xFFFFE0C0  }
0x6e: {  	[spmem:s2] =	stream.indirect.scatter.add.f32 [tilespmem:s22], [sflag:$0x6], $0x40, s5, s21, $0xb8;
	[tilespmem:$0x1FC40] =	vst v63  }
0x6f: {  	_ =	swait.ge [sflag:s18], $0x1F40  }
0x70: {  	[sflag:s18] =	ssyncset.done $0x0  }
0x71: {  	s5 =	sadd.s32 $0x280, s28;
	[sflag:s18] =	ssyncadd.s32 $0xFFFFE0C0  }
0x72: {  	[tilespmem:s22], [sflag:$0x1] =	stream.indirect.gather [hbm4b:s11+s21], $0x40, s5, s21, $0xb8;
	[tilespmem:$0x1FC40] =	vst v63  }
0x73: {  	_ =	swait.ge [sflag:s19], $0x1F40  }
0x74: {  	[sflag:s19] =	ssyncset.done $0x0  }
0x75: {  	s5 =	sadd.s32 $0x5080, s28;
	[sflag:s19] =	ssyncadd.s32 $0xFFFFE0C0  }
0x76: {  	[spmem:s2] =	stream.indirect.scatter.add.f32 [tilespmem:s24], [sflag:$0x6], $0x40, s5, s21, $0xb8;
	[tilespmem:$0x1FC40] =	vst v63  }
0x77: {  	_ =	swait.ge [sflag:s18], $0x1F40  }
0x78: {  	[sflag:s18] =	ssyncset.done $0x0  }
0x79: {  	s5 =	sadd.s32 $0x300, s28;
	[sflag:s18] =	ssyncadd.s32 $0xFFFFE0C0  }
0x7a: {  	[tilespmem:s24], [sflag:$0x2] =	stream.indirect.gather [hbm4b:s11+s21], $0x40, s5, s21, $0xb8;
	[tilespmem:$0x1FC40] =	vst v63  }
0x7b: {  	_ =	swait.ge [sflag:s0], $0x1F40  }
0x7c: {  	[sflag:s0] =	ssyncset.done $0x0  }
0x7d: {  	s5 =	sadd.s32 $0x5100, s28;
	[sflag:s0] =	ssyncadd.s32 $0xFFFFE0C0  }
0x7e: {  	[spmem:s2] =	stream.indirect.scatter.add.f32 [tilespmem:s26], [sflag:$0x6], $0x40, s5, s21, $0xb8;
	[tilespmem:$0x1FC40] =	vst v63  }
0x7f: {  	_ =	swait.ge [sflag:s18], $0x1F40  }
0x80: {  	[sflag:s18] =	ssyncset.done $0x0  }
0x81: {  	s5 =	sadd.s32 $0x380, s28;
	[sflag:s18] =	ssyncadd.s32 $0xFFFFE0C0  }
0x82: {  	[tilespmem:s26], [sflag:$0x3] =	stream.indirect.gather [hbm4b:s11+s21], $0x40, s5, s21, $0xb8;
	[tilespmem:$0x1FC40] =	vst v63  }
0x83: {  	_ =	swait.ge [sflag:s23], $0x1F40  }
0x84: {  	[sflag:s23] =	ssyncset.done $0x0  }
0x85: {  	s5 =	sadd.s32 $0x5180, s28;
	[sflag:s23] =	ssyncadd.s32 $0xFFFFE0C0  }
0x86: {  	[spmem:s2] =	stream.indirect.scatter.add.f32 [tilespmem:s29], [sflag:$0x6], $0x40, s5, s21, $0xb8;
	[tilespmem:$0x1FC40] =	vst v63  }
0x87: {  	_ =	swait.ge [sflag:s18], $0x1F40  }
0x88: {  	[sflag:s18] =	ssyncset.done $0x0  }
0x89: {  	s5 =	sadd.s32 $0x400, s28;
	[sflag:s18] =	ssyncadd.s32 $0xFFFFE0C0  }
0x8a: {  	[tilespmem:s29], [sflag:$0x4] =	stream.indirect.gather [hbm4b:s11+s21], $0x40, s5, s21, $0xb8;
	[tilespmem:$0x1FC40] =	vst v63  }
0x8b: {  	_ =	swait.ge [sflag:s25], $0x1F40  }
0x8c: {  	[sflag:s25] =	ssyncset.done $0x0  }
.Ltmp1:
0x8d: {  	s5 =	sadd.s32 $0x5200, s28;
	[sflag:s25] =	ssyncadd.s32 $0xFFFFE0C0;
	(pc) =	sbr.rel @p0 .LBB2_4-.Ltmp1, $4  }
0x8e: {  	[spmem:s2] =	stream.indirect.scatter.add.f32 [tilespmem:s31], [sflag:$0x6], $0x40, s5, s21, $0xb8;
	[tilespmem:$0x1FC40] =	vst v63  }
0x8f: {  	_ =	swait.ge [sflag:s18], $0x1F40  }
0x90: {  	[sflag:s18] =	ssyncset.done $0x0  }
0x91: {  	s28 =	sadd.s32 $0x480, s28;
	[sflag:s18] =	ssyncadd.s32 $0xFFFFE0C0  }
0x92: {  	[tilespmem:s31], [sflag:$0x5] =	stream.indirect.gather [hbm4b:s11+s21], $0x40, s28, s21, $0xb8;
	[tilespmem:$0x1FC40] =	vst v63  }
0x93: {  	_ =	swait.ge [sflag:s1], $0x1F40  }
0x94: {  	[sflag:s1] =	ssyncset.done $0x0  }
0x95: {  	s5 =	simm.s32 $0x9D80;
	[sflag:s1] =	ssyncadd.s32 $0xFFFFE0C0  }
0x96: {  	[spmem:s2] =	stream.indirect.scatter.add.f32 [tilespmem:s22], [sflag:$0x6], $0x40, s5, s21, $0xb8;
	[tilespmem:$0x1FC40] =	vst v63  }
0x97: {  	_ =	swait.ge [sflag:s18], $0x1F40  }
0x98: {  	[sflag:s18] =	ssyncset.done $0x0  }
0x99: {  	[sflag:s18] =	ssyncadd.s32 $0xFFFFE0C0  }
0x9a: {  	_ =	swait.ge [sflag:s19], $0x1F40  }
0x9b: {  	[sflag:s19] =	ssyncset.done $0x0  }
0x9c: {  	s28 =	simm.s32 $0x9E00;
	[sflag:s19] =	ssyncadd.s32 $0xFFFFE0C0  }
0x9d: {  	[spmem:s2] =	stream.indirect.scatter.add.f32 [tilespmem:s24], [sflag:$0x6], $0x40, s28, s21, $0xb8;
	[tilespmem:$0x1FC40] =	vst v63  }
0x9e: {  	_ =	swait.ge [sflag:s18], $0x1F40  }
0x9f: {  	[sflag:s18] =	ssyncset.done $0x0  }
0xa0: {  	[sflag:s18] =	ssyncadd.s32 $0xFFFFE0C0  }
0xa1: {  	_ =	swait.ge [sflag:s0], $0x1F40  }
0xa2: {  	[sflag:s0] =	ssyncset.done $0x0  }
0xa3: {  	s30 =	simm.s32 $0x9E80;
	[sflag:s0] =	ssyncadd.s32 $0xFFFFE0C0  }
0xa4: {  	[spmem:s2] =	stream.indirect.scatter.add.f32 [tilespmem:s26], [sflag:$0x6], $0x40, s30, s21, $0xb8;
	[tilespmem:$0x1FC40] =	vst v63  }
0xa5: {  	_ =	swait.ge [sflag:s18], $0x1F40  }
0xa6: {  	[sflag:s18] =	ssyncset.done $0x0  }
0xa7: {  	[sflag:s18] =	ssyncadd.s32 $0xFFFFE0C0  }
0xa8: {  	_ =	swait.ge [sflag:s23], $0x1F40  }
0xa9: {  	[sflag:s23] =	ssyncset.done $0x0  }
0xaa: {  	s28 =	simm.s32 $0x9F00;
	[sflag:s23] =	ssyncadd.s32 $0xFFFFE0C0  }
0xab: {  	[spmem:s2] =	stream.indirect.scatter.add.f32 [tilespmem:s29], [sflag:$0x6], $0x40, s28, s21, $0xb8;
	[tilespmem:$0x1FC40] =	vst v63  }
0xac: {  	_ =	swait.ge [sflag:s18], $0x1F40  }
0xad: {  	[sflag:s18] =	ssyncset.done $0x0  }
0xae: {  	[sflag:s18] =	ssyncadd.s32 $0xFFFFE0C0  }
0xaf: {  	_ =	swait.ge [sflag:s25], $0x1F40  }
0xb0: {  	[sflag:s25] =	ssyncset.done $0x0  }
0xb1: {  	s30 =	simm.s32 $0x9F80;
	[sflag:s25] =	ssyncadd.s32 $0xFFFFE0C0  }
0xb2: {  	[spmem:s2] =	stream.indirect.scatter.add.f32 [tilespmem:s31], [sflag:$0x6], $0x40, s30, s21, $0xb8;
	[tilespmem:$0x1FC40] =	vst v63  }
0xb3: {  	_ =	swait.ge [sflag:s18], $0x1F40  }
0xb4: {  	s28 =	stileid.u32;
	[sflag:s18] =	ssyncset.done $0x0  }
0xb5: {  	s5 =	sshll.u32 s28, $0x6;
	[sflag:s18] =	ssyncadd.s32 $0xFFFFE0C0  }
0xb6: {  	s5 =	sor.u32 $0x1C06, s5;
	s30 =	sshrl.u32 s4, $0x3;
	[bflag:$0x0] =	sbarrier.arrive $0xFFFF  }
0xb7: {  	[hbm:s12], [sflag:s5] =	dma.local [spmem:s30], $0x400  }
0xb8: {  	_ =	swait.ge [sflag:s18], $0x400  }
0xb9: {  	[sflag:s18] =	ssyncset.done $0x0  }
0xba: {  	s30 =	sshrl.u32 s7, $0x3;
	[sflag:s18] =	ssyncadd.s32 $0xFFFFFC00  }
0xbb: {  	[hbm:s13], [sflag:s5] =	dma.local [spmem:s30], $0x400  }
0xbc: {  	_ =	swait.ge [sflag:s18], $0x400  }
0xbd: {  	[sflag:s18] =	ssyncset.done $0x0  }
0xbe: {  	s30 =	sshrl.u32 s8, $0x3;
	[sflag:s18] =	ssyncadd.s32 $0xFFFFFC00  }
0xbf: {  	[hbm:s14], [sflag:s5] =	dma.local [spmem:s30], $0x400  }
0xc0: {  	_ =	swait.ge [sflag:s18], $0x400  }
0xc1: {  	[sflag:s18] =	ssyncset.done $0x0  }
0xc2: {  	s30 =	sshrl.u32 s9, $0x3;
	[sflag:s18] =	ssyncadd.s32 $0xFFFFFC00  }
0xc3: {  	[hbm:s15], [sflag:s5] =	dma.local [spmem:s30], $0x400  }
0xc4: {  	s3 =	sadd.s32 $0x1, s3;
	_ =	swait.ge [sflag:s18], $0x400  }
0xc5: {  	p0 =	sne.s32 s3, s17;
	[sflag:s18] =	ssyncset.done $0x0  }
.Ltmp2:
0xc6: {  	s30 =	sshrl.u32 s10, $0x3;
	[sflag:s18] =	ssyncadd.s32 $0xFFFFFC00;
	(pc) =	sbr.rel @p0 .LBB2_1-.Ltmp2, $4  }
0xc7: {  	[hbm:s16], [sflag:s5] =	dma.local [spmem:s30], $0x400  }
0xc8: {  	_ =	swait.ge [sflag:s18], $0x400  }
0xc9: {  	[sflag:s18] =	ssyncset.done $0x0  }
0xca: {  	[sflag:s18] =	ssyncadd.s32 $0xFFFFFC00  }
0xcb: {  	_ =	sfence.sel $0x180000  }
0xcc: {  	[bflag:$0x0] =	sbarrier.arrive $0xFFFF  }
0xcd: {  	_ =	strace $0x9000004D  }
0xce: {  	s0 =	stileid.u32;
	[bflag:$0x2] =	sbarrier.arrive $0xFFFF  }
0xcf: {  	p0 =	sne.s32 s0, $0x0;
	s0 =	rddreg [dreg:$0x2]  }
0xd0: {  	s0 =	sadd.s32 @!p0 $0x100000, s0  }
0xd1: {  	[sflag:s0] =	ssyncadd.tile.s32 @!p0 $0x1;
	_ =	shalt  }
.Lfunc_end2:
_tile_overlayer_lowered:
.L_overlay_start_2:
0xd2: {  	(tag) =	ssettag $0x2  }
0xd3: {  	s0 =	rddreg [dreg:$0x0];
	s2 =	stileid.u32  }
0xd4: {  	s1 =	rddreg [dreg:$0x1];
	p0 =	sne.s32 s2, $0x0  }
0xd5: {  	s3 =	rddreg [dreg:$0x2];
	[bflag:$0x3] =	sbarrier.arrive $0xFFFF;
	s2 =	simm.s32 @!p0 $0x1C06  }
0xd6: {  	[timem:s3], [sflag:s2] =	dma.local @!p0 [hbm:s0], s1  }
0xd7: {  	s0 =	simm.s32 @!p0 $0x6  }
0xd8: {  	_ =	swait.ge @!p0 [sflag:s0], s1  }
0xd9: {  	s1 =	ssub.s32 @!p0 $0x0, s1;
	[sflag:s0] =	ssyncset.done @!p0 $0x0  }
0xda: {  	[sflag:s0] =	ssyncadd.s32 @!p0 s1  }
0xdb: {  	[bflag:$0x3] =	sbarrier.arrive $0xFFFF  }
0xdc: {  	_ =	shalt  }

// kernel: kernel.8.cloned.1.call-start
scs
__scs_entry_jumppad:
0x0: {  	(pc) =	sbr.rel $0x88, $3  }
0x1: {  	(tag) =	ssettag $0x0;
	lr =	simm.s32 $0x1  }
0x2: {  	[smem:$0x3F88] =	sst lr;
	_ =	strace $0xD0000000  }
0x3: {  	_ = 	snop  }
0x4: {  	_ = 	snop  }
0x5: {  	_ = 	snop  }
0x6: {  	_ = 	snop  }
0x7: {  	_ = 	snop  }
__scs_overlays_trampoline_lowered:
0x8: {  	[smem:$0x3F97] =	sst s0  }
0x9: {  	[smem:$0x3F98] =	sst s1  }
0xa: {  	[smem:$0x3F99] =	sst s2  }
0xb: {  	[smem:$0x3F9A] =	sst s3  }
0xc: {  	[smem:$0x3F9B] =	sst s4  }
0xd: {  	[smem:$0x3F9C] =	sst s5  }
0xe: {  	[smem:$0x3F9D] =	sst s6  }
0xf: {  	[smem:$0x3F9E] =	sst s7  }
0x10: {  	[smem:$0x3F9F] =	sst s8  }
0x11: {  	[smem:$0x3FA0] =	sst s9;
	s0 =	simm.s32 @!p0 $0x0  }
0x12: {  	s1 =	sld [smem:$0x3F86];
	s0 =	simm.s32 @p0 $0x1  }
0x13: {  	[smem:$0x3FA1] =	sst s0;
	s0 =	simm.s32 @!p1 $0x0  }
0x14: {  	s2 =	sld [smem:$0x3F85];
	s0 =	simm.s32 @p1 $0x1  }
0x15: {  	[smem:$0x3FA2] =	sst s0;
	s0 =	simm.s32 @!p2 $0x0  }
0x16: {  	s3 =	sld [smem:$0x3FDB];
	s0 =	simm.s32 @p2 $0x1  }
0x17: {  	s4 =	simm.s32 $0x1BF5;
	[smem:$0x3FA4] =	sst s0  }
0x18: {  	s0 =	sld [smem:$0x3F87];
	_ =	swait.ge [sflag:s4], $0x0  }
0x19: {  	s7 =	sld [smem:$0x3F88]  }
0x1a: {  	s8 =	sadd.s32 $0xFFFFE003, lr  }
0x1b: {  	s9 =	sadd.s32 $0xFFFFFEF7, lr;
	s5 =	simm.s32 $0xFFFFFFFF;
	p2 =	slt.u32 s8, $0xFFFFF086  }
0x1c: {  	p1 =	slt.u32 s9, $0xF7A;
	s5 =	simm.s32 @!p2 $0x0  }
0x1d: {  	s5 =	simm.s32 @p1 $0x1;
	p0 =	seq.s32 s7, s2  }
0x1e: {  	s7 =	smul.u32 @!p0 $0xF7A, s2;
	p2 =	seq.s32 @!p0 s5, $0x0  }
0x1f: {  	s9 =	smul.u32 $0xF7A, s1;
	s8 =	simm.s32 @!p0 $0x1BF5;
	p2 =	por !p2, p0  }
0x20: {  	[sflag:s8] =	ssyncset.s32 @!p0 $0xFFFFF086;
	s6 =	sadd.s32 @!p0 s3, s7;
	s7 =	simm.s32 @!p0 $0x108  }
0x21: {  	s3 =	sadd.s32 s3, s9;
	s6 =	sadd.s32 @!p0 $0x88, s6;
	s7 =	simm.s32 @p2 $0x1082  }
0x22: {  	[simem:s7], [sflag:s8] =	dma.local @!p0 [hbm:s6], $0xF7A  }
0x23: {  	s9 =	sor.u32 $0xD0000000, s2;
	s6 =	simm.s32 $0x108;
	_ =	swait.ge @!p0 [sflag:s8], $0x0  }
0x24: {  	s3 =	sadd.s32 $0x88, s3;
	s6 =	simm.s32 @!p1 $0x1082;
	[sflag:s4] =	ssyncset.s32 $0xFFFFF086  }
0x25: {  	[simem:s6], [sflag:s4] =	dma.local [hbm:s3], $0xF7A  }
0x26: {  	[smem:$0x3F88] =	sst s1;
	(tag) =	ssettag s2;
	_ =	strace s9  }
0x27: {  	s1 =	sld [smem:$0x3F98]  }
0x28: {  	s2 =	sld [smem:$0x3F99]  }
0x29: {  	s4 =	sld [smem:$0x3F9B]  }
0x2a: {  	p0 =	seq.s32 s5, $0x0;
	s5 =	sld [smem:$0x3F9C]  }
0x2b: {  	s6 =	sld [smem:$0x3F9D]  }
0x2c: {  	s7 =	sld [smem:$0x3F9E]  }
0x2d: {  	s3 =	simm.s32 $0x108;
	s8 =	sld [smem:$0x3F9F]  }
0x2e: {  	s3 =	simm.s32 @!p0 $0x1082;
	s9 =	sld [smem:$0x3FA0]  }
0x2f: {  	lr =	sadd.s32 s0, s3;
	s0 =	sld [smem:$0x3F97]  }
0x30: {  	s3 =	sld [smem:$0x3F9A]  }
0x31: {  	[smem:$0x3FA3] =	sst s10  }
0x32: {  	s10 =	sld [smem:$0x3FA1];
	_ =	sdelay $0x3  }
0x33: {  	p0 =	seq.s32 s10, $0x1;
	s10 =	sld [smem:$0x3FA3];
	_ =	sdelay $0x3  }
0x34: {  	[smem:$0x3FA3] =	sst s10  }
0x35: {  	s10 =	sld [smem:$0x3FA2];
	_ =	sdelay $0x3  }
0x36: {  	p1 =	seq.s32 s10, $0x1;
	s10 =	sld [smem:$0x3FA3];
	_ =	sdelay $0x3  }
0x37: {  	[smem:$0x3FA3] =	sst s10  }
0x38: {  	s10 =	sld [smem:$0x3FA4]  }
0x39: {  	_ = 	snop;
	(pc) =	sbr.ind lr, $3  }
0x3a: {  	_ = 	snop  }
0x3b: {  	_ = 	snop  }
0x3c: {  	p2 =	seq.s32 s10, $0x1;
	s10 =	sld [smem:$0x3FA3]  }
0x3d: {  	_ =	shalt  }
0x3e: {  	_ =	shalt  }
0x3f: {  	_ =	shalt  }
0x40: {  	_ =	shalt  }
0x41: {  	_ =	shalt  }
0x42: {  	_ =	shalt  }
0x43: {  	_ =	shalt  }
0x44: {  	_ =	shalt  }
0x45: {  	_ =	shalt  }
0x46: {  	_ =	shalt  }
0x47: {  	_ =	shalt  }
0x48: {  	_ =	shalt  }
0x49: {  	_ =	shalt  }
0x4a: {  	_ =	shalt  }
0x4b: {  	_ =	shalt  }
0x4c: {  	_ =	shalt  }
0x4d: {  	_ =	shalt  }
0x4e: {  	_ =	shalt  }
0x4f: {  	_ =	shalt  }
0x50: {  	_ =	shalt  }
0x51: {  	_ =	shalt  }
0x52: {  	_ =	shalt  }
0x53: {  	_ =	shalt  }
0x54: {  	_ =	shalt  }
0x55: {  	_ =	shalt  }
0x56: {  	_ =	shalt  }
0x57: {  	_ =	shalt  }
0x58: {  	_ =	shalt  }
0x59: {  	_ =	shalt  }
0x5a: {  	_ =	shalt  }
0x5b: {  	_ =	shalt  }
0x5c: {  	_ =	shalt  }
0x5d: {  	_ =	shalt  }
0x5e: {  	_ =	shalt  }
0x5f: {  	_ =	shalt  }
0x60: {  	_ =	shalt  }
0x61: {  	_ =	shalt  }
0x62: {  	_ =	shalt  }
0x63: {  	_ =	shalt  }
0x64: {  	_ =	shalt  }
0x65: {  	_ =	shalt  }
0x66: {  	_ =	shalt  }
0x67: {  	_ =	shalt  }
0x68: {  	_ =	shalt  }
0x69: {  	_ =	shalt  }
0x6a: {  	_ =	shalt  }
0x6b: {  	_ =	shalt  }
0x6c: {  	_ =	shalt  }
0x6d: {  	_ =	shalt  }
0x6e: {  	_ =	shalt  }
0x6f: {  	_ =	shalt  }
0x70: {  	_ =	shalt  }
0x71: {  	_ =	shalt  }
0x72: {  	_ =	shalt  }
0x73: {  	_ =	shalt  }
0x74: {  	_ =	shalt  }
0x75: {  	_ =	shalt  }
0x76: {  	_ =	shalt  }
0x77: {  	_ =	shalt  }
0x78: {  	_ =	shalt  }
0x79: {  	_ =	shalt  }
0x7a: {  	_ =	shalt  }
0x7b: {  	_ =	shalt  }
0x7c: {  	_ =	shalt  }
0x7d: {  	_ =	shalt  }
0x7e: {  	_ =	shalt  }
0x7f: {  	_ =	shalt  }
0x80: {  	_ =	shalt  }
0x81: {  	_ =	shalt  }
0x82: {  	_ =	shalt  }
0x83: {  	_ =	shalt  }
0x84: {  	_ =	shalt  }
0x85: {  	_ =	shalt  }
0x86: {  	_ =	shalt  }
0x87: {  	_ =	shalt  }
.Lfunc_end0:
.L_simem_size_0:
called_computation_lowered:
.L_overlay_start_0:
0x88: {  	s2 =	sld [smem:$0x3FD9]  }
0x89: {  	s3 =	sld [smem:$0x3FFE];
	_ =	sdelay $0x1  }
0x8a: {  	s1 =	srdreg.scid  }
0x8b: {  	s0 =	sand.u32 $0x1, s1  }
0x8c: {  	s17 =	sshll.u32 s0, $0xA;
	s2 =	sadd.s32 s3, s2  }
0x8d: {  	s2 =	sadd.s32 s2, s17  }
0x8e: {  	[smem:$0x3FAF] =	sst s2  }
0x8f: {  	_ = 	snop  }
0x90: {  	s2 =	sld [smem:$0x3FBF];
	(tm) =	ssettm $0x1  }
0x91: {  	s18 =	sld [smem:$0x3FFB];
	_ =	sdelay $0x3  }
0x92: {  	_ =	strace s18  }
0x93: {  	s3 =	sld [smem:$0x3FFC];
	_ =	sdelay $0x3  }
0x94: {  	_ =	strace s3  }
0x95: {  	s3 =	sld [smem:$0x3FFD];
	_ =	sdelay $0x3  }
0x96: {  	_ =	strace s3  }
0x97: {  	_ =	strace $0x8FFFFFFF  }
0x98: {  	s19 =	sld [smem:$0x3FDB];
	_ =	sdelay $0x1  }
0x99: {  	s4 =	simm.s32 $_scs_section_size  }
0x9a: {  	s5 =	simm.s32 $_size__tile_overlayer_lowered;
	s6 =	simm.s32 $_tile_overlayer_lowered  }
0x9b: {  	s22 =	simm.s32 $0x1BFF;
	s21 =	sshll.u32 s6, $0x1;
	s3 =	sadd.s32 s4, s19  }
0x9c: {  	s7 =	simm.s32 $0x0;
	s20 =	sshll.u32 s5, $0x1;
	s5 =	sadd.s32 s21, s3  }
0x9d: {  	[timem:s7], [sflag:s22] =	dma.local [hbm:s5], s20  }
0x9e: {  	_ =	swait.ge [sflag:s22], s20  }
0x9f: {  	s4 =	ssub.s32 $0x0, s20;
	[sflag:s22] =	ssyncset.done $0x0  }
0xa0: {  	[sflag:s22] =	ssyncadd.s32 s4;
	_ =	sdelay $0x1  }
0xa1: {  	s23 =	simm.s32 $0x1B8B  }
0xa2: {  	_ =	swait.ge [sflag:s23], $0x1  }
0xa3: {  	[sflag:s23] =	ssyncset.done $0x0  }
0xa4: {  	s25 =	simm.s32 $0x1B8E;
	s24 =	sld [smem:$0x3FFE];
	[sflag:s23] =	ssyncadd.s32 $0xFFFFFFFF  }
0xa5: {  	s26 =	simm.s32 $execute0_lowered;
	[smem:$0x3FD2] =	sst s25  }
0xa6: {  	s5 =	sshll.u32 s26, $0x1;
	_ =	strace $0x80000046;
	[dreg:$0x1] =	wrdreg $0xFFFFFFFF  }
0xa7: {  	s28 =	simm.s32 $_size_execute0_lowered;
	s3 =	sadd.s32 s3, s5;
	[dreg:$0x0] =	wrdreg $0x0  }
0xa8: {  	s5 =	sshll.u32 s28, $0x1;
	[dreg:$0x2] =	wrdreg s3  }
0xa9: {  	[dreg:$0x3] =	wrdreg s5  }
0xaa: {  	[dreg:$0x4] =	wrdreg $0xC0  }
0xab: {  	_ =	task [dreg:s7], $0x5FFFF  }
0xac: {  	[dreg:$0x1] =	wrdreg $0xFFFFFFFF  }
0xad: {  	[dreg:$0x0] =	wrdreg $0x60  }
0xae: {  	[dreg:$0x2] =	wrdreg s2  }
0xaf: {  	[dreg:$0x3] =	wrdreg s24  }
0xb0: {  	[dreg:$0x4] =	wrdreg $0x101500  }
0xb1: {  	[dreg:$0x5] =	wrdreg $0x129500  }
0xb2: {  	[dreg:$0x6] =	wrdreg $0x9  }
0xb3: {  	_ =	task.clear_ibuf [dreg:s7], $0x7FFFF;
	_ =	strace $0x90000046  }
0xb4: {  	s29 =	simm.s32 $0x9;
	_ =	strace $0x80000048  }
0xb5: {  	_ =	swait.ge [sflag:s29], $0x1  }
0xb6: {  	[sflag:s29] =	ssyncadd.s32 $0xFFFFFFFF  }
0xb7: {  	_ =	strace $0x90000048  }
0xb8: {  	_ =	sfence  }
0xb9: {  	s30 =	sld [smem:$0x0];
	_ =	sdelay $0x2  }
0xba: {  	s31 =	sshll.u32 s1, $0xD;
	s1 =	sshrl.u32 s1, $0x2  }
0xbb: {  	s3 =	sand.u32 $0x4000, s31;
	s1 =	sadd.s32 s1, s30  }
0xbc: {  	s0 =	sor.u32 s3, s0;
	s1 =	sshll.u32 s1, $0x11  }
0xbd: {  	s0 =	sor.u32 s1, s0  }
0xbe: {  	s0 =	sadd.s32 $0x8F2B, s0  }
0xbf: {  	[sflag:s0] =	ssyncadd.remote.s32 $0x1  }
0xc0: {  	_ =	sfence.sel $0xFFFF  }
0xc1: {  	[dreg:$0x0] =	wrdreg $0xFFFFFFFF;
	(pc) =	sbr.abs _section_cstart, $3  }
0xc2: {  	[dreg:$0x1] =	wrdreg $0xFFFFFFFF  }
0xc3: {  	_ =	task.clear_ibuf [dreg:s7], $0x2FFFF;
	_ =	strace $0x9FFFFFFF  }
0xc4: {  	(tm) =	ssettm $0x7FFFFFFF  }
0xc5: {  	_ =	shalt  }
tec
execute0_lowered:
.L_overlay_start_1:
0x0: {  	(tag) =	ssettag $0x1  }
0x1: {  	s1 =	rddreg [dreg:$0x0]  }
0x2: {  	s0 =	srdreg.scid;
	s6 =	rddreg [dreg:$0x1]  }
0x3: {  	s9 =	stileid.u32;
	s3 =	rddreg [dreg:$0x2]  }
0x4: {  	s4 =	rddreg [dreg:$0x3];
	s5 =	simm.s32 $0x0;
	s18 =	simm.s32 $0x5  }
0x5: {  	s20 =	simm.s32 $0xD950;
	s21 =	simm.s32 $0x7D;
	s22 =	simm.s32 $0xD180  }
0x6: {  	s28 =	simm.s32 $0x100;
	s29 =	simm.s32 $0x2;
	s0 =	sand.u32 $0x1, s0  }
0x7: {  	s30 =	simm.s32 $0x3;
	s2 =	sshll.u32 s0, $0x4;
	s10 =	smul.u32 $0x28000, s0  }
0x8: {  	s31 =	simm.s32 $0x4;
	s2 =	sor.u32 s9, s2;
	s9 =	smul.u32 $0x2800, s9  }
0x9: {  	[smem:$0x7FF] =	sst s5;
	s0 =	ssub.s32 $0x2, s0;
	s7 =	smul.u32 $0x30, s2  }
0xa: {  	s12 =	sadd.s32 $0x18400, s6;
	s25 =	sshrl.u32 s0, $0x1;
	s8 =	smul.u32 $0x500, s2  }
0xb: {  	_ =	strace $0x80000047;
	s26 =	smul.u32 $0xC000, s2;
	s0 =	ssub.s32 s0, s25  }
0xc: {  	s2 =	smul.u32 $0x1800, s2;
	s25 =	simm.s32 $0x4180;
	s24 =	sadd.s32 s9, s10  }
0xd: {  	s16 =	smax.u32 s0, $0x1;
	s11 =	sadd.s32 s7, s6;
	s23 =	sadd.s32 s8, s6  }
0xe: {  	s8 =	sshrl.u32 s24, $0x3;
	s13 =	sshrl.u32 s26, $0x3;
	s24 =	simm.s32 $0x180  }
0xf: {  	s26 =	simm.s32 $0x1;
	s15 =	sadd.s32 s8, s6;
	s6 =	sadd.s32 $0xDE00, s23  }
0x10: {  	s7 =	sadd.s32 $0x3E00, s23;
	s8 =	sadd.s32 s9, s3;
	s9 =	sadd.s32 s9, s4  }
0x11: {  	s10 =	sadd.s32 $0x17E00, s11;
	s13 =	sadd.s32 s12, s13;
	s11 =	sadd.s32 s12, s2  }
0x12: {  	s23 =	simm.s32 $0x80;
	s2 =	simm.s32 $0x0;
	s12 =	sadd.s32 $0x800, s13  }
0x13: {  	v0 =	vimm.f32 $1.000000000e+00;
	v1 =	vimm.f32 $0.0e+00;
	s13 =	sadd.s32 $0x1000, s13;
	s14 =	sadd.s32 $0x48400, s15;
	s15 =	sadd.s32 $0x52400, s15  }
.LBB2_1:
0x14: {  	s0 =	simm.s32 $0x0  }
.LBB2_2:
0x15: {  	p0 =	sne.s32 s0, $0x1F00  }
.Ltmp0:
0x16: {  	_ = 	snop;
	(pc) =	sbr.rel @p0 .LBB2_2-.Ltmp0, $3  }
0x17: {  	_ =	sdelay $0x1  }
0x18: {  	s17 =	sshra.s32 s0, $0x2  }
0x19: {  	s0 =	sadd.s32 $0x40, s0;
	[tilespmem:s17+$0xD180] =	vst v0  }
0x1a: {  	s0 =	simm.s32 $0x40;
	s17 =	simm.s32 $0x0  }
.LBB2_4:
0x1b: {  	p0 =	sne.s32 s0, $0x9FC0;
	[tilespmem:s17+$0xD950] =	vst v1;
	s17 =	smov.u32 s0;
	s0 =	sadd.s32 $0x40, s0  }
.Ltmp1:
0x1c: {  	(pc) =	sbr.rel @p0 .LBB2_4-.Ltmp1, $2  }
0x1d: {  	_ =	sdelay $0x2  }
0x1e: {  	s17 =	sshra.s32 s17, $0x2  }
0x1f: {  	[tilespmem:s17+$0xD950] =	vst v1;
	s0 =	simm.s32 $0x0;
	s19 =	simm.s32 $0x8180  }
0x20: {  	[tilespmem:s19], [sflag:$0x5] =	stream.linear.gather [hbm4b:s6+s0], $0x2800, $0x38;
	[tilespmem:$0x15150] =	vst v63  }
0x21: {  	_ =	swait.ge [sflag:s18], $0x2800  }
0x22: {  	[sflag:s18] =	ssyncset.done $0x0  }
0x23: {  	s19 =	simm.s32 $0xA980;
	[sflag:s18] =	ssyncadd.s32 $0xFFFFD800  }
0x24: {  	[tilespmem:s19], [sflag:$0x5] =	stream.linear.gather [hbm4b:s7+s0], $0x2800, $0x38;
	[tilespmem:$0x15150] =	vst v63  }
0x25: {  	_ =	swait.ge [sflag:s18], $0x2800  }
0x26: {  	[sflag:s18] =	ssyncset.done $0x0  }
0x27: {  	[sflag:s18] =	ssyncadd.s32 $0xFFFFD800  }
0x28: {  	[spmem:s8] =	stream.linear.scatter [tilespmem:s20], [sflag:$0x5], $0x2800, $0x38;
	[tilespmem:$0x15150] =	vst v63  }
0x29: {  	_ =	swait.ge [sflag:s18], $0x2800  }
0x2a: {  	[sflag:s18] =	ssyncset.done $0x0  }
0x2b: {  	[sflag:s18] =	ssyncadd.s32 $0xFFFFD800  }
0x2c: {  	[spmem:s9] =	stream.linear.scatter [tilespmem:s20], [sflag:$0x5], $0x2800, $0x38;
	[tilespmem:$0x15150] =	vst v63  }
0x2d: {  	_ =	swait.ge [sflag:s18], $0x2800  }
0x2e: {  	[sflag:s18] =	ssyncset.done $0x0  }
0x2f: {  	s17 =	simm.s32 $0x8180;
	[sflag:s18] =	ssyncadd.s32 $0xFFFFD800  }
0x30: {  	s19 =	simm.s32 $0xA980;
	s0 =	simm.s32 $0x200;
	[bflag:$0x0] =	sbarrier.arrive $0xFFFF  }
0x31: {  	[spmem:s3] =	stream.indirect.scatter.add.f32 [tilespmem:s22], [sflag:$0x3], $0x10, s19, s21, $0xb8;
	[tilespmem:$0x15150] =	vst v63  }
.LBB2_6:
0x32: {  	[spmem:s4] =	stream.indirect.scatter.add.f32 [tilespmem:s22], [sflag:$0x4], $0x10, s17, s21, $0xb8;
	[tilespmem:$0x15150] =	vst v63  }
0x33: {  	s17 =	smov.u32 s0;
	p0 =	sne.s32 s0, $0x9E00  }
.Ltmp2:
0x34: {  	s0 =	sadd.s32 $0x200, s0;
	(pc) =	sbr.rel @p0 .LBB2_6-.Ltmp2, $4  }
0x35: {  	s17 =	sshra.s32 s17, $0x2  }
0x36: {  	s19 =	sadd.s32 $0xA980, s17  }
0x37: {  	[spmem:s3] =	stream.indirect.scatter.add.f32 [tilespmem:s22], [sflag:$0x3], $0x10, s19, s21, $0xb8;
	[tilespmem:$0x15150] =	vst v63  }
0x38: {  	s17 =	sadd.s32 $0x8180, s17  }
0x39: {  	[spmem:s4] =	stream.indirect.scatter.add.f32 [tilespmem:s22], [sflag:$0x4], $0x10, s17, s21, $0xb8;
	[tilespmem:$0x15150] =	vst v63  }
0x3a: {  	_ = 	snop  }
0x3b: {  	[tilespmem:s5], [sflag:$0x5] =	stream.linear.gather [hbm4b:s10+s5], $0x180, $0x38;
	[tilespmem:$0x15150] =	vst v63  }
0x3c: {  	_ =	swait.ge [sflag:s18], $0x180  }
0x3d: {  	[sflag:s18] =	ssyncset.done $0x0  }
0x3e: {  	[sflag:s18] =	ssyncadd.s32 $0xFFFFFE80  }
0x3f: {  	[tilespmem:s24], [sflag:$0x1] =	stream.indirect.gather [hbm4b:s1+s23], $0x80, s5, s23, $0xb8;
	[tilespmem:$0x15150] =	vst v63  }
0x40: {  	_ = 	snop  }
0x41: {  	[tilespmem:s25], [sflag:$0x2] =	stream.indirect.gather [hbm4b:s1+s23], $0x80, s23, s23, $0xb8;
	[tilespmem:$0x15150] =	vst v63  }
0x42: {  	_ =	swait.ge [sflag:s26], $0x4000  }
0x43: {  	[sflag:s26] =	ssyncset.done $0x0  }
0x44: {  	[sflag:s26] =	ssyncadd.s32 $0xFFFFC000  }
0x45: {  	[hbm4b:s11+s5] =	stream.linear.scatter [tilespmem:s24], [sflag:$0x5], $0x4000, $0x38;
	[tilespmem:$0x15150] =	vst v63  }
0x46: {  	_ =	swait.ge [sflag:s18], $0x4000  }
0x47: {  	[sflag:s18] =	ssyncset.done $0x0  }
0x48: {  	[sflag:s18] =	ssyncadd.s32 $0xFFFFC000  }
0x49: {  	[tilespmem:s24], [sflag:$0x1] =	stream.indirect.gather [hbm4b:s1+s23], $0x80, s28, s23, $0xb8;
	[tilespmem:$0x15150] =	vst v63  }
0x4a: {  	_ =	swait.ge [sflag:s29], $0x4000  }
0x4b: {  	[sflag:s29] =	ssyncset.done $0x0  }
0x4c: {  	[sflag:s29] =	ssyncadd.s32 $0xFFFFC000  }
0x4d: {  	[hbm4b:s12+s5] =	stream.linear.scatter [tilespmem:s25], [sflag:$0x5], $0x4000, $0x38;
	[tilespmem:$0x15150] =	vst v63  }
0x4e: {  	_ =	swait.ge [sflag:s18], $0x4000  }
0x4f: {  	[sflag:s18] =	ssyncset.done $0x0  }
0x50: {  	[sflag:s18] =	ssyncadd.s32 $0xFFFFC000  }
0x51: {  	_ =	swait.ge [sflag:s26], $0x4000  }
0x52: {  	[sflag:s26] =	ssyncset.done $0x0  }
0x53: {  	[sflag:s26] =	ssyncadd.s32 $0xFFFFC000  }
0x54: {  	[hbm4b:s13+s5] =	stream.linear.scatter [tilespmem:s24], [sflag:$0x5], $0x4000, $0x38;
	[tilespmem:$0x15150] =	vst v63  }
0x55: {  	_ =	swait.ge [sflag:s18], $0x4000  }
0x56: {  	[sflag:s18] =	ssyncset.done $0x0  }
0x57: {  	[sflag:s18] =	ssyncadd.s32 $0xFFFFC000  }
0x58: {  	_ =	swait.ge [sflag:s30], $0x7D0  }
0x59: {  	[sflag:s30] =	ssyncset.done $0x0  }
0x5a: {  	[sflag:s30] =	ssyncadd.s32 $0xFFFFF830  }
0x5b: {  	_ =	swait.ge [sflag:s31], $0x7D0  }
0x5c: {  	s0 =	simm.s32 $0x4F;
	[sflag:s31] =	ssyncset.done $0x0  }
.LBB2_8:
0x5d: {  	p0 =	sne.s32 s0, $0x1;
	s0 =	sadd.s32 $0xFFFFFFFF, s0;
	[sflag:s31] =	ssyncadd.s32 $0xFFFFF830  }
.Ltmp3:
0x5e: {  	_ =	swait.ge [sflag:s30], $0x7D0;
	(pc) =	sbr.rel @p0 .LBB2_8-.Ltmp3, $4  }
0x5f: {  	[sflag:s30] =	ssyncset.done $0x0  }
0x60: {  	[sflag:s30] =	ssyncadd.s32 $0xFFFFF830  }
0x61: {  	_ =	swait.ge [sflag:s31], $0x7D0  }
0x62: {  	[sflag:s31] =	ssyncset.done $0x0  }
0x63: {  	s0 =	stileid.u32  }
0x64: {  	[sflag:s31] =	ssyncadd.s32 $0xFFFFF830;
	s0 =	sshll.u32 s0, $0x6  }
0x65: {  	s17 =	sshrl.u32 s8, $0x3;
	[bflag:$0x0] =	sbarrier.arrive $0xFFFF;
	s0 =	sor.u32 $0x1C05, s0  }
0x66: {  	[hbm:s14], [sflag:s0] =	dma.local [spmem:s17], $0x500  }
0x67: {  	s2 =	sadd.s32 $0x1, s2;
	_ =	swait.ge [sflag:s18], $0x500  }
0x68: {  	p0 =	sne.s32 s2, s16;
	[sflag:s18] =	ssyncset.done $0x0  }
.Ltmp4:
0x69: {  	s19 =	sshrl.u32 s9, $0x3;
	[sflag:s18] =	ssyncadd.s32 $0xFFFFFB00;
	(pc) =	sbr.rel @p0 .LBB2_1-.Ltmp4, $4  }
0x6a: {  	[hbm:s15], [sflag:s0] =	dma.local [spmem:s19], $0x500  }
0x6b: {  	_ =	swait.ge [sflag:s18], $0x500  }
0x6c: {  	[sflag:s18] =	ssyncset.done $0x0  }
0x6d: {  	[sflag:s18] =	ssyncadd.s32 $0xFFFFFB00  }
0x6e: {  	_ =	sfence.sel $0x180000  }
0x6f: {  	[bflag:$0x0] =	sbarrier.arrive $0xFFFF  }
0x70: {  	_ =	strace $0x90000047  }
0x71: {  	s0 =	stileid.u32;
	[bflag:$0x2] =	sbarrier.arrive $0xFFFF  }
0x72: {  	p0 =	sne.s32 s0, $0x0;
	s0 =	rddreg [dreg:$0x4]  }
0x73: {  	s0 =	sadd.s32 @!p0 $0x100000, s0  }
0x74: {  	[sflag:s0] =	ssyncadd.tile.s32 @!p0 $0x1;
	_ =	shalt  }
.Lfunc_end2:
_tile_overlayer_lowered:
.L_overlay_start_2:
0x75: {  	(tag) =	ssettag $0x2  }
0x76: {  	s0 =	rddreg [dreg:$0x0];
	s2 =	stileid.u32  }
0x77: {  	s1 =	rddreg [dreg:$0x1];
	p0 =	sne.s32 s2, $0x0  }
0x78: {  	s3 =	rddreg [dreg:$0x2];
	[bflag:$0x3] =	sbarrier.arrive $0xFFFF;
	s2 =	simm.s32 @!p0 $0x1C05  }
0x79: {  	[timem:s3], [sflag:s2] =	dma.local @!p0 [hbm:s0], s1  }
0x7a: {  	s0 =	simm.s32 @!p0 $0x5  }
0x7b: {  	_ =	swait.ge @!p0 [sflag:s0], s1  }
0x7c: {  	s1 =	ssub.s32 @!p0 $0x0, s1;
	[sflag:s0] =	ssyncset.done @!p0 $0x0  }
0x7d: {  	[sflag:s0] =	ssyncadd.s32 @!p0 s1  }
0x7e: {  	[bflag:$0x3] =	sbarrier.arrive $0xFFFF  }
0x7f: {  	_ =	shalt  }

</sc_bundles>
